<compile_context>
chip_gen: v7x
topology: tpu7x:2x2x1
jax: 0.10.2.dev20260603
libtpu: 0.0.44.dev20260713+nightly
codegen_flags: <defaults>
</compile_context>

<pallas_src>
import functools

import numpy as np

import jax
import jax.numpy as jnp
from jax import lax
from jax.experimental import pallas as pl
from jax.experimental.pallas import tpu as pltpu
from jax.experimental.pallas import tpu_sc as plsc

_B = 4096
_D = 128
_NEG = 15
_V = 100000
_NL = 16


_TF_R0 = (13, 15, 26, 6)
_TF_R1 = (17, 29, 16, 24)


def _tf_rotl(x, d):
    return ((x << np.uint32(d)) | (x >> np.uint32(32 - d))).astype(np.uint32)


def _tf2x32(k1, k2, x0, x1):
    ks = [np.uint32(k1), np.uint32(k2),
          np.uint32(np.uint32(k1) ^ np.uint32(k2) ^ np.uint32(0x1BD11BDA))]
    x0 = x0.astype(np.uint32) + ks[0]
    x1 = x1.astype(np.uint32) + ks[1]
    for i, rots in enumerate((_TF_R0, _TF_R1, _TF_R0, _TF_R1, _TF_R0)):
        for r in rots:
            x0 = x0 + x1
            x1 = x0 ^ _tf_rotl(x1, r)
        x0 = x0 + ks[(i + 1) % 3]
        x1 = x1 + ks[(i + 2) % 3] + np.uint32(i + 1)
    return x0, x1


def _tf_split2(k1, k2):
    b1, b2 = _tf2x32(k1, k2, np.zeros(2, np.uint32), np.arange(2, dtype=np.uint32))
    return (b1[0], b2[0]), (b1[1], b2[1])


def _tf_bits32(key, n):
    b1, b2 = _tf2x32(key[0], key[1], np.zeros(n, np.uint32),
                     np.arange(n, dtype=np.uint32))
    return b1 ^ b2


def _rng_setup():
    kd, kn = _tf_split2(np.uint32(0), np.uint32(42))
    bits = _tf_bits32(kd, _B * _D)
    fb = (bits >> np.uint32(9)) | np.uint32(0x3F800000)
    floats = fb.view(np.float32) - np.float32(1.0)
    keep = np.maximum(np.float32(0.0), floats) < np.float32(0.9)
    scale = (keep.astype(np.float32) * np.float32(1.0 / 0.9)).reshape(_B, _D)
    k1, k2 = _tf_split2(kn[0], kn[1])
    hi = _tf_bits32(k1, _B * _NEG)
    lo = _tf_bits32(k2, _B * _NEG)
    span = np.uint32(_V)
    mult = np.uint32((65536 * 65536) % (2 ** 32)) % span
    off = ((hi % span) * mult + (lo % span)) % span
    neg = off.astype(np.int32).reshape(_B, _NEG)
    return scale, neg


_SCALE_NP, _NEG_NP = _rng_setup()
_NEG_KM_NP = np.ascontiguousarray(_NEG_NP.T).reshape(-1)


def _sc_score(W_target, W_context, tgt_idx, ctx_idx, neg_idx, scale):
    info = plsc.get_sparse_core_info()
    nc, ns = info.num_cores, info.num_subcores
    nw = nc * ns
    bpw = _B // nw
    npw = (_B * _NEG) // nw
    nch = npw // bpw
    nd = _D // _NL
    mesh = plsc.VectorSubcoreMesh(core_axis_name="c", subcore_axis_name="s")

    @functools.partial(
        pl.kernel,
        mesh=mesh,
        out_type=jax.ShapeDtypeStruct((_B, _NL), jnp.float32),
        scratch_types=[
            pltpu.VMEM((bpw,), jnp.int32),
            pltpu.VMEM((bpw,), jnp.int32),
            pltpu.VMEM((npw,), jnp.int32),
            pltpu.VMEM((bpw, _D), jnp.float32),
            pltpu.VMEM((bpw, _D), jnp.float32),
            pltpu.VMEM((bpw, _D), jnp.float32),
            pltpu.VMEM((bpw, _D), jnp.float32),
            pltpu.VMEM((bpw, _D), jnp.float32),
            pltpu.VMEM((bpw, _NL), jnp.float32),
            pltpu.SemaphoreType.DMA,
            pltpu.SemaphoreType.DMA,
            pltpu.SemaphoreType.DMA,
            pltpu.SemaphoreType.DMA,
            pltpu.SemaphoreType.DMA,
        ],
    )
    def k(wt, wc, ti, ci, ni, sc, out_s,
          idxt_v, idxc_v, idxn_v, scale_v, et_v, ec_v, nb0, nb1, sco_v,
          s0, s1, s2, sn0, sn1):
        wid = lax.axis_index("s") * nc + lax.axis_index("c")
        base = wid * bpw
        nbase = wid * npw
        pltpu.sync_copy(ti.at[pl.ds(base, bpw)], idxt_v)
        pltpu.sync_copy(ci.at[pl.ds(base, bpw)], idxc_v)
        pltpu.sync_copy(ni.at[pl.ds(nbase, npw)], idxn_v)
        hs = pltpu.async_copy(sc.at[pl.ds(base, bpw)], scale_v, s0)
        ht = pltpu.async_copy(wt.at[idxt_v], et_v, s1)
        hc = pltpu.async_copy(wc.at[idxc_v], ec_v, s2)
        nbuf = (nb0, nb1)
        sng = (sn0, sn1)
        pend = pltpu.async_copy(wt.at[idxn_v.at[pl.ds(0, bpw)]], nb0, sn0)
        hs.wait()
        ht.wait()
        def scale_row(b, carry):
            for j in range(nd):
                et_v[b, pl.ds(j * _NL, _NL)] = (
                    et_v[b, pl.ds(j * _NL, _NL)] * scale_v[b, pl.ds(j * _NL, _NL)])
            return carry
        lax.fori_loop(0, bpw, scale_row, 0)

        lane = lax.iota(jnp.int32, _NL)
        _gdn = lax.GatherDimensionNumbers(
            offset_dims=(), collapsed_slice_dims=(0,), start_index_map=(0,))

        def lane_take(x, idx):
            return lax.gather(x, idx[:, None], _gdn, (1,),
                              mode=lax.GatherScatterMode.PROMISE_IN_BOUNDS)

        def dots(src, col, sign, b, carry):
            acc = src[b, pl.ds(0, _NL)] * et_v[b, pl.ds(0, _NL)]
            for j in range(1, nd):
                acc = acc + src[b, pl.ds(j * _NL, _NL)] * et_v[b, pl.ds(j * _NL, _NL)]
            for sft in (8, 4, 2, 1):
                acc = acc + lane_take(acc, jnp.bitwise_xor(lane, sft))
            s = sign * acc
            if col == 0:
                sco_v[b, pl.ds(0, _NL)] = jnp.where(lane == col, s, 0.0)
            else:
                cur = sco_v[b, pl.ds(0, _NL)]
                sco_v[b, pl.ds(0, _NL)] = jnp.where(lane == col, s, cur)
            return carry

        hc.wait()
        lax.fori_loop(0, bpw, functools.partial(dots, ec_v, 0, -1.0), 0)

        for c in range(nch):
            pend.wait()
            cur = nbuf[c % 2]
            if c + 1 < nch:
                pend = pltpu.async_copy(
                    wt.at[idxn_v.at[pl.ds((c + 1) * bpw, bpw)]],
                    nbuf[(c + 1) % 2], sng[(c + 1) % 2])
            lax.fori_loop(0, bpw, functools.partial(dots, cur, c + 1, 1.0), 0)

        pltpu.sync_copy(sco_v, out_s.at[pl.ds(base, bpw)])

    return k(W_target, W_context, tgt_idx, ctx_idx, neg_idx, scale)


def _tc_loss_body(s_ref, o_ref):
    x = jnp.clip(s_ref[...], -10.0, 10.0)
    o_ref[...] = (jnp.sum(jnp.log1p(jnp.exp(x))) * (1.0 / _B)).reshape(1, 1)


def _tc_loss(scores):
    return pl.pallas_call(
        _tc_loss_body,
        out_shape=jax.ShapeDtypeStruct((1, 1), jnp.float32),
    )(scores)


def kernel(W_target, W_context, target, context):
    tgt = target.astype(jnp.int32)
    ctx = context.astype(jnp.int32)
    neg_km = jnp.asarray(_NEG_KM_NP)
    scale = jnp.asarray(_SCALE_NP)
    s = _sc_score(W_target, W_context, tgt, ctx, neg_km, scale)
    loss = _tc_loss(s.reshape(_B * _NL // _D, _D))
    return loss[0, 0]

# --- scband reference (transcript-rebuilt; emitter-appended) ---
"""Pipeline reference for scband-cbow-65025804861773 (READ-ONLY COPY).

The authoritative reference and input builder live on the scoring server;
editing this copy changes nothing except your own understanding.
"""

import jax, jax.numpy as jnp
import numpy as np

VOCAB = 100000
EMB = 128
NEGS = 15

def setup_inputs(seed: int = 0) -> dict:
    key = jax.random.key(seed)
    k1, k2, k3 = jax.random.split(key, 3)
    target = jax.random.randint(k1, (4096,), 0, VOCAB, dtype=jnp.int64) if jax.config.jax_enable_x64 else jax.random.randint(k1, (4096,), 0, VOCAB).astype(jnp.int32)
    context = jax.random.randint(k2, (4096,), 0, VOCAB).astype(target.dtype)
    custom_range = 0.5 / EMB
    W_target = jax.random.uniform(k3, (VOCAB, EMB), minval=-custom_range, maxval=custom_range, dtype=jnp.float32)
    W_context = jnp.zeros((VOCAB, EMB), dtype=jnp.float32)
    return {"W_target": W_target, "W_context": W_context, "target": target, "context": context}

def reference(W_target, W_context, target, context):
    key = jax.random.key(42)
    k_drop, k_neg = jax.random.split(key)
    # embeddings_target(target)
    emb_input = jnp.take(W_target, target, axis=0)
    # F.dropout(emb_input, 0.1) (training mode, deterministic key)
    keep = jax.random.bernoulli(k_drop, 0.9, emb_input.shape)
    emb_input = jnp.where(keep, emb_input / 0.9, 0.0)
    # embeddings_context(context)
    emb_context = jnp.take(W_context, context, axis=0)
    # multinomial over uniform noise_dist == uniform negative sampling
    B = context.shape[0]
    negative_example = jax.random.randint(k_neg, (B, NEGS), 0, VOCAB)
    emb_neg = jnp.take(W_target, negative_example, axis=0)  # [B, NEGS, EMB]
    score = jnp.sum(emb_input * emb_context, axis=1)
    score = jnp.clip(score, -10.0, 10.0)
    score = -1.0 * jax.nn.log_sigmoid(score)
    neg_score = jnp.einsum('bkd,bd->bk', emb_neg, emb_input)  # bmm(emb_neg, emb_input.unsqueeze(2)).squeeze()
    neg_score = jnp.clip(neg_score, -10.0, 10.0)
    neg_score = -1.0 * jnp.sum(jax.nn.log_sigmoid(-neg_score), axis=1)
    return jnp.mean(score + neg_score)

if __name__ == "__main__":
    import jax
    _d = setup_inputs()
    print(jax.jit(kernel)(*tuple(_d.values())))

</pallas_src>

<mosaic_0001>
#map = affine_map<(d0, d1) -> (0, 0)>
#map1 = affine_map<(d0, d1) -> (0)>
module attributes {stable_mosaic.version = 14 : i64} {
  func.func @k(%arg0: i32, %arg1: i32, %arg2: memref<100000x128xf32, #tpu.memory_space<hbm>>, %arg3: memref<100000x128xf32, #tpu.memory_space<hbm>>, %arg4: memref<4096xi32, #tpu.memory_space<hbm>>, %arg5: memref<4096xi32, #tpu.memory_space<hbm>>, %arg6: memref<61440xi32, #tpu.memory_space<hbm>>, %arg7: memref<4096x128xf32, #tpu.memory_space<hbm>>, %arg8: memref<4096x16xf32, #tpu.memory_space<hbm>>, %arg9: memref<128xi32, #tpu.memory_space<vmem>>, %arg10: memref<128xi32, #tpu.memory_space<vmem>>, %arg11: memref<1920xi32, #tpu.memory_space<vmem>>, %arg12: memref<128x128xf32, #tpu.memory_space<vmem>>, %arg13: memref<128x128xf32, #tpu.memory_space<vmem>>, %arg14: memref<128x128xf32, #tpu.memory_space<vmem>>, %arg15: memref<128x128xf32, #tpu.memory_space<vmem>>, %arg16: memref<128x128xf32, #tpu.memory_space<vmem>>, %arg17: memref<128x16xf32, #tpu.memory_space<vmem>>, %arg18: memref<!tpu.dma_semaphore, #tpu.memory_space<semaphore_mem>>, %arg19: memref<!tpu.dma_semaphore, #tpu.memory_space<semaphore_mem>>, %arg20: memref<!tpu.dma_semaphore, #tpu.memory_space<semaphore_mem>>, %arg21: memref<!tpu.dma_semaphore, #tpu.memory_space<semaphore_mem>>, %arg22: memref<!tpu.dma_semaphore, #tpu.memory_space<semaphore_mem>>) attributes {dimension_semantics = [#tpu.dimension_semantics<core_parallel>, #tpu.dimension_semantics<subcore_parallel>], iteration_bounds = array<i64: 2, 16>, scalar_prefetch = 0 : i64, scratch_operands = 14 : i64, tpu.core_type = #tpu.core_type<sc_vector_subcore>, window_params = [{transform_indices = #map}, {transform_indices = #map}, {transform_indices = #map1}, {transform_indices = #map1}, {transform_indices = #map1}, {transform_indices = #map}, {transform_indices = #map}]} {
    %mul3A = arith.constant 2 : i32
    %mul3A_0 = arith.muli %arg1, %mul3A : i32
    %add3A = arith.addi %mul3A_0, %arg0 : i32
    %mul3A_1 = arith.constant 128 : i32
    %mul3A_2 = arith.muli %add3A, %mul3A_1 : i32
    %mul3A_3 = arith.constant 1920 : i32
    %mul3A_4 = arith.muli %add3A, %mul3A_3 : i32
    "tpu.region"() ({
      %run_scoped3A = tpu.sem_alloc : memref<!tpu.dma_semaphore, #tpu.memory_space<semaphore_mem>>
      %dma_start3A_274 = tpu.memref_slice %arg4[%mul3A_2] : memref<4096xi32, #tpu.memory_space<hbm>> -> memref<128xi32, #tpu.memory_space<hbm>>
      %dma_start3A_275 = tpu.memref_slice %arg4[%mul3A_2] : memref<4096xi32, #tpu.memory_space<hbm>> -> memref<128xi32, #tpu.memory_space<hbm>>
      tpu.enqueue_dma source(%dma_start3A_275 : memref<128xi32, #tpu.memory_space<hbm>>) target(%arg9 : memref<128xi32, #tpu.memory_space<vmem>>) target_semaphore(%run_scoped3A : memref<!tpu.dma_semaphore, #tpu.memory_space<semaphore_mem>>)
      %dma_wait3A_276 = tpu.memref_slice %arg4[%mul3A_2] : memref<4096xi32, #tpu.memory_space<hbm>> -> memref<128xi32, #tpu.memory_space<hbm>>
      %dma_wait3A_277 = tpu.memref_slice %arg4[%mul3A_2] : memref<4096xi32, #tpu.memory_space<hbm>> -> memref<128xi32, #tpu.memory_space<hbm>>
      tpu.wait_dma2 semaphore(%run_scoped3A : memref<!tpu.dma_semaphore, #tpu.memory_space<semaphore_mem>>) src(%dma_wait3A_277 : memref<128xi32, #tpu.memory_space<hbm>>) dst(%arg9 : memref<128xi32, #tpu.memory_space<vmem>>)
      tpu.yield
    }) : () -> ()
    "tpu.region"() ({
      %run_scoped3A = tpu.sem_alloc : memref<!tpu.dma_semaphore, #tpu.memory_space<semaphore_mem>>
      %dma_start3A_274 = tpu.memref_slice %arg5[%mul3A_2] : memref<4096xi32, #tpu.memory_space<hbm>> -> memref<128xi32, #tpu.memory_space<hbm>>
      %dma_start3A_275 = tpu.memref_slice %arg5[%mul3A_2] : memref<4096xi32, #tpu.memory_space<hbm>> -> memref<128xi32, #tpu.memory_space<hbm>>
      tpu.enqueue_dma source(%dma_start3A_275 : memref<128xi32, #tpu.memory_space<hbm>>) target(%arg10 : memref<128xi32, #tpu.memory_space<vmem>>) target_semaphore(%run_scoped3A : memref<!tpu.dma_semaphore, #tpu.memory_space<semaphore_mem>>)
      %dma_wait3A_276 = tpu.memref_slice %arg5[%mul3A_2] : memref<4096xi32, #tpu.memory_space<hbm>> -> memref<128xi32, #tpu.memory_space<hbm>>
      %dma_wait3A_277 = tpu.memref_slice %arg5[%mul3A_2] : memref<4096xi32, #tpu.memory_space<hbm>> -> memref<128xi32, #tpu.memory_space<hbm>>
      tpu.wait_dma2 semaphore(%run_scoped3A : memref<!tpu.dma_semaphore, #tpu.memory_space<semaphore_mem>>) src(%dma_wait3A_277 : memref<128xi32, #tpu.memory_space<hbm>>) dst(%arg10 : memref<128xi32, #tpu.memory_space<vmem>>)
      tpu.yield
    }) : () -> ()
    "tpu.region"() ({
      %run_scoped3A = tpu.sem_alloc : memref<!tpu.dma_semaphore, #tpu.memory_space<semaphore_mem>>
      %dma_start3A_274 = tpu.memref_slice %arg6[%mul3A_4] : memref<61440xi32, #tpu.memory_space<hbm>> -> memref<1920xi32, #tpu.memory_space<hbm>>
      %dma_start3A_275 = tpu.memref_slice %arg6[%mul3A_4] : memref<61440xi32, #tpu.memory_space<hbm>> -> memref<1920xi32, #tpu.memory_space<hbm>>
      tpu.enqueue_dma source(%dma_start3A_275 : memref<1920xi32, #tpu.memory_space<hbm>>) target(%arg11 : memref<1920xi32, #tpu.memory_space<vmem>>) target_semaphore(%run_scoped3A : memref<!tpu.dma_semaphore, #tpu.memory_space<semaphore_mem>>)
      %dma_wait3A_276 = tpu.memref_slice %arg6[%mul3A_4] : memref<61440xi32, #tpu.memory_space<hbm>> -> memref<1920xi32, #tpu.memory_space<hbm>>
      %dma_wait3A_277 = tpu.memref_slice %arg6[%mul3A_4] : memref<61440xi32, #tpu.memory_space<hbm>> -> memref<1920xi32, #tpu.memory_space<hbm>>
      tpu.wait_dma2 semaphore(%run_scoped3A : memref<!tpu.dma_semaphore, #tpu.memory_space<semaphore_mem>>) src(%dma_wait3A_277 : memref<1920xi32, #tpu.memory_space<hbm>>) dst(%arg11 : memref<1920xi32, #tpu.memory_space<vmem>>)
      tpu.yield
    }) : () -> ()
    %dma_start3A = arith.constant 0 : i32
    %dma_start3A_5 = tpu.memref_slice %arg7[%mul3A_2, %dma_start3A] : memref<4096x128xf32, #tpu.memory_space<hbm>> -> memref<128x128xf32, #tpu.memory_space<hbm>>
    %dma_start3A_6 = arith.constant 0 : i32
    %dma_start3A_7 = tpu.memref_slice %arg7[%mul3A_2, %dma_start3A_6] : memref<4096x128xf32, #tpu.memory_space<hbm>> -> memref<128x128xf32, #tpu.memory_space<hbm>>
    tpu.enqueue_dma source(%dma_start3A_7 : memref<128x128xf32, #tpu.memory_space<hbm>>) target(%arg12 : memref<128x128xf32, #tpu.memory_space<vmem>>) target_semaphore(%arg18 : memref<!tpu.dma_semaphore, #tpu.memory_space<semaphore_mem>>)
    %dma_start3A_8 = arith.constant 0 : i32
    %dma_start3A_9 = arith.constant 0 : i32
    %dma_start3A_10 = tpu.memref_slice %arg2[%dma_start3A_8, %dma_start3A_9] : memref<100000x128xf32, #tpu.memory_space<hbm>> -> memref<100000x128xf32, #tpu.memory_space<hbm>>
    tpu.enqueue_indirect_dma source(%dma_start3A_10 : memref<100000x128xf32, #tpu.memory_space<hbm>>) target(%arg13 : memref<128x128xf32, #tpu.memory_space<vmem>>) offsets(%arg9 : memref<128xi32, #tpu.memory_space<vmem>>) semaphore(%arg19 : memref<!tpu.dma_semaphore, #tpu.memory_space<semaphore_mem>>)
    %dma_start3A_11 = arith.constant 0 : i32
    %dma_start3A_12 = arith.constant 0 : i32
    %dma_start3A_13 = tpu.memref_slice %arg3[%dma_start3A_11, %dma_start3A_12] : memref<100000x128xf32, #tpu.memory_space<hbm>> -> memref<100000x128xf32, #tpu.memory_space<hbm>>
    tpu.enqueue_indirect_dma source(%dma_start3A_13 : memref<100000x128xf32, #tpu.memory_space<hbm>>) target(%arg14 : memref<128x128xf32, #tpu.memory_space<vmem>>) offsets(%arg10 : memref<128xi32, #tpu.memory_space<vmem>>) semaphore(%arg20 : memref<!tpu.dma_semaphore, #tpu.memory_space<semaphore_mem>>)
    %dma_start3A_14 = arith.constant 0 : i32
    %dma_start3A_15 = tpu.memref_slice %arg11[%dma_start3A_14] : memref<1920xi32, #tpu.memory_space<vmem>> -> memref<128xi32, #tpu.memory_space<vmem>>
    %dma_start3A_16 = arith.constant 0 : i32
    %dma_start3A_17 = arith.constant 0 : i32
    %dma_start3A_18 = tpu.memref_slice %arg2[%dma_start3A_16, %dma_start3A_17] : memref<100000x128xf32, #tpu.memory_space<hbm>> -> memref<100000x128xf32, #tpu.memory_space<hbm>>
    tpu.enqueue_indirect_dma source(%dma_start3A_18 : memref<100000x128xf32, #tpu.memory_space<hbm>>) target(%arg15 : memref<128x128xf32, #tpu.memory_space<vmem>>) offsets(%dma_start3A_15 : memref<128xi32, #tpu.memory_space<vmem>>) semaphore(%arg21 : memref<!tpu.dma_semaphore, #tpu.memory_space<semaphore_mem>>)
    %dma_wait3A = arith.constant 0 : i32
    %dma_wait3A_19 = tpu.memref_slice %arg7[%mul3A_2, %dma_wait3A] : memref<4096x128xf32, #tpu.memory_space<hbm>> -> memref<128x128xf32, #tpu.memory_space<hbm>>
    %dma_wait3A_20 = arith.constant 0 : i32
    %dma_wait3A_21 = tpu.memref_slice %arg7[%mul3A_2, %dma_wait3A_20] : memref<4096x128xf32, #tpu.memory_space<hbm>> -> memref<128x128xf32, #tpu.memory_space<hbm>>
    tpu.wait_dma2 semaphore(%arg18 : memref<!tpu.dma_semaphore, #tpu.memory_space<semaphore_mem>>) src(%dma_wait3A_21 : memref<128x128xf32, #tpu.memory_space<hbm>>) dst(%arg12 : memref<128x128xf32, #tpu.memory_space<vmem>>)
    %dma_wait3A_22 = arith.constant 0 : i32
    %dma_wait3A_23 = arith.constant 0 : i32
    %dma_wait3A_24 = tpu.memref_slice %arg2[%dma_wait3A_22, %dma_wait3A_23] : memref<100000x128xf32, #tpu.memory_space<hbm>> -> memref<100000x128xf32, #tpu.memory_space<hbm>>
    tpu.wait_indirect_dma semaphore(%arg19 : memref<!tpu.dma_semaphore, #tpu.memory_space<semaphore_mem>>) src(%dma_wait3A_24 : memref<100000x128xf32, #tpu.memory_space<hbm>>) dst(%arg13 : memref<128x128xf32, #tpu.memory_space<vmem>>)
    %scan3A = arith.constant 0 : i32
    %scan3A_25 = arith.constant 0 : i32
    %scan3A_26 = arith.constant 128 : i32
    %scan3A_27 = arith.addi %scan3A_25, %scan3A_26 : i32
    %scan3A_28 = arith.constant 1 : i32
    scf.for %scan3A_274 = %scan3A_25 to %scan3A_27 step %scan3A_28  : i32 {
      %get3A = arith.index_cast %scan3A_274 : i32 to index
      %get3A_275 = arith.constant 0 : index
      %get3A_276 = tpu.vector_load %arg13[%get3A, %get3A_275] {strides = array<i32>} : memref<128x128xf32, #tpu.memory_space<vmem>>, vector<1x16xf32>,
      %get3A_277 = vector.shape_cast %get3A_276 : vector<1x16xf32> to vector<16xf32>
      %get3A_278 = arith.index_cast %scan3A_274 : i32 to index
      %get3A_279 = arith.constant 0 : index
      %get3A_280 = tpu.vector_load %arg12[%get3A_278, %get3A_279] {strides = array<i32>} : memref<128x128xf32, #tpu.memory_space<vmem>>, vector<1x16xf32>,
      %get3A_281 = vector.shape_cast %get3A_280 : vector<1x16xf32> to vector<16xf32>
      %mul3A_282 = arith.mulf %get3A_277, %get3A_281 : vector<16xf32>
      %swap3A = arith.index_cast %scan3A_274 : i32 to index
      %swap3A_283 = arith.constant 0 : index
      %swap3A_284 = tpu.vector_load %arg13[%swap3A, %swap3A_283] {strides = array<i32>} : memref<128x128xf32, #tpu.memory_space<vmem>>, vector<1x16xf32>,
      %swap3A_285 = vector.shape_cast %swap3A_284 : vector<1x16xf32> to vector<16xf32>
      %swap3A_286 = vector.shape_cast %mul3A_282 : vector<16xf32> to vector<1x16xf32>
      tpu.vector_store %arg13[%swap3A, %swap3A_283], %swap3A_286 {strides = array<i32>} : memref<128x128xf32, #tpu.memory_space<vmem>>, vector<1x16xf32>,
      %get3A_287 = arith.index_cast %scan3A_274 : i32 to index
      %get3A_288 = arith.constant 16 : index
      %get3A_289 = tpu.vector_load %arg13[%get3A_287, %get3A_288] {strides = array<i32>} : memref<128x128xf32, #tpu.memory_space<vmem>>, vector<1x16xf32>,
      %get3A_290 = vector.shape_cast %get3A_289 : vector<1x16xf32> to vector<16xf32>
      %get3A_291 = arith.index_cast %scan3A_274 : i32 to index
      %get3A_292 = arith.constant 16 : index
      %get3A_293 = tpu.vector_load %arg12[%get3A_291, %get3A_292] {strides = array<i32>} : memref<128x128xf32, #tpu.memory_space<vmem>>, vector<1x16xf32>,
      %get3A_294 = vector.shape_cast %get3A_293 : vector<1x16xf32> to vector<16xf32>
      %mul3A_295 = arith.mulf %get3A_290, %get3A_294 : vector<16xf32>
      %swap3A_296 = arith.index_cast %scan3A_274 : i32 to index
      %swap3A_297 = arith.constant 16 : index
      %swap3A_298 = tpu.vector_load %arg13[%swap3A_296, %swap3A_297] {strides = array<i32>} : memref<128x128xf32, #tpu.memory_space<vmem>>, vector<1x16xf32>,
      %swap3A_299 = vector.shape_cast %swap3A_298 : vector<1x16xf32> to vector<16xf32>
      %swap3A_300 = vector.shape_cast %mul3A_295 : vector<16xf32> to vector<1x16xf32>
      tpu.vector_store %arg13[%swap3A_296, %swap3A_297], %swap3A_300 {strides = array<i32>} : memref<128x128xf32, #tpu.memory_space<vmem>>, vector<1x16xf32>,
      %get3A_301 = arith.index_cast %scan3A_274 : i32 to index
      %get3A_302 = arith.constant 32 : index
      %get3A_303 = tpu.vector_load %arg13[%get3A_301, %get3A_302] {strides = array<i32>} : memref<128x128xf32, #tpu.memory_space<vmem>>, vector<1x16xf32>,
      %get3A_304 = vector.shape_cast %get3A_303 : vector<1x16xf32> to vector<16xf32>
      %get3A_305 = arith.index_cast %scan3A_274 : i32 to index
      %get3A_306 = arith.constant 32 : index
      %get3A_307 = tpu.vector_load %arg12[%get3A_305, %get3A_306] {strides = array<i32>} : memref<128x128xf32, #tpu.memory_space<vmem>>, vector<1x16xf32>,
      %get3A_308 = vector.shape_cast %get3A_307 : vector<1x16xf32> to vector<16xf32>
      %mul3A_309 = arith.mulf %get3A_304, %get3A_308 : vector<16xf32>
      %swap3A_310 = arith.index_cast %scan3A_274 : i32 to index
      %swap3A_311 = arith.constant 32 : index
      %swap3A_312 = tpu.vector_load %arg13[%swap3A_310, %swap3A_311] {strides = array<i32>} : memref<128x128xf32, #tpu.memory_space<vmem>>, vector<1x16xf32>,
      %swap3A_313 = vector.shape_cast %swap3A_312 : vector<1x16xf32> to vector<16xf32>
      %swap3A_314 = vector.shape_cast %mul3A_309 : vector<16xf32> to vector<1x16xf32>
      tpu.vector_store %arg13[%swap3A_310, %swap3A_311], %swap3A_314 {strides = array<i32>} : memref<128x128xf32, #tpu.memory_space<vmem>>, vector<1x16xf32>,
      %get3A_315 = arith.index_cast %scan3A_274 : i32 to index
      %get3A_316 = arith.constant 48 : index
      %get3A_317 = tpu.vector_load %arg13[%get3A_315, %get3A_316] {strides = array<i32>} : memref<128x128xf32, #tpu.memory_space<vmem>>, vector<1x16xf32>,
      %get3A_318 = vector.shape_cast %get3A_317 : vector<1x16xf32> to vector<16xf32>
      %get3A_319 = arith.index_cast %scan3A_274 : i32 to index
      %get3A_320 = arith.constant 48 : index
      %get3A_321 = tpu.vector_load %arg12[%get3A_319, %get3A_320] {strides = array<i32>} : memref<128x128xf32, #tpu.memory_space<vmem>>, vector<1x16xf32>,
      %get3A_322 = vector.shape_cast %get3A_321 : vector<1x16xf32> to vector<16xf32>
      %mul3A_323 = arith.mulf %get3A_318, %get3A_322 : vector<16xf32>
      %swap3A_324 = arith.index_cast %scan3A_274 : i32 to index
      %swap3A_325 = arith.constant 48 : index
      %swap3A_326 = tpu.vector_load %arg13[%swap3A_324, %swap3A_325] {strides = array<i32>} : memref<128x128xf32, #tpu.memory_space<vmem>>, vector<1x16xf32>,
      %swap3A_327 = vector.shape_cast %swap3A_326 : vector<1x16xf32> to vector<16xf32>
      %swap3A_328 = vector.shape_cast %mul3A_323 : vector<16xf32> to vector<1x16xf32>
      tpu.vector_store %arg13[%swap3A_324, %swap3A_325], %swap3A_328 {strides = array<i32>} : memref<128x128xf32, #tpu.memory_space<vmem>>, vector<1x16xf32>,
      %get3A_329 = arith.index_cast %scan3A_274 : i32 to index
      %get3A_330 = arith.constant 64 : index
      %get3A_331 = tpu.vector_load %arg13[%get3A_329, %get3A_330] {strides = array<i32>} : memref<128x128xf32, #tpu.memory_space<vmem>>, vector<1x16xf32>,
      %get3A_332 = vector.shape_cast %get3A_331 : vector<1x16xf32> to vector<16xf32>
      %get3A_333 = arith.index_cast %scan3A_274 : i32 to index
      %get3A_334 = arith.constant 64 : index
      %get3A_335 = tpu.vector_load %arg12[%get3A_333, %get3A_334] {strides = array<i32>} : memref<128x128xf32, #tpu.memory_space<vmem>>, vector<1x16xf32>,
      %get3A_336 = vector.shape_cast %get3A_335 : vector<1x16xf32> to vector<16xf32>
      %mul3A_337 = arith.mulf %get3A_332, %get3A_336 : vector<16xf32>
      %swap3A_338 = arith.index_cast %scan3A_274 : i32 to index
      %swap3A_339 = arith.constant 64 : index
      %swap3A_340 = tpu.vector_load %arg13[%swap3A_338, %swap3A_339] {strides = array<i32>} : memref<128x128xf32, #tpu.memory_space<vmem>>, vector<1x16xf32>,
      %swap3A_341 = vector.shape_cast %swap3A_340 : vector<1x16xf32> to vector<16xf32>
      %swap3A_342 = vector.shape_cast %mul3A_337 : vector<16xf32> to vector<1x16xf32>
      tpu.vector_store %arg13[%swap3A_338, %swap3A_339], %swap3A_342 {strides = array<i32>} : memref<128x128xf32, #tpu.memory_space<vmem>>, vector<1x16xf32>,
      %get3A_343 = arith.index_cast %scan3A_274 : i32 to index
      %get3A_344 = arith.constant 80 : index
      %get3A_345 = tpu.vector_load %arg13[%get3A_343, %get3A_344] {strides = array<i32>} : memref<128x128xf32, #tpu.memory_space<vmem>>, vector<1x16xf32>,
      %get3A_346 = vector.shape_cast %get3A_345 : vector<1x16xf32> to vector<16xf32>
      %get3A_347 = arith.index_cast %scan3A_274 : i32 to index
      %get3A_348 = arith.constant 80 : index
      %get3A_349 = tpu.vector_load %arg12[%get3A_347, %get3A_348] {strides = array<i32>} : memref<128x128xf32, #tpu.memory_space<vmem>>, vector<1x16xf32>,
      %get3A_350 = vector.shape_cast %get3A_349 : vector<1x16xf32> to vector<16xf32>
      %mul3A_351 = arith.mulf %get3A_346, %get3A_350 : vector<16xf32>
      %swap3A_352 = arith.index_cast %scan3A_274 : i32 to index
      %swap3A_353 = arith.constant 80 : index
      %swap3A_354 = tpu.vector_load %arg13[%swap3A_352, %swap3A_353] {strides = array<i32>} : memref<128x128xf32, #tpu.memory_space<vmem>>, vector<1x16xf32>,
      %swap3A_355 = vector.shape_cast %swap3A_354 : vector<1x16xf32> to vector<16xf32>
      %swap3A_356 = vector.shape_cast %mul3A_351 : vector<16xf32> to vector<1x16xf32>
      tpu.vector_store %arg13[%swap3A_352, %swap3A_353], %swap3A_356 {strides = array<i32>} : memref<128x128xf32, #tpu.memory_space<vmem>>, vector<1x16xf32>,
      %get3A_357 = arith.index_cast %scan3A_274 : i32 to index
      %get3A_358 = arith.constant 96 : index
      %get3A_359 = tpu.vector_load %arg13[%get3A_357, %get3A_358] {strides = array<i32>} : memref<128x128xf32, #tpu.memory_space<vmem>>, vector<1x16xf32>,
      %get3A_360 = vector.shape_cast %get3A_359 : vector<1x16xf32> to vector<16xf32>
      %get3A_361 = arith.index_cast %scan3A_274 : i32 to index
      %get3A_362 = arith.constant 96 : index
      %get3A_363 = tpu.vector_load %arg12[%get3A_361, %get3A_362] {strides = array<i32>} : memref<128x128xf32, #tpu.memory_space<vmem>>, vector<1x16xf32>,
      %get3A_364 = vector.shape_cast %get3A_363 : vector<1x16xf32> to vector<16xf32>
      %mul3A_365 = arith.mulf %get3A_360, %get3A_364 : vector<16xf32>
      %swap3A_366 = arith.index_cast %scan3A_274 : i32 to index
      %swap3A_367 = arith.constant 96 : index
      %swap3A_368 = tpu.vector_load %arg13[%swap3A_366, %swap3A_367] {strides = array<i32>} : memref<128x128xf32, #tpu.memory_space<vmem>>, vector<1x16xf32>,
      %swap3A_369 = vector.shape_cast %swap3A_368 : vector<1x16xf32> to vector<16xf32>
      %swap3A_370 = vector.shape_cast %mul3A_365 : vector<16xf32> to vector<1x16xf32>
      tpu.vector_store %arg13[%swap3A_366, %swap3A_367], %swap3A_370 {strides = array<i32>} : memref<128x128xf32, #tpu.memory_space<vmem>>, vector<1x16xf32>,
      %get3A_371 = arith.index_cast %scan3A_274 : i32 to index
      %get3A_372 = arith.constant 112 : index
      %get3A_373 = tpu.vector_load %arg13[%get3A_371, %get3A_372] {strides = array<i32>} : memref<128x128xf32, #tpu.memory_space<vmem>>, vector<1x16xf32>,
      %get3A_374 = vector.shape_cast %get3A_373 : vector<1x16xf32> to vector<16xf32>
      %get3A_375 = arith.index_cast %scan3A_274 : i32 to index
      %get3A_376 = arith.constant 112 : index
      %get3A_377 = tpu.vector_load %arg12[%get3A_375, %get3A_376] {strides = array<i32>} : memref<128x128xf32, #tpu.memory_space<vmem>>, vector<1x16xf32>,
      %get3A_378 = vector.shape_cast %get3A_377 : vector<1x16xf32> to vector<16xf32>
      %mul3A_379 = arith.mulf %get3A_374, %get3A_378 : vector<16xf32>
      %swap3A_380 = arith.index_cast %scan3A_274 : i32 to index
      %swap3A_381 = arith.constant 112 : index
      %swap3A_382 = tpu.vector_load %arg13[%swap3A_380, %swap3A_381] {strides = array<i32>} : memref<128x128xf32, #tpu.memory_space<vmem>>, vector<1x16xf32>,
      %swap3A_383 = vector.shape_cast %swap3A_382 : vector<1x16xf32> to vector<16xf32>
      %swap3A_384 = vector.shape_cast %mul3A_379 : vector<16xf32> to vector<1x16xf32>
      tpu.vector_store %arg13[%swap3A_380, %swap3A_381], %swap3A_384 {strides = array<i32>} : memref<128x128xf32, #tpu.memory_space<vmem>>, vector<1x16xf32>,
    }
    %scan3A_29 = arith.constant 128 : i32
    %iota3A = tpu.iota {dimensions = array<i32: 0>} : vector<16xi32>
    %dma_wait3A_30 = arith.constant 0 : i32
    %dma_wait3A_31 = arith.constant 0 : i32
    %dma_wait3A_32 = tpu.memref_slice %arg3[%dma_wait3A_30, %dma_wait3A_31] : memref<100000x128xf32, #tpu.memory_space<hbm>> -> memref<100000x128xf32, #tpu.memory_space<hbm>>
    tpu.wait_indirect_dma semaphore(%arg20 : memref<!tpu.dma_semaphore, #tpu.memory_space<semaphore_mem>>) src(%dma_wait3A_32 : memref<100000x128xf32, #tpu.memory_space<hbm>>) dst(%arg14 : memref<128x128xf32, #tpu.memory_space<vmem>>)
    %scan3A_33 = arith.constant 0 : i32
    %scan3A_34 = arith.constant 0 : i32
    %scan3A_35 = arith.constant 128 : i32
    %scan3A_36 = arith.addi %scan3A_34, %scan3A_35 : i32
    %scan3A_37 = arith.constant 1 : i32
    scf.for %scan3A_274 = %scan3A_34 to %scan3A_36 step %scan3A_37  : i32 {
      %get3A = arith.index_cast %scan3A_274 : i32 to index
      %get3A_275 = arith.constant 0 : index
      %get3A_276 = tpu.vector_load %arg14[%get3A, %get3A_275] {strides = array<i32>} : memref<128x128xf32, #tpu.memory_space<vmem>>, vector<1x16xf32>,
      %get3A_277 = vector.shape_cast %get3A_276 : vector<1x16xf32> to vector<16xf32>
      %get3A_278 = arith.index_cast %scan3A_274 : i32 to index
      %get3A_279 = arith.constant 0 : index
      %get3A_280 = tpu.vector_load %arg13[%get3A_278, %get3A_279] {strides = array<i32>} : memref<128x128xf32, #tpu.memory_space<vmem>>, vector<1x16xf32>,
      %get3A_281 = vector.shape_cast %get3A_280 : vector<1x16xf32> to vector<16xf32>
      %mul3A_282 = arith.mulf %get3A_277, %get3A_281 : vector<16xf32>
      %get3A_283 = arith.index_cast %scan3A_274 : i32 to index
      %get3A_284 = arith.constant 16 : index
      %get3A_285 = tpu.vector_load %arg14[%get3A_283, %get3A_284] {strides = array<i32>} : memref<128x128xf32, #tpu.memory_space<vmem>>, vector<1x16xf32>,
      %get3A_286 = vector.shape_cast %get3A_285 : vector<1x16xf32> to vector<16xf32>
      %get3A_287 = arith.index_cast %scan3A_274 : i32 to index
      %get3A_288 = arith.constant 16 : index
      %get3A_289 = tpu.vector_load %arg13[%get3A_287, %get3A_288] {strides = array<i32>} : memref<128x128xf32, #tpu.memory_space<vmem>>, vector<1x16xf32>,
      %get3A_290 = vector.shape_cast %get3A_289 : vector<1x16xf32> to vector<16xf32>
      %mul3A_291 = arith.mulf %get3A_286, %get3A_290 : vector<16xf32>
      %add3A_292 = arith.addf %mul3A_282, %mul3A_291 : vector<16xf32>
      %get3A_293 = arith.index_cast %scan3A_274 : i32 to index
      %get3A_294 = arith.constant 32 : index
      %get3A_295 = tpu.vector_load %arg14[%get3A_293, %get3A_294] {strides = array<i32>} : memref<128x128xf32, #tpu.memory_space<vmem>>, vector<1x16xf32>,
      %get3A_296 = vector.shape_cast %get3A_295 : vector<1x16xf32> to vector<16xf32>
      %get3A_297 = arith.index_cast %scan3A_274 : i32 to index
      %get3A_298 = arith.constant 32 : index
      %get3A_299 = tpu.vector_load %arg13[%get3A_297, %get3A_298] {strides = array<i32>} : memref<128x128xf32, #tpu.memory_space<vmem>>, vector<1x16xf32>,
      %get3A_300 = vector.shape_cast %get3A_299 : vector<1x16xf32> to vector<16xf32>
      %mul3A_301 = arith.mulf %get3A_296, %get3A_300 : vector<16xf32>
      %add3A_302 = arith.addf %add3A_292, %mul3A_301 : vector<16xf32>
      %get3A_303 = arith.index_cast %scan3A_274 : i32 to index
      %get3A_304 = arith.constant 48 : index
      %get3A_305 = tpu.vector_load %arg14[%get3A_303, %get3A_304] {strides = array<i32>} : memref<128x128xf32, #tpu.memory_space<vmem>>, vector<1x16xf32>,
      %get3A_306 = vector.shape_cast %get3A_305 : vector<1x16xf32> to vector<16xf32>
      %get3A_307 = arith.index_cast %scan3A_274 : i32 to index
      %get3A_308 = arith.constant 48 : index
      %get3A_309 = tpu.vector_load %arg13[%get3A_307, %get3A_308] {strides = array<i32>} : memref<128x128xf32, #tpu.memory_space<vmem>>, vector<1x16xf32>,
      %get3A_310 = vector.shape_cast %get3A_309 : vector<1x16xf32> to vector<16xf32>
      %mul3A_311 = arith.mulf %get3A_306, %get3A_310 : vector<16xf32>
      %add3A_312 = arith.addf %add3A_302, %mul3A_311 : vector<16xf32>
      %get3A_313 = arith.index_cast %scan3A_274 : i32 to index
      %get3A_314 = arith.constant 64 : index
      %get3A_315 = tpu.vector_load %arg14[%get3A_313, %get3A_314] {strides = array<i32>} : memref<128x128xf32, #tpu.memory_space<vmem>>, vector<1x16xf32>,
      %get3A_316 = vector.shape_cast %get3A_315 : vector<1x16xf32> to vector<16xf32>
      %get3A_317 = arith.index_cast %scan3A_274 : i32 to index
      %get3A_318 = arith.constant 64 : index
      %get3A_319 = tpu.vector_load %arg13[%get3A_317, %get3A_318] {strides = array<i32>} : memref<128x128xf32, #tpu.memory_space<vmem>>, vector<1x16xf32>,
      %get3A_320 = vector.shape_cast %get3A_319 : vector<1x16xf32> to vector<16xf32>
      %mul3A_321 = arith.mulf %get3A_316, %get3A_320 : vector<16xf32>
      %add3A_322 = arith.addf %add3A_312, %mul3A_321 : vector<16xf32>
      %get3A_323 = arith.index_cast %scan3A_274 : i32 to index
      %get3A_324 = arith.constant 80 : index
      %get3A_325 = tpu.vector_load %arg14[%get3A_323, %get3A_324] {strides = array<i32>} : memref<128x128xf32, #tpu.memory_space<vmem>>, vector<1x16xf32>,
      %get3A_326 = vector.shape_cast %get3A_325 : vector<1x16xf32> to vector<16xf32>
      %get3A_327 = arith.index_cast %scan3A_274 : i32 to index
      %get3A_328 = arith.constant 80 : index
      %get3A_329 = tpu.vector_load %arg13[%get3A_327, %get3A_328] {strides = array<i32>} : memref<128x128xf32, #tpu.memory_space<vmem>>, vector<1x16xf32>,
      %get3A_330 = vector.shape_cast %get3A_329 : vector<1x16xf32> to vector<16xf32>
      %mul3A_331 = arith.mulf %get3A_326, %get3A_330 : vector<16xf32>
      %add3A_332 = arith.addf %add3A_322, %mul3A_331 : vector<16xf32>
      %get3A_333 = arith.index_cast %scan3A_274 : i32 to index
      %get3A_334 = arith.constant 96 : index
      %get3A_335 = tpu.vector_load %arg14[%get3A_333, %get3A_334] {strides = array<i32>} : memref<128x128xf32, #tpu.memory_space<vmem>>, vector<1x16xf32>,
      %get3A_336 = vector.shape_cast %get3A_335 : vector<1x16xf32> to vector<16xf32>
      %get3A_337 = arith.index_cast %scan3A_274 : i32 to index
      %get3A_338 = arith.constant 96 : index
      %get3A_339 = tpu.vector_load %arg13[%get3A_337, %get3A_338] {strides = array<i32>} : memref<128x128xf32, #tpu.memory_space<vmem>>, vector<1x16xf32>,
      %get3A_340 = vector.shape_cast %get3A_339 : vector<1x16xf32> to vector<16xf32>
      %mul3A_341 = arith.mulf %get3A_336, %get3A_340 : vector<16xf32>
      %add3A_342 = arith.addf %add3A_332, %mul3A_341 : vector<16xf32>
      %get3A_343 = arith.index_cast %scan3A_274 : i32 to index
      %get3A_344 = arith.constant 112 : index
      %get3A_345 = tpu.vector_load %arg14[%get3A_343, %get3A_344] {strides = array<i32>} : memref<128x128xf32, #tpu.memory_space<vmem>>, vector<1x16xf32>,
      %get3A_346 = vector.shape_cast %get3A_345 : vector<1x16xf32> to vector<16xf32>
      %get3A_347 = arith.index_cast %scan3A_274 : i32 to index
      %get3A_348 = arith.constant 112 : index
      %get3A_349 = tpu.vector_load %arg13[%get3A_347, %get3A_348] {strides = array<i32>} : memref<128x128xf32, #tpu.memory_space<vmem>>, vector<1x16xf32>,
      %get3A_350 = vector.shape_cast %get3A_349 : vector<1x16xf32> to vector<16xf32>
      %mul3A_351 = arith.mulf %get3A_346, %get3A_350 : vector<16xf32>
      %add3A_352 = arith.addf %add3A_342, %mul3A_351 : vector<16xf32>
      %xor3A = arith.constant 8 : i32
      %xor3A_353 = vector.broadcast %xor3A : i32 to vector<16xi32>
      %xor3A_354 = arith.xori %iota3A, %xor3A_353 : vector<16xi32>
      %broadcast_in_dim3A = vector.shape_cast %xor3A_354 : vector<16xi32> to vector<16x1xi32>
      %gather3A = vector.shape_cast %broadcast_in_dim3A : vector<16x1xi32> to vector<16xi32>
      %gather3A_355 = tpu.dynamic_gather %add3A_352[%gather3A] in [0] : vector<16xf32>, vector<16xi32> -> vector<16xf32>
      %add3A_356 = arith.addf %add3A_352, %gather3A_355 : vector<16xf32>
      %xor3A_357 = arith.constant 4 : i32
      %xor3A_358 = vector.broadcast %xor3A_357 : i32 to vector<16xi32>
      %xor3A_359 = arith.xori %iota3A, %xor3A_358 : vector<16xi32>
      %broadcast_in_dim3A_360 = vector.shape_cast %xor3A_359 : vector<16xi32> to vector<16x1xi32>
      %gather3A_361 = vector.shape_cast %broadcast_in_dim3A_360 : vector<16x1xi32> to vector<16xi32>
      %gather3A_362 = tpu.dynamic_gather %add3A_356[%gather3A_361] in [0] : vector<16xf32>, vector<16xi32> -> vector<16xf32>
      %add3A_363 = arith.addf %add3A_356, %gather3A_362 : vector<16xf32>
      %xor3A_364 = arith.constant 2 : i32
      %xor3A_365 = vector.broadcast %xor3A_364 : i32 to vector<16xi32>
      %xor3A_366 = arith.xori %iota3A, %xor3A_365 : vector<16xi32>
      %broadcast_in_dim3A_367 = vector.shape_cast %xor3A_366 : vector<16xi32> to vector<16x1xi32>
      %gather3A_368 = vector.shape_cast %broadcast_in_dim3A_367 : vector<16x1xi32> to vector<16xi32>
      %gather3A_369 = tpu.dynamic_gather %add3A_363[%gather3A_368] in [0] : vector<16xf32>, vector<16xi32> -> vector<16xf32>
      %add3A_370 = arith.addf %add3A_363, %gather3A_369 : vector<16xf32>
      %xor3A_371 = arith.constant 1 : i32
      %xor3A_372 = vector.broadcast %xor3A_371 : i32 to vector<16xi32>
      %xor3A_373 = arith.xori %iota3A, %xor3A_372 : vector<16xi32>
      %broadcast_in_dim3A_374 = vector.shape_cast %xor3A_373 : vector<16xi32> to vector<16x1xi32>
      %gather3A_375 = vector.shape_cast %broadcast_in_dim3A_374 : vector<16x1xi32> to vector<16xi32>
      %gather3A_376 = tpu.dynamic_gather %add3A_370[%gather3A_375] in [0] : vector<16xf32>, vector<16xi32> -> vector<16xf32>
      %add3A_377 = arith.addf %add3A_370, %gather3A_376 : vector<16xf32>
      %mul3A_378 = arith.constant -1.000000e+00 : f32
      %mul3A_379 = vector.broadcast %mul3A_378 : f32 to vector<16xf32>
      %mul3A_380 = arith.mulf %mul3A_379, %add3A_377 : vector<16xf32>
      %eq3A = arith.constant 0 : i32
      %eq3A_381 = vector.broadcast %eq3A : i32 to vector<16xi32>
      %eq3A_382 = arith.cmpi eq, %iota3A, %eq3A_381 : vector<16xi32>
      %jit3A = arith.constant 0.000000e+00 : f32
      %broadcast_in_dim3A_383 = vector.broadcast %jit3A : f32 to vector<16xf32>
      %select_n3A = arith.select %eq3A_382, %mul3A_380, %broadcast_in_dim3A_383 : vector<16xi1>, vector<16xf32>
      %swap3A = arith.index_cast %scan3A_274 : i32 to index
      %swap3A_384 = arith.constant 0 : index
      %swap3A_385 = tpu.vector_load %arg17[%swap3A, %swap3A_384] {strides = array<i32>} : memref<128x16xf32, #tpu.memory_space<vmem>>, vector<1x16xf32>,
      %swap3A_386 = vector.shape_cast %swap3A_385 : vector<1x16xf32> to vector<16xf32>
      %swap3A_387 = vector.shape_cast %select_n3A : vector<16xf32> to vector<1x16xf32>
      tpu.vector_store %arg17[%swap3A, %swap3A_384], %swap3A_387 {strides = array<i32>} : memref<128x16xf32, #tpu.memory_space<vmem>>, vector<1x16xf32>,
    }
    %scan3A_38 = arith.constant 128 : i32
    %dma_wait3A_39 = arith.constant 0 : i32
    %dma_wait3A_40 = tpu.memref_slice %arg11[%dma_wait3A_39] : memref<1920xi32, #tpu.memory_space<vmem>> -> memref<128xi32, #tpu.memory_space<vmem>>
    %dma_wait3A_41 = arith.constant 0 : i32
    %dma_wait3A_42 = arith.constant 0 : i32
    %dma_wait3A_43 = tpu.memref_slice %arg2[%dma_wait3A_41, %dma_wait3A_42] : memref<100000x128xf32, #tpu.memory_space<hbm>> -> memref<100000x128xf32, #tpu.memory_space<hbm>>
    tpu.wait_indirect_dma semaphore(%arg21 : memref<!tpu.dma_semaphore, #tpu.memory_space<semaphore_mem>>) src(%dma_wait3A_43 : memref<100000x128xf32, #tpu.memory_space<hbm>>) dst(%arg15 : memref<128x128xf32, #tpu.memory_space<vmem>>)
    %dma_start3A_44 = arith.constant 128 : i32
    %dma_start3A_45 = tpu.memref_slice %arg11[%dma_start3A_44] : memref<1920xi32, #tpu.memory_space<vmem>> -> memref<128xi32, #tpu.memory_space<vmem>>
    %dma_start3A_46 = arith.constant 0 : i32
    %dma_start3A_47 = arith.constant 0 : i32
    %dma_start3A_48 = tpu.memref_slice %arg2[%dma_start3A_46, %dma_start3A_47] : memref<100000x128xf32, #tpu.memory_space<hbm>> -> memref<100000x128xf32, #tpu.memory_space<hbm>>
    tpu.enqueue_indirect_dma source(%dma_start3A_48 : memref<100000x128xf32, #tpu.memory_space<hbm>>) target(%arg16 : memref<128x128xf32, #tpu.memory_space<vmem>>) offsets(%dma_start3A_45 : memref<128xi32, #tpu.memory_space<vmem>>) semaphore(%arg22 : memref<!tpu.dma_semaphore, #tpu.memory_space<semaphore_mem>>)
    %scan3A_49 = arith.constant 0 : i32
    %scan3A_50 = arith.constant 0 : i32
    %scan3A_51 = arith.constant 128 : i32
    %scan3A_52 = arith.addi %scan3A_50, %scan3A_51 : i32
    %scan3A_53 = arith.constant 1 : i32
    scf.for %scan3A_274 = %scan3A_50 to %scan3A_52 step %scan3A_53  : i32 {
      %get3A = arith.index_cast %scan3A_274 : i32 to index
      %get3A_275 = arith.constant 0 : index
      %get3A_276 = tpu.vector_load %arg15[%get3A, %get3A_275] {strides = array<i32>} : memref<128x128xf32, #tpu.memory_space<vmem>>, vector<1x16xf32>,
      %get3A_277 = vector.shape_cast %get3A_276 : vector<1x16xf32> to vector<16xf32>
      %get3A_278 = arith.index_cast %scan3A_274 : i32 to index
      %get3A_279 = arith.constant 0 : index
      %get3A_280 = tpu.vector_load %arg13[%get3A_278, %get3A_279] {strides = array<i32>} : memref<128x128xf32, #tpu.memory_space<vmem>>, vector<1x16xf32>,
      %get3A_281 = vector.shape_cast %get3A_280 : vector<1x16xf32> to vector<16xf32>
      %mul3A_282 = arith.mulf %get3A_277, %get3A_281 : vector<16xf32>
      %get3A_283 = arith.index_cast %scan3A_274 : i32 to index
      %get3A_284 = arith.constant 16 : index
      %get3A_285 = tpu.vector_load %arg15[%get3A_283, %get3A_284] {strides = array<i32>} : memref<128x128xf32, #tpu.memory_space<vmem>>, vector<1x16xf32>,
      %get3A_286 = vector.shape_cast %get3A_285 : vector<1x16xf32> to vector<16xf32>
      %get3A_287 = arith.index_cast %scan3A_274 : i32 to index
      %get3A_288 = arith.constant 16 : index
      %get3A_289 = tpu.vector_load %arg13[%get3A_287, %get3A_288] {strides = array<i32>} : memref<128x128xf32, #tpu.memory_space<vmem>>, vector<1x16xf32>,
      %get3A_290 = vector.shape_cast %get3A_289 : vector<1x16xf32> to vector<16xf32>
      %mul3A_291 = arith.mulf %get3A_286, %get3A_290 : vector<16xf32>
      %add3A_292 = arith.addf %mul3A_282, %mul3A_291 : vector<16xf32>
      %get3A_293 = arith.index_cast %scan3A_274 : i32 to index
      %get3A_294 = arith.constant 32 : index
      %get3A_295 = tpu.vector_load %arg15[%get3A_293, %get3A_294] {strides = array<i32>} : memref<128x128xf32, #tpu.memory_space<vmem>>, vector<1x16xf32>,
      %get3A_296 = vector.shape_cast %get3A_295 : vector<1x16xf32> to vector<16xf32>
      %get3A_297 = arith.index_cast %scan3A_274 : i32 to index
      %get3A_298 = arith.constant 32 : index
      %get3A_299 = tpu.vector_load %arg13[%get3A_297, %get3A_298] {strides = array<i32>} : memref<128x128xf32, #tpu.memory_space<vmem>>, vector<1x16xf32>,
      %get3A_300 = vector.shape_cast %get3A_299 : vector<1x16xf32> to vector<16xf32>
      %mul3A_301 = arith.mulf %get3A_296, %get3A_300 : vector<16xf32>
      %add3A_302 = arith.addf %add3A_292, %mul3A_301 : vector<16xf32>
      %get3A_303 = arith.index_cast %scan3A_274 : i32 to index
      %get3A_304 = arith.constant 48 : index
      %get3A_305 = tpu.vector_load %arg15[%get3A_303, %get3A_304] {strides = array<i32>} : memref<128x128xf32, #tpu.memory_space<vmem>>, vector<1x16xf32>,
      %get3A_306 = vector.shape_cast %get3A_305 : vector<1x16xf32> to vector<16xf32>
      %get3A_307 = arith.index_cast %scan3A_274 : i32 to index
      %get3A_308 = arith.constant 48 : index
      %get3A_309 = tpu.vector_load %arg13[%get3A_307, %get3A_308] {strides = array<i32>} : memref<128x128xf32, #tpu.memory_space<vmem>>, vector<1x16xf32>,
      %get3A_310 = vector.shape_cast %get3A_309 : vector<1x16xf32> to vector<16xf32>
      %mul3A_311 = arith.mulf %get3A_306, %get3A_310 : vector<16xf32>
      %add3A_312 = arith.addf %add3A_302, %mul3A_311 : vector<16xf32>
      %get3A_313 = arith.index_cast %scan3A_274 : i32 to index
      %get3A_314 = arith.constant 64 : index
      %get3A_315 = tpu.vector_load %arg15[%get3A_313, %get3A_314] {strides = array<i32>} : memref<128x128xf32, #tpu.memory_space<vmem>>, vector<1x16xf32>,
      %get3A_316 = vector.shape_cast %get3A_315 : vector<1x16xf32> to vector<16xf32>
      %get3A_317 = arith.index_cast %scan3A_274 : i32 to index
      %get3A_318 = arith.constant 64 : index
      %get3A_319 = tpu.vector_load %arg13[%get3A_317, %get3A_318] {strides = array<i32>} : memref<128x128xf32, #tpu.memory_space<vmem>>, vector<1x16xf32>,
      %get3A_320 = vector.shape_cast %get3A_319 : vector<1x16xf32> to vector<16xf32>
      %mul3A_321 = arith.mulf %get3A_316, %get3A_320 : vector<16xf32>
      %add3A_322 = arith.addf %add3A_312, %mul3A_321 : vector<16xf32>
      %get3A_323 = arith.index_cast %scan3A_274 : i32 to index
      %get3A_324 = arith.constant 80 : index
      %get3A_325 = tpu.vector_load %arg15[%get3A_323, %get3A_324] {strides = array<i32>} : memref<128x128xf32, #tpu.memory_space<vmem>>, vector<1x16xf32>,
      %get3A_326 = vector.shape_cast %get3A_325 : vector<1x16xf32> to vector<16xf32>
      %get3A_327 = arith.index_cast %scan3A_274 : i32 to index
      %get3A_328 = arith.constant 80 : index
      %get3A_329 = tpu.vector_load %arg13[%get3A_327, %get3A_328] {strides = array<i32>} : memref<128x128xf32, #tpu.memory_space<vmem>>, vector<1x16xf32>,
      %get3A_330 = vector.shape_cast %get3A_329 : vector<1x16xf32> to vector<16xf32>
      %mul3A_331 = arith.mulf %get3A_326, %get3A_330 : vector<16xf32>
      %add3A_332 = arith.addf %add3A_322, %mul3A_331 : vector<16xf32>
      %get3A_333 = arith.index_cast %scan3A_274 : i32 to index
      %get3A_334 = arith.constant 96 : index
      %get3A_335 = tpu.vector_load %arg15[%get3A_333, %get3A_334] {strides = array<i32>} : memref<128x128xf32, #tpu.memory_space<vmem>>, vector<1x16xf32>,
      %get3A_336 = vector.shape_cast %get3A_335 : vector<1x16xf32> to vector<16xf32>
      %get3A_337 = arith.index_cast %scan3A_274 : i32 to index
      %get3A_338 = arith.constant 96 : index
      %get3A_339 = tpu.vector_load %arg13[%get3A_337, %get3A_338] {strides = array<i32>} : memref<128x128xf32, #tpu.memory_space<vmem>>, vector<1x16xf32>,
      %get3A_340 = vector.shape_cast %get3A_339 : vector<1x16xf32> to vector<16xf32>
      %mul3A_341 = arith.mulf %get3A_336, %get3A_340 : vector<16xf32>
      %add3A_342 = arith.addf %add3A_332, %mul3A_341 : vector<16xf32>
      %get3A_343 = arith.index_cast %scan3A_274 : i32 to index
      %get3A_344 = arith.constant 112 : index
      %get3A_345 = tpu.vector_load %arg15[%get3A_343, %get3A_344] {strides = array<i32>} : memref<128x128xf32, #tpu.memory_space<vmem>>, vector<1x16xf32>,
      %get3A_346 = vector.shape_cast %get3A_345 : vector<1x16xf32> to vector<16xf32>
      %get3A_347 = arith.index_cast %scan3A_274 : i32 to index
      %get3A_348 = arith.constant 112 : index
      %get3A_349 = tpu.vector_load %arg13[%get3A_347, %get3A_348] {strides = array<i32>} : memref<128x128xf32, #tpu.memory_space<vmem>>, vector<1x16xf32>,
      %get3A_350 = vector.shape_cast %get3A_349 : vector<1x16xf32> to vector<16xf32>
      %mul3A_351 = arith.mulf %get3A_346, %get3A_350 : vector<16xf32>
      %add3A_352 = arith.addf %add3A_342, %mul3A_351 : vector<16xf32>
      %xor3A = arith.constant 8 : i32
      %xor3A_353 = vector.broadcast %xor3A : i32 to vector<16xi32>
      %xor3A_354 = arith.xori %iota3A, %xor3A_353 : vector<16xi32>
      %broadcast_in_dim3A = vector.shape_cast %xor3A_354 : vector<16xi32> to vector<16x1xi32>
      %gather3A = vector.shape_cast %broadcast_in_dim3A : vector<16x1xi32> to vector<16xi32>
      %gather3A_355 = tpu.dynamic_gather %add3A_352[%gather3A] in [0] : vector<16xf32>, vector<16xi32> -> vector<16xf32>
      %add3A_356 = arith.addf %add3A_352, %gather3A_355 : vector<16xf32>
      %xor3A_357 = arith.constant 4 : i32
      %xor3A_358 = vector.broadcast %xor3A_357 : i32 to vector<16xi32>
      %xor3A_359 = arith.xori %iota3A, %xor3A_358 : vector<16xi32>
      %broadcast_in_dim3A_360 = vector.shape_cast %xor3A_359 : vector<16xi32> to vector<16x1xi32>
      %gather3A_361 = vector.shape_cast %broadcast_in_dim3A_360 : vector<16x1xi32> to vector<16xi32>
      %gather3A_362 = tpu.dynamic_gather %add3A_356[%gather3A_361] in [0] : vector<16xf32>, vector<16xi32> -> vector<16xf32>
      %add3A_363 = arith.addf %add3A_356, %gather3A_362 : vector<16xf32>
      %xor3A_364 = arith.constant 2 : i32
      %xor3A_365 = vector.broadcast %xor3A_364 : i32 to vector<16xi32>
      %xor3A_366 = arith.xori %iota3A, %xor3A_365 : vector<16xi32>
      %broadcast_in_dim3A_367 = vector.shape_cast %xor3A_366 : vector<16xi32> to vector<16x1xi32>
      %gather3A_368 = vector.shape_cast %broadcast_in_dim3A_367 : vector<16x1xi32> to vector<16xi32>
      %gather3A_369 = tpu.dynamic_gather %add3A_363[%gather3A_368] in [0] : vector<16xf32>, vector<16xi32> -> vector<16xf32>
      %add3A_370 = arith.addf %add3A_363, %gather3A_369 : vector<16xf32>
      %xor3A_371 = arith.constant 1 : i32
      %xor3A_372 = vector.broadcast %xor3A_371 : i32 to vector<16xi32>
      %xor3A_373 = arith.xori %iota3A, %xor3A_372 : vector<16xi32>
      %broadcast_in_dim3A_374 = vector.shape_cast %xor3A_373 : vector<16xi32> to vector<16x1xi32>
      %gather3A_375 = vector.shape_cast %broadcast_in_dim3A_374 : vector<16x1xi32> to vector<16xi32>
      %gather3A_376 = tpu.dynamic_gather %add3A_370[%gather3A_375] in [0] : vector<16xf32>, vector<16xi32> -> vector<16xf32>
      %add3A_377 = arith.addf %add3A_370, %gather3A_376 : vector<16xf32>
      %mul3A_378 = arith.constant 1.000000e+00 : f32
      %mul3A_379 = vector.broadcast %mul3A_378 : f32 to vector<16xf32>
      %mul3A_380 = arith.mulf %mul3A_379, %add3A_377 : vector<16xf32>
      %get3A_381 = arith.index_cast %scan3A_274 : i32 to index
      %get3A_382 = arith.constant 0 : index
      %get3A_383 = tpu.vector_load %arg17[%get3A_381, %get3A_382] {strides = array<i32>} : memref<128x16xf32, #tpu.memory_space<vmem>>, vector<1x16xf32>,
      %get3A_384 = vector.shape_cast %get3A_383 : vector<1x16xf32> to vector<16xf32>
      %eq3A = arith.constant 1 : i32
      %eq3A_385 = vector.broadcast %eq3A : i32 to vector<16xi32>
      %eq3A_386 = arith.cmpi eq, %iota3A, %eq3A_385 : vector<16xi32>
      %select_n3A = arith.select %eq3A_386, %mul3A_380, %get3A_384 : vector<16xi1>, vector<16xf32>
      %swap3A = arith.index_cast %scan3A_274 : i32 to index
      %swap3A_387 = arith.constant 0 : index
      %swap3A_388 = tpu.vector_load %arg17[%swap3A, %swap3A_387] {strides = array<i32>} : memref<128x16xf32, #tpu.memory_space<vmem>>, vector<1x16xf32>,
      %swap3A_389 = vector.shape_cast %swap3A_388 : vector<1x16xf32> to vector<16xf32>
      %swap3A_390 = vector.shape_cast %select_n3A : vector<16xf32> to vector<1x16xf32>
      tpu.vector_store %arg17[%swap3A, %swap3A_387], %swap3A_390 {strides = array<i32>} : memref<128x16xf32, #tpu.memory_space<vmem>>, vector<1x16xf32>,
    }
    %scan3A_54 = arith.constant 128 : i32
    %dma_wait3A_55 = arith.constant 128 : i32
    %dma_wait3A_56 = tpu.memref_slice %arg11[%dma_wait3A_55] : memref<1920xi32, #tpu.memory_space<vmem>> -> memref<128xi32, #tpu.memory_space<vmem>>
    %dma_wait3A_57 = arith.constant 0 : i32
    %dma_wait3A_58 = arith.constant 0 : i32
    %dma_wait3A_59 = tpu.memref_slice %arg2[%dma_wait3A_57, %dma_wait3A_58] : memref<100000x128xf32, #tpu.memory_space<hbm>> -> memref<100000x128xf32, #tpu.memory_space<hbm>>
    tpu.wait_indirect_dma semaphore(%arg22 : memref<!tpu.dma_semaphore, #tpu.memory_space<semaphore_mem>>) src(%dma_wait3A_59 : memref<100000x128xf32, #tpu.memory_space<hbm>>) dst(%arg16 : memref<128x128xf32, #tpu.memory_space<vmem>>)
    %dma_start3A_60 = arith.constant 256 : i32
    %dma_start3A_61 = tpu.memref_slice %arg11[%dma_start3A_60] : memref<1920xi32, #tpu.memory_space<vmem>> -> memref<128xi32, #tpu.memory_space<vmem>>
    %dma_start3A_62 = arith.constant 0 : i32
    %dma_start3A_63 = arith.constant 0 : i32
    %dma_start3A_64 = tpu.memref_slice %arg2[%dma_start3A_62, %dma_start3A_63] : memref<100000x128xf32, #tpu.memory_space<hbm>> -> memref<100000x128xf32, #tpu.memory_space<hbm>>
    tpu.enqueue_indirect_dma source(%dma_start3A_64 : memref<100000x128xf32, #tpu.memory_space<hbm>>) target(%arg15 : memref<128x128xf32, #tpu.memory_space<vmem>>) offsets(%dma_start3A_61 : memref<128xi32, #tpu.memory_space<vmem>>) semaphore(%arg21 : memref<!tpu.dma_semaphore, #tpu.memory_space<semaphore_mem>>)
    %scan3A_65 = arith.constant 0 : i32
    %scan3A_66 = arith.constant 0 : i32
    %scan3A_67 = arith.constant 128 : i32
    %scan3A_68 = arith.addi %scan3A_66, %scan3A_67 : i32
    %scan3A_69 = arith.constant 1 : i32
    scf.for %scan3A_274 = %scan3A_66 to %scan3A_68 step %scan3A_69  : i32 {
      %get3A = arith.index_cast %scan3A_274 : i32 to index
      %get3A_275 = arith.constant 0 : index
      %get3A_276 = tpu.vector_load %arg16[%get3A, %get3A_275] {strides = array<i32>} : memref<128x128xf32, #tpu.memory_space<vmem>>, vector<1x16xf32>,
      %get3A_277 = vector.shape_cast %get3A_276 : vector<1x16xf32> to vector<16xf32>
      %get3A_278 = arith.index_cast %scan3A_274 : i32 to index
      %get3A_279 = arith.constant 0 : index
      %get3A_280 = tpu.vector_load %arg13[%get3A_278, %get3A_279] {strides = array<i32>} : memref<128x128xf32, #tpu.memory_space<vmem>>, vector<1x16xf32>,
      %get3A_281 = vector.shape_cast %get3A_280 : vector<1x16xf32> to vector<16xf32>
      %mul3A_282 = arith.mulf %get3A_277, %get3A_281 : vector<16xf32>
      %get3A_283 = arith.index_cast %scan3A_274 : i32 to index
      %get3A_284 = arith.constant 16 : index
      %get3A_285 = tpu.vector_load %arg16[%get3A_283, %get3A_284] {strides = array<i32>} : memref<128x128xf32, #tpu.memory_space<vmem>>, vector<1x16xf32>,
      %get3A_286 = vector.shape_cast %get3A_285 : vector<1x16xf32> to vector<16xf32>
      %get3A_287 = arith.index_cast %scan3A_274 : i32 to index
      %get3A_288 = arith.constant 16 : index
      %get3A_289 = tpu.vector_load %arg13[%get3A_287, %get3A_288] {strides = array<i32>} : memref<128x128xf32, #tpu.memory_space<vmem>>, vector<1x16xf32>,
      %get3A_290 = vector.shape_cast %get3A_289 : vector<1x16xf32> to vector<16xf32>
      %mul3A_291 = arith.mulf %get3A_286, %get3A_290 : vector<16xf32>
      %add3A_292 = arith.addf %mul3A_282, %mul3A_291 : vector<16xf32>
      %get3A_293 = arith.index_cast %scan3A_274 : i32 to index
      %get3A_294 = arith.constant 32 : index
      %get3A_295 = tpu.vector_load %arg16[%get3A_293, %get3A_294] {strides = array<i32>} : memref<128x128xf32, #tpu.memory_space<vmem>>, vector<1x16xf32>,
      %get3A_296 = vector.shape_cast %get3A_295 : vector<1x16xf32> to vector<16xf32>
      %get3A_297 = arith.index_cast %scan3A_274 : i32 to index
      %get3A_298 = arith.constant 32 : index
      %get3A_299 = tpu.vector_load %arg13[%get3A_297, %get3A_298] {strides = array<i32>} : memref<128x128xf32, #tpu.memory_space<vmem>>, vector<1x16xf32>,
      %get3A_300 = vector.shape_cast %get3A_299 : vector<1x16xf32> to vector<16xf32>
      %mul3A_301 = arith.mulf %get3A_296, %get3A_300 : vector<16xf32>
      %add3A_302 = arith.addf %add3A_292, %mul3A_301 : vector<16xf32>
      %get3A_303 = arith.index_cast %scan3A_274 : i32 to index
      %get3A_304 = arith.constant 48 : index
      %get3A_305 = tpu.vector_load %arg16[%get3A_303, %get3A_304] {strides = array<i32>} : memref<128x128xf32, #tpu.memory_space<vmem>>, vector<1x16xf32>,
      %get3A_306 = vector.shape_cast %get3A_305 : vector<1x16xf32> to vector<16xf32>
      %get3A_307 = arith.index_cast %scan3A_274 : i32 to index
      %get3A_308 = arith.constant 48 : index
      %get3A_309 = tpu.vector_load %arg13[%get3A_307, %get3A_308] {strides = array<i32>} : memref<128x128xf32, #tpu.memory_space<vmem>>, vector<1x16xf32>,
      %get3A_310 = vector.shape_cast %get3A_309 : vector<1x16xf32> to vector<16xf32>
      %mul3A_311 = arith.mulf %get3A_306, %get3A_310 : vector<16xf32>
      %add3A_312 = arith.addf %add3A_302, %mul3A_311 : vector<16xf32>
      %get3A_313 = arith.index_cast %scan3A_274 : i32 to index
      %get3A_314 = arith.constant 64 : index
      %get3A_315 = tpu.vector_load %arg16[%get3A_313, %get3A_314] {strides = array<i32>} : memref<128x128xf32, #tpu.memory_space<vmem>>, vector<1x16xf32>,
      %get3A_316 = vector.shape_cast %get3A_315 : vector<1x16xf32> to vector<16xf32>
      %get3A_317 = arith.index_cast %scan3A_274 : i32 to index
      %get3A_318 = arith.constant 64 : index
      %get3A_319 = tpu.vector_load %arg13[%get3A_317, %get3A_318] {strides = array<i32>} : memref<128x128xf32, #tpu.memory_space<vmem>>, vector<1x16xf32>,
      %get3A_320 = vector.shape_cast %get3A_319 : vector<1x16xf32> to vector<16xf32>
      %mul3A_321 = arith.mulf %get3A_316, %get3A_320 : vector<16xf32>
      %add3A_322 = arith.addf %add3A_312, %mul3A_321 : vector<16xf32>
      %get3A_323 = arith.index_cast %scan3A_274 : i32 to index
      %get3A_324 = arith.constant 80 : index
      %get3A_325 = tpu.vector_load %arg16[%get3A_323, %get3A_324] {strides = array<i32>} : memref<128x128xf32, #tpu.memory_space<vmem>>, vector<1x16xf32>,
      %get3A_326 = vector.shape_cast %get3A_325 : vector<1x16xf32> to vector<16xf32>
      %get3A_327 = arith.index_cast %scan3A_274 : i32 to index
      %get3A_328 = arith.constant 80 : index
      %get3A_329 = tpu.vector_load %arg13[%get3A_327, %get3A_328] {strides = array<i32>} : memref<128x128xf32, #tpu.memory_space<vmem>>, vector<1x16xf32>,
      %get3A_330 = vector.shape_cast %get3A_329 : vector<1x16xf32> to vector<16xf32>
      %mul3A_331 = arith.mulf %get3A_326, %get3A_330 : vector<16xf32>
      %add3A_332 = arith.addf %add3A_322, %mul3A_331 : vector<16xf32>
      %get3A_333 = arith.index_cast %scan3A_274 : i32 to index
      %get3A_334 = arith.constant 96 : index
      %get3A_335 = tpu.vector_load %arg16[%get3A_333, %get3A_334] {strides = array<i32>} : memref<128x128xf32, #tpu.memory_space<vmem>>, vector<1x16xf32>,
      %get3A_336 = vector.shape_cast %get3A_335 : vector<1x16xf32> to vector<16xf32>
      %get3A_337 = arith.index_cast %scan3A_274 : i32 to index
      %get3A_338 = arith.constant 96 : index
      %get3A_339 = tpu.vector_load %arg13[%get3A_337, %get3A_338] {strides = array<i32>} : memref<128x128xf32, #tpu.memory_space<vmem>>, vector<1x16xf32>,
      %get3A_340 = vector.shape_cast %get3A_339 : vector<1x16xf32> to vector<16xf32>
      %mul3A_341 = arith.mulf %get3A_336, %get3A_340 : vector<16xf32>
      %add3A_342 = arith.addf %add3A_332, %mul3A_341 : vector<16xf32>
      %get3A_343 = arith.index_cast %scan3A_274 : i32 to index
      %get3A_344 = arith.constant 112 : index
      %get3A_345 = tpu.vector_load %arg16[%get3A_343, %get3A_344] {strides = array<i32>} : memref<128x128xf32, #tpu.memory_space<vmem>>, vector<1x16xf32>,
      %get3A_346 = vector.shape_cast %get3A_345 : vector<1x16xf32> to vector<16xf32>
      %get3A_347 = arith.index_cast %scan3A_274 : i32 to index
      %get3A_348 = arith.constant 112 : index
      %get3A_349 = tpu.vector_load %arg13[%get3A_347, %get3A_348] {strides = array<i32>} : memref<128x128xf32, #tpu.memory_space<vmem>>, vector<1x16xf32>,
      %get3A_350 = vector.shape_cast %get3A_349 : vector<1x16xf32> to vector<16xf32>
      %mul3A_351 = arith.mulf %get3A_346, %get3A_350 : vector<16xf32>
      %add3A_352 = arith.addf %add3A_342, %mul3A_351 : vector<16xf32>
      %xor3A = arith.constant 8 : i32
      %xor3A_353 = vector.broadcast %xor3A : i32 to vector<16xi32>
      %xor3A_354 = arith.xori %iota3A, %xor3A_353 : vector<16xi32>
      %broadcast_in_dim3A = vector.shape_cast %xor3A_354 : vector<16xi32> to vector<16x1xi32>
      %gather3A = vector.shape_cast %broadcast_in_dim3A : vector<16x1xi32> to vector<16xi32>
      %gather3A_355 = tpu.dynamic_gather %add3A_352[%gather3A] in [0] : vector<16xf32>, vector<16xi32> -> vector<16xf32>
      %add3A_356 = arith.addf %add3A_352, %gather3A_355 : vector<16xf32>
      %xor3A_357 = arith.constant 4 : i32
      %xor3A_358 = vector.broadcast %xor3A_357 : i32 to vector<16xi32>
      %xor3A_359 = arith.xori %iota3A, %xor3A_358 : vector<16xi32>
      %broadcast_in_dim3A_360 = vector.shape_cast %xor3A_359 : vector<16xi32> to vector<16x1xi32>
      %gather3A_361 = vector.shape_cast %broadcast_in_dim3A_360 : vector<16x1xi32> to vector<16xi32>
      %gather3A_362 = tpu.dynamic_gather %add3A_356[%gather3A_361] in [0] : vector<16xf32>, vector<16xi32> -> vector<16xf32>
      %add3A_363 = arith.addf %add3A_356, %gather3A_362 : vector<16xf32>
      %xor3A_364 = arith.constant 2 : i32
      %xor3A_365 = vector.broadcast %xor3A_364 : i32 to vector<16xi32>
      %xor3A_366 = arith.xori %iota3A, %xor3A_365 : vector<16xi32>
      %broadcast_in_dim3A_367 = vector.shape_cast %xor3A_366 : vector<16xi32> to vector<16x1xi32>
      %gather3A_368 = vector.shape_cast %broadcast_in_dim3A_367 : vector<16x1xi32> to vector<16xi32>
      %gather3A_369 = tpu.dynamic_gather %add3A_363[%gather3A_368] in [0] : vector<16xf32>, vector<16xi32> -> vector<16xf32>
      %add3A_370 = arith.addf %add3A_363, %gather3A_369 : vector<16xf32>
      %xor3A_371 = arith.constant 1 : i32
      %xor3A_372 = vector.broadcast %xor3A_371 : i32 to vector<16xi32>
      %xor3A_373 = arith.xori %iota3A, %xor3A_372 : vector<16xi32>
      %broadcast_in_dim3A_374 = vector.shape_cast %xor3A_373 : vector<16xi32> to vector<16x1xi32>
      %gather3A_375 = vector.shape_cast %broadcast_in_dim3A_374 : vector<16x1xi32> to vector<16xi32>
      %gather3A_376 = tpu.dynamic_gather %add3A_370[%gather3A_375] in [0] : vector<16xf32>, vector<16xi32> -> vector<16xf32>
      %add3A_377 = arith.addf %add3A_370, %gather3A_376 : vector<16xf32>
      %mul3A_378 = arith.constant 1.000000e+00 : f32
      %mul3A_379 = vector.broadcast %mul3A_378 : f32 to vector<16xf32>
      %mul3A_380 = arith.mulf %mul3A_379, %add3A_377 : vector<16xf32>
      %get3A_381 = arith.index_cast %scan3A_274 : i32 to index
      %get3A_382 = arith.constant 0 : index
      %get3A_383 = tpu.vector_load %arg17[%get3A_381, %get3A_382] {strides = array<i32>} : memref<128x16xf32, #tpu.memory_space<vmem>>, vector<1x16xf32>,
      %get3A_384 = vector.shape_cast %get3A_383 : vector<1x16xf32> to vector<16xf32>
      %eq3A = arith.constant 2 : i32
      %eq3A_385 = vector.broadcast %eq3A : i32 to vector<16xi32>
      %eq3A_386 = arith.cmpi eq, %iota3A, %eq3A_385 : vector<16xi32>
      %select_n3A = arith.select %eq3A_386, %mul3A_380, %get3A_384 : vector<16xi1>, vector<16xf32>
      %swap3A = arith.index_cast %scan3A_274 : i32 to index
      %swap3A_387 = arith.constant 0 : index
      %swap3A_388 = tpu.vector_load %arg17[%swap3A, %swap3A_387] {strides = array<i32>} : memref<128x16xf32, #tpu.memory_space<vmem>>, vector<1x16xf32>,
      %swap3A_389 = vector.shape_cast %swap3A_388 : vector<1x16xf32> to vector<16xf32>
      %swap3A_390 = vector.shape_cast %select_n3A : vector<16xf32> to vector<1x16xf32>
      tpu.vector_store %arg17[%swap3A, %swap3A_387], %swap3A_390 {strides = array<i32>} : memref<128x16xf32, #tpu.memory_space<vmem>>, vector<1x16xf32>,
    }
    %scan3A_70 = arith.constant 128 : i32
    %dma_wait3A_71 = arith.constant 256 : i32
    %dma_wait3A_72 = tpu.memref_slice %arg11[%dma_wait3A_71] : memref<1920xi32, #tpu.memory_space<vmem>> -> memref<128xi32, #tpu.memory_space<vmem>>
    %dma_wait3A_73 = arith.constant 0 : i32
    %dma_wait3A_74 = arith.constant 0 : i32
    %dma_wait3A_75 = tpu.memref_slice %arg2[%dma_wait3A_73, %dma_wait3A_74] : memref<100000x128xf32, #tpu.memory_space<hbm>> -> memref<100000x128xf32, #tpu.memory_space<hbm>>
    tpu.wait_indirect_dma semaphore(%arg21 : memref<!tpu.dma_semaphore, #tpu.memory_space<semaphore_mem>>) src(%dma_wait3A_75 : memref<100000x128xf32, #tpu.memory_space<hbm>>) dst(%arg15 : memref<128x128xf32, #tpu.memory_space<vmem>>)
    %dma_start3A_76 = arith.constant 384 : i32
    %dma_start3A_77 = tpu.memref_slice %arg11[%dma_start3A_76] : memref<1920xi32, #tpu.memory_space<vmem>> -> memref<128xi32, #tpu.memory_space<vmem>>
    %dma_start3A_78 = arith.constant 0 : i32
    %dma_start3A_79 = arith.constant 0 : i32
    %dma_start3A_80 = tpu.memref_slice %arg2[%dma_start3A_78, %dma_start3A_79] : memref<100000x128xf32, #tpu.memory_space<hbm>> -> memref<100000x128xf32, #tpu.memory_space<hbm>>
    tpu.enqueue_indirect_dma source(%dma_start3A_80 : memref<100000x128xf32, #tpu.memory_space<hbm>>) target(%arg16 : memref<128x128xf32, #tpu.memory_space<vmem>>) offsets(%dma_start3A_77 : memref<128xi32, #tpu.memory_space<vmem>>) semaphore(%arg22 : memref<!tpu.dma_semaphore, #tpu.memory_space<semaphore_mem>>)
    %scan3A_81 = arith.constant 0 : i32
    %scan3A_82 = arith.constant 0 : i32
    %scan3A_83 = arith.constant 128 : i32
    %scan3A_84 = arith.addi %scan3A_82, %scan3A_83 : i32
    %scan3A_85 = arith.constant 1 : i32
    scf.for %scan3A_274 = %scan3A_82 to %scan3A_84 step %scan3A_85  : i32 {
      %get3A = arith.index_cast %scan3A_274 : i32 to index
      %get3A_275 = arith.constant 0 : index
      %get3A_276 = tpu.vector_load %arg15[%get3A, %get3A_275] {strides = array<i32>} : memref<128x128xf32, #tpu.memory_space<vmem>>, vector<1x16xf32>,
      %get3A_277 = vector.shape_cast %get3A_276 : vector<1x16xf32> to vector<16xf32>
      %get3A_278 = arith.index_cast %scan3A_274 : i32 to index
      %get3A_279 = arith.constant 0 : index
      %get3A_280 = tpu.vector_load %arg13[%get3A_278, %get3A_279] {strides = array<i32>} : memref<128x128xf32, #tpu.memory_space<vmem>>, vector<1x16xf32>,
      %get3A_281 = vector.shape_cast %get3A_280 : vector<1x16xf32> to vector<16xf32>
      %mul3A_282 = arith.mulf %get3A_277, %get3A_281 : vector<16xf32>
      %get3A_283 = arith.index_cast %scan3A_274 : i32 to index
      %get3A_284 = arith.constant 16 : index
      %get3A_285 = tpu.vector_load %arg15[%get3A_283, %get3A_284] {strides = array<i32>} : memref<128x128xf32, #tpu.memory_space<vmem>>, vector<1x16xf32>,
      %get3A_286 = vector.shape_cast %get3A_285 : vector<1x16xf32> to vector<16xf32>
      %get3A_287 = arith.index_cast %scan3A_274 : i32 to index
      %get3A_288 = arith.constant 16 : index
      %get3A_289 = tpu.vector_load %arg13[%get3A_287, %get3A_288] {strides = array<i32>} : memref<128x128xf32, #tpu.memory_space<vmem>>, vector<1x16xf32>,
      %get3A_290 = vector.shape_cast %get3A_289 : vector<1x16xf32> to vector<16xf32>
      %mul3A_291 = arith.mulf %get3A_286, %get3A_290 : vector<16xf32>
      %add3A_292 = arith.addf %mul3A_282, %mul3A_291 : vector<16xf32>
      %get3A_293 = arith.index_cast %scan3A_274 : i32 to index
      %get3A_294 = arith.constant 32 : index
      %get3A_295 = tpu.vector_load %arg15[%get3A_293, %get3A_294] {strides = array<i32>} : memref<128x128xf32, #tpu.memory_space<vmem>>, vector<1x16xf32>,
      %get3A_296 = vector.shape_cast %get3A_295 : vector<1x16xf32> to vector<16xf32>
      %get3A_297 = arith.index_cast %scan3A_274 : i32 to index
      %get3A_298 = arith.constant 32 : index
      %get3A_299 = tpu.vector_load %arg13[%get3A_297, %get3A_298] {strides = array<i32>} : memref<128x128xf32, #tpu.memory_space<vmem>>, vector<1x16xf32>,
      %get3A_300 = vector.shape_cast %get3A_299 : vector<1x16xf32> to vector<16xf32>
      %mul3A_301 = arith.mulf %get3A_296, %get3A_300 : vector<16xf32>
      %add3A_302 = arith.addf %add3A_292, %mul3A_301 : vector<16xf32>
      %get3A_303 = arith.index_cast %scan3A_274 : i32 to index
      %get3A_304 = arith.constant 48 : index
      %get3A_305 = tpu.vector_load %arg15[%get3A_303, %get3A_304] {strides = array<i32>} : memref<128x128xf32, #tpu.memory_space<vmem>>, vector<1x16xf32>,
      %get3A_306 = vector.shape_cast %get3A_305 : vector<1x16xf32> to vector<16xf32>
      %get3A_307 = arith.index_cast %scan3A_274 : i32 to index
      %get3A_308 = arith.constant 48 : index
      %get3A_309 = tpu.vector_load %arg13[%get3A_307, %get3A_308] {strides = array<i32>} : memref<128x128xf32, #tpu.memory_space<vmem>>, vector<1x16xf32>,
      %get3A_310 = vector.shape_cast %get3A_309 : vector<1x16xf32> to vector<16xf32>
      %mul3A_311 = arith.mulf %get3A_306, %get3A_310 : vector<16xf32>
      %add3A_312 = arith.addf %add3A_302, %mul3A_311 : vector<16xf32>
      %get3A_313 = arith.index_cast %scan3A_274 : i32 to index
      %get3A_314 = arith.constant 64 : index
      %get3A_315 = tpu.vector_load %arg15[%get3A_313, %get3A_314] {strides = array<i32>} : memref<128x128xf32, #tpu.memory_space<vmem>>, vector<1x16xf32>,
      %get3A_316 = vector.shape_cast %get3A_315 : vector<1x16xf32> to vector<16xf32>
      %get3A_317 = arith.index_cast %scan3A_274 : i32 to index
      %get3A_318 = arith.constant 64 : index
      %get3A_319 = tpu.vector_load %arg13[%get3A_317, %get3A_318] {strides = array<i32>} : memref<128x128xf32, #tpu.memory_space<vmem>>, vector<1x16xf32>,
      %get3A_320 = vector.shape_cast %get3A_319 : vector<1x16xf32> to vector<16xf32>
      %mul3A_321 = arith.mulf %get3A_316, %get3A_320 : vector<16xf32>
      %add3A_322 = arith.addf %add3A_312, %mul3A_321 : vector<16xf32>
      %get3A_323 = arith.index_cast %scan3A_274 : i32 to index
      %get3A_324 = arith.constant 80 : index
      %get3A_325 = tpu.vector_load %arg15[%get3A_323, %get3A_324] {strides = array<i32>} : memref<128x128xf32, #tpu.memory_space<vmem>>, vector<1x16xf32>,
      %get3A_326 = vector.shape_cast %get3A_325 : vector<1x16xf32> to vector<16xf32>
      %get3A_327 = arith.index_cast %scan3A_274 : i32 to index
      %get3A_328 = arith.constant 80 : index
      %get3A_329 = tpu.vector_load %arg13[%get3A_327, %get3A_328] {strides = array<i32>} : memref<128x128xf32, #tpu.memory_space<vmem>>, vector<1x16xf32>,
      %get3A_330 = vector.shape_cast %get3A_329 : vector<1x16xf32> to vector<16xf32>
      %mul3A_331 = arith.mulf %get3A_326, %get3A_330 : vector<16xf32>
      %add3A_332 = arith.addf %add3A_322, %mul3A_331 : vector<16xf32>
      %get3A_333 = arith.index_cast %scan3A_274 : i32 to index
      %get3A_334 = arith.constant 96 : index
      %get3A_335 = tpu.vector_load %arg15[%get3A_333, %get3A_334] {strides = array<i32>} : memref<128x128xf32, #tpu.memory_space<vmem>>, vector<1x16xf32>,
      %get3A_336 = vector.shape_cast %get3A_335 : vector<1x16xf32> to vector<16xf32>
      %get3A_337 = arith.index_cast %scan3A_274 : i32 to index
      %get3A_338 = arith.constant 96 : index
      %get3A_339 = tpu.vector_load %arg13[%get3A_337, %get3A_338] {strides = array<i32>} : memref<128x128xf32, #tpu.memory_space<vmem>>, vector<1x16xf32>,
      %get3A_340 = vector.shape_cast %get3A_339 : vector<1x16xf32> to vector<16xf32>
      %mul3A_341 = arith.mulf %get3A_336, %get3A_340 : vector<16xf32>
      %add3A_342 = arith.addf %add3A_332, %mul3A_341 : vector<16xf32>
      %get3A_343 = arith.index_cast %scan3A_274 : i32 to index
      %get3A_344 = arith.constant 112 : index
      %get3A_345 = tpu.vector_load %arg15[%get3A_343, %get3A_344] {strides = array<i32>} : memref<128x128xf32, #tpu.memory_space<vmem>>, vector<1x16xf32>,
      %get3A_346 = vector.shape_cast %get3A_345 : vector<1x16xf32> to vector<16xf32>
      %get3A_347 = arith.index_cast %scan3A_274 : i32 to index
      %get3A_348 = arith.constant 112 : index
      %get3A_349 = tpu.vector_load %arg13[%get3A_347, %get3A_348] {strides = array<i32>} : memref<128x128xf32, #tpu.memory_space<vmem>>, vector<1x16xf32>,
      %get3A_350 = vector.shape_cast %get3A_349 : vector<1x16xf32> to vector<16xf32>
      %mul3A_351 = arith.mulf %get3A_346, %get3A_350 : vector<16xf32>
      %add3A_352 = arith.addf %add3A_342, %mul3A_351 : vector<16xf32>
      %xor3A = arith.constant 8 : i32
      %xor3A_353 = vector.broadcast %xor3A : i32 to vector<16xi32>
      %xor3A_354 = arith.xori %iota3A, %xor3A_353 : vector<16xi32>
      %broadcast_in_dim3A = vector.shape_cast %xor3A_354 : vector<16xi32> to vector<16x1xi32>
      %gather3A = vector.shape_cast %broadcast_in_dim3A : vector<16x1xi32> to vector<16xi32>
      %gather3A_355 = tpu.dynamic_gather %add3A_352[%gather3A] in [0] : vector<16xf32>, vector<16xi32> -> vector<16xf32>
      %add3A_356 = arith.addf %add3A_352, %gather3A_355 : vector<16xf32>
      %xor3A_357 = arith.constant 4 : i32
      %xor3A_358 = vector.broadcast %xor3A_357 : i32 to vector<16xi32>
      %xor3A_359 = arith.xori %iota3A, %xor3A_358 : vector<16xi32>
      %broadcast_in_dim3A_360 = vector.shape_cast %xor3A_359 : vector<16xi32> to vector<16x1xi32>
      %gather3A_361 = vector.shape_cast %broadcast_in_dim3A_360 : vector<16x1xi32> to vector<16xi32>
      %gather3A_362 = tpu.dynamic_gather %add3A_356[%gather3A_361] in [0] : vector<16xf32>, vector<16xi32> -> vector<16xf32>
      %add3A_363 = arith.addf %add3A_356, %gather3A_362 : vector<16xf32>
      %xor3A_364 = arith.constant 2 : i32
      %xor3A_365 = vector.broadcast %xor3A_364 : i32 to vector<16xi32>
      %xor3A_366 = arith.xori %iota3A, %xor3A_365 : vector<16xi32>
      %broadcast_in_dim3A_367 = vector.shape_cast %xor3A_366 : vector<16xi32> to vector<16x1xi32>
      %gather3A_368 = vector.shape_cast %broadcast_in_dim3A_367 : vector<16x1xi32> to vector<16xi32>
      %gather3A_369 = tpu.dynamic_gather %add3A_363[%gather3A_368] in [0] : vector<16xf32>, vector<16xi32> -> vector<16xf32>
      %add3A_370 = arith.addf %add3A_363, %gather3A_369 : vector<16xf32>
      %xor3A_371 = arith.constant 1 : i32
      %xor3A_372 = vector.broadcast %xor3A_371 : i32 to vector<16xi32>
      %xor3A_373 = arith.xori %iota3A, %xor3A_372 : vector<16xi32>
      %broadcast_in_dim3A_374 = vector.shape_cast %xor3A_373 : vector<16xi32> to vector<16x1xi32>
      %gather3A_375 = vector.shape_cast %broadcast_in_dim3A_374 : vector<16x1xi32> to vector<16xi32>
      %gather3A_376 = tpu.dynamic_gather %add3A_370[%gather3A_375] in [0] : vector<16xf32>, vector<16xi32> -> vector<16xf32>
      %add3A_377 = arith.addf %add3A_370, %gather3A_376 : vector<16xf32>
      %mul3A_378 = arith.constant 1.000000e+00 : f32
      %mul3A_379 = vector.broadcast %mul3A_378 : f32 to vector<16xf32>
      %mul3A_380 = arith.mulf %mul3A_379, %add3A_377 : vector<16xf32>
      %get3A_381 = arith.index_cast %scan3A_274 : i32 to index
      %get3A_382 = arith.constant 0 : index
      %get3A_383 = tpu.vector_load %arg17[%get3A_381, %get3A_382] {strides = array<i32>} : memref<128x16xf32, #tpu.memory_space<vmem>>, vector<1x16xf32>,
      %get3A_384 = vector.shape_cast %get3A_383 : vector<1x16xf32> to vector<16xf32>
      %eq3A = arith.constant 3 : i32
      %eq3A_385 = vector.broadcast %eq3A : i32 to vector<16xi32>
      %eq3A_386 = arith.cmpi eq, %iota3A, %eq3A_385 : vector<16xi32>
      %select_n3A = arith.select %eq3A_386, %mul3A_380, %get3A_384 : vector<16xi1>, vector<16xf32>
      %swap3A = arith.index_cast %scan3A_274 : i32 to index
      %swap3A_387 = arith.constant 0 : index
      %swap3A_388 = tpu.vector_load %arg17[%swap3A, %swap3A_387] {strides = array<i32>} : memref<128x16xf32, #tpu.memory_space<vmem>>, vector<1x16xf32>,
      %swap3A_389 = vector.shape_cast %swap3A_388 : vector<1x16xf32> to vector<16xf32>
      %swap3A_390 = vector.shape_cast %select_n3A : vector<16xf32> to vector<1x16xf32>
      tpu.vector_store %arg17[%swap3A, %swap3A_387], %swap3A_390 {strides = array<i32>} : memref<128x16xf32, #tpu.memory_space<vmem>>, vector<1x16xf32>,
    }
    %scan3A_86 = arith.constant 128 : i32
    %dma_wait3A_87 = arith.constant 384 : i32
    %dma_wait3A_88 = tpu.memref_slice %arg11[%dma_wait3A_87] : memref<1920xi32, #tpu.memory_space<vmem>> -> memref<128xi32, #tpu.memory_space<vmem>>
    %dma_wait3A_89 = arith.constant 0 : i32
    %dma_wait3A_90 = arith.constant 0 : i32
    %dma_wait3A_91 = tpu.memref_slice %arg2[%dma_wait3A_89, %dma_wait3A_90] : memref<100000x128xf32, #tpu.memory_space<hbm>> -> memref<100000x128xf32, #tpu.memory_space<hbm>>
    tpu.wait_indirect_dma semaphore(%arg22 : memref<!tpu.dma_semaphore, #tpu.memory_space<semaphore_mem>>) src(%dma_wait3A_91 : memref<100000x128xf32, #tpu.memory_space<hbm>>) dst(%arg16 : memref<128x128xf32, #tpu.memory_space<vmem>>)
    %dma_start3A_92 = arith.constant 512 : i32
    %dma_start3A_93 = tpu.memref_slice %arg11[%dma_start3A_92] : memref<1920xi32, #tpu.memory_space<vmem>> -> memref<128xi32, #tpu.memory_space<vmem>>
    %dma_start3A_94 = arith.constant 0 : i32
    %dma_start3A_95 = arith.constant 0 : i32
    %dma_start3A_96 = tpu.memref_slice %arg2[%dma_start3A_94, %dma_start3A_95] : memref<100000x128xf32, #tpu.memory_space<hbm>> -> memref<100000x128xf32, #tpu.memory_space<hbm>>
    tpu.enqueue_indirect_dma source(%dma_start3A_96 : memref<100000x128xf32, #tpu.memory_space<hbm>>) target(%arg15 : memref<128x128xf32, #tpu.memory_space<vmem>>) offsets(%dma_start3A_93 : memref<128xi32, #tpu.memory_space<vmem>>) semaphore(%arg21 : memref<!tpu.dma_semaphore, #tpu.memory_space<semaphore_mem>>)
    %scan3A_97 = arith.constant 0 : i32
    %scan3A_98 = arith.constant 0 : i32
    %scan3A_99 = arith.constant 128 : i32
    %scan3A_100 = arith.addi %scan3A_98, %scan3A_99 : i32
    %scan3A_101 = arith.constant 1 : i32
    scf.for %scan3A_274 = %scan3A_98 to %scan3A_100 step %scan3A_101  : i32 {
      %get3A = arith.index_cast %scan3A_274 : i32 to index
      %get3A_275 = arith.constant 0 : index
      %get3A_276 = tpu.vector_load %arg16[%get3A, %get3A_275] {strides = array<i32>} : memref<128x128xf32, #tpu.memory_space<vmem>>, vector<1x16xf32>,
      %get3A_277 = vector.shape_cast %get3A_276 : vector<1x16xf32> to vector<16xf32>
      %get3A_278 = arith.index_cast %scan3A_274 : i32 to index
      %get3A_279 = arith.constant 0 : index
      %get3A_280 = tpu.vector_load %arg13[%get3A_278, %get3A_279] {strides = array<i32>} : memref<128x128xf32, #tpu.memory_space<vmem>>, vector<1x16xf32>,
      %get3A_281 = vector.shape_cast %get3A_280 : vector<1x16xf32> to vector<16xf32>
      %mul3A_282 = arith.mulf %get3A_277, %get3A_281 : vector<16xf32>
      %get3A_283 = arith.index_cast %scan3A_274 : i32 to index
      %get3A_284 = arith.constant 16 : index
      %get3A_285 = tpu.vector_load %arg16[%get3A_283, %get3A_284] {strides = array<i32>} : memref<128x128xf32, #tpu.memory_space<vmem>>, vector<1x16xf32>,
      %get3A_286 = vector.shape_cast %get3A_285 : vector<1x16xf32> to vector<16xf32>
      %get3A_287 = arith.index_cast %scan3A_274 : i32 to index
      %get3A_288 = arith.constant 16 : index
      %get3A_289 = tpu.vector_load %arg13[%get3A_287, %get3A_288] {strides = array<i32>} : memref<128x128xf32, #tpu.memory_space<vmem>>, vector<1x16xf32>,
      %get3A_290 = vector.shape_cast %get3A_289 : vector<1x16xf32> to vector<16xf32>
      %mul3A_291 = arith.mulf %get3A_286, %get3A_290 : vector<16xf32>
      %add3A_292 = arith.addf %mul3A_282, %mul3A_291 : vector<16xf32>
      %get3A_293 = arith.index_cast %scan3A_274 : i32 to index
      %get3A_294 = arith.constant 32 : index
      %get3A_295 = tpu.vector_load %arg16[%get3A_293, %get3A_294] {strides = array<i32>} : memref<128x128xf32, #tpu.memory_space<vmem>>, vector<1x16xf32>,
      %get3A_296 = vector.shape_cast %get3A_295 : vector<1x16xf32> to vector<16xf32>
      %get3A_297 = arith.index_cast %scan3A_274 : i32 to index
      %get3A_298 = arith.constant 32 : index
      %get3A_299 = tpu.vector_load %arg13[%get3A_297, %get3A_298] {strides = array<i32>} : memref<128x128xf32, #tpu.memory_space<vmem>>, vector<1x16xf32>,
      %get3A_300 = vector.shape_cast %get3A_299 : vector<1x16xf32> to vector<16xf32>
      %mul3A_301 = arith.mulf %get3A_296, %get3A_300 : vector<16xf32>
      %add3A_302 = arith.addf %add3A_292, %mul3A_301 : vector<16xf32>
      %get3A_303 = arith.index_cast %scan3A_274 : i32 to index
      %get3A_304 = arith.constant 48 : index
      %get3A_305 = tpu.vector_load %arg16[%get3A_303, %get3A_304] {strides = array<i32>} : memref<128x128xf32, #tpu.memory_space<vmem>>, vector<1x16xf32>,
      %get3A_306 = vector.shape_cast %get3A_305 : vector<1x16xf32> to vector<16xf32>
      %get3A_307 = arith.index_cast %scan3A_274 : i32 to index
      %get3A_308 = arith.constant 48 : index
      %get3A_309 = tpu.vector_load %arg13[%get3A_307, %get3A_308] {strides = array<i32>} : memref<128x128xf32, #tpu.memory_space<vmem>>, vector<1x16xf32>,
      %get3A_310 = vector.shape_cast %get3A_309 : vector<1x16xf32> to vector<16xf32>
      %mul3A_311 = arith.mulf %get3A_306, %get3A_310 : vector<16xf32>
      %add3A_312 = arith.addf %add3A_302, %mul3A_311 : vector<16xf32>
      %get3A_313 = arith.index_cast %scan3A_274 : i32 to index
      %get3A_314 = arith.constant 64 : index
      %get3A_315 = tpu.vector_load %arg16[%get3A_313, %get3A_314] {strides = array<i32>} : memref<128x128xf32, #tpu.memory_space<vmem>>, vector<1x16xf32>,
      %get3A_316 = vector.shape_cast %get3A_315 : vector<1x16xf32> to vector<16xf32>
      %get3A_317 = arith.index_cast %scan3A_274 : i32 to index
      %get3A_318 = arith.constant 64 : index
      %get3A_319 = tpu.vector_load %arg13[%get3A_317, %get3A_318] {strides = array<i32>} : memref<128x128xf32, #tpu.memory_space<vmem>>, vector<1x16xf32>,
      %get3A_320 = vector.shape_cast %get3A_319 : vector<1x16xf32> to vector<16xf32>
      %mul3A_321 = arith.mulf %get3A_316, %get3A_320 : vector<16xf32>
      %add3A_322 = arith.addf %add3A_312, %mul3A_321 : vector<16xf32>
      %get3A_323 = arith.index_cast %scan3A_274 : i32 to index
      %get3A_324 = arith.constant 80 : index
      %get3A_325 = tpu.vector_load %arg16[%get3A_323, %get3A_324] {strides = array<i32>} : memref<128x128xf32, #tpu.memory_space<vmem>>, vector<1x16xf32>,
      %get3A_326 = vector.shape_cast %get3A_325 : vector<1x16xf32> to vector<16xf32>
      %get3A_327 = arith.index_cast %scan3A_274 : i32 to index
      %get3A_328 = arith.constant 80 : index
      %get3A_329 = tpu.vector_load %arg13[%get3A_327, %get3A_328] {strides = array<i32>} : memref<128x128xf32, #tpu.memory_space<vmem>>, vector<1x16xf32>,
      %get3A_330 = vector.shape_cast %get3A_329 : vector<1x16xf32> to vector<16xf32>
      %mul3A_331 = arith.mulf %get3A_326, %get3A_330 : vector<16xf32>
      %add3A_332 = arith.addf %add3A_322, %mul3A_331 : vector<16xf32>
      %get3A_333 = arith.index_cast %scan3A_274 : i32 to index
      %get3A_334 = arith.constant 96 : index
      %get3A_335 = tpu.vector_load %arg16[%get3A_333, %get3A_334] {strides = array<i32>} : memref<128x128xf32, #tpu.memory_space<vmem>>, vector<1x16xf32>,
      %get3A_336 = vector.shape_cast %get3A_335 : vector<1x16xf32> to vector<16xf32>
      %get3A_337 = arith.index_cast %scan3A_274 : i32 to index
      %get3A_338 = arith.constant 96 : index
      %get3A_339 = tpu.vector_load %arg13[%get3A_337, %get3A_338] {strides = array<i32>} : memref<128x128xf32, #tpu.memory_space<vmem>>, vector<1x16xf32>,
      %get3A_340 = vector.shape_cast %get3A_339 : vector<1x16xf32> to vector<16xf32>
      %mul3A_341 = arith.mulf %get3A_336, %get3A_340 : vector<16xf32>
      %add3A_342 = arith.addf %add3A_332, %mul3A_341 : vector<16xf32>
      %get3A_343 = arith.index_cast %scan3A_274 : i32 to index
      %get3A_344 = arith.constant 112 : index
      %get3A_345 = tpu.vector_load %arg16[%get3A_343, %get3A_344] {strides = array<i32>} : memref<128x128xf32, #tpu.memory_space<vmem>>, vector<1x16xf32>,
      %get3A_346 = vector.shape_cast %get3A_345 : vector<1x16xf32> to vector<16xf32>
      %get3A_347 = arith.index_cast %scan3A_274 : i32 to index
      %get3A_348 = arith.constant 112 : index
      %get3A_349 = tpu.vector_load %arg13[%get3A_347, %get3A_348] {strides = array<i32>} : memref<128x128xf32, #tpu.memory_space<vmem>>, vector<1x16xf32>,
      %get3A_350 = vector.shape_cast %get3A_349 : vector<1x16xf32> to vector<16xf32>
      %mul3A_351 = arith.mulf %get3A_346, %get3A_350 : vector<16xf32>
      %add3A_352 = arith.addf %add3A_342, %mul3A_351 : vector<16xf32>
      %xor3A = arith.constant 8 : i32
      %xor3A_353 = vector.broadcast %xor3A : i32 to vector<16xi32>
      %xor3A_354 = arith.xori %iota3A, %xor3A_353 : vector<16xi32>
      %broadcast_in_dim3A = vector.shape_cast %xor3A_354 : vector<16xi32> to vector<16x1xi32>
      %gather3A = vector.shape_cast %broadcast_in_dim3A : vector<16x1xi32> to vector<16xi32>
      %gather3A_355 = tpu.dynamic_gather %add3A_352[%gather3A] in [0] : vector<16xf32>, vector<16xi32> -> vector<16xf32>
      %add3A_356 = arith.addf %add3A_352, %gather3A_355 : vector<16xf32>
      %xor3A_357 = arith.constant 4 : i32
      %xor3A_358 = vector.broadcast %xor3A_357 : i32 to vector<16xi32>
      %xor3A_359 = arith.xori %iota3A, %xor3A_358 : vector<16xi32>
      %broadcast_in_dim3A_360 = vector.shape_cast %xor3A_359 : vector<16xi32> to vector<16x1xi32>
      %gather3A_361 = vector.shape_cast %broadcast_in_dim3A_360 : vector<16x1xi32> to vector<16xi32>
      %gather3A_362 = tpu.dynamic_gather %add3A_356[%gather3A_361] in [0] : vector<16xf32>, vector<16xi32> -> vector<16xf32>
      %add3A_363 = arith.addf %add3A_356, %gather3A_362 : vector<16xf32>
      %xor3A_364 = arith.constant 2 : i32
      %xor3A_365 = vector.broadcast %xor3A_364 : i32 to vector<16xi32>
      %xor3A_366 = arith.xori %iota3A, %xor3A_365 : vector<16xi32>
      %broadcast_in_dim3A_367 = vector.shape_cast %xor3A_366 : vector<16xi32> to vector<16x1xi32>
      %gather3A_368 = vector.shape_cast %broadcast_in_dim3A_367 : vector<16x1xi32> to vector<16xi32>
      %gather3A_369 = tpu.dynamic_gather %add3A_363[%gather3A_368] in [0] : vector<16xf32>, vector<16xi32> -> vector<16xf32>
      %add3A_370 = arith.addf %add3A_363, %gather3A_369 : vector<16xf32>
      %xor3A_371 = arith.constant 1 : i32
      %xor3A_372 = vector.broadcast %xor3A_371 : i32 to vector<16xi32>
      %xor3A_373 = arith.xori %iota3A, %xor3A_372 : vector<16xi32>
      %broadcast_in_dim3A_374 = vector.shape_cast %xor3A_373 : vector<16xi32> to vector<16x1xi32>
      %gather3A_375 = vector.shape_cast %broadcast_in_dim3A_374 : vector<16x1xi32> to vector<16xi32>
      %gather3A_376 = tpu.dynamic_gather %add3A_370[%gather3A_375] in [0] : vector<16xf32>, vector<16xi32> -> vector<16xf32>
      %add3A_377 = arith.addf %add3A_370, %gather3A_376 : vector<16xf32>
      %mul3A_378 = arith.constant 1.000000e+00 : f32
      %mul3A_379 = vector.broadcast %mul3A_378 : f32 to vector<16xf32>
      %mul3A_380 = arith.mulf %mul3A_379, %add3A_377 : vector<16xf32>
      %get3A_381 = arith.index_cast %scan3A_274 : i32 to index
      %get3A_382 = arith.constant 0 : index
      %get3A_383 = tpu.vector_load %arg17[%get3A_381, %get3A_382] {strides = array<i32>} : memref<128x16xf32, #tpu.memory_space<vmem>>, vector<1x16xf32>,
      %get3A_384 = vector.shape_cast %get3A_383 : vector<1x16xf32> to vector<16xf32>
      %eq3A = arith.constant 4 : i32
      %eq3A_385 = vector.broadcast %eq3A : i32 to vector<16xi32>
      %eq3A_386 = arith.cmpi eq, %iota3A, %eq3A_385 : vector<16xi32>
      %select_n3A = arith.select %eq3A_386, %mul3A_380, %get3A_384 : vector<16xi1>, vector<16xf32>
      %swap3A = arith.index_cast %scan3A_274 : i32 to index
      %swap3A_387 = arith.constant 0 : index
      %swap3A_388 = tpu.vector_load %arg17[%swap3A, %swap3A_387] {strides = array<i32>} : memref<128x16xf32, #tpu.memory_space<vmem>>, vector<1x16xf32>,
      %swap3A_389 = vector.shape_cast %swap3A_388 : vector<1x16xf32> to vector<16xf32>
      %swap3A_390 = vector.shape_cast %select_n3A : vector<16xf32> to vector<1x16xf32>
      tpu.vector_store %arg17[%swap3A, %swap3A_387], %swap3A_390 {strides = array<i32>} : memref<128x16xf32, #tpu.memory_space<vmem>>, vector<1x16xf32>,
    }
    %scan3A_102 = arith.constant 128 : i32
    %dma_wait3A_103 = arith.constant 512 : i32
    %dma_wait3A_104 = tpu.memref_slice %arg11[%dma_wait3A_103] : memref<1920xi32, #tpu.memory_space<vmem>> -> memref<128xi32, #tpu.memory_space<vmem>>
    %dma_wait3A_105 = arith.constant 0 : i32
    %dma_wait3A_106 = arith.constant 0 : i32
    %dma_wait3A_107 = tpu.memref_slice %arg2[%dma_wait3A_105, %dma_wait3A_106] : memref<100000x128xf32, #tpu.memory_space<hbm>> -> memref<100000x128xf32, #tpu.memory_space<hbm>>
    tpu.wait_indirect_dma semaphore(%arg21 : memref<!tpu.dma_semaphore, #tpu.memory_space<semaphore_mem>>) src(%dma_wait3A_107 : memref<100000x128xf32, #tpu.memory_space<hbm>>) dst(%arg15 : memref<128x128xf32, #tpu.memory_space<vmem>>)
    %dma_start3A_108 = arith.constant 640 : i32
    %dma_start3A_109 = tpu.memref_slice %arg11[%dma_start3A_108] : memref<1920xi32, #tpu.memory_space<vmem>> -> memref<128xi32, #tpu.memory_space<vmem>>
    %dma_start3A_110 = arith.constant 0 : i32
    %dma_start3A_111 = arith.constant 0 : i32
    %dma_start3A_112 = tpu.memref_slice %arg2[%dma_start3A_110, %dma_start3A_111] : memref<100000x128xf32, #tpu.memory_space<hbm>> -> memref<100000x128xf32, #tpu.memory_space<hbm>>
    tpu.enqueue_indirect_dma source(%dma_start3A_112 : memref<100000x128xf32, #tpu.memory_space<hbm>>) target(%arg16 : memref<128x128xf32, #tpu.memory_space<vmem>>) offsets(%dma_start3A_109 : memref<128xi32, #tpu.memory_space<vmem>>) semaphore(%arg22 : memref<!tpu.dma_semaphore, #tpu.memory_space<semaphore_mem>>)
    %scan3A_113 = arith.constant 0 : i32
    %scan3A_114 = arith.constant 0 : i32
    %scan3A_115 = arith.constant 128 : i32
    %scan3A_116 = arith.addi %scan3A_114, %scan3A_115 : i32
    %scan3A_117 = arith.constant 1 : i32
    scf.for %scan3A_274 = %scan3A_114 to %scan3A_116 step %scan3A_117  : i32 {
      %get3A = arith.index_cast %scan3A_274 : i32 to index
      %get3A_275 = arith.constant 0 : index
      %get3A_276 = tpu.vector_load %arg15[%get3A, %get3A_275] {strides = array<i32>} : memref<128x128xf32, #tpu.memory_space<vmem>>, vector<1x16xf32>,
      %get3A_277 = vector.shape_cast %get3A_276 : vector<1x16xf32> to vector<16xf32>
      %get3A_278 = arith.index_cast %scan3A_274 : i32 to index
      %get3A_279 = arith.constant 0 : index
      %get3A_280 = tpu.vector_load %arg13[%get3A_278, %get3A_279] {strides = array<i32>} : memref<128x128xf32, #tpu.memory_space<vmem>>, vector<1x16xf32>,
      %get3A_281 = vector.shape_cast %get3A_280 : vector<1x16xf32> to vector<16xf32>
      %mul3A_282 = arith.mulf %get3A_277, %get3A_281 : vector<16xf32>
      %get3A_283 = arith.index_cast %scan3A_274 : i32 to index
      %get3A_284 = arith.constant 16 : index
      %get3A_285 = tpu.vector_load %arg15[%get3A_283, %get3A_284] {strides = array<i32>} : memref<128x128xf32, #tpu.memory_space<vmem>>, vector<1x16xf32>,
      %get3A_286 = vector.shape_cast %get3A_285 : vector<1x16xf32> to vector<16xf32>
      %get3A_287 = arith.index_cast %scan3A_274 : i32 to index
      %get3A_288 = arith.constant 16 : index
      %get3A_289 = tpu.vector_load %arg13[%get3A_287, %get3A_288] {strides = array<i32>} : memref<128x128xf32, #tpu.memory_space<vmem>>, vector<1x16xf32>,
      %get3A_290 = vector.shape_cast %get3A_289 : vector<1x16xf32> to vector<16xf32>
      %mul3A_291 = arith.mulf %get3A_286, %get3A_290 : vector<16xf32>
      %add3A_292 = arith.addf %mul3A_282, %mul3A_291 : vector<16xf32>
      %get3A_293 = arith.index_cast %scan3A_274 : i32 to index
      %get3A_294 = arith.constant 32 : index
      %get3A_295 = tpu.vector_load %arg15[%get3A_293, %get3A_294] {strides = array<i32>} : memref<128x128xf32, #tpu.memory_space<vmem>>, vector<1x16xf32>,
      %get3A_296 = vector.shape_cast %get3A_295 : vector<1x16xf32> to vector<16xf32>
      %get3A_297 = arith.index_cast %scan3A_274 : i32 to index
      %get3A_298 = arith.constant 32 : index
      %get3A_299 = tpu.vector_load %arg13[%get3A_297, %get3A_298] {strides = array<i32>} : memref<128x128xf32, #tpu.memory_space<vmem>>, vector<1x16xf32>,
      %get3A_300 = vector.shape_cast %get3A_299 : vector<1x16xf32> to vector<16xf32>
      %mul3A_301 = arith.mulf %get3A_296, %get3A_300 : vector<16xf32>
      %add3A_302 = arith.addf %add3A_292, %mul3A_301 : vector<16xf32>
      %get3A_303 = arith.index_cast %scan3A_274 : i32 to index
      %get3A_304 = arith.constant 48 : index
      %get3A_305 = tpu.vector_load %arg15[%get3A_303, %get3A_304] {strides = array<i32>} : memref<128x128xf32, #tpu.memory_space<vmem>>, vector<1x16xf32>,
      %get3A_306 = vector.shape_cast %get3A_305 : vector<1x16xf32> to vector<16xf32>
      %get3A_307 = arith.index_cast %scan3A_274 : i32 to index
      %get3A_308 = arith.constant 48 : index
      %get3A_309 = tpu.vector_load %arg13[%get3A_307, %get3A_308] {strides = array<i32>} : memref<128x128xf32, #tpu.memory_space<vmem>>, vector<1x16xf32>,
      %get3A_310 = vector.shape_cast %get3A_309 : vector<1x16xf32> to vector<16xf32>
      %mul3A_311 = arith.mulf %get3A_306, %get3A_310 : vector<16xf32>
      %add3A_312 = arith.addf %add3A_302, %mul3A_311 : vector<16xf32>
      %get3A_313 = arith.index_cast %scan3A_274 : i32 to index
      %get3A_314 = arith.constant 64 : index
      %get3A_315 = tpu.vector_load %arg15[%get3A_313, %get3A_314] {strides = array<i32>} : memref<128x128xf32, #tpu.memory_space<vmem>>, vector<1x16xf32>,
      %get3A_316 = vector.shape_cast %get3A_315 : vector<1x16xf32> to vector<16xf32>
      %get3A_317 = arith.index_cast %scan3A_274 : i32 to index
      %get3A_318 = arith.constant 64 : index
      %get3A_319 = tpu.vector_load %arg13[%get3A_317, %get3A_318] {strides = array<i32>} : memref<128x128xf32, #tpu.memory_space<vmem>>, vector<1x16xf32>,
      %get3A_320 = vector.shape_cast %get3A_319 : vector<1x16xf32> to vector<16xf32>
      %mul3A_321 = arith.mulf %get3A_316, %get3A_320 : vector<16xf32>
      %add3A_322 = arith.addf %add3A_312, %mul3A_321 : vector<16xf32>
      %get3A_323 = arith.index_cast %scan3A_274 : i32 to index
      %get3A_324 = arith.constant 80 : index
      %get3A_325 = tpu.vector_load %arg15[%get3A_323, %get3A_324] {strides = array<i32>} : memref<128x128xf32, #tpu.memory_space<vmem>>, vector<1x16xf32>,
      %get3A_326 = vector.shape_cast %get3A_325 : vector<1x16xf32> to vector<16xf32>
      %get3A_327 = arith.index_cast %scan3A_274 : i32 to index
      %get3A_328 = arith.constant 80 : index
      %get3A_329 = tpu.vector_load %arg13[%get3A_327, %get3A_328] {strides = array<i32>} : memref<128x128xf32, #tpu.memory_space<vmem>>, vector<1x16xf32>,
      %get3A_330 = vector.shape_cast %get3A_329 : vector<1x16xf32> to vector<16xf32>
      %mul3A_331 = arith.mulf %get3A_326, %get3A_330 : vector<16xf32>
      %add3A_332 = arith.addf %add3A_322, %mul3A_331 : vector<16xf32>
      %get3A_333 = arith.index_cast %scan3A_274 : i32 to index
      %get3A_334 = arith.constant 96 : index
      %get3A_335 = tpu.vector_load %arg15[%get3A_333, %get3A_334] {strides = array<i32>} : memref<128x128xf32, #tpu.memory_space<vmem>>, vector<1x16xf32>,
      %get3A_336 = vector.shape_cast %get3A_335 : vector<1x16xf32> to vector<16xf32>
      %get3A_337 = arith.index_cast %scan3A_274 : i32 to index
      %get3A_338 = arith.constant 96 : index
      %get3A_339 = tpu.vector_load %arg13[%get3A_337, %get3A_338] {strides = array<i32>} : memref<128x128xf32, #tpu.memory_space<vmem>>, vector<1x16xf32>,
      %get3A_340 = vector.shape_cast %get3A_339 : vector<1x16xf32> to vector<16xf32>
      %mul3A_341 = arith.mulf %get3A_336, %get3A_340 : vector<16xf32>
      %add3A_342 = arith.addf %add3A_332, %mul3A_341 : vector<16xf32>
      %get3A_343 = arith.index_cast %scan3A_274 : i32 to index
      %get3A_344 = arith.constant 112 : index
      %get3A_345 = tpu.vector_load %arg15[%get3A_343, %get3A_344] {strides = array<i32>} : memref<128x128xf32, #tpu.memory_space<vmem>>, vector<1x16xf32>,
      %get3A_346 = vector.shape_cast %get3A_345 : vector<1x16xf32> to vector<16xf32>
      %get3A_347 = arith.index_cast %scan3A_274 : i32 to index
      %get3A_348 = arith.constant 112 : index
      %get3A_349 = tpu.vector_load %arg13[%get3A_347, %get3A_348] {strides = array<i32>} : memref<128x128xf32, #tpu.memory_space<vmem>>, vector<1x16xf32>,
      %get3A_350 = vector.shape_cast %get3A_349 : vector<1x16xf32> to vector<16xf32>
      %mul3A_351 = arith.mulf %get3A_346, %get3A_350 : vector<16xf32>
      %add3A_352 = arith.addf %add3A_342, %mul3A_351 : vector<16xf32>
      %xor3A = arith.constant 8 : i32
      %xor3A_353 = vector.broadcast %xor3A : i32 to vector<16xi32>
      %xor3A_354 = arith.xori %iota3A, %xor3A_353 : vector<16xi32>
      %broadcast_in_dim3A = vector.shape_cast %xor3A_354 : vector<16xi32> to vector<16x1xi32>
      %gather3A = vector.shape_cast %broadcast_in_dim3A : vector<16x1xi32> to vector<16xi32>
      %gather3A_355 = tpu.dynamic_gather %add3A_352[%gather3A] in [0] : vector<16xf32>, vector<16xi32> -> vector<16xf32>
      %add3A_356 = arith.addf %add3A_352, %gather3A_355 : vector<16xf32>
      %xor3A_357 = arith.constant 4 : i32
      %xor3A_358 = vector.broadcast %xor3A_357 : i32 to vector<16xi32>
      %xor3A_359 = arith.xori %iota3A, %xor3A_358 : vector<16xi32>
      %broadcast_in_dim3A_360 = vector.shape_cast %xor3A_359 : vector<16xi32> to vector<16x1xi32>
      %gather3A_361 = vector.shape_cast %broadcast_in_dim3A_360 : vector<16x1xi32> to vector<16xi32>
      %gather3A_362 = tpu.dynamic_gather %add3A_356[%gather3A_361] in [0] : vector<16xf32>, vector<16xi32> -> vector<16xf32>
      %add3A_363 = arith.addf %add3A_356, %gather3A_362 : vector<16xf32>
      %xor3A_364 = arith.constant 2 : i32
      %xor3A_365 = vector.broadcast %xor3A_364 : i32 to vector<16xi32>
      %xor3A_366 = arith.xori %iota3A, %xor3A_365 : vector<16xi32>
      %broadcast_in_dim3A_367 = vector.shape_cast %xor3A_366 : vector<16xi32> to vector<16x1xi32>
      %gather3A_368 = vector.shape_cast %broadcast_in_dim3A_367 : vector<16x1xi32> to vector<16xi32>
      %gather3A_369 = tpu.dynamic_gather %add3A_363[%gather3A_368] in [0] : vector<16xf32>, vector<16xi32> -> vector<16xf32>
      %add3A_370 = arith.addf %add3A_363, %gather3A_369 : vector<16xf32>
      %xor3A_371 = arith.constant 1 : i32
      %xor3A_372 = vector.broadcast %xor3A_371 : i32 to vector<16xi32>
      %xor3A_373 = arith.xori %iota3A, %xor3A_372 : vector<16xi32>
      %broadcast_in_dim3A_374 = vector.shape_cast %xor3A_373 : vector<16xi32> to vector<16x1xi32>
      %gather3A_375 = vector.shape_cast %broadcast_in_dim3A_374 : vector<16x1xi32> to vector<16xi32>
      %gather3A_376 = tpu.dynamic_gather %add3A_370[%gather3A_375] in [0] : vector<16xf32>, vector<16xi32> -> vector<16xf32>
      %add3A_377 = arith.addf %add3A_370, %gather3A_376 : vector<16xf32>
      %mul3A_378 = arith.constant 1.000000e+00 : f32
      %mul3A_379 = vector.broadcast %mul3A_378 : f32 to vector<16xf32>
      %mul3A_380 = arith.mulf %mul3A_379, %add3A_377 : vector<16xf32>
      %get3A_381 = arith.index_cast %scan3A_274 : i32 to index
      %get3A_382 = arith.constant 0 : index
      %get3A_383 = tpu.vector_load %arg17[%get3A_381, %get3A_382] {strides = array<i32>} : memref<128x16xf32, #tpu.memory_space<vmem>>, vector<1x16xf32>,
      %get3A_384 = vector.shape_cast %get3A_383 : vector<1x16xf32> to vector<16xf32>
      %eq3A = arith.constant 5 : i32
      %eq3A_385 = vector.broadcast %eq3A : i32 to vector<16xi32>
      %eq3A_386 = arith.cmpi eq, %iota3A, %eq3A_385 : vector<16xi32>
      %select_n3A = arith.select %eq3A_386, %mul3A_380, %get3A_384 : vector<16xi1>, vector<16xf32>
      %swap3A = arith.index_cast %scan3A_274 : i32 to index
      %swap3A_387 = arith.constant 0 : index
      %swap3A_388 = tpu.vector_load %arg17[%swap3A, %swap3A_387] {strides = array<i32>} : memref<128x16xf32, #tpu.memory_space<vmem>>, vector<1x16xf32>,
      %swap3A_389 = vector.shape_cast %swap3A_388 : vector<1x16xf32> to vector<16xf32>
      %swap3A_390 = vector.shape_cast %select_n3A : vector<16xf32> to vector<1x16xf32>
      tpu.vector_store %arg17[%swap3A, %swap3A_387], %swap3A_390 {strides = array<i32>} : memref<128x16xf32, #tpu.memory_space<vmem>>, vector<1x16xf32>,
    }
    %scan3A_118 = arith.constant 128 : i32
    %dma_wait3A_119 = arith.constant 640 : i32
    %dma_wait3A_120 = tpu.memref_slice %arg11[%dma_wait3A_119] : memref<1920xi32, #tpu.memory_space<vmem>> -> memref<128xi32, #tpu.memory_space<vmem>>
    %dma_wait3A_121 = arith.constant 0 : i32
    %dma_wait3A_122 = arith.constant 0 : i32
    %dma_wait3A_123 = tpu.memref_slice %arg2[%dma_wait3A_121, %dma_wait3A_122] : memref<100000x128xf32, #tpu.memory_space<hbm>> -> memref<100000x128xf32, #tpu.memory_space<hbm>>
    tpu.wait_indirect_dma semaphore(%arg22 : memref<!tpu.dma_semaphore, #tpu.memory_space<semaphore_mem>>) src(%dma_wait3A_123 : memref<100000x128xf32, #tpu.memory_space<hbm>>) dst(%arg16 : memref<128x128xf32, #tpu.memory_space<vmem>>)
    %dma_start3A_124 = arith.constant 768 : i32
    %dma_start3A_125 = tpu.memref_slice %arg11[%dma_start3A_124] : memref<1920xi32, #tpu.memory_space<vmem>> -> memref<128xi32, #tpu.memory_space<vmem>>
    %dma_start3A_126 = arith.constant 0 : i32
    %dma_start3A_127 = arith.constant 0 : i32
    %dma_start3A_128 = tpu.memref_slice %arg2[%dma_start3A_126, %dma_start3A_127] : memref<100000x128xf32, #tpu.memory_space<hbm>> -> memref<100000x128xf32, #tpu.memory_space<hbm>>
    tpu.enqueue_indirect_dma source(%dma_start3A_128 : memref<100000x128xf32, #tpu.memory_space<hbm>>) target(%arg15 : memref<128x128xf32, #tpu.memory_space<vmem>>) offsets(%dma_start3A_125 : memref<128xi32, #tpu.memory_space<vmem>>) semaphore(%arg21 : memref<!tpu.dma_semaphore, #tpu.memory_space<semaphore_mem>>)
    %scan3A_129 = arith.constant 0 : i32
    %scan3A_130 = arith.constant 0 : i32
    %scan3A_131 = arith.constant 128 : i32
    %scan3A_132 = arith.addi %scan3A_130, %scan3A_131 : i32
    %scan3A_133 = arith.constant 1 : i32
    scf.for %scan3A_274 = %scan3A_130 to %scan3A_132 step %scan3A_133  : i32 {
      %get3A = arith.index_cast %scan3A_274 : i32 to index
      %get3A_275 = arith.constant 0 : index
      %get3A_276 = tpu.vector_load %arg16[%get3A, %get3A_275] {strides = array<i32>} : memref<128x128xf32, #tpu.memory_space<vmem>>, vector<1x16xf32>,
      %get3A_277 = vector.shape_cast %get3A_276 : vector<1x16xf32> to vector<16xf32>
      %get3A_278 = arith.index_cast %scan3A_274 : i32 to index
      %get3A_279 = arith.constant 0 : index
      %get3A_280 = tpu.vector_load %arg13[%get3A_278, %get3A_279] {strides = array<i32>} : memref<128x128xf32, #tpu.memory_space<vmem>>, vector<1x16xf32>,
      %get3A_281 = vector.shape_cast %get3A_280 : vector<1x16xf32> to vector<16xf32>
      %mul3A_282 = arith.mulf %get3A_277, %get3A_281 : vector<16xf32>
      %get3A_283 = arith.index_cast %scan3A_274 : i32 to index
      %get3A_284 = arith.constant 16 : index
      %get3A_285 = tpu.vector_load %arg16[%get3A_283, %get3A_284] {strides = array<i32>} : memref<128x128xf32, #tpu.memory_space<vmem>>, vector<1x16xf32>,
      %get3A_286 = vector.shape_cast %get3A_285 : vector<1x16xf32> to vector<16xf32>
      %get3A_287 = arith.index_cast %scan3A_274 : i32 to index
      %get3A_288 = arith.constant 16 : index
      %get3A_289 = tpu.vector_load %arg13[%get3A_287, %get3A_288] {strides = array<i32>} : memref<128x128xf32, #tpu.memory_space<vmem>>, vector<1x16xf32>,
      %get3A_290 = vector.shape_cast %get3A_289 : vector<1x16xf32> to vector<16xf32>
      %mul3A_291 = arith.mulf %get3A_286, %get3A_290 : vector<16xf32>
      %add3A_292 = arith.addf %mul3A_282, %mul3A_291 : vector<16xf32>
      %get3A_293 = arith.index_cast %scan3A_274 : i32 to index
      %get3A_294 = arith.constant 32 : index
      %get3A_295 = tpu.vector_load %arg16[%get3A_293, %get3A_294] {strides = array<i32>} : memref<128x128xf32, #tpu.memory_space<vmem>>, vector<1x16xf32>,
      %get3A_296 = vector.shape_cast %get3A_295 : vector<1x16xf32> to vector<16xf32>
      %get3A_297 = arith.index_cast %scan3A_274 : i32 to index
      %get3A_298 = arith.constant 32 : index
      %get3A_299 = tpu.vector_load %arg13[%get3A_297, %get3A_298] {strides = array<i32>} : memref<128x128xf32, #tpu.memory_space<vmem>>, vector<1x16xf32>,
      %get3A_300 = vector.shape_cast %get3A_299 : vector<1x16xf32> to vector<16xf32>
      %mul3A_301 = arith.mulf %get3A_296, %get3A_300 : vector<16xf32>
      %add3A_302 = arith.addf %add3A_292, %mul3A_301 : vector<16xf32>
      %get3A_303 = arith.index_cast %scan3A_274 : i32 to index
      %get3A_304 = arith.constant 48 : index
      %get3A_305 = tpu.vector_load %arg16[%get3A_303, %get3A_304] {strides = array<i32>} : memref<128x128xf32, #tpu.memory_space<vmem>>, vector<1x16xf32>,
      %get3A_306 = vector.shape_cast %get3A_305 : vector<1x16xf32> to vector<16xf32>
      %get3A_307 = arith.index_cast %scan3A_274 : i32 to index
      %get3A_308 = arith.constant 48 : index
      %get3A_309 = tpu.vector_load %arg13[%get3A_307, %get3A_308] {strides = array<i32>} : memref<128x128xf32, #tpu.memory_space<vmem>>, vector<1x16xf32>,
      %get3A_310 = vector.shape_cast %get3A_309 : vector<1x16xf32> to vector<16xf32>
      %mul3A_311 = arith.mulf %get3A_306, %get3A_310 : vector<16xf32>
      %add3A_312 = arith.addf %add3A_302, %mul3A_311 : vector<16xf32>
      %get3A_313 = arith.index_cast %scan3A_274 : i32 to index
      %get3A_314 = arith.constant 64 : index
      %get3A_315 = tpu.vector_load %arg16[%get3A_313, %get3A_314] {strides = array<i32>} : memref<128x128xf32, #tpu.memory_space<vmem>>, vector<1x16xf32>,
      %get3A_316 = vector.shape_cast %get3A_315 : vector<1x16xf32> to vector<16xf32>
      %get3A_317 = arith.index_cast %scan3A_274 : i32 to index
      %get3A_318 = arith.constant 64 : index
      %get3A_319 = tpu.vector_load %arg13[%get3A_317, %get3A_318] {strides = array<i32>} : memref<128x128xf32, #tpu.memory_space<vmem>>, vector<1x16xf32>,
      %get3A_320 = vector.shape_cast %get3A_319 : vector<1x16xf32> to vector<16xf32>
      %mul3A_321 = arith.mulf %get3A_316, %get3A_320 : vector<16xf32>
      %add3A_322 = arith.addf %add3A_312, %mul3A_321 : vector<16xf32>
      %get3A_323 = arith.index_cast %scan3A_274 : i32 to index
      %get3A_324 = arith.constant 80 : index
      %get3A_325 = tpu.vector_load %arg16[%get3A_323, %get3A_324] {strides = array<i32>} : memref<128x128xf32, #tpu.memory_space<vmem>>, vector<1x16xf32>,
      %get3A_326 = vector.shape_cast %get3A_325 : vector<1x16xf32> to vector<16xf32>
      %get3A_327 = arith.index_cast %scan3A_274 : i32 to index
      %get3A_328 = arith.constant 80 : index
      %get3A_329 = tpu.vector_load %arg13[%get3A_327, %get3A_328] {strides = array<i32>} : memref<128x128xf32, #tpu.memory_space<vmem>>, vector<1x16xf32>,
      %get3A_330 = vector.shape_cast %get3A_329 : vector<1x16xf32> to vector<16xf32>
      %mul3A_331 = arith.mulf %get3A_326, %get3A_330 : vector<16xf32>
      %add3A_332 = arith.addf %add3A_322, %mul3A_331 : vector<16xf32>
      %get3A_333 = arith.index_cast %scan3A_274 : i32 to index
      %get3A_334 = arith.constant 96 : index
      %get3A_335 = tpu.vector_load %arg16[%get3A_333, %get3A_334] {strides = array<i32>} : memref<128x128xf32, #tpu.memory_space<vmem>>, vector<1x16xf32>,
      %get3A_336 = vector.shape_cast %get3A_335 : vector<1x16xf32> to vector<16xf32>
      %get3A_337 = arith.index_cast %scan3A_274 : i32 to index
      %get3A_338 = arith.constant 96 : index
      %get3A_339 = tpu.vector_load %arg13[%get3A_337, %get3A_338] {strides = array<i32>} : memref<128x128xf32, #tpu.memory_space<vmem>>, vector<1x16xf32>,
      %get3A_340 = vector.shape_cast %get3A_339 : vector<1x16xf32> to vector<16xf32>
      %mul3A_341 = arith.mulf %get3A_336, %get3A_340 : vector<16xf32>
      %add3A_342 = arith.addf %add3A_332, %mul3A_341 : vector<16xf32>
      %get3A_343 = arith.index_cast %scan3A_274 : i32 to index
      %get3A_344 = arith.constant 112 : index
      %get3A_345 = tpu.vector_load %arg16[%get3A_343, %get3A_344] {strides = array<i32>} : memref<128x128xf32, #tpu.memory_space<vmem>>, vector<1x16xf32>,
      %get3A_346 = vector.shape_cast %get3A_345 : vector<1x16xf32> to vector<16xf32>
      %get3A_347 = arith.index_cast %scan3A_274 : i32 to index
      %get3A_348 = arith.constant 112 : index
      %get3A_349 = tpu.vector_load %arg13[%get3A_347, %get3A_348] {strides = array<i32>} : memref<128x128xf32, #tpu.memory_space<vmem>>, vector<1x16xf32>,
      %get3A_350 = vector.shape_cast %get3A_349 : vector<1x16xf32> to vector<16xf32>
      %mul3A_351 = arith.mulf %get3A_346, %get3A_350 : vector<16xf32>
      %add3A_352 = arith.addf %add3A_342, %mul3A_351 : vector<16xf32>
      %xor3A = arith.constant 8 : i32
      %xor3A_353 = vector.broadcast %xor3A : i32 to vector<16xi32>
      %xor3A_354 = arith.xori %iota3A, %xor3A_353 : vector<16xi32>
      %broadcast_in_dim3A = vector.shape_cast %xor3A_354 : vector<16xi32> to vector<16x1xi32>
      %gather3A = vector.shape_cast %broadcast_in_dim3A : vector<16x1xi32> to vector<16xi32>
      %gather3A_355 = tpu.dynamic_gather %add3A_352[%gather3A] in [0] : vector<16xf32>, vector<16xi32> -> vector<16xf32>
      %add3A_356 = arith.addf %add3A_352, %gather3A_355 : vector<16xf32>
      %xor3A_357 = arith.constant 4 : i32
      %xor3A_358 = vector.broadcast %xor3A_357 : i32 to vector<16xi32>
      %xor3A_359 = arith.xori %iota3A, %xor3A_358 : vector<16xi32>
      %broadcast_in_dim3A_360 = vector.shape_cast %xor3A_359 : vector<16xi32> to vector<16x1xi32>
      %gather3A_361 = vector.shape_cast %broadcast_in_dim3A_360 : vector<16x1xi32> to vector<16xi32>
      %gather3A_362 = tpu.dynamic_gather %add3A_356[%gather3A_361] in [0] : vector<16xf32>, vector<16xi32> -> vector<16xf32>
      %add3A_363 = arith.addf %add3A_356, %gather3A_362 : vector<16xf32>
      %xor3A_364 = arith.constant 2 : i32
      %xor3A_365 = vector.broadcast %xor3A_364 : i32 to vector<16xi32>
      %xor3A_366 = arith.xori %iota3A, %xor3A_365 : vector<16xi32>
      %broadcast_in_dim3A_367 = vector.shape_cast %xor3A_366 : vector<16xi32> to vector<16x1xi32>
      %gather3A_368 = vector.shape_cast %broadcast_in_dim3A_367 : vector<16x1xi32> to vector<16xi32>
      %gather3A_369 = tpu.dynamic_gather %add3A_363[%gather3A_368] in [0] : vector<16xf32>, vector<16xi32> -> vector<16xf32>
      %add3A_370 = arith.addf %add3A_363, %gather3A_369 : vector<16xf32>
      %xor3A_371 = arith.constant 1 : i32
      %xor3A_372 = vector.broadcast %xor3A_371 : i32 to vector<16xi32>
      %xor3A_373 = arith.xori %iota3A, %xor3A_372 : vector<16xi32>
      %broadcast_in_dim3A_374 = vector.shape_cast %xor3A_373 : vector<16xi32> to vector<16x1xi32>
      %gather3A_375 = vector.shape_cast %broadcast_in_dim3A_374 : vector<16x1xi32> to vector<16xi32>
      %gather3A_376 = tpu.dynamic_gather %add3A_370[%gather3A_375] in [0] : vector<16xf32>, vector<16xi32> -> vector<16xf32>
      %add3A_377 = arith.addf %add3A_370, %gather3A_376 : vector<16xf32>
      %mul3A_378 = arith.constant 1.000000e+00 : f32
      %mul3A_379 = vector.broadcast %mul3A_378 : f32 to vector<16xf32>
      %mul3A_380 = arith.mulf %mul3A_379, %add3A_377 : vector<16xf32>
      %get3A_381 = arith.index_cast %scan3A_274 : i32 to index
      %get3A_382 = arith.constant 0 : index
      %get3A_383 = tpu.vector_load %arg17[%get3A_381, %get3A_382] {strides = array<i32>} : memref<128x16xf32, #tpu.memory_space<vmem>>, vector<1x16xf32>,
      %get3A_384 = vector.shape_cast %get3A_383 : vector<1x16xf32> to vector<16xf32>
      %eq3A = arith.constant 6 : i32
      %eq3A_385 = vector.broadcast %eq3A : i32 to vector<16xi32>
      %eq3A_386 = arith.cmpi eq, %iota3A, %eq3A_385 : vector<16xi32>
      %select_n3A = arith.select %eq3A_386, %mul3A_380, %get3A_384 : vector<16xi1>, vector<16xf32>
      %swap3A = arith.index_cast %scan3A_274 : i32 to index
      %swap3A_387 = arith.constant 0 : index
      %swap3A_388 = tpu.vector_load %arg17[%swap3A, %swap3A_387] {strides = array<i32>} : memref<128x16xf32, #tpu.memory_space<vmem>>, vector<1x16xf32>,
      %swap3A_389 = vector.shape_cast %swap3A_388 : vector<1x16xf32> to vector<16xf32>
      %swap3A_390 = vector.shape_cast %select_n3A : vector<16xf32> to vector<1x16xf32>
      tpu.vector_store %arg17[%swap3A, %swap3A_387], %swap3A_390 {strides = array<i32>} : memref<128x16xf32, #tpu.memory_space<vmem>>, vector<1x16xf32>,
    }
    %scan3A_134 = arith.constant 128 : i32
    %dma_wait3A_135 = arith.constant 768 : i32
    %dma_wait3A_136 = tpu.memref_slice %arg11[%dma_wait3A_135] : memref<1920xi32, #tpu.memory_space<vmem>> -> memref<128xi32, #tpu.memory_space<vmem>>
    %dma_wait3A_137 = arith.constant 0 : i32
    %dma_wait3A_138 = arith.constant 0 : i32
    %dma_wait3A_139 = tpu.memref_slice %arg2[%dma_wait3A_137, %dma_wait3A_138] : memref<100000x128xf32, #tpu.memory_space<hbm>> -> memref<100000x128xf32, #tpu.memory_space<hbm>>
    tpu.wait_indirect_dma semaphore(%arg21 : memref<!tpu.dma_semaphore, #tpu.memory_space<semaphore_mem>>) src(%dma_wait3A_139 : memref<100000x128xf32, #tpu.memory_space<hbm>>) dst(%arg15 : memref<128x128xf32, #tpu.memory_space<vmem>>)
    %dma_start3A_140 = arith.constant 896 : i32
    %dma_start3A_141 = tpu.memref_slice %arg11[%dma_start3A_140] : memref<1920xi32, #tpu.memory_space<vmem>> -> memref<128xi32, #tpu.memory_space<vmem>>
    %dma_start3A_142 = arith.constant 0 : i32
    %dma_start3A_143 = arith.constant 0 : i32
    %dma_start3A_144 = tpu.memref_slice %arg2[%dma_start3A_142, %dma_start3A_143] : memref<100000x128xf32, #tpu.memory_space<hbm>> -> memref<100000x128xf32, #tpu.memory_space<hbm>>
    tpu.enqueue_indirect_dma source(%dma_start3A_144 : memref<100000x128xf32, #tpu.memory_space<hbm>>) target(%arg16 : memref<128x128xf32, #tpu.memory_space<vmem>>) offsets(%dma_start3A_141 : memref<128xi32, #tpu.memory_space<vmem>>) semaphore(%arg22 : memref<!tpu.dma_semaphore, #tpu.memory_space<semaphore_mem>>)
    %scan3A_145 = arith.constant 0 : i32
    %scan3A_146 = arith.constant 0 : i32
    %scan3A_147 = arith.constant 128 : i32
    %scan3A_148 = arith.addi %scan3A_146, %scan3A_147 : i32
    %scan3A_149 = arith.constant 1 : i32
    scf.for %scan3A_274 = %scan3A_146 to %scan3A_148 step %scan3A_149  : i32 {
      %get3A = arith.index_cast %scan3A_274 : i32 to index
      %get3A_275 = arith.constant 0 : index
      %get3A_276 = tpu.vector_load %arg15[%get3A, %get3A_275] {strides = array<i32>} : memref<128x128xf32, #tpu.memory_space<vmem>>, vector<1x16xf32>,
      %get3A_277 = vector.shape_cast %get3A_276 : vector<1x16xf32> to vector<16xf32>
      %get3A_278 = arith.index_cast %scan3A_274 : i32 to index
      %get3A_279 = arith.constant 0 : index
      %get3A_280 = tpu.vector_load %arg13[%get3A_278, %get3A_279] {strides = array<i32>} : memref<128x128xf32, #tpu.memory_space<vmem>>, vector<1x16xf32>,
      %get3A_281 = vector.shape_cast %get3A_280 : vector<1x16xf32> to vector<16xf32>
      %mul3A_282 = arith.mulf %get3A_277, %get3A_281 : vector<16xf32>
      %get3A_283 = arith.index_cast %scan3A_274 : i32 to index
      %get3A_284 = arith.constant 16 : index
      %get3A_285 = tpu.vector_load %arg15[%get3A_283, %get3A_284] {strides = array<i32>} : memref<128x128xf32, #tpu.memory_space<vmem>>, vector<1x16xf32>,
      %get3A_286 = vector.shape_cast %get3A_285 : vector<1x16xf32> to vector<16xf32>
      %get3A_287 = arith.index_cast %scan3A_274 : i32 to index
      %get3A_288 = arith.constant 16 : index
      %get3A_289 = tpu.vector_load %arg13[%get3A_287, %get3A_288] {strides = array<i32>} : memref<128x128xf32, #tpu.memory_space<vmem>>, vector<1x16xf32>,
      %get3A_290 = vector.shape_cast %get3A_289 : vector<1x16xf32> to vector<16xf32>
      %mul3A_291 = arith.mulf %get3A_286, %get3A_290 : vector<16xf32>
      %add3A_292 = arith.addf %mul3A_282, %mul3A_291 : vector<16xf32>
      %get3A_293 = arith.index_cast %scan3A_274 : i32 to index
      %get3A_294 = arith.constant 32 : index
      %get3A_295 = tpu.vector_load %arg15[%get3A_293, %get3A_294] {strides = array<i32>} : memref<128x128xf32, #tpu.memory_space<vmem>>, vector<1x16xf32>,
      %get3A_296 = vector.shape_cast %get3A_295 : vector<1x16xf32> to vector<16xf32>
      %get3A_297 = arith.index_cast %scan3A_274 : i32 to index
      %get3A_298 = arith.constant 32 : index
      %get3A_299 = tpu.vector_load %arg13[%get3A_297, %get3A_298] {strides = array<i32>} : memref<128x128xf32, #tpu.memory_space<vmem>>, vector<1x16xf32>,
      %get3A_300 = vector.shape_cast %get3A_299 : vector<1x16xf32> to vector<16xf32>
      %mul3A_301 = arith.mulf %get3A_296, %get3A_300 : vector<16xf32>
      %add3A_302 = arith.addf %add3A_292, %mul3A_301 : vector<16xf32>
      %get3A_303 = arith.index_cast %scan3A_274 : i32 to index
      %get3A_304 = arith.constant 48 : index
      %get3A_305 = tpu.vector_load %arg15[%get3A_303, %get3A_304] {strides = array<i32>} : memref<128x128xf32, #tpu.memory_space<vmem>>, vector<1x16xf32>,
      %get3A_306 = vector.shape_cast %get3A_305 : vector<1x16xf32> to vector<16xf32>
      %get3A_307 = arith.index_cast %scan3A_274 : i32 to index
      %get3A_308 = arith.constant 48 : index
      %get3A_309 = tpu.vector_load %arg13[%get3A_307, %get3A_308] {strides = array<i32>} : memref<128x128xf32, #tpu.memory_space<vmem>>, vector<1x16xf32>,
      %get3A_310 = vector.shape_cast %get3A_309 : vector<1x16xf32> to vector<16xf32>
      %mul3A_311 = arith.mulf %get3A_306, %get3A_310 : vector<16xf32>
      %add3A_312 = arith.addf %add3A_302, %mul3A_311 : vector<16xf32>
      %get3A_313 = arith.index_cast %scan3A_274 : i32 to index
      %get3A_314 = arith.constant 64 : index
      %get3A_315 = tpu.vector_load %arg15[%get3A_313, %get3A_314] {strides = array<i32>} : memref<128x128xf32, #tpu.memory_space<vmem>>, vector<1x16xf32>,
      %get3A_316 = vector.shape_cast %get3A_315 : vector<1x16xf32> to vector<16xf32>
      %get3A_317 = arith.index_cast %scan3A_274 : i32 to index
      %get3A_318 = arith.constant 64 : index
      %get3A_319 = tpu.vector_load %arg13[%get3A_317, %get3A_318] {strides = array<i32>} : memref<128x128xf32, #tpu.memory_space<vmem>>, vector<1x16xf32>,
      %get3A_320 = vector.shape_cast %get3A_319 : vector<1x16xf32> to vector<16xf32>
      %mul3A_321 = arith.mulf %get3A_316, %get3A_320 : vector<16xf32>
      %add3A_322 = arith.addf %add3A_312, %mul3A_321 : vector<16xf32>
      %get3A_323 = arith.index_cast %scan3A_274 : i32 to index
      %get3A_324 = arith.constant 80 : index
      %get3A_325 = tpu.vector_load %arg15[%get3A_323, %get3A_324] {strides = array<i32>} : memref<128x128xf32, #tpu.memory_space<vmem>>, vector<1x16xf32>,
      %get3A_326 = vector.shape_cast %get3A_325 : vector<1x16xf32> to vector<16xf32>
      %get3A_327 = arith.index_cast %scan3A_274 : i32 to index
      %get3A_328 = arith.constant 80 : index
      %get3A_329 = tpu.vector_load %arg13[%get3A_327, %get3A_328] {strides = array<i32>} : memref<128x128xf32, #tpu.memory_space<vmem>>, vector<1x16xf32>,
      %get3A_330 = vector.shape_cast %get3A_329 : vector<1x16xf32> to vector<16xf32>
      %mul3A_331 = arith.mulf %get3A_326, %get3A_330 : vector<16xf32>
      %add3A_332 = arith.addf %add3A_322, %mul3A_331 : vector<16xf32>
      %get3A_333 = arith.index_cast %scan3A_274 : i32 to index
      %get3A_334 = arith.constant 96 : index
      %get3A_335 = tpu.vector_load %arg15[%get3A_333, %get3A_334] {strides = array<i32>} : memref<128x128xf32, #tpu.memory_space<vmem>>, vector<1x16xf32>,
      %get3A_336 = vector.shape_cast %get3A_335 : vector<1x16xf32> to vector<16xf32>
      %get3A_337 = arith.index_cast %scan3A_274 : i32 to index
      %get3A_338 = arith.constant 96 : index
      %get3A_339 = tpu.vector_load %arg13[%get3A_337, %get3A_338] {strides = array<i32>} : memref<128x128xf32, #tpu.memory_space<vmem>>, vector<1x16xf32>,
      %get3A_340 = vector.shape_cast %get3A_339 : vector<1x16xf32> to vector<16xf32>
      %mul3A_341 = arith.mulf %get3A_336, %get3A_340 : vector<16xf32>
      %add3A_342 = arith.addf %add3A_332, %mul3A_341 : vector<16xf32>
      %get3A_343 = arith.index_cast %scan3A_274 : i32 to index
      %get3A_344 = arith.constant 112 : index
      %get3A_345 = tpu.vector_load %arg15[%get3A_343, %get3A_344] {strides = array<i32>} : memref<128x128xf32, #tpu.memory_space<vmem>>, vector<1x16xf32>,
      %get3A_346 = vector.shape_cast %get3A_345 : vector<1x16xf32> to vector<16xf32>
      %get3A_347 = arith.index_cast %scan3A_274 : i32 to index
      %get3A_348 = arith.constant 112 : index
      %get3A_349 = tpu.vector_load %arg13[%get3A_347, %get3A_348] {strides = array<i32>} : memref<128x128xf32, #tpu.memory_space<vmem>>, vector<1x16xf32>,
      %get3A_350 = vector.shape_cast %get3A_349 : vector<1x16xf32> to vector<16xf32>
      %mul3A_351 = arith.mulf %get3A_346, %get3A_350 : vector<16xf32>
      %add3A_352 = arith.addf %add3A_342, %mul3A_351 : vector<16xf32>
      %xor3A = arith.constant 8 : i32
      %xor3A_353 = vector.broadcast %xor3A : i32 to vector<16xi32>
      %xor3A_354 = arith.xori %iota3A, %xor3A_353 : vector<16xi32>
      %broadcast_in_dim3A = vector.shape_cast %xor3A_354 : vector<16xi32> to vector<16x1xi32>
      %gather3A = vector.shape_cast %broadcast_in_dim3A : vector<16x1xi32> to vector<16xi32>
      %gather3A_355 = tpu.dynamic_gather %add3A_352[%gather3A] in [0] : vector<16xf32>, vector<16xi32> -> vector<16xf32>
      %add3A_356 = arith.addf %add3A_352, %gather3A_355 : vector<16xf32>
      %xor3A_357 = arith.constant 4 : i32
      %xor3A_358 = vector.broadcast %xor3A_357 : i32 to vector<16xi32>
      %xor3A_359 = arith.xori %iota3A, %xor3A_358 : vector<16xi32>
      %broadcast_in_dim3A_360 = vector.shape_cast %xor3A_359 : vector<16xi32> to vector<16x1xi32>
      %gather3A_361 = vector.shape_cast %broadcast_in_dim3A_360 : vector<16x1xi32> to vector<16xi32>
      %gather3A_362 = tpu.dynamic_gather %add3A_356[%gather3A_361] in [0] : vector<16xf32>, vector<16xi32> -> vector<16xf32>
      %add3A_363 = arith.addf %add3A_356, %gather3A_362 : vector<16xf32>
      %xor3A_364 = arith.constant 2 : i32
      %xor3A_365 = vector.broadcast %xor3A_364 : i32 to vector<16xi32>
      %xor3A_366 = arith.xori %iota3A, %xor3A_365 : vector<16xi32>
      %broadcast_in_dim3A_367 = vector.shape_cast %xor3A_366 : vector<16xi32> to vector<16x1xi32>
      %gather3A_368 = vector.shape_cast %broadcast_in_dim3A_367 : vector<16x1xi32> to vector<16xi32>
      %gather3A_369 = tpu.dynamic_gather %add3A_363[%gather3A_368] in [0] : vector<16xf32>, vector<16xi32> -> vector<16xf32>
      %add3A_370 = arith.addf %add3A_363, %gather3A_369 : vector<16xf32>
      %xor3A_371 = arith.constant 1 : i32
      %xor3A_372 = vector.broadcast %xor3A_371 : i32 to vector<16xi32>
      %xor3A_373 = arith.xori %iota3A, %xor3A_372 : vector<16xi32>
      %broadcast_in_dim3A_374 = vector.shape_cast %xor3A_373 : vector<16xi32> to vector<16x1xi32>
      %gather3A_375 = vector.shape_cast %broadcast_in_dim3A_374 : vector<16x1xi32> to vector<16xi32>
      %gather3A_376 = tpu.dynamic_gather %add3A_370[%gather3A_375] in [0] : vector<16xf32>, vector<16xi32> -> vector<16xf32>
      %add3A_377 = arith.addf %add3A_370, %gather3A_376 : vector<16xf32>
      %mul3A_378 = arith.constant 1.000000e+00 : f32
      %mul3A_379 = vector.broadcast %mul3A_378 : f32 to vector<16xf32>
      %mul3A_380 = arith.mulf %mul3A_379, %add3A_377 : vector<16xf32>
      %get3A_381 = arith.index_cast %scan3A_274 : i32 to index
      %get3A_382 = arith.constant 0 : index
      %get3A_383 = tpu.vector_load %arg17[%get3A_381, %get3A_382] {strides = array<i32>} : memref<128x16xf32, #tpu.memory_space<vmem>>, vector<1x16xf32>,
      %get3A_384 = vector.shape_cast %get3A_383 : vector<1x16xf32> to vector<16xf32>
      %eq3A = arith.constant 7 : i32
      %eq3A_385 = vector.broadcast %eq3A : i32 to vector<16xi32>
      %eq3A_386 = arith.cmpi eq, %iota3A, %eq3A_385 : vector<16xi32>
      %select_n3A = arith.select %eq3A_386, %mul3A_380, %get3A_384 : vector<16xi1>, vector<16xf32>
      %swap3A = arith.index_cast %scan3A_274 : i32 to index
      %swap3A_387 = arith.constant 0 : index
      %swap3A_388 = tpu.vector_load %arg17[%swap3A, %swap3A_387] {strides = array<i32>} : memref<128x16xf32, #tpu.memory_space<vmem>>, vector<1x16xf32>,
      %swap3A_389 = vector.shape_cast %swap3A_388 : vector<1x16xf32> to vector<16xf32>
      %swap3A_390 = vector.shape_cast %select_n3A : vector<16xf32> to vector<1x16xf32>
      tpu.vector_store %arg17[%swap3A, %swap3A_387], %swap3A_390 {strides = array<i32>} : memref<128x16xf32, #tpu.memory_space<vmem>>, vector<1x16xf32>,
    }
    %scan3A_150 = arith.constant 128 : i32
    %dma_wait3A_151 = arith.constant 896 : i32
    %dma_wait3A_152 = tpu.memref_slice %arg11[%dma_wait3A_151] : memref<1920xi32, #tpu.memory_space<vmem>> -> memref<128xi32, #tpu.memory_space<vmem>>
    %dma_wait3A_153 = arith.constant 0 : i32
    %dma_wait3A_154 = arith.constant 0 : i32
    %dma_wait3A_155 = tpu.memref_slice %arg2[%dma_wait3A_153, %dma_wait3A_154] : memref<100000x128xf32, #tpu.memory_space<hbm>> -> memref<100000x128xf32, #tpu.memory_space<hbm>>
    tpu.wait_indirect_dma semaphore(%arg22 : memref<!tpu.dma_semaphore, #tpu.memory_space<semaphore_mem>>) src(%dma_wait3A_155 : memref<100000x128xf32, #tpu.memory_space<hbm>>) dst(%arg16 : memref<128x128xf32, #tpu.memory_space<vmem>>)
    %dma_start3A_156 = arith.constant 1024 : i32
    %dma_start3A_157 = tpu.memref_slice %arg11[%dma_start3A_156] : memref<1920xi32, #tpu.memory_space<vmem>> -> memref<128xi32, #tpu.memory_space<vmem>>
    %dma_start3A_158 = arith.constant 0 : i32
    %dma_start3A_159 = arith.constant 0 : i32
    %dma_start3A_160 = tpu.memref_slice %arg2[%dma_start3A_158, %dma_start3A_159] : memref<100000x128xf32, #tpu.memory_space<hbm>> -> memref<100000x128xf32, #tpu.memory_space<hbm>>
    tpu.enqueue_indirect_dma source(%dma_start3A_160 : memref<100000x128xf32, #tpu.memory_space<hbm>>) target(%arg15 : memref<128x128xf32, #tpu.memory_space<vmem>>) offsets(%dma_start3A_157 : memref<128xi32, #tpu.memory_space<vmem>>) semaphore(%arg21 : memref<!tpu.dma_semaphore, #tpu.memory_space<semaphore_mem>>)
    %scan3A_161 = arith.constant 0 : i32
    %scan3A_162 = arith.constant 0 : i32
    %scan3A_163 = arith.constant 128 : i32
    %scan3A_164 = arith.addi %scan3A_162, %scan3A_163 : i32
    %scan3A_165 = arith.constant 1 : i32
    scf.for %scan3A_274 = %scan3A_162 to %scan3A_164 step %scan3A_165  : i32 {
      %get3A = arith.index_cast %scan3A_274 : i32 to index
      %get3A_275 = arith.constant 0 : index
      %get3A_276 = tpu.vector_load %arg16[%get3A, %get3A_275] {strides = array<i32>} : memref<128x128xf32, #tpu.memory_space<vmem>>, vector<1x16xf32>,
      %get3A_277 = vector.shape_cast %get3A_276 : vector<1x16xf32> to vector<16xf32>
      %get3A_278 = arith.index_cast %scan3A_274 : i32 to index
      %get3A_279 = arith.constant 0 : index
      %get3A_280 = tpu.vector_load %arg13[%get3A_278, %get3A_279] {strides = array<i32>} : memref<128x128xf32, #tpu.memory_space<vmem>>, vector<1x16xf32>,
      %get3A_281 = vector.shape_cast %get3A_280 : vector<1x16xf32> to vector<16xf32>
      %mul3A_282 = arith.mulf %get3A_277, %get3A_281 : vector<16xf32>
      %get3A_283 = arith.index_cast %scan3A_274 : i32 to index
      %get3A_284 = arith.constant 16 : index
      %get3A_285 = tpu.vector_load %arg16[%get3A_283, %get3A_284] {strides = array<i32>} : memref<128x128xf32, #tpu.memory_space<vmem>>, vector<1x16xf32>,
      %get3A_286 = vector.shape_cast %get3A_285 : vector<1x16xf32> to vector<16xf32>
      %get3A_287 = arith.index_cast %scan3A_274 : i32 to index
      %get3A_288 = arith.constant 16 : index
      %get3A_289 = tpu.vector_load %arg13[%get3A_287, %get3A_288] {strides = array<i32>} : memref<128x128xf32, #tpu.memory_space<vmem>>, vector<1x16xf32>,
      %get3A_290 = vector.shape_cast %get3A_289 : vector<1x16xf32> to vector<16xf32>
      %mul3A_291 = arith.mulf %get3A_286, %get3A_290 : vector<16xf32>
      %add3A_292 = arith.addf %mul3A_282, %mul3A_291 : vector<16xf32>
      %get3A_293 = arith.index_cast %scan3A_274 : i32 to index
      %get3A_294 = arith.constant 32 : index
      %get3A_295 = tpu.vector_load %arg16[%get3A_293, %get3A_294] {strides = array<i32>} : memref<128x128xf32, #tpu.memory_space<vmem>>, vector<1x16xf32>,
      %get3A_296 = vector.shape_cast %get3A_295 : vector<1x16xf32> to vector<16xf32>
      %get3A_297 = arith.index_cast %scan3A_274 : i32 to index
      %get3A_298 = arith.constant 32 : index
      %get3A_299 = tpu.vector_load %arg13[%get3A_297, %get3A_298] {strides = array<i32>} : memref<128x128xf32, #tpu.memory_space<vmem>>, vector<1x16xf32>,
      %get3A_300 = vector.shape_cast %get3A_299 : vector<1x16xf32> to vector<16xf32>
      %mul3A_301 = arith.mulf %get3A_296, %get3A_300 : vector<16xf32>
      %add3A_302 = arith.addf %add3A_292, %mul3A_301 : vector<16xf32>
      %get3A_303 = arith.index_cast %scan3A_274 : i32 to index
      %get3A_304 = arith.constant 48 : index
      %get3A_305 = tpu.vector_load %arg16[%get3A_303, %get3A_304] {strides = array<i32>} : memref<128x128xf32, #tpu.memory_space<vmem>>, vector<1x16xf32>,
      %get3A_306 = vector.shape_cast %get3A_305 : vector<1x16xf32> to vector<16xf32>
      %get3A_307 = arith.index_cast %scan3A_274 : i32 to index
      %get3A_308 = arith.constant 48 : index
      %get3A_309 = tpu.vector_load %arg13[%get3A_307, %get3A_308] {strides = array<i32>} : memref<128x128xf32, #tpu.memory_space<vmem>>, vector<1x16xf32>,
      %get3A_310 = vector.shape_cast %get3A_309 : vector<1x16xf32> to vector<16xf32>
      %mul3A_311 = arith.mulf %get3A_306, %get3A_310 : vector<16xf32>
      %add3A_312 = arith.addf %add3A_302, %mul3A_311 : vector<16xf32>
      %get3A_313 = arith.index_cast %scan3A_274 : i32 to index
      %get3A_314 = arith.constant 64 : index
      %get3A_315 = tpu.vector_load %arg16[%get3A_313, %get3A_314] {strides = array<i32>} : memref<128x128xf32, #tpu.memory_space<vmem>>, vector<1x16xf32>,
      %get3A_316 = vector.shape_cast %get3A_315 : vector<1x16xf32> to vector<16xf32>
      %get3A_317 = arith.index_cast %scan3A_274 : i32 to index
      %get3A_318 = arith.constant 64 : index
      %get3A_319 = tpu.vector_load %arg13[%get3A_317, %get3A_318] {strides = array<i32>} : memref<128x128xf32, #tpu.memory_space<vmem>>, vector<1x16xf32>,
      %get3A_320 = vector.shape_cast %get3A_319 : vector<1x16xf32> to vector<16xf32>
      %mul3A_321 = arith.mulf %get3A_316, %get3A_320 : vector<16xf32>
      %add3A_322 = arith.addf %add3A_312, %mul3A_321 : vector<16xf32>
      %get3A_323 = arith.index_cast %scan3A_274 : i32 to index
      %get3A_324 = arith.constant 80 : index
      %get3A_325 = tpu.vector_load %arg16[%get3A_323, %get3A_324] {strides = array<i32>} : memref<128x128xf32, #tpu.memory_space<vmem>>, vector<1x16xf32>,
      %get3A_326 = vector.shape_cast %get3A_325 : vector<1x16xf32> to vector<16xf32>
      %get3A_327 = arith.index_cast %scan3A_274 : i32 to index
      %get3A_328 = arith.constant 80 : index
      %get3A_329 = tpu.vector_load %arg13[%get3A_327, %get3A_328] {strides = array<i32>} : memref<128x128xf32, #tpu.memory_space<vmem>>, vector<1x16xf32>,
      %get3A_330 = vector.shape_cast %get3A_329 : vector<1x16xf32> to vector<16xf32>
      %mul3A_331 = arith.mulf %get3A_326, %get3A_330 : vector<16xf32>
      %add3A_332 = arith.addf %add3A_322, %mul3A_331 : vector<16xf32>
      %get3A_333 = arith.index_cast %scan3A_274 : i32 to index
      %get3A_334 = arith.constant 96 : index
      %get3A_335 = tpu.vector_load %arg16[%get3A_333, %get3A_334] {strides = array<i32>} : memref<128x128xf32, #tpu.memory_space<vmem>>, vector<1x16xf32>,
      %get3A_336 = vector.shape_cast %get3A_335 : vector<1x16xf32> to vector<16xf32>
      %get3A_337 = arith.index_cast %scan3A_274 : i32 to index
      %get3A_338 = arith.constant 96 : index
      %get3A_339 = tpu.vector_load %arg13[%get3A_337, %get3A_338] {strides = array<i32>} : memref<128x128xf32, #tpu.memory_space<vmem>>, vector<1x16xf32>,
      %get3A_340 = vector.shape_cast %get3A_339 : vector<1x16xf32> to vector<16xf32>
      %mul3A_341 = arith.mulf %get3A_336, %get3A_340 : vector<16xf32>
      %add3A_342 = arith.addf %add3A_332, %mul3A_341 : vector<16xf32>
      %get3A_343 = arith.index_cast %scan3A_274 : i32 to index
      %get3A_344 = arith.constant 112 : index
      %get3A_345 = tpu.vector_load %arg16[%get3A_343, %get3A_344] {strides = array<i32>} : memref<128x128xf32, #tpu.memory_space<vmem>>, vector<1x16xf32>,
      %get3A_346 = vector.shape_cast %get3A_345 : vector<1x16xf32> to vector<16xf32>
      %get3A_347 = arith.index_cast %scan3A_274 : i32 to index
      %get3A_348 = arith.constant 112 : index
      %get3A_349 = tpu.vector_load %arg13[%get3A_347, %get3A_348] {strides = array<i32>} : memref<128x128xf32, #tpu.memory_space<vmem>>, vector<1x16xf32>,
      %get3A_350 = vector.shape_cast %get3A_349 : vector<1x16xf32> to vector<16xf32>
      %mul3A_351 = arith.mulf %get3A_346, %get3A_350 : vector<16xf32>
      %add3A_352 = arith.addf %add3A_342, %mul3A_351 : vector<16xf32>
      %xor3A = arith.constant 8 : i32
      %xor3A_353 = vector.broadcast %xor3A : i32 to vector<16xi32>
      %xor3A_354 = arith.xori %iota3A, %xor3A_353 : vector<16xi32>
      %broadcast_in_dim3A = vector.shape_cast %xor3A_354 : vector<16xi32> to vector<16x1xi32>
      %gather3A = vector.shape_cast %broadcast_in_dim3A : vector<16x1xi32> to vector<16xi32>
      %gather3A_355 = tpu.dynamic_gather %add3A_352[%gather3A] in [0] : vector<16xf32>, vector<16xi32> -> vector<16xf32>
      %add3A_356 = arith.addf %add3A_352, %gather3A_355 : vector<16xf32>
      %xor3A_357 = arith.constant 4 : i32
      %xor3A_358 = vector.broadcast %xor3A_357 : i32 to vector<16xi32>
      %xor3A_359 = arith.xori %iota3A, %xor3A_358 : vector<16xi32>
      %broadcast_in_dim3A_360 = vector.shape_cast %xor3A_359 : vector<16xi32> to vector<16x1xi32>
      %gather3A_361 = vector.shape_cast %broadcast_in_dim3A_360 : vector<16x1xi32> to vector<16xi32>
      %gather3A_362 = tpu.dynamic_gather %add3A_356[%gather3A_361] in [0] : vector<16xf32>, vector<16xi32> -> vector<16xf32>
      %add3A_363 = arith.addf %add3A_356, %gather3A_362 : vector<16xf32>
      %xor3A_364 = arith.constant 2 : i32
      %xor3A_365 = vector.broadcast %xor3A_364 : i32 to vector<16xi32>
      %xor3A_366 = arith.xori %iota3A, %xor3A_365 : vector<16xi32>
      %broadcast_in_dim3A_367 = vector.shape_cast %xor3A_366 : vector<16xi32> to vector<16x1xi32>
      %gather3A_368 = vector.shape_cast %broadcast_in_dim3A_367 : vector<16x1xi32> to vector<16xi32>
      %gather3A_369 = tpu.dynamic_gather %add3A_363[%gather3A_368] in [0] : vector<16xf32>, vector<16xi32> -> vector<16xf32>
      %add3A_370 = arith.addf %add3A_363, %gather3A_369 : vector<16xf32>
      %xor3A_371 = arith.constant 1 : i32
      %xor3A_372 = vector.broadcast %xor3A_371 : i32 to vector<16xi32>
      %xor3A_373 = arith.xori %iota3A, %xor3A_372 : vector<16xi32>
      %broadcast_in_dim3A_374 = vector.shape_cast %xor3A_373 : vector<16xi32> to vector<16x1xi32>
      %gather3A_375 = vector.shape_cast %broadcast_in_dim3A_374 : vector<16x1xi32> to vector<16xi32>
      %gather3A_376 = tpu.dynamic_gather %add3A_370[%gather3A_375] in [0] : vector<16xf32>, vector<16xi32> -> vector<16xf32>
      %add3A_377 = arith.addf %add3A_370, %gather3A_376 : vector<16xf32>
      %mul3A_378 = arith.constant 1.000000e+00 : f32
      %mul3A_379 = vector.broadcast %mul3A_378 : f32 to vector<16xf32>
      %mul3A_380 = arith.mulf %mul3A_379, %add3A_377 : vector<16xf32>
      %get3A_381 = arith.index_cast %scan3A_274 : i32 to index
      %get3A_382 = arith.constant 0 : index
      %get3A_383 = tpu.vector_load %arg17[%get3A_381, %get3A_382] {strides = array<i32>} : memref<128x16xf32, #tpu.memory_space<vmem>>, vector<1x16xf32>,
      %get3A_384 = vector.shape_cast %get3A_383 : vector<1x16xf32> to vector<16xf32>
      %eq3A = arith.constant 8 : i32
      %eq3A_385 = vector.broadcast %eq3A : i32 to vector<16xi32>
      %eq3A_386 = arith.cmpi eq, %iota3A, %eq3A_385 : vector<16xi32>
      %select_n3A = arith.select %eq3A_386, %mul3A_380, %get3A_384 : vector<16xi1>, vector<16xf32>
      %swap3A = arith.index_cast %scan3A_274 : i32 to index
      %swap3A_387 = arith.constant 0 : index
      %swap3A_388 = tpu.vector_load %arg17[%swap3A, %swap3A_387] {strides = array<i32>} : memref<128x16xf32, #tpu.memory_space<vmem>>, vector<1x16xf32>,
      %swap3A_389 = vector.shape_cast %swap3A_388 : vector<1x16xf32> to vector<16xf32>
      %swap3A_390 = vector.shape_cast %select_n3A : vector<16xf32> to vector<1x16xf32>
      tpu.vector_store %arg17[%swap3A, %swap3A_387], %swap3A_390 {strides = array<i32>} : memref<128x16xf32, #tpu.memory_space<vmem>>, vector<1x16xf32>,
    }
    %scan3A_166 = arith.constant 128 : i32
    %dma_wait3A_167 = arith.constant 1024 : i32
    %dma_wait3A_168 = tpu.memref_slice %arg11[%dma_wait3A_167] : memref<1920xi32, #tpu.memory_space<vmem>> -> memref<128xi32, #tpu.memory_space<vmem>>
    %dma_wait3A_169 = arith.constant 0 : i32
    %dma_wait3A_170 = arith.constant 0 : i32
    %dma_wait3A_171 = tpu.memref_slice %arg2[%dma_wait3A_169, %dma_wait3A_170] : memref<100000x128xf32, #tpu.memory_space<hbm>> -> memref<100000x128xf32, #tpu.memory_space<hbm>>
    tpu.wait_indirect_dma semaphore(%arg21 : memref<!tpu.dma_semaphore, #tpu.memory_space<semaphore_mem>>) src(%dma_wait3A_171 : memref<100000x128xf32, #tpu.memory_space<hbm>>) dst(%arg15 : memref<128x128xf32, #tpu.memory_space<vmem>>)
    %dma_start3A_172 = arith.constant 1152 : i32
    %dma_start3A_173 = tpu.memref_slice %arg11[%dma_start3A_172] : memref<1920xi32, #tpu.memory_space<vmem>> -> memref<128xi32, #tpu.memory_space<vmem>>
    %dma_start3A_174 = arith.constant 0 : i32
    %dma_start3A_175 = arith.constant 0 : i32
    %dma_start3A_176 = tpu.memref_slice %arg2[%dma_start3A_174, %dma_start3A_175] : memref<100000x128xf32, #tpu.memory_space<hbm>> -> memref<100000x128xf32, #tpu.memory_space<hbm>>
    tpu.enqueue_indirect_dma source(%dma_start3A_176 : memref<100000x128xf32, #tpu.memory_space<hbm>>) target(%arg16 : memref<128x128xf32, #tpu.memory_space<vmem>>) offsets(%dma_start3A_173 : memref<128xi32, #tpu.memory_space<vmem>>) semaphore(%arg22 : memref<!tpu.dma_semaphore, #tpu.memory_space<semaphore_mem>>)
    %scan3A_177 = arith.constant 0 : i32
    %scan3A_178 = arith.constant 0 : i32
    %scan3A_179 = arith.constant 128 : i32
    %scan3A_180 = arith.addi %scan3A_178, %scan3A_179 : i32
    %scan3A_181 = arith.constant 1 : i32
    scf.for %scan3A_274 = %scan3A_178 to %scan3A_180 step %scan3A_181  : i32 {
      %get3A = arith.index_cast %scan3A_274 : i32 to index
      %get3A_275 = arith.constant 0 : index
      %get3A_276 = tpu.vector_load %arg15[%get3A, %get3A_275] {strides = array<i32>} : memref<128x128xf32, #tpu.memory_space<vmem>>, vector<1x16xf32>,
      %get3A_277 = vector.shape_cast %get3A_276 : vector<1x16xf32> to vector<16xf32>
      %get3A_278 = arith.index_cast %scan3A_274 : i32 to index
      %get3A_279 = arith.constant 0 : index
      %get3A_280 = tpu.vector_load %arg13[%get3A_278, %get3A_279] {strides = array<i32>} : memref<128x128xf32, #tpu.memory_space<vmem>>, vector<1x16xf32>,
      %get3A_281 = vector.shape_cast %get3A_280 : vector<1x16xf32> to vector<16xf32>
      %mul3A_282 = arith.mulf %get3A_277, %get3A_281 : vector<16xf32>
      %get3A_283 = arith.index_cast %scan3A_274 : i32 to index
      %get3A_284 = arith.constant 16 : index
      %get3A_285 = tpu.vector_load %arg15[%get3A_283, %get3A_284] {strides = array<i32>} : memref<128x128xf32, #tpu.memory_space<vmem>>, vector<1x16xf32>,
      %get3A_286 = vector.shape_cast %get3A_285 : vector<1x16xf32> to vector<16xf32>
      %get3A_287 = arith.index_cast %scan3A_274 : i32 to index
      %get3A_288 = arith.constant 16 : index
      %get3A_289 = tpu.vector_load %arg13[%get3A_287, %get3A_288] {strides = array<i32>} : memref<128x128xf32, #tpu.memory_space<vmem>>, vector<1x16xf32>,
      %get3A_290 = vector.shape_cast %get3A_289 : vector<1x16xf32> to vector<16xf32>
      %mul3A_291 = arith.mulf %get3A_286, %get3A_290 : vector<16xf32>
      %add3A_292 = arith.addf %mul3A_282, %mul3A_291 : vector<16xf32>
      %get3A_293 = arith.index_cast %scan3A_274 : i32 to index
      %get3A_294 = arith.constant 32 : index
      %get3A_295 = tpu.vector_load %arg15[%get3A_293, %get3A_294] {strides = array<i32>} : memref<128x128xf32, #tpu.memory_space<vmem>>, vector<1x16xf32>,
      %get3A_296 = vector.shape_cast %get3A_295 : vector<1x16xf32> to vector<16xf32>
      %get3A_297 = arith.index_cast %scan3A_274 : i32 to index
      %get3A_298 = arith.constant 32 : index
      %get3A_299 = tpu.vector_load %arg13[%get3A_297, %get3A_298] {strides = array<i32>} : memref<128x128xf32, #tpu.memory_space<vmem>>, vector<1x16xf32>,
      %get3A_300 = vector.shape_cast %get3A_299 : vector<1x16xf32> to vector<16xf32>
      %mul3A_301 = arith.mulf %get3A_296, %get3A_300 : vector<16xf32>
      %add3A_302 = arith.addf %add3A_292, %mul3A_301 : vector<16xf32>
      %get3A_303 = arith.index_cast %scan3A_274 : i32 to index
      %get3A_304 = arith.constant 48 : index
      %get3A_305 = tpu.vector_load %arg15[%get3A_303, %get3A_304] {strides = array<i32>} : memref<128x128xf32, #tpu.memory_space<vmem>>, vector<1x16xf32>,
      %get3A_306 = vector.shape_cast %get3A_305 : vector<1x16xf32> to vector<16xf32>
      %get3A_307 = arith.index_cast %scan3A_274 : i32 to index
      %get3A_308 = arith.constant 48 : index
      %get3A_309 = tpu.vector_load %arg13[%get3A_307, %get3A_308] {strides = array<i32>} : memref<128x128xf32, #tpu.memory_space<vmem>>, vector<1x16xf32>,
      %get3A_310 = vector.shape_cast %get3A_309 : vector<1x16xf32> to vector<16xf32>
      %mul3A_311 = arith.mulf %get3A_306, %get3A_310 : vector<16xf32>
      %add3A_312 = arith.addf %add3A_302, %mul3A_311 : vector<16xf32>
      %get3A_313 = arith.index_cast %scan3A_274 : i32 to index
      %get3A_314 = arith.constant 64 : index
      %get3A_315 = tpu.vector_load %arg15[%get3A_313, %get3A_314] {strides = array<i32>} : memref<128x128xf32, #tpu.memory_space<vmem>>, vector<1x16xf32>,
      %get3A_316 = vector.shape_cast %get3A_315 : vector<1x16xf32> to vector<16xf32>
      %get3A_317 = arith.index_cast %scan3A_274 : i32 to index
      %get3A_318 = arith.constant 64 : index
      %get3A_319 = tpu.vector_load %arg13[%get3A_317, %get3A_318] {strides = array<i32>} : memref<128x128xf32, #tpu.memory_space<vmem>>, vector<1x16xf32>,
      %get3A_320 = vector.shape_cast %get3A_319 : vector<1x16xf32> to vector<16xf32>
      %mul3A_321 = arith.mulf %get3A_316, %get3A_320 : vector<16xf32>
      %add3A_322 = arith.addf %add3A_312, %mul3A_321 : vector<16xf32>
      %get3A_323 = arith.index_cast %scan3A_274 : i32 to index
      %get3A_324 = arith.constant 80 : index
      %get3A_325 = tpu.vector_load %arg15[%get3A_323, %get3A_324] {strides = array<i32>} : memref<128x128xf32, #tpu.memory_space<vmem>>, vector<1x16xf32>,
      %get3A_326 = vector.shape_cast %get3A_325 : vector<1x16xf32> to vector<16xf32>
      %get3A_327 = arith.index_cast %scan3A_274 : i32 to index
      %get3A_328 = arith.constant 80 : index
      %get3A_329 = tpu.vector_load %arg13[%get3A_327, %get3A_328] {strides = array<i32>} : memref<128x128xf32, #tpu.memory_space<vmem>>, vector<1x16xf32>,
      %get3A_330 = vector.shape_cast %get3A_329 : vector<1x16xf32> to vector<16xf32>
      %mul3A_331 = arith.mulf %get3A_326, %get3A_330 : vector<16xf32>
      %add3A_332 = arith.addf %add3A_322, %mul3A_331 : vector<16xf32>
      %get3A_333 = arith.index_cast %scan3A_274 : i32 to index
      %get3A_334 = arith.constant 96 : index
      %get3A_335 = tpu.vector_load %arg15[%get3A_333, %get3A_334] {strides = array<i32>} : memref<128x128xf32, #tpu.memory_space<vmem>>, vector<1x16xf32>,
      %get3A_336 = vector.shape_cast %get3A_335 : vector<1x16xf32> to vector<16xf32>
      %get3A_337 = arith.index_cast %scan3A_274 : i32 to index
      %get3A_338 = arith.constant 96 : index
      %get3A_339 = tpu.vector_load %arg13[%get3A_337, %get3A_338] {strides = array<i32>} : memref<128x128xf32, #tpu.memory_space<vmem>>, vector<1x16xf32>,
      %get3A_340 = vector.shape_cast %get3A_339 : vector<1x16xf32> to vector<16xf32>
      %mul3A_341 = arith.mulf %get3A_336, %get3A_340 : vector<16xf32>
      %add3A_342 = arith.addf %add3A_332, %mul3A_341 : vector<16xf32>
      %get3A_343 = arith.index_cast %scan3A_274 : i32 to index
      %get3A_344 = arith.constant 112 : index
      %get3A_345 = tpu.vector_load %arg15[%get3A_343, %get3A_344] {strides = array<i32>} : memref<128x128xf32, #tpu.memory_space<vmem>>, vector<1x16xf32>,
      %get3A_346 = vector.shape_cast %get3A_345 : vector<1x16xf32> to vector<16xf32>
      %get3A_347 = arith.index_cast %scan3A_274 : i32 to index
      %get3A_348 = arith.constant 112 : index
      %get3A_349 = tpu.vector_load %arg13[%get3A_347, %get3A_348] {strides = array<i32>} : memref<128x128xf32, #tpu.memory_space<vmem>>, vector<1x16xf32>,
      %get3A_350 = vector.shape_cast %get3A_349 : vector<1x16xf32> to vector<16xf32>
      %mul3A_351 = arith.mulf %get3A_346, %get3A_350 : vector<16xf32>
      %add3A_352 = arith.addf %add3A_342, %mul3A_351 : vector<16xf32>
      %xor3A = arith.constant 8 : i32
      %xor3A_353 = vector.broadcast %xor3A : i32 to vector<16xi32>
      %xor3A_354 = arith.xori %iota3A, %xor3A_353 : vector<16xi32>
      %broadcast_in_dim3A = vector.shape_cast %xor3A_354 : vector<16xi32> to vector<16x1xi32>
      %gather3A = vector.shape_cast %broadcast_in_dim3A : vector<16x1xi32> to vector<16xi32>
      %gather3A_355 = tpu.dynamic_gather %add3A_352[%gather3A] in [0] : vector<16xf32>, vector<16xi32> -> vector<16xf32>
      %add3A_356 = arith.addf %add3A_352, %gather3A_355 : vector<16xf32>
      %xor3A_357 = arith.constant 4 : i32
      %xor3A_358 = vector.broadcast %xor3A_357 : i32 to vector<16xi32>
      %xor3A_359 = arith.xori %iota3A, %xor3A_358 : vector<16xi32>
      %broadcast_in_dim3A_360 = vector.shape_cast %xor3A_359 : vector<16xi32> to vector<16x1xi32>
      %gather3A_361 = vector.shape_cast %broadcast_in_dim3A_360 : vector<16x1xi32> to vector<16xi32>
      %gather3A_362 = tpu.dynamic_gather %add3A_356[%gather3A_361] in [0] : vector<16xf32>, vector<16xi32> -> vector<16xf32>
      %add3A_363 = arith.addf %add3A_356, %gather3A_362 : vector<16xf32>
      %xor3A_364 = arith.constant 2 : i32
      %xor3A_365 = vector.broadcast %xor3A_364 : i32 to vector<16xi32>
      %xor3A_366 = arith.xori %iota3A, %xor3A_365 : vector<16xi32>
      %broadcast_in_dim3A_367 = vector.shape_cast %xor3A_366 : vector<16xi32> to vector<16x1xi32>
      %gather3A_368 = vector.shape_cast %broadcast_in_dim3A_367 : vector<16x1xi32> to vector<16xi32>
      %gather3A_369 = tpu.dynamic_gather %add3A_363[%gather3A_368] in [0] : vector<16xf32>, vector<16xi32> -> vector<16xf32>
      %add3A_370 = arith.addf %add3A_363, %gather3A_369 : vector<16xf32>
      %xor3A_371 = arith.constant 1 : i32
      %xor3A_372 = vector.broadcast %xor3A_371 : i32 to vector<16xi32>
      %xor3A_373 = arith.xori %iota3A, %xor3A_372 : vector<16xi32>
      %broadcast_in_dim3A_374 = vector.shape_cast %xor3A_373 : vector<16xi32> to vector<16x1xi32>
      %gather3A_375 = vector.shape_cast %broadcast_in_dim3A_374 : vector<16x1xi32> to vector<16xi32>
      %gather3A_376 = tpu.dynamic_gather %add3A_370[%gather3A_375] in [0] : vector<16xf32>, vector<16xi32> -> vector<16xf32>
      %add3A_377 = arith.addf %add3A_370, %gather3A_376 : vector<16xf32>
      %mul3A_378 = arith.constant 1.000000e+00 : f32
      %mul3A_379 = vector.broadcast %mul3A_378 : f32 to vector<16xf32>
      %mul3A_380 = arith.mulf %mul3A_379, %add3A_377 : vector<16xf32>
      %get3A_381 = arith.index_cast %scan3A_274 : i32 to index
      %get3A_382 = arith.constant 0 : index
      %get3A_383 = tpu.vector_load %arg17[%get3A_381, %get3A_382] {strides = array<i32>} : memref<128x16xf32, #tpu.memory_space<vmem>>, vector<1x16xf32>,
      %get3A_384 = vector.shape_cast %get3A_383 : vector<1x16xf32> to vector<16xf32>
      %eq3A = arith.constant 9 : i32
      %eq3A_385 = vector.broadcast %eq3A : i32 to vector<16xi32>
      %eq3A_386 = arith.cmpi eq, %iota3A, %eq3A_385 : vector<16xi32>
      %select_n3A = arith.select %eq3A_386, %mul3A_380, %get3A_384 : vector<16xi1>, vector<16xf32>
      %swap3A = arith.index_cast %scan3A_274 : i32 to index
      %swap3A_387 = arith.constant 0 : index
      %swap3A_388 = tpu.vector_load %arg17[%swap3A, %swap3A_387] {strides = array<i32>} : memref<128x16xf32, #tpu.memory_space<vmem>>, vector<1x16xf32>,
      %swap3A_389 = vector.shape_cast %swap3A_388 : vector<1x16xf32> to vector<16xf32>
      %swap3A_390 = vector.shape_cast %select_n3A : vector<16xf32> to vector<1x16xf32>
      tpu.vector_store %arg17[%swap3A, %swap3A_387], %swap3A_390 {strides = array<i32>} : memref<128x16xf32, #tpu.memory_space<vmem>>, vector<1x16xf32>,
    }
    %scan3A_182 = arith.constant 128 : i32
    %dma_wait3A_183 = arith.constant 1152 : i32
    %dma_wait3A_184 = tpu.memref_slice %arg11[%dma_wait3A_183] : memref<1920xi32, #tpu.memory_space<vmem>> -> memref<128xi32, #tpu.memory_space<vmem>>
    %dma_wait3A_185 = arith.constant 0 : i32
    %dma_wait3A_186 = arith.constant 0 : i32
    %dma_wait3A_187 = tpu.memref_slice %arg2[%dma_wait3A_185, %dma_wait3A_186] : memref<100000x128xf32, #tpu.memory_space<hbm>> -> memref<100000x128xf32, #tpu.memory_space<hbm>>
    tpu.wait_indirect_dma semaphore(%arg22 : memref<!tpu.dma_semaphore, #tpu.memory_space<semaphore_mem>>) src(%dma_wait3A_187 : memref<100000x128xf32, #tpu.memory_space<hbm>>) dst(%arg16 : memref<128x128xf32, #tpu.memory_space<vmem>>)
    %dma_start3A_188 = arith.constant 1280 : i32
    %dma_start3A_189 = tpu.memref_slice %arg11[%dma_start3A_188] : memref<1920xi32, #tpu.memory_space<vmem>> -> memref<128xi32, #tpu.memory_space<vmem>>
    %dma_start3A_190 = arith.constant 0 : i32
    %dma_start3A_191 = arith.constant 0 : i32
    %dma_start3A_192 = tpu.memref_slice %arg2[%dma_start3A_190, %dma_start3A_191] : memref<100000x128xf32, #tpu.memory_space<hbm>> -> memref<100000x128xf32, #tpu.memory_space<hbm>>
    tpu.enqueue_indirect_dma source(%dma_start3A_192 : memref<100000x128xf32, #tpu.memory_space<hbm>>) target(%arg15 : memref<128x128xf32, #tpu.memory_space<vmem>>) offsets(%dma_start3A_189 : memref<128xi32, #tpu.memory_space<vmem>>) semaphore(%arg21 : memref<!tpu.dma_semaphore, #tpu.memory_space<semaphore_mem>>)
    %scan3A_193 = arith.constant 0 : i32
    %scan3A_194 = arith.constant 0 : i32
    %scan3A_195 = arith.constant 128 : i32
    %scan3A_196 = arith.addi %scan3A_194, %scan3A_195 : i32
    %scan3A_197 = arith.constant 1 : i32
    scf.for %scan3A_274 = %scan3A_194 to %scan3A_196 step %scan3A_197  : i32 {
      %get3A = arith.index_cast %scan3A_274 : i32 to index
      %get3A_275 = arith.constant 0 : index
      %get3A_276 = tpu.vector_load %arg16[%get3A, %get3A_275] {strides = array<i32>} : memref<128x128xf32, #tpu.memory_space<vmem>>, vector<1x16xf32>,
      %get3A_277 = vector.shape_cast %get3A_276 : vector<1x16xf32> to vector<16xf32>
      %get3A_278 = arith.index_cast %scan3A_274 : i32 to index
      %get3A_279 = arith.constant 0 : index
      %get3A_280 = tpu.vector_load %arg13[%get3A_278, %get3A_279] {strides = array<i32>} : memref<128x128xf32, #tpu.memory_space<vmem>>, vector<1x16xf32>,
      %get3A_281 = vector.shape_cast %get3A_280 : vector<1x16xf32> to vector<16xf32>
      %mul3A_282 = arith.mulf %get3A_277, %get3A_281 : vector<16xf32>
      %get3A_283 = arith.index_cast %scan3A_274 : i32 to index
      %get3A_284 = arith.constant 16 : index
      %get3A_285 = tpu.vector_load %arg16[%get3A_283, %get3A_284] {strides = array<i32>} : memref<128x128xf32, #tpu.memory_space<vmem>>, vector<1x16xf32>,
      %get3A_286 = vector.shape_cast %get3A_285 : vector<1x16xf32> to vector<16xf32>
      %get3A_287 = arith.index_cast %scan3A_274 : i32 to index
      %get3A_288 = arith.constant 16 : index
      %get3A_289 = tpu.vector_load %arg13[%get3A_287, %get3A_288] {strides = array<i32>} : memref<128x128xf32, #tpu.memory_space<vmem>>, vector<1x16xf32>,
      %get3A_290 = vector.shape_cast %get3A_289 : vector<1x16xf32> to vector<16xf32>
      %mul3A_291 = arith.mulf %get3A_286, %get3A_290 : vector<16xf32>
      %add3A_292 = arith.addf %mul3A_282, %mul3A_291 : vector<16xf32>
      %get3A_293 = arith.index_cast %scan3A_274 : i32 to index
      %get3A_294 = arith.constant 32 : index
      %get3A_295 = tpu.vector_load %arg16[%get3A_293, %get3A_294] {strides = array<i32>} : memref<128x128xf32, #tpu.memory_space<vmem>>, vector<1x16xf32>,
      %get3A_296 = vector.shape_cast %get3A_295 : vector<1x16xf32> to vector<16xf32>
      %get3A_297 = arith.index_cast %scan3A_274 : i32 to index
      %get3A_298 = arith.constant 32 : index
      %get3A_299 = tpu.vector_load %arg13[%get3A_297, %get3A_298] {strides = array<i32>} : memref<128x128xf32, #tpu.memory_space<vmem>>, vector<1x16xf32>,
      %get3A_300 = vector.shape_cast %get3A_299 : vector<1x16xf32> to vector<16xf32>
      %mul3A_301 = arith.mulf %get3A_296, %get3A_300 : vector<16xf32>
      %add3A_302 = arith.addf %add3A_292, %mul3A_301 : vector<16xf32>
      %get3A_303 = arith.index_cast %scan3A_274 : i32 to index
      %get3A_304 = arith.constant 48 : index
      %get3A_305 = tpu.vector_load %arg16[%get3A_303, %get3A_304] {strides = array<i32>} : memref<128x128xf32, #tpu.memory_space<vmem>>, vector<1x16xf32>,
      %get3A_306 = vector.shape_cast %get3A_305 : vector<1x16xf32> to vector<16xf32>
      %get3A_307 = arith.index_cast %scan3A_274 : i32 to index
      %get3A_308 = arith.constant 48 : index
      %get3A_309 = tpu.vector_load %arg13[%get3A_307, %get3A_308] {strides = array<i32>} : memref<128x128xf32, #tpu.memory_space<vmem>>, vector<1x16xf32>,
      %get3A_310 = vector.shape_cast %get3A_309 : vector<1x16xf32> to vector<16xf32>
      %mul3A_311 = arith.mulf %get3A_306, %get3A_310 : vector<16xf32>
      %add3A_312 = arith.addf %add3A_302, %mul3A_311 : vector<16xf32>
      %get3A_313 = arith.index_cast %scan3A_274 : i32 to index
      %get3A_314 = arith.constant 64 : index
      %get3A_315 = tpu.vector_load %arg16[%get3A_313, %get3A_314] {strides = array<i32>} : memref<128x128xf32, #tpu.memory_space<vmem>>, vector<1x16xf32>,
      %get3A_316 = vector.shape_cast %get3A_315 : vector<1x16xf32> to vector<16xf32>
      %get3A_317 = arith.index_cast %scan3A_274 : i32 to index
      %get3A_318 = arith.constant 64 : index
      %get3A_319 = tpu.vector_load %arg13[%get3A_317, %get3A_318] {strides = array<i32>} : memref<128x128xf32, #tpu.memory_space<vmem>>, vector<1x16xf32>,
      %get3A_320 = vector.shape_cast %get3A_319 : vector<1x16xf32> to vector<16xf32>
      %mul3A_321 = arith.mulf %get3A_316, %get3A_320 : vector<16xf32>
      %add3A_322 = arith.addf %add3A_312, %mul3A_321 : vector<16xf32>
      %get3A_323 = arith.index_cast %scan3A_274 : i32 to index
      %get3A_324 = arith.constant 80 : index
      %get3A_325 = tpu.vector_load %arg16[%get3A_323, %get3A_324] {strides = array<i32>} : memref<128x128xf32, #tpu.memory_space<vmem>>, vector<1x16xf32>,
      %get3A_326 = vector.shape_cast %get3A_325 : vector<1x16xf32> to vector<16xf32>
      %get3A_327 = arith.index_cast %scan3A_274 : i32 to index
      %get3A_328 = arith.constant 80 : index
      %get3A_329 = tpu.vector_load %arg13[%get3A_327, %get3A_328] {strides = array<i32>} : memref<128x128xf32, #tpu.memory_space<vmem>>, vector<1x16xf32>,
      %get3A_330 = vector.shape_cast %get3A_329 : vector<1x16xf32> to vector<16xf32>
      %mul3A_331 = arith.mulf %get3A_326, %get3A_330 : vector<16xf32>
      %add3A_332 = arith.addf %add3A_322, %mul3A_331 : vector<16xf32>
      %get3A_333 = arith.index_cast %scan3A_274 : i32 to index
      %get3A_334 = arith.constant 96 : index
      %get3A_335 = tpu.vector_load %arg16[%get3A_333, %get3A_334] {strides = array<i32>} : memref<128x128xf32, #tpu.memory_space<vmem>>, vector<1x16xf32>,
      %get3A_336 = vector.shape_cast %get3A_335 : vector<1x16xf32> to vector<16xf32>
      %get3A_337 = arith.index_cast %scan3A_274 : i32 to index
      %get3A_338 = arith.constant 96 : index
      %get3A_339 = tpu.vector_load %arg13[%get3A_337, %get3A_338] {strides = array<i32>} : memref<128x128xf32, #tpu.memory_space<vmem>>, vector<1x16xf32>,
      %get3A_340 = vector.shape_cast %get3A_339 : vector<1x16xf32> to vector<16xf32>
      %mul3A_341 = arith.mulf %get3A_336, %get3A_340 : vector<16xf32>
      %add3A_342 = arith.addf %add3A_332, %mul3A_341 : vector<16xf32>
      %get3A_343 = arith.index_cast %scan3A_274 : i32 to index
      %get3A_344 = arith.constant 112 : index
      %get3A_345 = tpu.vector_load %arg16[%get3A_343, %get3A_344] {strides = array<i32>} : memref<128x128xf32, #tpu.memory_space<vmem>>, vector<1x16xf32>,
      %get3A_346 = vector.shape_cast %get3A_345 : vector<1x16xf32> to vector<16xf32>
      %get3A_347 = arith.index_cast %scan3A_274 : i32 to index
      %get3A_348 = arith.constant 112 : index
      %get3A_349 = tpu.vector_load %arg13[%get3A_347, %get3A_348] {strides = array<i32>} : memref<128x128xf32, #tpu.memory_space<vmem>>, vector<1x16xf32>,
      %get3A_350 = vector.shape_cast %get3A_349 : vector<1x16xf32> to vector<16xf32>
      %mul3A_351 = arith.mulf %get3A_346, %get3A_350 : vector<16xf32>
      %add3A_352 = arith.addf %add3A_342, %mul3A_351 : vector<16xf32>
      %xor3A = arith.constant 8 : i32
      %xor3A_353 = vector.broadcast %xor3A : i32 to vector<16xi32>
      %xor3A_354 = arith.xori %iota3A, %xor3A_353 : vector<16xi32>
      %broadcast_in_dim3A = vector.shape_cast %xor3A_354 : vector<16xi32> to vector<16x1xi32>
      %gather3A = vector.shape_cast %broadcast_in_dim3A : vector<16x1xi32> to vector<16xi32>
      %gather3A_355 = tpu.dynamic_gather %add3A_352[%gather3A] in [0] : vector<16xf32>, vector<16xi32> -> vector<16xf32>
      %add3A_356 = arith.addf %add3A_352, %gather3A_355 : vector<16xf32>
      %xor3A_357 = arith.constant 4 : i32
      %xor3A_358 = vector.broadcast %xor3A_357 : i32 to vector<16xi32>
      %xor3A_359 = arith.xori %iota3A, %xor3A_358 : vector<16xi32>
      %broadcast_in_dim3A_360 = vector.shape_cast %xor3A_359 : vector<16xi32> to vector<16x1xi32>
      %gather3A_361 = vector.shape_cast %broadcast_in_dim3A_360 : vector<16x1xi32> to vector<16xi32>
      %gather3A_362 = tpu.dynamic_gather %add3A_356[%gather3A_361] in [0] : vector<16xf32>, vector<16xi32> -> vector<16xf32>
      %add3A_363 = arith.addf %add3A_356, %gather3A_362 : vector<16xf32>
      %xor3A_364 = arith.constant 2 : i32
      %xor3A_365 = vector.broadcast %xor3A_364 : i32 to vector<16xi32>
      %xor3A_366 = arith.xori %iota3A, %xor3A_365 : vector<16xi32>
      %broadcast_in_dim3A_367 = vector.shape_cast %xor3A_366 : vector<16xi32> to vector<16x1xi32>
      %gather3A_368 = vector.shape_cast %broadcast_in_dim3A_367 : vector<16x1xi32> to vector<16xi32>
      %gather3A_369 = tpu.dynamic_gather %add3A_363[%gather3A_368] in [0] : vector<16xf32>, vector<16xi32> -> vector<16xf32>
      %add3A_370 = arith.addf %add3A_363, %gather3A_369 : vector<16xf32>
      %xor3A_371 = arith.constant 1 : i32
      %xor3A_372 = vector.broadcast %xor3A_371 : i32 to vector<16xi32>
      %xor3A_373 = arith.xori %iota3A, %xor3A_372 : vector<16xi32>
      %broadcast_in_dim3A_374 = vector.shape_cast %xor3A_373 : vector<16xi32> to vector<16x1xi32>
      %gather3A_375 = vector.shape_cast %broadcast_in_dim3A_374 : vector<16x1xi32> to vector<16xi32>
      %gather3A_376 = tpu.dynamic_gather %add3A_370[%gather3A_375] in [0] : vector<16xf32>, vector<16xi32> -> vector<16xf32>
      %add3A_377 = arith.addf %add3A_370, %gather3A_376 : vector<16xf32>
      %mul3A_378 = arith.constant 1.000000e+00 : f32
      %mul3A_379 = vector.broadcast %mul3A_378 : f32 to vector<16xf32>
      %mul3A_380 = arith.mulf %mul3A_379, %add3A_377 : vector<16xf32>
      %get3A_381 = arith.index_cast %scan3A_274 : i32 to index
      %get3A_382 = arith.constant 0 : index
      %get3A_383 = tpu.vector_load %arg17[%get3A_381, %get3A_382] {strides = array<i32>} : memref<128x16xf32, #tpu.memory_space<vmem>>, vector<1x16xf32>,
      %get3A_384 = vector.shape_cast %get3A_383 : vector<1x16xf32> to vector<16xf32>
      %eq3A = arith.constant 10 : i32
      %eq3A_385 = vector.broadcast %eq3A : i32 to vector<16xi32>
      %eq3A_386 = arith.cmpi eq, %iota3A, %eq3A_385 : vector<16xi32>
      %select_n3A = arith.select %eq3A_386, %mul3A_380, %get3A_384 : vector<16xi1>, vector<16xf32>
      %swap3A = arith.index_cast %scan3A_274 : i32 to index
      %swap3A_387 = arith.constant 0 : index
      %swap3A_388 = tpu.vector_load %arg17[%swap3A, %swap3A_387] {strides = array<i32>} : memref<128x16xf32, #tpu.memory_space<vmem>>, vector<1x16xf32>,
      %swap3A_389 = vector.shape_cast %swap3A_388 : vector<1x16xf32> to vector<16xf32>
      %swap3A_390 = vector.shape_cast %select_n3A : vector<16xf32> to vector<1x16xf32>
      tpu.vector_store %arg17[%swap3A, %swap3A_387], %swap3A_390 {strides = array<i32>} : memref<128x16xf32, #tpu.memory_space<vmem>>, vector<1x16xf32>,
    }
    %scan3A_198 = arith.constant 128 : i32
    %dma_wait3A_199 = arith.constant 1280 : i32
    %dma_wait3A_200 = tpu.memref_slice %arg11[%dma_wait3A_199] : memref<1920xi32, #tpu.memory_space<vmem>> -> memref<128xi32, #tpu.memory_space<vmem>>
    %dma_wait3A_201 = arith.constant 0 : i32
    %dma_wait3A_202 = arith.constant 0 : i32
    %dma_wait3A_203 = tpu.memref_slice %arg2[%dma_wait3A_201, %dma_wait3A_202] : memref<100000x128xf32, #tpu.memory_space<hbm>> -> memref<100000x128xf32, #tpu.memory_space<hbm>>
    tpu.wait_indirect_dma semaphore(%arg21 : memref<!tpu.dma_semaphore, #tpu.memory_space<semaphore_mem>>) src(%dma_wait3A_203 : memref<100000x128xf32, #tpu.memory_space<hbm>>) dst(%arg15 : memref<128x128xf32, #tpu.memory_space<vmem>>)
    %dma_start3A_204 = arith.constant 1408 : i32
    %dma_start3A_205 = tpu.memref_slice %arg11[%dma_start3A_204] : memref<1920xi32, #tpu.memory_space<vmem>> -> memref<128xi32, #tpu.memory_space<vmem>>
    %dma_start3A_206 = arith.constant 0 : i32
    %dma_start3A_207 = arith.constant 0 : i32
    %dma_start3A_208 = tpu.memref_slice %arg2[%dma_start3A_206, %dma_start3A_207] : memref<100000x128xf32, #tpu.memory_space<hbm>> -> memref<100000x128xf32, #tpu.memory_space<hbm>>
    tpu.enqueue_indirect_dma source(%dma_start3A_208 : memref<100000x128xf32, #tpu.memory_space<hbm>>) target(%arg16 : memref<128x128xf32, #tpu.memory_space<vmem>>) offsets(%dma_start3A_205 : memref<128xi32, #tpu.memory_space<vmem>>) semaphore(%arg22 : memref<!tpu.dma_semaphore, #tpu.memory_space<semaphore_mem>>)
    %scan3A_209 = arith.constant 0 : i32
    %scan3A_210 = arith.constant 0 : i32
    %scan3A_211 = arith.constant 128 : i32
    %scan3A_212 = arith.addi %scan3A_210, %scan3A_211 : i32
    %scan3A_213 = arith.constant 1 : i32
    scf.for %scan3A_274 = %scan3A_210 to %scan3A_212 step %scan3A_213  : i32 {
      %get3A = arith.index_cast %scan3A_274 : i32 to index
      %get3A_275 = arith.constant 0 : index
      %get3A_276 = tpu.vector_load %arg15[%get3A, %get3A_275] {strides = array<i32>} : memref<128x128xf32, #tpu.memory_space<vmem>>, vector<1x16xf32>,
      %get3A_277 = vector.shape_cast %get3A_276 : vector<1x16xf32> to vector<16xf32>
      %get3A_278 = arith.index_cast %scan3A_274 : i32 to index
      %get3A_279 = arith.constant 0 : index
      %get3A_280 = tpu.vector_load %arg13[%get3A_278, %get3A_279] {strides = array<i32>} : memref<128x128xf32, #tpu.memory_space<vmem>>, vector<1x16xf32>,
      %get3A_281 = vector.shape_cast %get3A_280 : vector<1x16xf32> to vector<16xf32>
      %mul3A_282 = arith.mulf %get3A_277, %get3A_281 : vector<16xf32>
      %get3A_283 = arith.index_cast %scan3A_274 : i32 to index
      %get3A_284 = arith.constant 16 : index
      %get3A_285 = tpu.vector_load %arg15[%get3A_283, %get3A_284] {strides = array<i32>} : memref<128x128xf32, #tpu.memory_space<vmem>>, vector<1x16xf32>,
      %get3A_286 = vector.shape_cast %get3A_285 : vector<1x16xf32> to vector<16xf32>
      %get3A_287 = arith.index_cast %scan3A_274 : i32 to index
      %get3A_288 = arith.constant 16 : index
      %get3A_289 = tpu.vector_load %arg13[%get3A_287, %get3A_288] {strides = array<i32>} : memref<128x128xf32, #tpu.memory_space<vmem>>, vector<1x16xf32>,
      %get3A_290 = vector.shape_cast %get3A_289 : vector<1x16xf32> to vector<16xf32>
      %mul3A_291 = arith.mulf %get3A_286, %get3A_290 : vector<16xf32>
      %add3A_292 = arith.addf %mul3A_282, %mul3A_291 : vector<16xf32>
      %get3A_293 = arith.index_cast %scan3A_274 : i32 to index
      %get3A_294 = arith.constant 32 : index
      %get3A_295 = tpu.vector_load %arg15[%get3A_293, %get3A_294] {strides = array<i32>} : memref<128x128xf32, #tpu.memory_space<vmem>>, vector<1x16xf32>,
      %get3A_296 = vector.shape_cast %get3A_295 : vector<1x16xf32> to vector<16xf32>
      %get3A_297 = arith.index_cast %scan3A_274 : i32 to index
      %get3A_298 = arith.constant 32 : index
      %get3A_299 = tpu.vector_load %arg13[%get3A_297, %get3A_298] {strides = array<i32>} : memref<128x128xf32, #tpu.memory_space<vmem>>, vector<1x16xf32>,
      %get3A_300 = vector.shape_cast %get3A_299 : vector<1x16xf32> to vector<16xf32>
      %mul3A_301 = arith.mulf %get3A_296, %get3A_300 : vector<16xf32>
      %add3A_302 = arith.addf %add3A_292, %mul3A_301 : vector<16xf32>
      %get3A_303 = arith.index_cast %scan3A_274 : i32 to index
      %get3A_304 = arith.constant 48 : index
      %get3A_305 = tpu.vector_load %arg15[%get3A_303, %get3A_304] {strides = array<i32>} : memref<128x128xf32, #tpu.memory_space<vmem>>, vector<1x16xf32>,
      %get3A_306 = vector.shape_cast %get3A_305 : vector<1x16xf32> to vector<16xf32>
      %get3A_307 = arith.index_cast %scan3A_274 : i32 to index
      %get3A_308 = arith.constant 48 : index
      %get3A_309 = tpu.vector_load %arg13[%get3A_307, %get3A_308] {strides = array<i32>} : memref<128x128xf32, #tpu.memory_space<vmem>>, vector<1x16xf32>,
      %get3A_310 = vector.shape_cast %get3A_309 : vector<1x16xf32> to vector<16xf32>
      %mul3A_311 = arith.mulf %get3A_306, %get3A_310 : vector<16xf32>
      %add3A_312 = arith.addf %add3A_302, %mul3A_311 : vector<16xf32>
      %get3A_313 = arith.index_cast %scan3A_274 : i32 to index
      %get3A_314 = arith.constant 64 : index
      %get3A_315 = tpu.vector_load %arg15[%get3A_313, %get3A_314] {strides = array<i32>} : memref<128x128xf32, #tpu.memory_space<vmem>>, vector<1x16xf32>,
      %get3A_316 = vector.shape_cast %get3A_315 : vector<1x16xf32> to vector<16xf32>
      %get3A_317 = arith.index_cast %scan3A_274 : i32 to index
      %get3A_318 = arith.constant 64 : index
      %get3A_319 = tpu.vector_load %arg13[%get3A_317, %get3A_318] {strides = array<i32>} : memref<128x128xf32, #tpu.memory_space<vmem>>, vector<1x16xf32>,
      %get3A_320 = vector.shape_cast %get3A_319 : vector<1x16xf32> to vector<16xf32>
      %mul3A_321 = arith.mulf %get3A_316, %get3A_320 : vector<16xf32>
      %add3A_322 = arith.addf %add3A_312, %mul3A_321 : vector<16xf32>
      %get3A_323 = arith.index_cast %scan3A_274 : i32 to index
      %get3A_324 = arith.constant 80 : index
      %get3A_325 = tpu.vector_load %arg15[%get3A_323, %get3A_324] {strides = array<i32>} : memref<128x128xf32, #tpu.memory_space<vmem>>, vector<1x16xf32>,
      %get3A_326 = vector.shape_cast %get3A_325 : vector<1x16xf32> to vector<16xf32>
      %get3A_327 = arith.index_cast %scan3A_274 : i32 to index
      %get3A_328 = arith.constant 80 : index
      %get3A_329 = tpu.vector_load %arg13[%get3A_327, %get3A_328] {strides = array<i32>} : memref<128x128xf32, #tpu.memory_space<vmem>>, vector<1x16xf32>,
      %get3A_330 = vector.shape_cast %get3A_329 : vector<1x16xf32> to vector<16xf32>
      %mul3A_331 = arith.mulf %get3A_326, %get3A_330 : vector<16xf32>
      %add3A_332 = arith.addf %add3A_322, %mul3A_331 : vector<16xf32>
      %get3A_333 = arith.index_cast %scan3A_274 : i32 to index
      %get3A_334 = arith.constant 96 : index
      %get3A_335 = tpu.vector_load %arg15[%get3A_333, %get3A_334] {strides = array<i32>} : memref<128x128xf32, #tpu.memory_space<vmem>>, vector<1x16xf32>,
      %get3A_336 = vector.shape_cast %get3A_335 : vector<1x16xf32> to vector<16xf32>
      %get3A_337 = arith.index_cast %scan3A_274 : i32 to index
      %get3A_338 = arith.constant 96 : index
      %get3A_339 = tpu.vector_load %arg13[%get3A_337, %get3A_338] {strides = array<i32>} : memref<128x128xf32, #tpu.memory_space<vmem>>, vector<1x16xf32>,
      %get3A_340 = vector.shape_cast %get3A_339 : vector<1x16xf32> to vector<16xf32>
      %mul3A_341 = arith.mulf %get3A_336, %get3A_340 : vector<16xf32>
      %add3A_342 = arith.addf %add3A_332, %mul3A_341 : vector<16xf32>
      %get3A_343 = arith.index_cast %scan3A_274 : i32 to index
      %get3A_344 = arith.constant 112 : index
      %get3A_345 = tpu.vector_load %arg15[%get3A_343, %get3A_344] {strides = array<i32>} : memref<128x128xf32, #tpu.memory_space<vmem>>, vector<1x16xf32>,
      %get3A_346 = vector.shape_cast %get3A_345 : vector<1x16xf32> to vector<16xf32>
      %get3A_347 = arith.index_cast %scan3A_274 : i32 to index
      %get3A_348 = arith.constant 112 : index
      %get3A_349 = tpu.vector_load %arg13[%get3A_347, %get3A_348] {strides = array<i32>} : memref<128x128xf32, #tpu.memory_space<vmem>>, vector<1x16xf32>,
      %get3A_350 = vector.shape_cast %get3A_349 : vector<1x16xf32> to vector<16xf32>
      %mul3A_351 = arith.mulf %get3A_346, %get3A_350 : vector<16xf32>
      %add3A_352 = arith.addf %add3A_342, %mul3A_351 : vector<16xf32>
      %xor3A = arith.constant 8 : i32
      %xor3A_353 = vector.broadcast %xor3A : i32 to vector<16xi32>
      %xor3A_354 = arith.xori %iota3A, %xor3A_353 : vector<16xi32>
      %broadcast_in_dim3A = vector.shape_cast %xor3A_354 : vector<16xi32> to vector<16x1xi32>
      %gather3A = vector.shape_cast %broadcast_in_dim3A : vector<16x1xi32> to vector<16xi32>
      %gather3A_355 = tpu.dynamic_gather %add3A_352[%gather3A] in [0] : vector<16xf32>, vector<16xi32> -> vector<16xf32>
      %add3A_356 = arith.addf %add3A_352, %gather3A_355 : vector<16xf32>
      %xor3A_357 = arith.constant 4 : i32
      %xor3A_358 = vector.broadcast %xor3A_357 : i32 to vector<16xi32>
      %xor3A_359 = arith.xori %iota3A, %xor3A_358 : vector<16xi32>
      %broadcast_in_dim3A_360 = vector.shape_cast %xor3A_359 : vector<16xi32> to vector<16x1xi32>
      %gather3A_361 = vector.shape_cast %broadcast_in_dim3A_360 : vector<16x1xi32> to vector<16xi32>
      %gather3A_362 = tpu.dynamic_gather %add3A_356[%gather3A_361] in [0] : vector<16xf32>, vector<16xi32> -> vector<16xf32>
      %add3A_363 = arith.addf %add3A_356, %gather3A_362 : vector<16xf32>
      %xor3A_364 = arith.constant 2 : i32
      %xor3A_365 = vector.broadcast %xor3A_364 : i32 to vector<16xi32>
      %xor3A_366 = arith.xori %iota3A, %xor3A_365 : vector<16xi32>
      %broadcast_in_dim3A_367 = vector.shape_cast %xor3A_366 : vector<16xi32> to vector<16x1xi32>
      %gather3A_368 = vector.shape_cast %broadcast_in_dim3A_367 : vector<16x1xi32> to vector<16xi32>
      %gather3A_369 = tpu.dynamic_gather %add3A_363[%gather3A_368] in [0] : vector<16xf32>, vector<16xi32> -> vector<16xf32>
      %add3A_370 = arith.addf %add3A_363, %gather3A_369 : vector<16xf32>
      %xor3A_371 = arith.constant 1 : i32
      %xor3A_372 = vector.broadcast %xor3A_371 : i32 to vector<16xi32>
      %xor3A_373 = arith.xori %iota3A, %xor3A_372 : vector<16xi32>
      %broadcast_in_dim3A_374 = vector.shape_cast %xor3A_373 : vector<16xi32> to vector<16x1xi32>
      %gather3A_375 = vector.shape_cast %broadcast_in_dim3A_374 : vector<16x1xi32> to vector<16xi32>
      %gather3A_376 = tpu.dynamic_gather %add3A_370[%gather3A_375] in [0] : vector<16xf32>, vector<16xi32> -> vector<16xf32>
      %add3A_377 = arith.addf %add3A_370, %gather3A_376 : vector<16xf32>
      %mul3A_378 = arith.constant 1.000000e+00 : f32
      %mul3A_379 = vector.broadcast %mul3A_378 : f32 to vector<16xf32>
      %mul3A_380 = arith.mulf %mul3A_379, %add3A_377 : vector<16xf32>
      %get3A_381 = arith.index_cast %scan3A_274 : i32 to index
      %get3A_382 = arith.constant 0 : index
      %get3A_383 = tpu.vector_load %arg17[%get3A_381, %get3A_382] {strides = array<i32>} : memref<128x16xf32, #tpu.memory_space<vmem>>, vector<1x16xf32>,
      %get3A_384 = vector.shape_cast %get3A_383 : vector<1x16xf32> to vector<16xf32>
      %eq3A = arith.constant 11 : i32
      %eq3A_385 = vector.broadcast %eq3A : i32 to vector<16xi32>
      %eq3A_386 = arith.cmpi eq, %iota3A, %eq3A_385 : vector<16xi32>
      %select_n3A = arith.select %eq3A_386, %mul3A_380, %get3A_384 : vector<16xi1>, vector<16xf32>
      %swap3A = arith.index_cast %scan3A_274 : i32 to index
      %swap3A_387 = arith.constant 0 : index
      %swap3A_388 = tpu.vector_load %arg17[%swap3A, %swap3A_387] {strides = array<i32>} : memref<128x16xf32, #tpu.memory_space<vmem>>, vector<1x16xf32>,
      %swap3A_389 = vector.shape_cast %swap3A_388 : vector<1x16xf32> to vector<16xf32>
      %swap3A_390 = vector.shape_cast %select_n3A : vector<16xf32> to vector<1x16xf32>
      tpu.vector_store %arg17[%swap3A, %swap3A_387], %swap3A_390 {strides = array<i32>} : memref<128x16xf32, #tpu.memory_space<vmem>>, vector<1x16xf32>,
    }
    %scan3A_214 = arith.constant 128 : i32
    %dma_wait3A_215 = arith.constant 1408 : i32
    %dma_wait3A_216 = tpu.memref_slice %arg11[%dma_wait3A_215] : memref<1920xi32, #tpu.memory_space<vmem>> -> memref<128xi32, #tpu.memory_space<vmem>>
    %dma_wait3A_217 = arith.constant 0 : i32
    %dma_wait3A_218 = arith.constant 0 : i32
    %dma_wait3A_219 = tpu.memref_slice %arg2[%dma_wait3A_217, %dma_wait3A_218] : memref<100000x128xf32, #tpu.memory_space<hbm>> -> memref<100000x128xf32, #tpu.memory_space<hbm>>
    tpu.wait_indirect_dma semaphore(%arg22 : memref<!tpu.dma_semaphore, #tpu.memory_space<semaphore_mem>>) src(%dma_wait3A_219 : memref<100000x128xf32, #tpu.memory_space<hbm>>) dst(%arg16 : memref<128x128xf32, #tpu.memory_space<vmem>>)
    %dma_start3A_220 = arith.constant 1536 : i32
    %dma_start3A_221 = tpu.memref_slice %arg11[%dma_start3A_220] : memref<1920xi32, #tpu.memory_space<vmem>> -> memref<128xi32, #tpu.memory_space<vmem>>
    %dma_start3A_222 = arith.constant 0 : i32
    %dma_start3A_223 = arith.constant 0 : i32
    %dma_start3A_224 = tpu.memref_slice %arg2[%dma_start3A_222, %dma_start3A_223] : memref<100000x128xf32, #tpu.memory_space<hbm>> -> memref<100000x128xf32, #tpu.memory_space<hbm>>
    tpu.enqueue_indirect_dma source(%dma_start3A_224 : memref<100000x128xf32, #tpu.memory_space<hbm>>) target(%arg15 : memref<128x128xf32, #tpu.memory_space<vmem>>) offsets(%dma_start3A_221 : memref<128xi32, #tpu.memory_space<vmem>>) semaphore(%arg21 : memref<!tpu.dma_semaphore, #tpu.memory_space<semaphore_mem>>)
    %scan3A_225 = arith.constant 0 : i32
    %scan3A_226 = arith.constant 0 : i32
    %scan3A_227 = arith.constant 128 : i32
    %scan3A_228 = arith.addi %scan3A_226, %scan3A_227 : i32
    %scan3A_229 = arith.constant 1 : i32
    scf.for %scan3A_274 = %scan3A_226 to %scan3A_228 step %scan3A_229  : i32 {
      %get3A = arith.index_cast %scan3A_274 : i32 to index
      %get3A_275 = arith.constant 0 : index
      %get3A_276 = tpu.vector_load %arg16[%get3A, %get3A_275] {strides = array<i32>} : memref<128x128xf32, #tpu.memory_space<vmem>>, vector<1x16xf32>,
      %get3A_277 = vector.shape_cast %get3A_276 : vector<1x16xf32> to vector<16xf32>
      %get3A_278 = arith.index_cast %scan3A_274 : i32 to index
      %get3A_279 = arith.constant 0 : index
      %get3A_280 = tpu.vector_load %arg13[%get3A_278, %get3A_279] {strides = array<i32>} : memref<128x128xf32, #tpu.memory_space<vmem>>, vector<1x16xf32>,
      %get3A_281 = vector.shape_cast %get3A_280 : vector<1x16xf32> to vector<16xf32>
      %mul3A_282 = arith.mulf %get3A_277, %get3A_281 : vector<16xf32>
      %get3A_283 = arith.index_cast %scan3A_274 : i32 to index
      %get3A_284 = arith.constant 16 : index
      %get3A_285 = tpu.vector_load %arg16[%get3A_283, %get3A_284] {strides = array<i32>} : memref<128x128xf32, #tpu.memory_space<vmem>>, vector<1x16xf32>,
      %get3A_286 = vector.shape_cast %get3A_285 : vector<1x16xf32> to vector<16xf32>
      %get3A_287 = arith.index_cast %scan3A_274 : i32 to index
      %get3A_288 = arith.constant 16 : index
      %get3A_289 = tpu.vector_load %arg13[%get3A_287, %get3A_288] {strides = array<i32>} : memref<128x128xf32, #tpu.memory_space<vmem>>, vector<1x16xf32>,
      %get3A_290 = vector.shape_cast %get3A_289 : vector<1x16xf32> to vector<16xf32>
      %mul3A_291 = arith.mulf %get3A_286, %get3A_290 : vector<16xf32>
      %add3A_292 = arith.addf %mul3A_282, %mul3A_291 : vector<16xf32>
      %get3A_293 = arith.index_cast %scan3A_274 : i32 to index
      %get3A_294 = arith.constant 32 : index
      %get3A_295 = tpu.vector_load %arg16[%get3A_293, %get3A_294] {strides = array<i32>} : memref<128x128xf32, #tpu.memory_space<vmem>>, vector<1x16xf32>,
      %get3A_296 = vector.shape_cast %get3A_295 : vector<1x16xf32> to vector<16xf32>
      %get3A_297 = arith.index_cast %scan3A_274 : i32 to index
      %get3A_298 = arith.constant 32 : index
      %get3A_299 = tpu.vector_load %arg13[%get3A_297, %get3A_298] {strides = array<i32>} : memref<128x128xf32, #tpu.memory_space<vmem>>, vector<1x16xf32>,
      %get3A_300 = vector.shape_cast %get3A_299 : vector<1x16xf32> to vector<16xf32>
      %mul3A_301 = arith.mulf %get3A_296, %get3A_300 : vector<16xf32>
      %add3A_302 = arith.addf %add3A_292, %mul3A_301 : vector<16xf32>
      %get3A_303 = arith.index_cast %scan3A_274 : i32 to index
      %get3A_304 = arith.constant 48 : index
      %get3A_305 = tpu.vector_load %arg16[%get3A_303, %get3A_304] {strides = array<i32>} : memref<128x128xf32, #tpu.memory_space<vmem>>, vector<1x16xf32>,
      %get3A_306 = vector.shape_cast %get3A_305 : vector<1x16xf32> to vector<16xf32>
      %get3A_307 = arith.index_cast %scan3A_274 : i32 to index
      %get3A_308 = arith.constant 48 : index
      %get3A_309 = tpu.vector_load %arg13[%get3A_307, %get3A_308] {strides = array<i32>} : memref<128x128xf32, #tpu.memory_space<vmem>>, vector<1x16xf32>,
      %get3A_310 = vector.shape_cast %get3A_309 : vector<1x16xf32> to vector<16xf32>
      %mul3A_311 = arith.mulf %get3A_306, %get3A_310 : vector<16xf32>
      %add3A_312 = arith.addf %add3A_302, %mul3A_311 : vector<16xf32>
      %get3A_313 = arith.index_cast %scan3A_274 : i32 to index
      %get3A_314 = arith.constant 64 : index
      %get3A_315 = tpu.vector_load %arg16[%get3A_313, %get3A_314] {strides = array<i32>} : memref<128x128xf32, #tpu.memory_space<vmem>>, vector<1x16xf32>,
      %get3A_316 = vector.shape_cast %get3A_315 : vector<1x16xf32> to vector<16xf32>
      %get3A_317 = arith.index_cast %scan3A_274 : i32 to index
      %get3A_318 = arith.constant 64 : index
      %get3A_319 = tpu.vector_load %arg13[%get3A_317, %get3A_318] {strides = array<i32>} : memref<128x128xf32, #tpu.memory_space<vmem>>, vector<1x16xf32>,
      %get3A_320 = vector.shape_cast %get3A_319 : vector<1x16xf32> to vector<16xf32>
      %mul3A_321 = arith.mulf %get3A_316, %get3A_320 : vector<16xf32>
      %add3A_322 = arith.addf %add3A_312, %mul3A_321 : vector<16xf32>
      %get3A_323 = arith.index_cast %scan3A_274 : i32 to index
      %get3A_324 = arith.constant 80 : index
      %get3A_325 = tpu.vector_load %arg16[%get3A_323, %get3A_324] {strides = array<i32>} : memref<128x128xf32, #tpu.memory_space<vmem>>, vector<1x16xf32>,
      %get3A_326 = vector.shape_cast %get3A_325 : vector<1x16xf32> to vector<16xf32>
      %get3A_327 = arith.index_cast %scan3A_274 : i32 to index
      %get3A_328 = arith.constant 80 : index
      %get3A_329 = tpu.vector_load %arg13[%get3A_327, %get3A_328] {strides = array<i32>} : memref<128x128xf32, #tpu.memory_space<vmem>>, vector<1x16xf32>,
      %get3A_330 = vector.shape_cast %get3A_329 : vector<1x16xf32> to vector<16xf32>
      %mul3A_331 = arith.mulf %get3A_326, %get3A_330 : vector<16xf32>
      %add3A_332 = arith.addf %add3A_322, %mul3A_331 : vector<16xf32>
      %get3A_333 = arith.index_cast %scan3A_274 : i32 to index
      %get3A_334 = arith.constant 96 : index
      %get3A_335 = tpu.vector_load %arg16[%get3A_333, %get3A_334] {strides = array<i32>} : memref<128x128xf32, #tpu.memory_space<vmem>>, vector<1x16xf32>,
      %get3A_336 = vector.shape_cast %get3A_335 : vector<1x16xf32> to vector<16xf32>
      %get3A_337 = arith.index_cast %scan3A_274 : i32 to index
      %get3A_338 = arith.constant 96 : index
      %get3A_339 = tpu.vector_load %arg13[%get3A_337, %get3A_338] {strides = array<i32>} : memref<128x128xf32, #tpu.memory_space<vmem>>, vector<1x16xf32>,
      %get3A_340 = vector.shape_cast %get3A_339 : vector<1x16xf32> to vector<16xf32>
      %mul3A_341 = arith.mulf %get3A_336, %get3A_340 : vector<16xf32>
      %add3A_342 = arith.addf %add3A_332, %mul3A_341 : vector<16xf32>
      %get3A_343 = arith.index_cast %scan3A_274 : i32 to index
      %get3A_344 = arith.constant 112 : index
      %get3A_345 = tpu.vector_load %arg16[%get3A_343, %get3A_344] {strides = array<i32>} : memref<128x128xf32, #tpu.memory_space<vmem>>, vector<1x16xf32>,
      %get3A_346 = vector.shape_cast %get3A_345 : vector<1x16xf32> to vector<16xf32>
      %get3A_347 = arith.index_cast %scan3A_274 : i32 to index
      %get3A_348 = arith.constant 112 : index
      %get3A_349 = tpu.vector_load %arg13[%get3A_347, %get3A_348] {strides = array<i32>} : memref<128x128xf32, #tpu.memory_space<vmem>>, vector<1x16xf32>,
      %get3A_350 = vector.shape_cast %get3A_349 : vector<1x16xf32> to vector<16xf32>
      %mul3A_351 = arith.mulf %get3A_346, %get3A_350 : vector<16xf32>
      %add3A_352 = arith.addf %add3A_342, %mul3A_351 : vector<16xf32>
      %xor3A = arith.constant 8 : i32
      %xor3A_353 = vector.broadcast %xor3A : i32 to vector<16xi32>
      %xor3A_354 = arith.xori %iota3A, %xor3A_353 : vector<16xi32>
      %broadcast_in_dim3A = vector.shape_cast %xor3A_354 : vector<16xi32> to vector<16x1xi32>
      %gather3A = vector.shape_cast %broadcast_in_dim3A : vector<16x1xi32> to vector<16xi32>
      %gather3A_355 = tpu.dynamic_gather %add3A_352[%gather3A] in [0] : vector<16xf32>, vector<16xi32> -> vector<16xf32>
      %add3A_356 = arith.addf %add3A_352, %gather3A_355 : vector<16xf32>
      %xor3A_357 = arith.constant 4 : i32
      %xor3A_358 = vector.broadcast %xor3A_357 : i32 to vector<16xi32>
      %xor3A_359 = arith.xori %iota3A, %xor3A_358 : vector<16xi32>
      %broadcast_in_dim3A_360 = vector.shape_cast %xor3A_359 : vector<16xi32> to vector<16x1xi32>
      %gather3A_361 = vector.shape_cast %broadcast_in_dim3A_360 : vector<16x1xi32> to vector<16xi32>
      %gather3A_362 = tpu.dynamic_gather %add3A_356[%gather3A_361] in [0] : vector<16xf32>, vector<16xi32> -> vector<16xf32>
      %add3A_363 = arith.addf %add3A_356, %gather3A_362 : vector<16xf32>
      %xor3A_364 = arith.constant 2 : i32
      %xor3A_365 = vector.broadcast %xor3A_364 : i32 to vector<16xi32>
      %xor3A_366 = arith.xori %iota3A, %xor3A_365 : vector<16xi32>
      %broadcast_in_dim3A_367 = vector.shape_cast %xor3A_366 : vector<16xi32> to vector<16x1xi32>
      %gather3A_368 = vector.shape_cast %broadcast_in_dim3A_367 : vector<16x1xi32> to vector<16xi32>
      %gather3A_369 = tpu.dynamic_gather %add3A_363[%gather3A_368] in [0] : vector<16xf32>, vector<16xi32> -> vector<16xf32>
      %add3A_370 = arith.addf %add3A_363, %gather3A_369 : vector<16xf32>
      %xor3A_371 = arith.constant 1 : i32
      %xor3A_372 = vector.broadcast %xor3A_371 : i32 to vector<16xi32>
      %xor3A_373 = arith.xori %iota3A, %xor3A_372 : vector<16xi32>
      %broadcast_in_dim3A_374 = vector.shape_cast %xor3A_373 : vector<16xi32> to vector<16x1xi32>
      %gather3A_375 = vector.shape_cast %broadcast_in_dim3A_374 : vector<16x1xi32> to vector<16xi32>
      %gather3A_376 = tpu.dynamic_gather %add3A_370[%gather3A_375] in [0] : vector<16xf32>, vector<16xi32> -> vector<16xf32>
      %add3A_377 = arith.addf %add3A_370, %gather3A_376 : vector<16xf32>
      %mul3A_378 = arith.constant 1.000000e+00 : f32
      %mul3A_379 = vector.broadcast %mul3A_378 : f32 to vector<16xf32>
      %mul3A_380 = arith.mulf %mul3A_379, %add3A_377 : vector<16xf32>
      %get3A_381 = arith.index_cast %scan3A_274 : i32 to index
      %get3A_382 = arith.constant 0 : index
      %get3A_383 = tpu.vector_load %arg17[%get3A_381, %get3A_382] {strides = array<i32>} : memref<128x16xf32, #tpu.memory_space<vmem>>, vector<1x16xf32>,
      %get3A_384 = vector.shape_cast %get3A_383 : vector<1x16xf32> to vector<16xf32>
      %eq3A = arith.constant 12 : i32
      %eq3A_385 = vector.broadcast %eq3A : i32 to vector<16xi32>
      %eq3A_386 = arith.cmpi eq, %iota3A, %eq3A_385 : vector<16xi32>
      %select_n3A = arith.select %eq3A_386, %mul3A_380, %get3A_384 : vector<16xi1>, vector<16xf32>
      %swap3A = arith.index_cast %scan3A_274 : i32 to index
      %swap3A_387 = arith.constant 0 : index
      %swap3A_388 = tpu.vector_load %arg17[%swap3A, %swap3A_387] {strides = array<i32>} : memref<128x16xf32, #tpu.memory_space<vmem>>, vector<1x16xf32>,
      %swap3A_389 = vector.shape_cast %swap3A_388 : vector<1x16xf32> to vector<16xf32>
      %swap3A_390 = vector.shape_cast %select_n3A : vector<16xf32> to vector<1x16xf32>
      tpu.vector_store %arg17[%swap3A, %swap3A_387], %swap3A_390 {strides = array<i32>} : memref<128x16xf32, #tpu.memory_space<vmem>>, vector<1x16xf32>,
    }
    %scan3A_230 = arith.constant 128 : i32
    %dma_wait3A_231 = arith.constant 1536 : i32
    %dma_wait3A_232 = tpu.memref_slice %arg11[%dma_wait3A_231] : memref<1920xi32, #tpu.memory_space<vmem>> -> memref<128xi32, #tpu.memory_space<vmem>>
    %dma_wait3A_233 = arith.constant 0 : i32
    %dma_wait3A_234 = arith.constant 0 : i32
    %dma_wait3A_235 = tpu.memref_slice %arg2[%dma_wait3A_233, %dma_wait3A_234] : memref<100000x128xf32, #tpu.memory_space<hbm>> -> memref<100000x128xf32, #tpu.memory_space<hbm>>
    tpu.wait_indirect_dma semaphore(%arg21 : memref<!tpu.dma_semaphore, #tpu.memory_space<semaphore_mem>>) src(%dma_wait3A_235 : memref<100000x128xf32, #tpu.memory_space<hbm>>) dst(%arg15 : memref<128x128xf32, #tpu.memory_space<vmem>>)
    %dma_start3A_236 = arith.constant 1664 : i32
    %dma_start3A_237 = tpu.memref_slice %arg11[%dma_start3A_236] : memref<1920xi32, #tpu.memory_space<vmem>> -> memref<128xi32, #tpu.memory_space<vmem>>
    %dma_start3A_238 = arith.constant 0 : i32
    %dma_start3A_239 = arith.constant 0 : i32
    %dma_start3A_240 = tpu.memref_slice %arg2[%dma_start3A_238, %dma_start3A_239] : memref<100000x128xf32, #tpu.memory_space<hbm>> -> memref<100000x128xf32, #tpu.memory_space<hbm>>
    tpu.enqueue_indirect_dma source(%dma_start3A_240 : memref<100000x128xf32, #tpu.memory_space<hbm>>) target(%arg16 : memref<128x128xf32, #tpu.memory_space<vmem>>) offsets(%dma_start3A_237 : memref<128xi32, #tpu.memory_space<vmem>>) semaphore(%arg22 : memref<!tpu.dma_semaphore, #tpu.memory_space<semaphore_mem>>)
    %scan3A_241 = arith.constant 0 : i32
    %scan3A_242 = arith.constant 0 : i32
    %scan3A_243 = arith.constant 128 : i32
    %scan3A_244 = arith.addi %scan3A_242, %scan3A_243 : i32
    %scan3A_245 = arith.constant 1 : i32
    scf.for %scan3A_274 = %scan3A_242 to %scan3A_244 step %scan3A_245  : i32 {
      %get3A = arith.index_cast %scan3A_274 : i32 to index
      %get3A_275 = arith.constant 0 : index
      %get3A_276 = tpu.vector_load %arg15[%get3A, %get3A_275] {strides = array<i32>} : memref<128x128xf32, #tpu.memory_space<vmem>>, vector<1x16xf32>,
      %get3A_277 = vector.shape_cast %get3A_276 : vector<1x16xf32> to vector<16xf32>
      %get3A_278 = arith.index_cast %scan3A_274 : i32 to index
      %get3A_279 = arith.constant 0 : index
      %get3A_280 = tpu.vector_load %arg13[%get3A_278, %get3A_279] {strides = array<i32>} : memref<128x128xf32, #tpu.memory_space<vmem>>, vector<1x16xf32>,
      %get3A_281 = vector.shape_cast %get3A_280 : vector<1x16xf32> to vector<16xf32>
      %mul3A_282 = arith.mulf %get3A_277, %get3A_281 : vector<16xf32>
      %get3A_283 = arith.index_cast %scan3A_274 : i32 to index
      %get3A_284 = arith.constant 16 : index
      %get3A_285 = tpu.vector_load %arg15[%get3A_283, %get3A_284] {strides = array<i32>} : memref<128x128xf32, #tpu.memory_space<vmem>>, vector<1x16xf32>,
      %get3A_286 = vector.shape_cast %get3A_285 : vector<1x16xf32> to vector<16xf32>
      %get3A_287 = arith.index_cast %scan3A_274 : i32 to index
      %get3A_288 = arith.constant 16 : index
      %get3A_289 = tpu.vector_load %arg13[%get3A_287, %get3A_288] {strides = array<i32>} : memref<128x128xf32, #tpu.memory_space<vmem>>, vector<1x16xf32>,
      %get3A_290 = vector.shape_cast %get3A_289 : vector<1x16xf32> to vector<16xf32>
      %mul3A_291 = arith.mulf %get3A_286, %get3A_290 : vector<16xf32>
      %add3A_292 = arith.addf %mul3A_282, %mul3A_291 : vector<16xf32>
      %get3A_293 = arith.index_cast %scan3A_274 : i32 to index
      %get3A_294 = arith.constant 32 : index
      %get3A_295 = tpu.vector_load %arg15[%get3A_293, %get3A_294] {strides = array<i32>} : memref<128x128xf32, #tpu.memory_space<vmem>>, vector<1x16xf32>,
      %get3A_296 = vector.shape_cast %get3A_295 : vector<1x16xf32> to vector<16xf32>
      %get3A_297 = arith.index_cast %scan3A_274 : i32 to index
      %get3A_298 = arith.constant 32 : index
      %get3A_299 = tpu.vector_load %arg13[%get3A_297, %get3A_298] {strides = array<i32>} : memref<128x128xf32, #tpu.memory_space<vmem>>, vector<1x16xf32>,
      %get3A_300 = vector.shape_cast %get3A_299 : vector<1x16xf32> to vector<16xf32>
      %mul3A_301 = arith.mulf %get3A_296, %get3A_300 : vector<16xf32>
      %add3A_302 = arith.addf %add3A_292, %mul3A_301 : vector<16xf32>
      %get3A_303 = arith.index_cast %scan3A_274 : i32 to index
      %get3A_304 = arith.constant 48 : index
      %get3A_305 = tpu.vector_load %arg15[%get3A_303, %get3A_304] {strides = array<i32>} : memref<128x128xf32, #tpu.memory_space<vmem>>, vector<1x16xf32>,
      %get3A_306 = vector.shape_cast %get3A_305 : vector<1x16xf32> to vector<16xf32>
      %get3A_307 = arith.index_cast %scan3A_274 : i32 to index
      %get3A_308 = arith.constant 48 : index
      %get3A_309 = tpu.vector_load %arg13[%get3A_307, %get3A_308] {strides = array<i32>} : memref<128x128xf32, #tpu.memory_space<vmem>>, vector<1x16xf32>,
      %get3A_310 = vector.shape_cast %get3A_309 : vector<1x16xf32> to vector<16xf32>
      %mul3A_311 = arith.mulf %get3A_306, %get3A_310 : vector<16xf32>
      %add3A_312 = arith.addf %add3A_302, %mul3A_311 : vector<16xf32>
      %get3A_313 = arith.index_cast %scan3A_274 : i32 to index
      %get3A_314 = arith.constant 64 : index
      %get3A_315 = tpu.vector_load %arg15[%get3A_313, %get3A_314] {strides = array<i32>} : memref<128x128xf32, #tpu.memory_space<vmem>>, vector<1x16xf32>,
      %get3A_316 = vector.shape_cast %get3A_315 : vector<1x16xf32> to vector<16xf32>
      %get3A_317 = arith.index_cast %scan3A_274 : i32 to index
      %get3A_318 = arith.constant 64 : index
      %get3A_319 = tpu.vector_load %arg13[%get3A_317, %get3A_318] {strides = array<i32>} : memref<128x128xf32, #tpu.memory_space<vmem>>, vector<1x16xf32>,
      %get3A_320 = vector.shape_cast %get3A_319 : vector<1x16xf32> to vector<16xf32>
      %mul3A_321 = arith.mulf %get3A_316, %get3A_320 : vector<16xf32>
      %add3A_322 = arith.addf %add3A_312, %mul3A_321 : vector<16xf32>
      %get3A_323 = arith.index_cast %scan3A_274 : i32 to index
      %get3A_324 = arith.constant 80 : index
      %get3A_325 = tpu.vector_load %arg15[%get3A_323, %get3A_324] {strides = array<i32>} : memref<128x128xf32, #tpu.memory_space<vmem>>, vector<1x16xf32>,
      %get3A_326 = vector.shape_cast %get3A_325 : vector<1x16xf32> to vector<16xf32>
      %get3A_327 = arith.index_cast %scan3A_274 : i32 to index
      %get3A_328 = arith.constant 80 : index
      %get3A_329 = tpu.vector_load %arg13[%get3A_327, %get3A_328] {strides = array<i32>} : memref<128x128xf32, #tpu.memory_space<vmem>>, vector<1x16xf32>,
      %get3A_330 = vector.shape_cast %get3A_329 : vector<1x16xf32> to vector<16xf32>
      %mul3A_331 = arith.mulf %get3A_326, %get3A_330 : vector<16xf32>
      %add3A_332 = arith.addf %add3A_322, %mul3A_331 : vector<16xf32>
      %get3A_333 = arith.index_cast %scan3A_274 : i32 to index
      %get3A_334 = arith.constant 96 : index
      %get3A_335 = tpu.vector_load %arg15[%get3A_333, %get3A_334] {strides = array<i32>} : memref<128x128xf32, #tpu.memory_space<vmem>>, vector<1x16xf32>,
      %get3A_336 = vector.shape_cast %get3A_335 : vector<1x16xf32> to vector<16xf32>
      %get3A_337 = arith.index_cast %scan3A_274 : i32 to index
      %get3A_338 = arith.constant 96 : index
      %get3A_339 = tpu.vector_load %arg13[%get3A_337, %get3A_338] {strides = array<i32>} : memref<128x128xf32, #tpu.memory_space<vmem>>, vector<1x16xf32>,
      %get3A_340 = vector.shape_cast %get3A_339 : vector<1x16xf32> to vector<16xf32>
      %mul3A_341 = arith.mulf %get3A_336, %get3A_340 : vector<16xf32>
      %add3A_342 = arith.addf %add3A_332, %mul3A_341 : vector<16xf32>
      %get3A_343 = arith.index_cast %scan3A_274 : i32 to index
      %get3A_344 = arith.constant 112 : index
      %get3A_345 = tpu.vector_load %arg15[%get3A_343, %get3A_344] {strides = array<i32>} : memref<128x128xf32, #tpu.memory_space<vmem>>, vector<1x16xf32>,
      %get3A_346 = vector.shape_cast %get3A_345 : vector<1x16xf32> to vector<16xf32>
      %get3A_347 = arith.index_cast %scan3A_274 : i32 to index
      %get3A_348 = arith.constant 112 : index
      %get3A_349 = tpu.vector_load %arg13[%get3A_347, %get3A_348] {strides = array<i32>} : memref<128x128xf32, #tpu.memory_space<vmem>>, vector<1x16xf32>,
      %get3A_350 = vector.shape_cast %get3A_349 : vector<1x16xf32> to vector<16xf32>
      %mul3A_351 = arith.mulf %get3A_346, %get3A_350 : vector<16xf32>
      %add3A_352 = arith.addf %add3A_342, %mul3A_351 : vector<16xf32>
      %xor3A = arith.constant 8 : i32
      %xor3A_353 = vector.broadcast %xor3A : i32 to vector<16xi32>
      %xor3A_354 = arith.xori %iota3A, %xor3A_353 : vector<16xi32>
      %broadcast_in_dim3A = vector.shape_cast %xor3A_354 : vector<16xi32> to vector<16x1xi32>
      %gather3A = vector.shape_cast %broadcast_in_dim3A : vector<16x1xi32> to vector<16xi32>
      %gather3A_355 = tpu.dynamic_gather %add3A_352[%gather3A] in [0] : vector<16xf32>, vector<16xi32> -> vector<16xf32>
      %add3A_356 = arith.addf %add3A_352, %gather3A_355 : vector<16xf32>
      %xor3A_357 = arith.constant 4 : i32
      %xor3A_358 = vector.broadcast %xor3A_357 : i32 to vector<16xi32>
      %xor3A_359 = arith.xori %iota3A, %xor3A_358 : vector<16xi32>
      %broadcast_in_dim3A_360 = vector.shape_cast %xor3A_359 : vector<16xi32> to vector<16x1xi32>
      %gather3A_361 = vector.shape_cast %broadcast_in_dim3A_360 : vector<16x1xi32> to vector<16xi32>
      %gather3A_362 = tpu.dynamic_gather %add3A_356[%gather3A_361] in [0] : vector<16xf32>, vector<16xi32> -> vector<16xf32>
      %add3A_363 = arith.addf %add3A_356, %gather3A_362 : vector<16xf32>
      %xor3A_364 = arith.constant 2 : i32
      %xor3A_365 = vector.broadcast %xor3A_364 : i32 to vector<16xi32>
      %xor3A_366 = arith.xori %iota3A, %xor3A_365 : vector<16xi32>
      %broadcast_in_dim3A_367 = vector.shape_cast %xor3A_366 : vector<16xi32> to vector<16x1xi32>
      %gather3A_368 = vector.shape_cast %broadcast_in_dim3A_367 : vector<16x1xi32> to vector<16xi32>
      %gather3A_369 = tpu.dynamic_gather %add3A_363[%gather3A_368] in [0] : vector<16xf32>, vector<16xi32> -> vector<16xf32>
      %add3A_370 = arith.addf %add3A_363, %gather3A_369 : vector<16xf32>
      %xor3A_371 = arith.constant 1 : i32
      %xor3A_372 = vector.broadcast %xor3A_371 : i32 to vector<16xi32>
      %xor3A_373 = arith.xori %iota3A, %xor3A_372 : vector<16xi32>
      %broadcast_in_dim3A_374 = vector.shape_cast %xor3A_373 : vector<16xi32> to vector<16x1xi32>
      %gather3A_375 = vector.shape_cast %broadcast_in_dim3A_374 : vector<16x1xi32> to vector<16xi32>
      %gather3A_376 = tpu.dynamic_gather %add3A_370[%gather3A_375] in [0] : vector<16xf32>, vector<16xi32> -> vector<16xf32>
      %add3A_377 = arith.addf %add3A_370, %gather3A_376 : vector<16xf32>
      %mul3A_378 = arith.constant 1.000000e+00 : f32
      %mul3A_379 = vector.broadcast %mul3A_378 : f32 to vector<16xf32>
      %mul3A_380 = arith.mulf %mul3A_379, %add3A_377 : vector<16xf32>
      %get3A_381 = arith.index_cast %scan3A_274 : i32 to index
      %get3A_382 = arith.constant 0 : index
      %get3A_383 = tpu.vector_load %arg17[%get3A_381, %get3A_382] {strides = array<i32>} : memref<128x16xf32, #tpu.memory_space<vmem>>, vector<1x16xf32>,
      %get3A_384 = vector.shape_cast %get3A_383 : vector<1x16xf32> to vector<16xf32>
      %eq3A = arith.constant 13 : i32
      %eq3A_385 = vector.broadcast %eq3A : i32 to vector<16xi32>
      %eq3A_386 = arith.cmpi eq, %iota3A, %eq3A_385 : vector<16xi32>
      %select_n3A = arith.select %eq3A_386, %mul3A_380, %get3A_384 : vector<16xi1>, vector<16xf32>
      %swap3A = arith.index_cast %scan3A_274 : i32 to index
      %swap3A_387 = arith.constant 0 : index
      %swap3A_388 = tpu.vector_load %arg17[%swap3A, %swap3A_387] {strides = array<i32>} : memref<128x16xf32, #tpu.memory_space<vmem>>, vector<1x16xf32>,
      %swap3A_389 = vector.shape_cast %swap3A_388 : vector<1x16xf32> to vector<16xf32>
      %swap3A_390 = vector.shape_cast %select_n3A : vector<16xf32> to vector<1x16xf32>
      tpu.vector_store %arg17[%swap3A, %swap3A_387], %swap3A_390 {strides = array<i32>} : memref<128x16xf32, #tpu.memory_space<vmem>>, vector<1x16xf32>,
    }
    %scan3A_246 = arith.constant 128 : i32
    %dma_wait3A_247 = arith.constant 1664 : i32
    %dma_wait3A_248 = tpu.memref_slice %arg11[%dma_wait3A_247] : memref<1920xi32, #tpu.memory_space<vmem>> -> memref<128xi32, #tpu.memory_space<vmem>>
    %dma_wait3A_249 = arith.constant 0 : i32
    %dma_wait3A_250 = arith.constant 0 : i32
    %dma_wait3A_251 = tpu.memref_slice %arg2[%dma_wait3A_249, %dma_wait3A_250] : memref<100000x128xf32, #tpu.memory_space<hbm>> -> memref<100000x128xf32, #tpu.memory_space<hbm>>
    tpu.wait_indirect_dma semaphore(%arg22 : memref<!tpu.dma_semaphore, #tpu.memory_space<semaphore_mem>>) src(%dma_wait3A_251 : memref<100000x128xf32, #tpu.memory_space<hbm>>) dst(%arg16 : memref<128x128xf32, #tpu.memory_space<vmem>>)
    %dma_start3A_252 = arith.constant 1792 : i32
    %dma_start3A_253 = tpu.memref_slice %arg11[%dma_start3A_252] : memref<1920xi32, #tpu.memory_space<vmem>> -> memref<128xi32, #tpu.memory_space<vmem>>
    %dma_start3A_254 = arith.constant 0 : i32
    %dma_start3A_255 = arith.constant 0 : i32
    %dma_start3A_256 = tpu.memref_slice %arg2[%dma_start3A_254, %dma_start3A_255] : memref<100000x128xf32, #tpu.memory_space<hbm>> -> memref<100000x128xf32, #tpu.memory_space<hbm>>
    tpu.enqueue_indirect_dma source(%dma_start3A_256 : memref<100000x128xf32, #tpu.memory_space<hbm>>) target(%arg15 : memref<128x128xf32, #tpu.memory_space<vmem>>) offsets(%dma_start3A_253 : memref<128xi32, #tpu.memory_space<vmem>>) semaphore(%arg21 : memref<!tpu.dma_semaphore, #tpu.memory_space<semaphore_mem>>)
    %scan3A_257 = arith.constant 0 : i32
    %scan3A_258 = arith.constant 0 : i32
    %scan3A_259 = arith.constant 128 : i32
    %scan3A_260 = arith.addi %scan3A_258, %scan3A_259 : i32
    %scan3A_261 = arith.constant 1 : i32
    scf.for %scan3A_274 = %scan3A_258 to %scan3A_260 step %scan3A_261  : i32 {
      %get3A = arith.index_cast %scan3A_274 : i32 to index
      %get3A_275 = arith.constant 0 : index
      %get3A_276 = tpu.vector_load %arg16[%get3A, %get3A_275] {strides = array<i32>} : memref<128x128xf32, #tpu.memory_space<vmem>>, vector<1x16xf32>,
      %get3A_277 = vector.shape_cast %get3A_276 : vector<1x16xf32> to vector<16xf32>
      %get3A_278 = arith.index_cast %scan3A_274 : i32 to index
      %get3A_279 = arith.constant 0 : index
      %get3A_280 = tpu.vector_load %arg13[%get3A_278, %get3A_279] {strides = array<i32>} : memref<128x128xf32, #tpu.memory_space<vmem>>, vector<1x16xf32>,
      %get3A_281 = vector.shape_cast %get3A_280 : vector<1x16xf32> to vector<16xf32>
      %mul3A_282 = arith.mulf %get3A_277, %get3A_281 : vector<16xf32>
      %get3A_283 = arith.index_cast %scan3A_274 : i32 to index
      %get3A_284 = arith.constant 16 : index
      %get3A_285 = tpu.vector_load %arg16[%get3A_283, %get3A_284] {strides = array<i32>} : memref<128x128xf32, #tpu.memory_space<vmem>>, vector<1x16xf32>,
      %get3A_286 = vector.shape_cast %get3A_285 : vector<1x16xf32> to vector<16xf32>
      %get3A_287 = arith.index_cast %scan3A_274 : i32 to index
      %get3A_288 = arith.constant 16 : index
      %get3A_289 = tpu.vector_load %arg13[%get3A_287, %get3A_288] {strides = array<i32>} : memref<128x128xf32, #tpu.memory_space<vmem>>, vector<1x16xf32>,
      %get3A_290 = vector.shape_cast %get3A_289 : vector<1x16xf32> to vector<16xf32>
      %mul3A_291 = arith.mulf %get3A_286, %get3A_290 : vector<16xf32>
      %add3A_292 = arith.addf %mul3A_282, %mul3A_291 : vector<16xf32>
      %get3A_293 = arith.index_cast %scan3A_274 : i32 to index
      %get3A_294 = arith.constant 32 : index
      %get3A_295 = tpu.vector_load %arg16[%get3A_293, %get3A_294] {strides = array<i32>} : memref<128x128xf32, #tpu.memory_space<vmem>>, vector<1x16xf32>,
      %get3A_296 = vector.shape_cast %get3A_295 : vector<1x16xf32> to vector<16xf32>
      %get3A_297 = arith.index_cast %scan3A_274 : i32 to index
      %get3A_298 = arith.constant 32 : index
      %get3A_299 = tpu.vector_load %arg13[%get3A_297, %get3A_298] {strides = array<i32>} : memref<128x128xf32, #tpu.memory_space<vmem>>, vector<1x16xf32>,
      %get3A_300 = vector.shape_cast %get3A_299 : vector<1x16xf32> to vector<16xf32>
      %mul3A_301 = arith.mulf %get3A_296, %get3A_300 : vector<16xf32>
      %add3A_302 = arith.addf %add3A_292, %mul3A_301 : vector<16xf32>
      %get3A_303 = arith.index_cast %scan3A_274 : i32 to index
      %get3A_304 = arith.constant 48 : index
      %get3A_305 = tpu.vector_load %arg16[%get3A_303, %get3A_304] {strides = array<i32>} : memref<128x128xf32, #tpu.memory_space<vmem>>, vector<1x16xf32>,
      %get3A_306 = vector.shape_cast %get3A_305 : vector<1x16xf32> to vector<16xf32>
      %get3A_307 = arith.index_cast %scan3A_274 : i32 to index
      %get3A_308 = arith.constant 48 : index
      %get3A_309 = tpu.vector_load %arg13[%get3A_307, %get3A_308] {strides = array<i32>} : memref<128x128xf32, #tpu.memory_space<vmem>>, vector<1x16xf32>,
      %get3A_310 = vector.shape_cast %get3A_309 : vector<1x16xf32> to vector<16xf32>
      %mul3A_311 = arith.mulf %get3A_306, %get3A_310 : vector<16xf32>
      %add3A_312 = arith.addf %add3A_302, %mul3A_311 : vector<16xf32>
      %get3A_313 = arith.index_cast %scan3A_274 : i32 to index
      %get3A_314 = arith.constant 64 : index
      %get3A_315 = tpu.vector_load %arg16[%get3A_313, %get3A_314] {strides = array<i32>} : memref<128x128xf32, #tpu.memory_space<vmem>>, vector<1x16xf32>,
      %get3A_316 = vector.shape_cast %get3A_315 : vector<1x16xf32> to vector<16xf32>
      %get3A_317 = arith.index_cast %scan3A_274 : i32 to index
      %get3A_318 = arith.constant 64 : index
      %get3A_319 = tpu.vector_load %arg13[%get3A_317, %get3A_318] {strides = array<i32>} : memref<128x128xf32, #tpu.memory_space<vmem>>, vector<1x16xf32>,
      %get3A_320 = vector.shape_cast %get3A_319 : vector<1x16xf32> to vector<16xf32>
      %mul3A_321 = arith.mulf %get3A_316, %get3A_320 : vector<16xf32>
      %add3A_322 = arith.addf %add3A_312, %mul3A_321 : vector<16xf32>
      %get3A_323 = arith.index_cast %scan3A_274 : i32 to index
      %get3A_324 = arith.constant 80 : index
      %get3A_325 = tpu.vector_load %arg16[%get3A_323, %get3A_324] {strides = array<i32>} : memref<128x128xf32, #tpu.memory_space<vmem>>, vector<1x16xf32>,
      %get3A_326 = vector.shape_cast %get3A_325 : vector<1x16xf32> to vector<16xf32>
      %get3A_327 = arith.index_cast %scan3A_274 : i32 to index
      %get3A_328 = arith.constant 80 : index
      %get3A_329 = tpu.vector_load %arg13[%get3A_327, %get3A_328] {strides = array<i32>} : memref<128x128xf32, #tpu.memory_space<vmem>>, vector<1x16xf32>,
      %get3A_330 = vector.shape_cast %get3A_329 : vector<1x16xf32> to vector<16xf32>
      %mul3A_331 = arith.mulf %get3A_326, %get3A_330 : vector<16xf32>
      %add3A_332 = arith.addf %add3A_322, %mul3A_331 : vector<16xf32>
      %get3A_333 = arith.index_cast %scan3A_274 : i32 to index
      %get3A_334 = arith.constant 96 : index
      %get3A_335 = tpu.vector_load %arg16[%get3A_333, %get3A_334] {strides = array<i32>} : memref<128x128xf32, #tpu.memory_space<vmem>>, vector<1x16xf32>,
      %get3A_336 = vector.shape_cast %get3A_335 : vector<1x16xf32> to vector<16xf32>
      %get3A_337 = arith.index_cast %scan3A_274 : i32 to index
      %get3A_338 = arith.constant 96 : index
      %get3A_339 = tpu.vector_load %arg13[%get3A_337, %get3A_338] {strides = array<i32>} : memref<128x128xf32, #tpu.memory_space<vmem>>, vector<1x16xf32>,
      %get3A_340 = vector.shape_cast %get3A_339 : vector<1x16xf32> to vector<16xf32>
      %mul3A_341 = arith.mulf %get3A_336, %get3A_340 : vector<16xf32>
      %add3A_342 = arith.addf %add3A_332, %mul3A_341 : vector<16xf32>
      %get3A_343 = arith.index_cast %scan3A_274 : i32 to index
      %get3A_344 = arith.constant 112 : index
      %get3A_345 = tpu.vector_load %arg16[%get3A_343, %get3A_344] {strides = array<i32>} : memref<128x128xf32, #tpu.memory_space<vmem>>, vector<1x16xf32>,
      %get3A_346 = vector.shape_cast %get3A_345 : vector<1x16xf32> to vector<16xf32>
      %get3A_347 = arith.index_cast %scan3A_274 : i32 to index
      %get3A_348 = arith.constant 112 : index
      %get3A_349 = tpu.vector_load %arg13[%get3A_347, %get3A_348] {strides = array<i32>} : memref<128x128xf32, #tpu.memory_space<vmem>>, vector<1x16xf32>,
      %get3A_350 = vector.shape_cast %get3A_349 : vector<1x16xf32> to vector<16xf32>
      %mul3A_351 = arith.mulf %get3A_346, %get3A_350 : vector<16xf32>
      %add3A_352 = arith.addf %add3A_342, %mul3A_351 : vector<16xf32>
      %xor3A = arith.constant 8 : i32
      %xor3A_353 = vector.broadcast %xor3A : i32 to vector<16xi32>
      %xor3A_354 = arith.xori %iota3A, %xor3A_353 : vector<16xi32>
      %broadcast_in_dim3A = vector.shape_cast %xor3A_354 : vector<16xi32> to vector<16x1xi32>
      %gather3A = vector.shape_cast %broadcast_in_dim3A : vector<16x1xi32> to vector<16xi32>
      %gather3A_355 = tpu.dynamic_gather %add3A_352[%gather3A] in [0] : vector<16xf32>, vector<16xi32> -> vector<16xf32>
      %add3A_356 = arith.addf %add3A_352, %gather3A_355 : vector<16xf32>
      %xor3A_357 = arith.constant 4 : i32
      %xor3A_358 = vector.broadcast %xor3A_357 : i32 to vector<16xi32>
      %xor3A_359 = arith.xori %iota3A, %xor3A_358 : vector<16xi32>
      %broadcast_in_dim3A_360 = vector.shape_cast %xor3A_359 : vector<16xi32> to vector<16x1xi32>
      %gather3A_361 = vector.shape_cast %broadcast_in_dim3A_360 : vector<16x1xi32> to vector<16xi32>
      %gather3A_362 = tpu.dynamic_gather %add3A_356[%gather3A_361] in [0] : vector<16xf32>, vector<16xi32> -> vector<16xf32>
      %add3A_363 = arith.addf %add3A_356, %gather3A_362 : vector<16xf32>
      %xor3A_364 = arith.constant 2 : i32
      %xor3A_365 = vector.broadcast %xor3A_364 : i32 to vector<16xi32>
      %xor3A_366 = arith.xori %iota3A, %xor3A_365 : vector<16xi32>
      %broadcast_in_dim3A_367 = vector.shape_cast %xor3A_366 : vector<16xi32> to vector<16x1xi32>
      %gather3A_368 = vector.shape_cast %broadcast_in_dim3A_367 : vector<16x1xi32> to vector<16xi32>
      %gather3A_369 = tpu.dynamic_gather %add3A_363[%gather3A_368] in [0] : vector<16xf32>, vector<16xi32> -> vector<16xf32>
      %add3A_370 = arith.addf %add3A_363, %gather3A_369 : vector<16xf32>
      %xor3A_371 = arith.constant 1 : i32
      %xor3A_372 = vector.broadcast %xor3A_371 : i32 to vector<16xi32>
      %xor3A_373 = arith.xori %iota3A, %xor3A_372 : vector<16xi32>
      %broadcast_in_dim3A_374 = vector.shape_cast %xor3A_373 : vector<16xi32> to vector<16x1xi32>
      %gather3A_375 = vector.shape_cast %broadcast_in_dim3A_374 : vector<16x1xi32> to vector<16xi32>
      %gather3A_376 = tpu.dynamic_gather %add3A_370[%gather3A_375] in [0] : vector<16xf32>, vector<16xi32> -> vector<16xf32>
      %add3A_377 = arith.addf %add3A_370, %gather3A_376 : vector<16xf32>
      %mul3A_378 = arith.constant 1.000000e+00 : f32
      %mul3A_379 = vector.broadcast %mul3A_378 : f32 to vector<16xf32>
      %mul3A_380 = arith.mulf %mul3A_379, %add3A_377 : vector<16xf32>
      %get3A_381 = arith.index_cast %scan3A_274 : i32 to index
      %get3A_382 = arith.constant 0 : index
      %get3A_383 = tpu.vector_load %arg17[%get3A_381, %get3A_382] {strides = array<i32>} : memref<128x16xf32, #tpu.memory_space<vmem>>, vector<1x16xf32>,
      %get3A_384 = vector.shape_cast %get3A_383 : vector<1x16xf32> to vector<16xf32>
      %eq3A = arith.constant 14 : i32
      %eq3A_385 = vector.broadcast %eq3A : i32 to vector<16xi32>
      %eq3A_386 = arith.cmpi eq, %iota3A, %eq3A_385 : vector<16xi32>
      %select_n3A = arith.select %eq3A_386, %mul3A_380, %get3A_384 : vector<16xi1>, vector<16xf32>
      %swap3A = arith.index_cast %scan3A_274 : i32 to index
      %swap3A_387 = arith.constant 0 : index
      %swap3A_388 = tpu.vector_load %arg17[%swap3A, %swap3A_387] {strides = array<i32>} : memref<128x16xf32, #tpu.memory_space<vmem>>, vector<1x16xf32>,
      %swap3A_389 = vector.shape_cast %swap3A_388 : vector<1x16xf32> to vector<16xf32>
      %swap3A_390 = vector.shape_cast %select_n3A : vector<16xf32> to vector<1x16xf32>
      tpu.vector_store %arg17[%swap3A, %swap3A_387], %swap3A_390 {strides = array<i32>} : memref<128x16xf32, #tpu.memory_space<vmem>>, vector<1x16xf32>,
    }
    %scan3A_262 = arith.constant 128 : i32
    %dma_wait3A_263 = arith.constant 1792 : i32
    %dma_wait3A_264 = tpu.memref_slice %arg11[%dma_wait3A_263] : memref<1920xi32, #tpu.memory_space<vmem>> -> memref<128xi32, #tpu.memory_space<vmem>>
    %dma_wait3A_265 = arith.constant 0 : i32
    %dma_wait3A_266 = arith.constant 0 : i32
    %dma_wait3A_267 = tpu.memref_slice %arg2[%dma_wait3A_265, %dma_wait3A_266] : memref<100000x128xf32, #tpu.memory_space<hbm>> -> memref<100000x128xf32, #tpu.memory_space<hbm>>
    tpu.wait_indirect_dma semaphore(%arg21 : memref<!tpu.dma_semaphore, #tpu.memory_space<semaphore_mem>>) src(%dma_wait3A_267 : memref<100000x128xf32, #tpu.memory_space<hbm>>) dst(%arg15 : memref<128x128xf32, #tpu.memory_space<vmem>>)
    %scan3A_268 = arith.constant 0 : i32
    %scan3A_269 = arith.constant 0 : i32
    %scan3A_270 = arith.constant 128 : i32
    %scan3A_271 = arith.addi %scan3A_269, %scan3A_270 : i32
    %scan3A_272 = arith.constant 1 : i32
    scf.for %scan3A_274 = %scan3A_269 to %scan3A_271 step %scan3A_272  : i32 {
      %get3A = arith.index_cast %scan3A_274 : i32 to index
      %get3A_275 = arith.constant 0 : index
      %get3A_276 = tpu.vector_load %arg15[%get3A, %get3A_275] {strides = array<i32>} : memref<128x128xf32, #tpu.memory_space<vmem>>, vector<1x16xf32>,
      %get3A_277 = vector.shape_cast %get3A_276 : vector<1x16xf32> to vector<16xf32>
      %get3A_278 = arith.index_cast %scan3A_274 : i32 to index
      %get3A_279 = arith.constant 0 : index
      %get3A_280 = tpu.vector_load %arg13[%get3A_278, %get3A_279] {strides = array<i32>} : memref<128x128xf32, #tpu.memory_space<vmem>>, vector<1x16xf32>,
      %get3A_281 = vector.shape_cast %get3A_280 : vector<1x16xf32> to vector<16xf32>
      %mul3A_282 = arith.mulf %get3A_277, %get3A_281 : vector<16xf32>
      %get3A_283 = arith.index_cast %scan3A_274 : i32 to index
      %get3A_284 = arith.constant 16 : index
      %get3A_285 = tpu.vector_load %arg15[%get3A_283, %get3A_284] {strides = array<i32>} : memref<128x128xf32, #tpu.memory_space<vmem>>, vector<1x16xf32>,
      %get3A_286 = vector.shape_cast %get3A_285 : vector<1x16xf32> to vector<16xf32>
      %get3A_287 = arith.index_cast %scan3A_274 : i32 to index
      %get3A_288 = arith.constant 16 : index
      %get3A_289 = tpu.vector_load %arg13[%get3A_287, %get3A_288] {strides = array<i32>} : memref<128x128xf32, #tpu.memory_space<vmem>>, vector<1x16xf32>,
      %get3A_290 = vector.shape_cast %get3A_289 : vector<1x16xf32> to vector<16xf32>
      %mul3A_291 = arith.mulf %get3A_286, %get3A_290 : vector<16xf32>
      %add3A_292 = arith.addf %mul3A_282, %mul3A_291 : vector<16xf32>
      %get3A_293 = arith.index_cast %scan3A_274 : i32 to index
      %get3A_294 = arith.constant 32 : index
      %get3A_295 = tpu.vector_load %arg15[%get3A_293, %get3A_294] {strides = array<i32>} : memref<128x128xf32, #tpu.memory_space<vmem>>, vector<1x16xf32>,
      %get3A_296 = vector.shape_cast %get3A_295 : vector<1x16xf32> to vector<16xf32>
      %get3A_297 = arith.index_cast %scan3A_274 : i32 to index
      %get3A_298 = arith.constant 32 : index
      %get3A_299 = tpu.vector_load %arg13[%get3A_297, %get3A_298] {strides = array<i32>} : memref<128x128xf32, #tpu.memory_space<vmem>>, vector<1x16xf32>,
      %get3A_300 = vector.shape_cast %get3A_299 : vector<1x16xf32> to vector<16xf32>
      %mul3A_301 = arith.mulf %get3A_296, %get3A_300 : vector<16xf32>
      %add3A_302 = arith.addf %add3A_292, %mul3A_301 : vector<16xf32>
      %get3A_303 = arith.index_cast %scan3A_274 : i32 to index
      %get3A_304 = arith.constant 48 : index
      %get3A_305 = tpu.vector_load %arg15[%get3A_303, %get3A_304] {strides = array<i32>} : memref<128x128xf32, #tpu.memory_space<vmem>>, vector<1x16xf32>,
      %get3A_306 = vector.shape_cast %get3A_305 : vector<1x16xf32> to vector<16xf32>
      %get3A_307 = arith.index_cast %scan3A_274 : i32 to index
      %get3A_308 = arith.constant 48 : index
      %get3A_309 = tpu.vector_load %arg13[%get3A_307, %get3A_308] {strides = array<i32>} : memref<128x128xf32, #tpu.memory_space<vmem>>, vector<1x16xf32>,
      %get3A_310 = vector.shape_cast %get3A_309 : vector<1x16xf32> to vector<16xf32>
      %mul3A_311 = arith.mulf %get3A_306, %get3A_310 : vector<16xf32>
      %add3A_312 = arith.addf %add3A_302, %mul3A_311 : vector<16xf32>
      %get3A_313 = arith.index_cast %scan3A_274 : i32 to index
      %get3A_314 = arith.constant 64 : index
      %get3A_315 = tpu.vector_load %arg15[%get3A_313, %get3A_314] {strides = array<i32>} : memref<128x128xf32, #tpu.memory_space<vmem>>, vector<1x16xf32>,
      %get3A_316 = vector.shape_cast %get3A_315 : vector<1x16xf32> to vector<16xf32>
      %get3A_317 = arith.index_cast %scan3A_274 : i32 to index
      %get3A_318 = arith.constant 64 : index
      %get3A_319 = tpu.vector_load %arg13[%get3A_317, %get3A_318] {strides = array<i32>} : memref<128x128xf32, #tpu.memory_space<vmem>>, vector<1x16xf32>,
      %get3A_320 = vector.shape_cast %get3A_319 : vector<1x16xf32> to vector<16xf32>
      %mul3A_321 = arith.mulf %get3A_316, %get3A_320 : vector<16xf32>
      %add3A_322 = arith.addf %add3A_312, %mul3A_321 : vector<16xf32>
      %get3A_323 = arith.index_cast %scan3A_274 : i32 to index
      %get3A_324 = arith.constant 80 : index
      %get3A_325 = tpu.vector_load %arg15[%get3A_323, %get3A_324] {strides = array<i32>} : memref<128x128xf32, #tpu.memory_space<vmem>>, vector<1x16xf32>,
      %get3A_326 = vector.shape_cast %get3A_325 : vector<1x16xf32> to vector<16xf32>
      %get3A_327 = arith.index_cast %scan3A_274 : i32 to index
      %get3A_328 = arith.constant 80 : index
      %get3A_329 = tpu.vector_load %arg13[%get3A_327, %get3A_328] {strides = array<i32>} : memref<128x128xf32, #tpu.memory_space<vmem>>, vector<1x16xf32>,
      %get3A_330 = vector.shape_cast %get3A_329 : vector<1x16xf32> to vector<16xf32>
      %mul3A_331 = arith.mulf %get3A_326, %get3A_330 : vector<16xf32>
      %add3A_332 = arith.addf %add3A_322, %mul3A_331 : vector<16xf32>
      %get3A_333 = arith.index_cast %scan3A_274 : i32 to index
      %get3A_334 = arith.constant 96 : index
      %get3A_335 = tpu.vector_load %arg15[%get3A_333, %get3A_334] {strides = array<i32>} : memref<128x128xf32, #tpu.memory_space<vmem>>, vector<1x16xf32>,
      %get3A_336 = vector.shape_cast %get3A_335 : vector<1x16xf32> to vector<16xf32>
      %get3A_337 = arith.index_cast %scan3A_274 : i32 to index
      %get3A_338 = arith.constant 96 : index
      %get3A_339 = tpu.vector_load %arg13[%get3A_337, %get3A_338] {strides = array<i32>} : memref<128x128xf32, #tpu.memory_space<vmem>>, vector<1x16xf32>,
      %get3A_340 = vector.shape_cast %get3A_339 : vector<1x16xf32> to vector<16xf32>
      %mul3A_341 = arith.mulf %get3A_336, %get3A_340 : vector<16xf32>
      %add3A_342 = arith.addf %add3A_332, %mul3A_341 : vector<16xf32>
      %get3A_343 = arith.index_cast %scan3A_274 : i32 to index
      %get3A_344 = arith.constant 112 : index
      %get3A_345 = tpu.vector_load %arg15[%get3A_343, %get3A_344] {strides = array<i32>} : memref<128x128xf32, #tpu.memory_space<vmem>>, vector<1x16xf32>,
      %get3A_346 = vector.shape_cast %get3A_345 : vector<1x16xf32> to vector<16xf32>
      %get3A_347 = arith.index_cast %scan3A_274 : i32 to index
      %get3A_348 = arith.constant 112 : index
      %get3A_349 = tpu.vector_load %arg13[%get3A_347, %get3A_348] {strides = array<i32>} : memref<128x128xf32, #tpu.memory_space<vmem>>, vector<1x16xf32>,
      %get3A_350 = vector.shape_cast %get3A_349 : vector<1x16xf32> to vector<16xf32>
      %mul3A_351 = arith.mulf %get3A_346, %get3A_350 : vector<16xf32>
      %add3A_352 = arith.addf %add3A_342, %mul3A_351 : vector<16xf32>
      %xor3A = arith.constant 8 : i32
      %xor3A_353 = vector.broadcast %xor3A : i32 to vector<16xi32>
      %xor3A_354 = arith.xori %iota3A, %xor3A_353 : vector<16xi32>
      %broadcast_in_dim3A = vector.shape_cast %xor3A_354 : vector<16xi32> to vector<16x1xi32>
      %gather3A = vector.shape_cast %broadcast_in_dim3A : vector<16x1xi32> to vector<16xi32>
      %gather3A_355 = tpu.dynamic_gather %add3A_352[%gather3A] in [0] : vector<16xf32>, vector<16xi32> -> vector<16xf32>
      %add3A_356 = arith.addf %add3A_352, %gather3A_355 : vector<16xf32>
      %xor3A_357 = arith.constant 4 : i32
      %xor3A_358 = vector.broadcast %xor3A_357 : i32 to vector<16xi32>
      %xor3A_359 = arith.xori %iota3A, %xor3A_358 : vector<16xi32>
      %broadcast_in_dim3A_360 = vector.shape_cast %xor3A_359 : vector<16xi32> to vector<16x1xi32>
      %gather3A_361 = vector.shape_cast %broadcast_in_dim3A_360 : vector<16x1xi32> to vector<16xi32>
      %gather3A_362 = tpu.dynamic_gather %add3A_356[%gather3A_361] in [0] : vector<16xf32>, vector<16xi32> -> vector<16xf32>
      %add3A_363 = arith.addf %add3A_356, %gather3A_362 : vector<16xf32>
      %xor3A_364 = arith.constant 2 : i32
      %xor3A_365 = vector.broadcast %xor3A_364 : i32 to vector<16xi32>
      %xor3A_366 = arith.xori %iota3A, %xor3A_365 : vector<16xi32>
      %broadcast_in_dim3A_367 = vector.shape_cast %xor3A_366 : vector<16xi32> to vector<16x1xi32>
      %gather3A_368 = vector.shape_cast %broadcast_in_dim3A_367 : vector<16x1xi32> to vector<16xi32>
      %gather3A_369 = tpu.dynamic_gather %add3A_363[%gather3A_368] in [0] : vector<16xf32>, vector<16xi32> -> vector<16xf32>
      %add3A_370 = arith.addf %add3A_363, %gather3A_369 : vector<16xf32>
      %xor3A_371 = arith.constant 1 : i32
      %xor3A_372 = vector.broadcast %xor3A_371 : i32 to vector<16xi32>
      %xor3A_373 = arith.xori %iota3A, %xor3A_372 : vector<16xi32>
      %broadcast_in_dim3A_374 = vector.shape_cast %xor3A_373 : vector<16xi32> to vector<16x1xi32>
      %gather3A_375 = vector.shape_cast %broadcast_in_dim3A_374 : vector<16x1xi32> to vector<16xi32>
      %gather3A_376 = tpu.dynamic_gather %add3A_370[%gather3A_375] in [0] : vector<16xf32>, vector<16xi32> -> vector<16xf32>
      %add3A_377 = arith.addf %add3A_370, %gather3A_376 : vector<16xf32>
      %mul3A_378 = arith.constant 1.000000e+00 : f32
      %mul3A_379 = vector.broadcast %mul3A_378 : f32 to vector<16xf32>
      %mul3A_380 = arith.mulf %mul3A_379, %add3A_377 : vector<16xf32>
      %get3A_381 = arith.index_cast %scan3A_274 : i32 to index
      %get3A_382 = arith.constant 0 : index
      %get3A_383 = tpu.vector_load %arg17[%get3A_381, %get3A_382] {strides = array<i32>} : memref<128x16xf32, #tpu.memory_space<vmem>>, vector<1x16xf32>,
      %get3A_384 = vector.shape_cast %get3A_383 : vector<1x16xf32> to vector<16xf32>
      %eq3A = arith.constant 15 : i32
      %eq3A_385 = vector.broadcast %eq3A : i32 to vector<16xi32>
      %eq3A_386 = arith.cmpi eq, %iota3A, %eq3A_385 : vector<16xi32>
      %select_n3A = arith.select %eq3A_386, %mul3A_380, %get3A_384 : vector<16xi1>, vector<16xf32>
      %swap3A = arith.index_cast %scan3A_274 : i32 to index
      %swap3A_387 = arith.constant 0 : index
      %swap3A_388 = tpu.vector_load %arg17[%swap3A, %swap3A_387] {strides = array<i32>} : memref<128x16xf32, #tpu.memory_space<vmem>>, vector<1x16xf32>,
      %swap3A_389 = vector.shape_cast %swap3A_388 : vector<1x16xf32> to vector<16xf32>
      %swap3A_390 = vector.shape_cast %select_n3A : vector<16xf32> to vector<1x16xf32>
      tpu.vector_store %arg17[%swap3A, %swap3A_387], %swap3A_390 {strides = array<i32>} : memref<128x16xf32, #tpu.memory_space<vmem>>, vector<1x16xf32>,
    }
    %scan3A_273 = arith.constant 128 : i32
    "tpu.region"() ({
      %run_scoped3A = tpu.sem_alloc : memref<!tpu.dma_semaphore, #tpu.memory_space<semaphore_mem>>
      %dma_start3A_274 = arith.constant 0 : i32
      %dma_start3A_275 = tpu.memref_slice %arg8[%mul3A_2, %dma_start3A_274] : memref<4096x16xf32, #tpu.memory_space<hbm>> -> memref<128x16xf32, #tpu.memory_space<hbm>>
      %dma_start3A_276 = arith.constant 0 : i32
      %dma_start3A_277 = tpu.memref_slice %arg8[%mul3A_2, %dma_start3A_276] : memref<4096x16xf32, #tpu.memory_space<hbm>> -> memref<128x16xf32, #tpu.memory_space<hbm>>
      tpu.enqueue_dma source(%arg17 : memref<128x16xf32, #tpu.memory_space<vmem>>) target(%dma_start3A_277 : memref<128x16xf32, #tpu.memory_space<hbm>>) target_semaphore(%run_scoped3A : memref<!tpu.dma_semaphore, #tpu.memory_space<semaphore_mem>>)
      %dma_wait3A_278 = arith.constant 0 : i32
      %dma_wait3A_279 = tpu.memref_slice %arg8[%mul3A_2, %dma_wait3A_278] : memref<4096x16xf32, #tpu.memory_space<hbm>> -> memref<128x16xf32, #tpu.memory_space<hbm>>
      %dma_wait3A_280 = arith.constant 0 : i32
      %dma_wait3A_281 = tpu.memref_slice %arg8[%mul3A_2, %dma_wait3A_280] : memref<4096x16xf32, #tpu.memory_space<hbm>> -> memref<128x16xf32, #tpu.memory_space<hbm>>
      tpu.wait_dma2 semaphore(%run_scoped3A : memref<!tpu.dma_semaphore, #tpu.memory_space<semaphore_mem>>) src(%arg17 : memref<128x16xf32, #tpu.memory_space<vmem>>) dst(%dma_wait3A_281 : memref<128x16xf32, #tpu.memory_space<hbm>>)
      tpu.yield
    }) : () -> ()
    return
  }
}

module attributes {stable_mosaic.version = 14 : i64} {
  func.func @_tc_loss_body(%arg0: memref<512x128xf32, #tpu.memory_space<vmem>>, %arg1: memref<1x1xf32, #tpu.memory_space<vmem>>) attributes {dimension_semantics = [], scalar_prefetch = 0 : i64, scratch_operands = 0 : i64, tpu.core_type = #tpu.core_type<tc>} {
    %get3A = arith.constant 0 : index
    %get3A_0 = arith.constant 0 : index
    %get3A_1 = vector.load %arg0[%get3A, %get3A_0] : memref<512x128xf32, #tpu.memory_space<vmem>>, vector<512x128xf32>
    %jit3A = arith.constant -1.000000e+01 : f32
    %jit3A_2 = arith.constant 1.000000e+01 : f32
    %max3A = vector.broadcast %jit3A : f32 to vector<512x128xf32>
    %max3A_3 = arith.maximumf %max3A, %get3A_1 : vector<512x128xf32>
    %min3A = vector.broadcast %jit3A_2 : f32 to vector<512x128xf32>
    %min3A_4 = arith.minimumf %min3A, %max3A_3 : vector<512x128xf32>
    %exp3A = math.exp %min3A_4 : vector<512x128xf32>
    %log1p3A = math.log1p %exp3A : vector<512x128xf32>
    %reduce_sum3A = vector.shape_cast %log1p3A : vector<512x128xf32> to vector<1x512x128xf32>
    %reduce_sum3A_5 = arith.constant dense<0.000000e+00> : vector<1xf32>
    %reduce_sum3A_6 = vector.multi_reduction <add>, %reduce_sum3A, %reduce_sum3A_5 [1, 2] : vector<1x512x128xf32> to vector<1xf32>
    %reduce_sum3A_7 = vector.shape_cast %reduce_sum3A_6 : vector<1xf32> to vector<1x1x1xf32>
    %reduce_sum3A_8 = vector.extract %reduce_sum3A_7[0, 0, 0] : f32 from vector<1x1x1xf32>
    %mul3A = arith.constant 2.44140625E-4 : f32
    %mul3A_9 = arith.mulf %reduce_sum3A_8, %mul3A : f32
    %reshape3A = vector.broadcast %mul3A_9 : f32 to vector<1x1xf32>
    %swap3A = arith.constant 0 : index
    %swap3A_10 = arith.constant 0 : index
    %swap3A_11 = vector.load %arg1[%swap3A, %swap3A_10] : memref<1x1xf32, #tpu.memory_space<vmem>>, vector<1x1xf32>
    tpu.vector_store %arg1[%swap3A, %swap3A_10], %reshape3A {strides = array<i32>} : memref<1x1xf32, #tpu.memory_space<vmem>>, vector<1x1xf32>,
    return
  }
}

</mosaic_0001>

<sc_bundles>
// kernel: kernel.4.cloned.1.call-start
scs
__scs_entry_jumppad:
0x0: {  	(pc) =	sbr.rel $0x88, $3  }
0x1: {  	(tag) =	ssettag $0x0;
	lr =	simm.s32 $0x1  }
0x2: {  	[smem:$0x3F9D] =	sst lr;
	_ =	strace $0xD0000000  }
0x3: {  	_ = 	snop  }
0x4: {  	_ = 	snop  }
0x5: {  	_ = 	snop  }
0x6: {  	_ = 	snop  }
0x7: {  	_ = 	snop  }
__scs_overlays_trampoline_lowered:
0x8: {  	[smem:$0x3FAC] =	sst s0  }
0x9: {  	[smem:$0x3FAD] =	sst s1  }
0xa: {  	[smem:$0x3FAE] =	sst s2  }
0xb: {  	[smem:$0x3FAF] =	sst s3  }
0xc: {  	[smem:$0x3FB0] =	sst s4  }
0xd: {  	[smem:$0x3FB1] =	sst s5  }
0xe: {  	[smem:$0x3FB2] =	sst s6  }
0xf: {  	[smem:$0x3FB3] =	sst s7  }
0x10: {  	[smem:$0x3FB4] =	sst s8  }
0x11: {  	[smem:$0x3FB5] =	sst s9;
	s0 =	simm.s32 @!p0 $0x0  }
0x12: {  	s1 =	sld [smem:$0x3F9B];
	s0 =	simm.s32 @p0 $0x1  }
0x13: {  	[smem:$0x3FB6] =	sst s0;
	s0 =	simm.s32 @!p1 $0x0  }
0x14: {  	s2 =	sld [smem:$0x3F9A];
	s0 =	simm.s32 @p1 $0x1  }
0x15: {  	[smem:$0x3FB7] =	sst s0;
	s0 =	simm.s32 @!p2 $0x0  }
0x16: {  	s3 =	sld [smem:$0x3FDB];
	s0 =	simm.s32 @p2 $0x1  }
0x17: {  	s4 =	simm.s32 $0x1BF5;
	[smem:$0x3FB9] =	sst s0  }
0x18: {  	s0 =	sld [smem:$0x3F9C];
	_ =	swait.ge [sflag:s4], $0x0  }
0x19: {  	s7 =	sld [smem:$0x3F9D]  }
0x1a: {  	s8 =	sadd.s32 $0xFFFFE003, lr  }
0x1b: {  	s9 =	sadd.s32 $0xFFFFFEF7, lr;
	s5 =	simm.s32 $0xFFFFFFFF;
	p2 =	slt.u32 s8, $0xFFFFF086  }
0x1c: {  	p1 =	slt.u32 s9, $0xF7A;
	s5 =	simm.s32 @!p2 $0x0  }
0x1d: {  	s5 =	simm.s32 @p1 $0x1;
	p0 =	seq.s32 s7, s2  }
0x1e: {  	s7 =	smul.u32 @!p0 $0xF7A, s2;
	p2 =	seq.s32 @!p0 s5, $0x0  }
0x1f: {  	s9 =	smul.u32 $0xF7A, s1;
	s8 =	simm.s32 @!p0 $0x1BF5;
	p2 =	por !p2, p0  }
0x20: {  	[sflag:s8] =	ssyncset.s32 @!p0 $0xFFFFF086;
	s6 =	sadd.s32 @!p0 s3, s7;
	s7 =	simm.s32 @!p0 $0x108  }
0x21: {  	s3 =	sadd.s32 s3, s9;
	s6 =	sadd.s32 @!p0 $0x88, s6;
	s7 =	simm.s32 @p2 $0x1082  }
0x22: {  	[simem:s7], [sflag:s8] =	dma.local @!p0 [hbm:s6], $0xF7A  }
0x23: {  	s9 =	sor.u32 $0xD0000000, s2;
	s6 =	simm.s32 $0x108;
	_ =	swait.ge @!p0 [sflag:s8], $0x0  }
0x24: {  	s3 =	sadd.s32 $0x88, s3;
	s6 =	simm.s32 @!p1 $0x1082;
	[sflag:s4] =	ssyncset.s32 $0xFFFFF086  }
0x25: {  	[simem:s6], [sflag:s4] =	dma.local [hbm:s3], $0xF7A  }
0x26: {  	[smem:$0x3F9D] =	sst s1;
	(tag) =	ssettag s2;
	_ =	strace s9  }
0x27: {  	s1 =	sld [smem:$0x3FAD]  }
0x28: {  	s2 =	sld [smem:$0x3FAE]  }
0x29: {  	s4 =	sld [smem:$0x3FB0]  }
0x2a: {  	p0 =	seq.s32 s5, $0x0;
	s5 =	sld [smem:$0x3FB1]  }
0x2b: {  	s6 =	sld [smem:$0x3FB2]  }
0x2c: {  	s7 =	sld [smem:$0x3FB3]  }
0x2d: {  	s3 =	simm.s32 $0x108;
	s8 =	sld [smem:$0x3FB4]  }
0x2e: {  	s3 =	simm.s32 @!p0 $0x1082;
	s9 =	sld [smem:$0x3FB5]  }
0x2f: {  	lr =	sadd.s32 s0, s3;
	s0 =	sld [smem:$0x3FAC]  }
0x30: {  	s3 =	sld [smem:$0x3FAF]  }
0x31: {  	[smem:$0x3FB8] =	sst s10  }
0x32: {  	s10 =	sld [smem:$0x3FB6];
	_ =	sdelay $0x3  }
0x33: {  	p0 =	seq.s32 s10, $0x1;
	s10 =	sld [smem:$0x3FB8];
	_ =	sdelay $0x3  }
0x34: {  	[smem:$0x3FB8] =	sst s10  }
0x35: {  	s10 =	sld [smem:$0x3FB7];
	_ =	sdelay $0x3  }
0x36: {  	p1 =	seq.s32 s10, $0x1;
	s10 =	sld [smem:$0x3FB8];
	_ =	sdelay $0x3  }
0x37: {  	[smem:$0x3FB8] =	sst s10  }
0x38: {  	s10 =	sld [smem:$0x3FB9]  }
0x39: {  	_ = 	snop;
	(pc) =	sbr.ind lr, $3  }
0x3a: {  	_ = 	snop  }
0x3b: {  	_ = 	snop  }
0x3c: {  	p2 =	seq.s32 s10, $0x1;
	s10 =	sld [smem:$0x3FB8]  }
0x3d: {  	_ =	shalt  }
0x3e: {  	_ =	shalt  }
0x3f: {  	_ =	shalt  }
0x40: {  	_ =	shalt  }
0x41: {  	_ =	shalt  }
0x42: {  	_ =	shalt  }
0x43: {  	_ =	shalt  }
0x44: {  	_ =	shalt  }
0x45: {  	_ =	shalt  }
0x46: {  	_ =	shalt  }
0x47: {  	_ =	shalt  }
0x48: {  	_ =	shalt  }
0x49: {  	_ =	shalt  }
0x4a: {  	_ =	shalt  }
0x4b: {  	_ =	shalt  }
0x4c: {  	_ =	shalt  }
0x4d: {  	_ =	shalt  }
0x4e: {  	_ =	shalt  }
0x4f: {  	_ =	shalt  }
0x50: {  	_ =	shalt  }
0x51: {  	_ =	shalt  }
0x52: {  	_ =	shalt  }
0x53: {  	_ =	shalt  }
0x54: {  	_ =	shalt  }
0x55: {  	_ =	shalt  }
0x56: {  	_ =	shalt  }
0x57: {  	_ =	shalt  }
0x58: {  	_ =	shalt  }
0x59: {  	_ =	shalt  }
0x5a: {  	_ =	shalt  }
0x5b: {  	_ =	shalt  }
0x5c: {  	_ =	shalt  }
0x5d: {  	_ =	shalt  }
0x5e: {  	_ =	shalt  }
0x5f: {  	_ =	shalt  }
0x60: {  	_ =	shalt  }
0x61: {  	_ =	shalt  }
0x62: {  	_ =	shalt  }
0x63: {  	_ =	shalt  }
0x64: {  	_ =	shalt  }
0x65: {  	_ =	shalt  }
0x66: {  	_ =	shalt  }
0x67: {  	_ =	shalt  }
0x68: {  	_ =	shalt  }
0x69: {  	_ =	shalt  }
0x6a: {  	_ =	shalt  }
0x6b: {  	_ =	shalt  }
0x6c: {  	_ =	shalt  }
0x6d: {  	_ =	shalt  }
0x6e: {  	_ =	shalt  }
0x6f: {  	_ =	shalt  }
0x70: {  	_ =	shalt  }
0x71: {  	_ =	shalt  }
0x72: {  	_ =	shalt  }
0x73: {  	_ =	shalt  }
0x74: {  	_ =	shalt  }
0x75: {  	_ =	shalt  }
0x76: {  	_ =	shalt  }
0x77: {  	_ =	shalt  }
0x78: {  	_ =	shalt  }
0x79: {  	_ =	shalt  }
0x7a: {  	_ =	shalt  }
0x7b: {  	_ =	shalt  }
0x7c: {  	_ =	shalt  }
0x7d: {  	_ =	shalt  }
0x7e: {  	_ =	shalt  }
0x7f: {  	_ =	shalt  }
0x80: {  	_ =	shalt  }
0x81: {  	_ =	shalt  }
0x82: {  	_ =	shalt  }
0x83: {  	_ =	shalt  }
0x84: {  	_ =	shalt  }
0x85: {  	_ =	shalt  }
0x86: {  	_ =	shalt  }
0x87: {  	_ =	shalt  }
.Lfunc_end0:
.L_simem_size_0:
called_computation_lowered:
.L_overlay_start_0:
0x88: {  	s2 =	sld [smem:$0x3FD9]  }
0x89: {  	s3 =	sld [smem:$0x3FFE];
	_ =	sdelay $0x1  }
0x8a: {  	s1 =	srdreg.scid  }
0x8b: {  	s0 =	sand.u32 $0x1, s1  }
0x8c: {  	s17 =	sshll.u32 s0, $0xA;
	s2 =	sadd.s32 s3, s2  }
0x8d: {  	s2 =	sadd.s32 s2, s17  }
0x8e: {  	[smem:$0x3FC4] =	sst s2  }
0x8f: {  	_ = 	snop  }
0x90: {  	s2 =	sld [smem:$0x3FC9]  }
0x91: {  	s18 =	sld [smem:$0x3FC8]  }
0x92: {  	s4 =	sld [smem:$0x3FC7]  }
0x93: {  	s5 =	sld [smem:$0x3FC6];
	(tm) =	ssettm $0x1  }
0x94: {  	s6 =	sld [smem:$0x3FFB];
	_ =	sdelay $0x3  }
0x95: {  	_ =	strace s6  }
0x96: {  	s6 =	sld [smem:$0x3FFC];
	_ =	sdelay $0x3  }
0x97: {  	_ =	strace s6  }
0x98: {  	s6 =	sld [smem:$0x3FFD];
	_ =	sdelay $0x3  }
0x99: {  	_ =	strace s6  }
0x9a: {  	_ =	strace $0x8FFFFFFF  }
0x9b: {  	s19 =	sld [smem:$0x3FDB];
	_ =	sdelay $0x1  }
0x9c: {  	s7 =	simm.s32 $_scs_section_size  }
0x9d: {  	s8 =	simm.s32 $_size__tile_overlayer_lowered;
	s9 =	simm.s32 $_tile_overlayer_lowered  }
0x9e: {  	s22 =	simm.s32 $0x1BFF;
	s21 =	sshll.u32 s9, $0x1;
	s6 =	sadd.s32 s7, s19  }
0x9f: {  	s10 =	simm.s32 $0x0;
	s20 =	sshll.u32 s8, $0x1;
	s8 =	sadd.s32 s21, s6  }
0xa0: {  	[timem:s10], [sflag:s22] =	dma.local [hbm:s8], s20  }
0xa1: {  	_ =	swait.ge [sflag:s22], s20  }
0xa2: {  	s7 =	ssub.s32 $0x0, s20;
	[sflag:s22] =	ssyncset.done $0x0  }
0xa3: {  	[sflag:s22] =	ssyncadd.s32 s7;
	_ =	sdelay $0x1  }
0xa4: {  	s23 =	simm.s32 $0x1B8B  }
0xa5: {  	_ =	swait.ge [sflag:s23], $0x1  }
0xa6: {  	[sflag:s23] =	ssyncset.done $0x0  }
0xa7: {  	s25 =	simm.s32 $0x1B8E;
	s24 =	sld [smem:$0x3FFE];
	[sflag:s23] =	ssyncadd.s32 $0xFFFFFFFF  }
0xa8: {  	s26 =	simm.s32 $execute0_lowered;
	[smem:$0x3FD2] =	sst s25  }
0xa9: {  	s8 =	sshll.u32 s26, $0x1;
	_ =	strace $0x80000046;
	[dreg:$0x1] =	wrdreg $0xFFFFFFFF  }
0xaa: {  	s28 =	simm.s32 $_size_execute0_lowered;
	s6 =	sadd.s32 s6, s8;
	[dreg:$0x0] =	wrdreg $0x0  }
0xab: {  	s8 =	sshll.u32 s28, $0x1;
	[dreg:$0x2] =	wrdreg s6  }
0xac: {  	[dreg:$0x3] =	wrdreg s8  }
0xad: {  	[dreg:$0x4] =	wrdreg $0xC0  }
0xae: {  	_ =	task [dreg:s10], $0x5FFFF  }
0xaf: {  	[dreg:$0x1] =	wrdreg $0xFFFFFFFF  }
0xb0: {  	[dreg:$0x0] =	wrdreg $0x60  }
0xb1: {  	[dreg:$0x2] =	wrdreg s2  }
0xb2: {  	[dreg:$0x3] =	wrdreg s18  }
0xb3: {  	[dreg:$0x4] =	wrdreg s4  }
0xb4: {  	[dreg:$0x5] =	wrdreg s5  }
0xb5: {  	[dreg:$0x6] =	wrdreg s24  }
0xb6: {  	[dreg:$0x7] =	wrdreg $0x9  }
0xb7: {  	_ =	task.clear_ibuf [dreg:s10], $0x8FFFF;
	_ =	strace $0x90000046  }
0xb8: {  	s29 =	simm.s32 $0x9;
	_ =	strace $0x80000048  }
0xb9: {  	_ =	swait.ge [sflag:s29], $0x1  }
0xba: {  	[sflag:s29] =	ssyncadd.s32 $0xFFFFFFFF  }
0xbb: {  	_ =	strace $0x90000048  }
0xbc: {  	_ =	sfence  }
0xbd: {  	s30 =	sld [smem:$0x0];
	_ =	sdelay $0x2  }
0xbe: {  	s31 =	sshll.u32 s1, $0xD;
	s1 =	sshrl.u32 s1, $0x2  }
0xbf: {  	s3 =	sand.u32 $0x4000, s31;
	s1 =	sadd.s32 s1, s30  }
0xc0: {  	s0 =	sor.u32 s3, s0;
	s1 =	sshll.u32 s1, $0x11  }
0xc1: {  	s0 =	sor.u32 s1, s0  }
0xc2: {  	s0 =	sadd.s32 $0x8F2B, s0  }
0xc3: {  	[sflag:s0] =	ssyncadd.remote.s32 $0x1  }
0xc4: {  	_ =	sfence.sel $0xFFFF  }
0xc5: {  	[dreg:$0x0] =	wrdreg $0xFFFFFFFF;
	(pc) =	sbr.abs _section_cstart, $3  }
0xc6: {  	[dreg:$0x1] =	wrdreg $0xFFFFFFFF  }
0xc7: {  	_ =	task.clear_ibuf [dreg:s10], $0x2FFFF;
	_ =	strace $0x9FFFFFFF  }
0xc8: {  	(tm) =	ssettm $0x7FFFFFFF  }
0xc9: {  	_ =	shalt  }
tec
execute0_lowered:
.L_overlay_start_1:
0x0: {  	(tag) =	ssettag $0x1  }
0x1: {  	s0 =	rddreg [dreg:$0x0]  }
0x2: {  	s1 =	rddreg [dreg:$0x2]  }
0x3: {  	s2 =	rddreg [dreg:$0x3];
	s3 =	srdreg.scid;
	v0 =	vimm.s32 $0xFEDCBA98;
	v1 =	vimm.s32 $0x76543210;
	v2 =	vimm.s32 $0xBA98FEDC  }
0x4: {  	s4 =	stileid.u32;
	s5 =	rddreg [dreg:$0x4];
	v3 =	vimm.s32 $0x32107654;
	v4 =	vimm.s32 $0xDCFE98BA;
	v5 =	vimm.s32 $0x54761032  }
0x5: {  	v6 =	vimm.s32 $0xEFCDAB89;
	v7 =	vimm.s32 $0x67452301;
	s11 =	simm.s32 $0x6;
	s12 =	simm.s32 $0x80;
	s13 =	simm.s32 $0x100;
	vm0 =	vmmov $0x1  }
0x6: {  	s17 =	simm.s32 $0xC880;
	s18 =	simm.s32 $0x1;
	s19 =	simm.s32 $0x2;
	vm1 =	vcmask $0x308;
	vm2 =	vcmask $0x70C;
	vm3 =	vcmask $0xB10  }
0x7: {  	s20 =	simm.s32 $0x3;
	s21 =	simm.s32 $0x4;
	s23 =	simm.s32 $0x10880;
	vm4 =	vcmask $0xF14;
	vm5 =	vcmask $0x1318;
	vm6 =	vcmask $0x171C  }
0x8: {  	s24 =	simm.s32 $0x5;
	vm7 =	vcmask $0x1B20;
	vm8 =	vcmask $0x1F24;
	vm9 =	vcmask $0x2328;
	s14 =	simm.s32 $0x680;
	s15 =	simm.s32 $0x700  }
0x9: {  	vm10 =	vcmask $0x272C;
	vm11 =	vcmask $0x2B30;
	vm12 =	vcmask $0x2F34;
	s16 =	simm.s32 $0x780;
	s22 =	simm.s32 $0x800;
	s25 =	simm.s32 $0x14880  }
0xa: {  	vm13 =	vcmask $0x3338;
	s3 =	sand.u32 $0x1, s3;
	s6 =	sshll.u32 s4, $0x1;
	v0 =	vunpack.c.l.s4.s8 v0;
	s4 =	simm.s32 $0x0;
	v1 =	vunpack.c.l.s4.s8 v1  }
0xb: {  	s26 =	simm.s32 $0x0;
	v2 =	vunpack.c.l.s4.s8 v2;
	v3 =	vunpack.c.l.s4.s8 v3;
	v4 =	vunpack.c.l.s4.s8 v4;
	s6 =	sor.u32 s3, s6;
	[smem:$0x7FF] =	sst s4  }
0xc: {  	v5 =	vunpack.c.l.s4.s8 v5;
	v6 =	vunpack.c.l.s4.s8 v6;
	v7 =	vunpack.c.l.s4.s8 v7;
	s3 =	ssub.s32 $0x2, s3;
	s7 =	smul.u32 $0xF0, s6;
	_ =	strace $0x80000047  }
0xd: {  	v0 =	vunpack.c.0.s8.s32 v0;
	s8 =	sshll.u32 s6, $0xB;
	v1 =	vunpack.c.0.s8.s32 v1;
	s9 =	sshrl.u32 s3, $0x1;
	s10 =	sshll.u32 s6, $0x4;
	v2 =	vunpack.c.0.s8.s32 v2  }
0xe: {  	v3 =	vunpack.c.0.s8.s32 v3;
	v4 =	vunpack.c.0.s8.s32 v4;
	v5 =	vunpack.c.0.s8.s32 v5;
	s8 =	sadd.s32 s8, s5;
	s3 =	ssub.s32 s3, s9;
	s9 =	sadd.s32 s2, s10  }
0xf: {  	v6 =	vunpack.c.0.s8.s32 v6;
	v7 =	vunpack.c.0.s8.s32 v7;
	s2 =	simm.s32 $0x600;
	s7 =	sadd.s32 s7, s5;
	v0 =	vand.u32 $0xF, v0;
	s6 =	sadd.s32 $0x600, s8  }
0x10: {  	vm14 =	vcmask $0x373C;
	s5 =	sadd.s32 $0x10600, s7;
	s7 =	sadd.s32 $0x12400, s8;
	s8 =	sadd.s32 s1, s10;
	v0 =	vcombine.low v0, v1;
	v1 =	vcombine.low v3, v2  }
0x11: {  	vm15 =	vmmov $0x7fff;
	s10 =	smax.u32 s3, $0x1;
	v2 =	vcombine.low v5, v4;
	v3 =	vcombine.low v7, v6;
	s3 =	simm.s32 $0x500;
	s1 =	simm.s32 $0x580  }
.LBB2_1:
0x12: {  	[tilespmem:s4], [sflag:$0x6] =	stream.linear.gather [hbm4b:s8+s4], $0x80, $0x38;
	[tilespmem:$0x18880] =	vst v63  }
0x13: {  	_ =	swait.ge [sflag:s11], $0x80  }
0x14: {  	[sflag:s11] =	ssyncset.done $0x0  }
0x15: {  	[sflag:s11] =	ssyncadd.s32 $0xFFFFFF80  }
0x16: {  	[tilespmem:s12], [sflag:$0x6] =	stream.linear.gather [hbm4b:s9+s4], $0x80, $0x38;
	[tilespmem:$0x18880] =	vst v63  }
0x17: {  	_ =	swait.ge [sflag:s11], $0x80  }
0x18: {  	[sflag:s11] =	ssyncset.done $0x0  }
0x19: {  	[sflag:s11] =	ssyncadd.s32 $0xFFFFFF80  }
0x1a: {  	[tilespmem:s13], [sflag:$0x6] =	stream.linear.gather [hbm4b:s5+s4], $0x780, $0x38;
	[tilespmem:$0x18880] =	vst v63  }
0x1b: {  	_ =	swait.ge [sflag:s11], $0x780  }
0x1c: {  	[sflag:s11] =	ssyncset.done $0x0  }
0x1d: {  	s28 =	simm.s32 $0x880;
	[sflag:s11] =	ssyncadd.s32 $0xFFFFF880  }
0x1e: {  	[tilespmem:s28], [sflag:$0x1] =	stream.linear.gather [hbm4b:s6+s4], $0x4000, $0x38;
	[tilespmem:$0x18880] =	vst v63  }
0x1f: {  	s28 =	simm.s32 $0x4880  }
0x20: {  	[tilespmem:s28], [sflag:$0x2] =	stream.indirect.gather [hbm4b:s0+s12], $0x80, s4, s12, $0xb8;
	[tilespmem:$0x18880] =	vst v63  }
0x21: {  	s29 =	simm.s32 $0x8880;
	s28 =	rddreg [dreg:$0x1]  }
0x22: {  	[tilespmem:s29], [sflag:$0x3] =	stream.indirect.gather [hbm4b:s28+s12], $0x80, s12, s12, $0xb8;
	[tilespmem:$0x18880] =	vst v63  }
0x23: {  	_ = 	snop  }
0x24: {  	[tilespmem:s17], [sflag:$0x4] =	stream.indirect.gather [hbm4b:s0+s12], $0x80, s13, s12, $0xb8;
	[tilespmem:$0x18880] =	vst v63  }
0x25: {  	_ =	swait.ge [sflag:s18], $0x4000  }
0x26: {  	[sflag:s18] =	ssyncset.done $0x0  }
0x27: {  	[sflag:s18] =	ssyncadd.s32 $0xFFFFC000  }
0x28: {  	_ =	swait.ge [sflag:s19], $0x4000  }
0x29: {  	[sflag:s19] =	ssyncset.done $0x0  }
0x2a: {  	s28 =	simm.s32 $0x0;
	[sflag:s19] =	ssyncadd.s32 $0xFFFFC000  }
0x2b: {  	v11 =	vld [tilespmem:s28+$0x880]  }
0x2c: {  	v15 =	vld [tilespmem:s28+$0x890]  }
0x2d: {  	v9 =	vld [tilespmem:s28+$0x8A0]  }
0x2e: {  	v8 =	vld [tilespmem:s28+$0x8B0]  }
0x2f: {  	v7 =	vld [tilespmem:s28+$0x8C0]  }
0x30: {  	v6 =	vld [tilespmem:s28+$0x8D0]  }
0x31: {  	v5 =	vld [tilespmem:s28+$0x8E0]  }
0x32: {  	v4 =	vld [tilespmem:s28+$0x8F0]  }
0x33: {  	v16 =	vld [tilespmem:s28+$0x4880]  }
0x34: {  	v17 =	vld [tilespmem:s28+$0x4890]  }
0x35: {  	v14 =	vld [tilespmem:s28+$0x48A0]  }
0x36: {  	v13 =	vld [tilespmem:s28+$0x48B0]  }
0x37: {  	v12 =	vld [tilespmem:s28+$0x48C0]  }
0x38: {  	v10 =	vld [tilespmem:s28+$0x48D0];
	v16 =	vmul.f32 v11, v16  }
0x39: {  	s29 =	simm.s32 $0x200;
	v15 =	vmul.f32 v15, v17;
	v11 =	vld [tilespmem:s28+$0x48E0]  }
.LBB2_2:
0x3a: {  	s30 =	sshra.s32 s29, $0x2;
	p0 =	sne.s32 s29, $0xFE00;
	[tilespmem:s28+$0x4880] =	vst v16;
	v9 =	vmul.f32 v9, v14;
	v14 =	vld [tilespmem:s28+$0x48F0]  }
0x3b: {  	v16 =	vld [tilespmem:s30+$0x880];
	[tilespmem:s28+$0x4890] =	vst v15;
	v8 =	vmul.f32 v8, v13  }
0x3c: {  	v15 =	vld [tilespmem:s30+$0x890];
	[tilespmem:s28+$0x48A0] =	vst v9;
	v7 =	vmul.f32 v7, v12  }
0x3d: {  	v9 =	vld [tilespmem:s30+$0x8A0];
	[tilespmem:s28+$0x48B0] =	vst v8;
	v6 =	vmul.f32 v6, v10  }
0x3e: {  	v8 =	vld [tilespmem:s30+$0x8B0];
	[tilespmem:s28+$0x48C0] =	vst v7;
	v5 =	vmul.f32 v5, v11  }
0x3f: {  	v7 =	vld [tilespmem:s30+$0x8C0];
	[tilespmem:s28+$0x48D0] =	vst v6;
	v4 =	vmul.f32 v4, v14  }
0x40: {  	v6 =	vld [tilespmem:s30+$0x8D0];
	[tilespmem:s28+$0x48E0] =	vst v5  }
0x41: {  	v5 =	vld [tilespmem:s30+$0x8E0];
	[tilespmem:s28+$0x48F0] =	vst v4;
	s28 =	smov.u32 s30  }
0x42: {  	v4 =	vld [tilespmem:s28+$0x8F0]  }
0x43: {  	v10 =	vld [tilespmem:s28+$0x4880]  }
0x44: {  	v11 =	vld [tilespmem:s28+$0x4890]  }
.Ltmp0:
0x45: {  	v14 =	vld [tilespmem:s28+$0x48A0];
	(pc) =	sbr.rel @p0 .LBB2_2-.Ltmp0, $4  }
0x46: {  	v13 =	vld [tilespmem:s28+$0x48B0]  }
0x47: {  	v12 =	vld [tilespmem:s28+$0x48C0]  }
0x48: {  	v16 =	vmul.f32 v16, v10;
	v10 =	vld [tilespmem:s28+$0x48D0]  }
0x49: {  	s29 =	sadd.s32 $0x200, s29;
	v15 =	vmul.f32 v15, v11;
	v11 =	vld [tilespmem:s28+$0x48E0]  }
0x4a: {  	[tilespmem:s28+$0x4880] =	vst v16;
	v9 =	vmul.f32 v9, v14;
	v57 =	vld [tilespmem:s28+$0x48F0]  }
0x4b: {  	[tilespmem:s28+$0x4890] =	vst v15;
	v8 =	vmul.f32 v8, v13  }
0x4c: {  	[tilespmem:s28+$0x48A0] =	vst v9;
	v7 =	vmul.f32 v7, v12  }
0x4d: {  	[tilespmem:s28+$0x48B0] =	vst v8;
	v6 =	vmul.f32 v6, v10  }
0x4e: {  	[tilespmem:s28+$0x48C0] =	vst v7;
	v5 =	vmul.f32 v5, v11  }
0x4f: {  	[tilespmem:s28+$0x48D0] =	vst v6;
	v4 =	vmul.f32 v4, v57  }
0x50: {  	[tilespmem:s28+$0x48E0] =	vst v5  }
0x51: {  	[tilespmem:s28+$0x48F0] =	vst v4  }
0x52: {  	_ =	swait.ge [sflag:s20], $0x4000  }
0x53: {  	[sflag:s20] =	ssyncset.done $0x0  }
0x54: {  	s29 =	simm.s32 $0x0;
	[sflag:s20] =	ssyncadd.s32 $0xFFFFC000  }
0x55: {  	v4 =	vld [tilespmem:s29+$0x8880]  }
0x56: {  	v5 =	vld [tilespmem:s29+$0x4880]  }
0x57: {  	v6 =	vld [tilespmem:s29+$0x8890]  }
0x58: {  	v7 =	vld [tilespmem:s29+$0x4890]  }
0x59: {  	v8 =	vld [tilespmem:s29+$0x88A0]  }
0x5a: {  	v9 =	vld [tilespmem:s29+$0x48A0]  }
0x5b: {  	v10 =	vld [tilespmem:s29+$0x88B0]  }
0x5c: {  	v11 =	vld [tilespmem:s29+$0x48B0]  }
0x5d: {  	v4 =	vmul.f32 v5, v4;
	v5 =	vmul.f32 v7, v6;
	v6 =	vld [tilespmem:s29+$0x88C0]  }
0x5e: {  	v7 =	vld [tilespmem:s29+$0x48C0]  }
0x5f: {  	v4 =	vadd.f32 v5, v4;
	v5 =	vmul.f32 v9, v8;
	v8 =	vld [tilespmem:s29+$0x88D0]  }
0x60: {  	v9 =	vld [tilespmem:s29+$0x48D0]  }
0x61: {  	v4 =	vadd.f32 v5, v4;
	v5 =	vmul.f32 v11, v10;
	v10 =	vld [tilespmem:s29+$0x88E0]  }
0x62: {  	v11 =	vld [tilespmem:s29+$0x48E0]  }
0x63: {  	v4 =	vadd.f32 v5, v4;
	v5 =	vmul.f32 v7, v6;
	v6 =	vld [tilespmem:s29+$0x88F0]  }
0x64: {  	s28 =	simm.s32 $0x80;
	v7 =	vld [tilespmem:s29+$0x48F0]  }
0x65: {  	v58 =	vld [tilespmem:s28+$0x8880];
	v4 =	vadd.f32 v5, v4;
	v5 =	vmul.f32 v9, v8  }
0x66: {  	v8 =	vld [tilespmem:s28+$0x4880]  }
0x67: {  	v9 =	vld [tilespmem:s28+$0x8890];
	v4 =	vadd.f32 v5, v4;
	v5 =	vmul.f32 v11, v10  }
0x68: {  	v10 =	vld [tilespmem:s28+$0x4890]  }
0x69: {  	v11 =	vld [tilespmem:s28+$0x88A0];
	v4 =	vadd.f32 v5, v4;
	v5 =	vmul.f32 v7, v6  }
0x6a: {  	v6 =	vld [tilespmem:s28+$0x48A0]  }
0x6b: {  	v7 =	vld [tilespmem:s28+$0x88B0];
	v4 =	vadd.f32 v5, v4  }
0x6c: {  	v5 =	vmul.f32 v8, v58;
	v8 =	vld [tilespmem:s28+$0x48B0]  }
0x6d: {  	v60 =	vld [tilespmem:s28+$0x48C0];
	v9 =	vmul.f32 v10, v9;
	v59 =	vperm.xlane v4, v0  }
0x6e: {  	v10 =	vld [tilespmem:s28+$0x88C0]  }
0x6f: {  	v61 =	vld [tilespmem:s28+$0x48D0];
	v5 =	vadd.f32 v9, v5;
	v6 =	vmul.f32 v6, v11;
	v11 =	vadd.f32 v4, v59  }
0x70: {  	v9 =	vld [tilespmem:s28+$0x88D0]  }
0x71: {  	v62 =	vld [tilespmem:s28+$0x48E0];
	v4 =	vadd.f32 v6, v5;
	v5 =	vmul.f32 v8, v7;
	v6 =	vperm.xlane v11, v1  }
0x72: {  	v8 =	vld [tilespmem:s28+$0x88E0]  }
0x73: {  	v10 =	vmul.f32 v60, v10;
	v7 =	vadd.f32 v5, v4;
	v4 =	vld [tilespmem:s28+$0x88F0];
	v11 =	vadd.f32 v11, v6  }
0x74: {  	s30 =	simm.s32 $0x100;
	v5 =	vld [tilespmem:s28+$0x48F0]  }
0x75: {  	v6 =	vld [tilespmem:s30+$0x8880];
	v12 =	vmul.f32 v61, v9;
	v7 =	vadd.f32 v10, v7;
	v63 =	vperm.xlane v11, v2  }
0x76: {  	v9 =	vld [tilespmem:s30+$0x8890]  }
0x77: {  	s31 =	simm.s32 $0x600;
	v10 =	vld [tilespmem:s30+$0x4880];
	v8 =	vmul.f32 v62, v8;
	v7 =	vadd.f32 v12, v7;
	v11 =	vadd.f32 v11, v63  }
.LBB2_4:
0x78: {  	p0 =	sne.s32 s31, $0xFE00;
	v12 =	vld [tilespmem:s30+$0x4890]  }
0x79: {  	v13 =	vld [tilespmem:s30+$0x88A0];
	v7 =	vadd.f32 v8, v7;
	v4 =	vmul.f32 v5, v4;
	v5 =	vperm.xlane v11, v3  }
0x7a: {  	v8 =	vld [tilespmem:s30+$0x48A0]  }
0x7b: {  	v14 =	vld [tilespmem:s30+$0x88B0];
	v4 =	vadd.f32 v4, v7;
	v5 =	vadd.f32 v11, v5  }
0x7c: {  	v6 =	vmul.f32 v10, v6;
	v7 =	vld [tilespmem:s30+$0x48B0]  }
0x7d: {  	v9 =	vmul.f32 v12, v9;
	v10 =	vld [tilespmem:s30+$0x88C0];
	v11 =	vperm.xlane v4, v0;
	v5 =	vxor.u32 $0x80000000, v5  }
0x7e: {  	v12 =	vld [tilespmem:s30+$0x48C0];
	v5 =	vnsel vm0, $0x0, v5  }
0x7f: {  	v6 =	vadd.f32 v9, v6;
	v8 =	vmul.f32 v8, v13;
	v9 =	vld [tilespmem:s30+$0x88D0];
	v11 =	vadd.f32 v4, v11;
	[tilespmem:s29+$0x14880] =	vst v5;
	s29 =	smov.u32 s28;
	s28 =	smov.u32 s30  }
0x80: {  	v13 =	vld [tilespmem:s28+$0x48D0]  }
0x81: {  	v4 =	vadd.f32 v8, v6;
	v5 =	vmul.f32 v7, v14;
	v8 =	vld [tilespmem:s28+$0x88E0];
	v6 =	vperm.xlane v11, v1  }
0x82: {  	v14 =	vld [tilespmem:s28+$0x48E0]  }
.Ltmp1:
0x83: {  	v7 =	vadd.f32 v5, v4;
	v10 =	vmul.f32 v12, v10;
	v4 =	vld [tilespmem:s28+$0x88F0];
	v11 =	vadd.f32 v11, v6;
	(pc) =	sbr.rel @p0 .LBB2_4-.Ltmp1, $4  }
0x84: {  	s30 =	sshra.s32 s31, $0x2;
	v5 =	vld [tilespmem:s28+$0x48F0]  }
0x85: {  	v6 =	vld [tilespmem:s30+$0x8880];
	v7 =	vadd.f32 v10, v7;
	v12 =	vmul.f32 v13, v9;
	v13 =	vperm.xlane v11, v2  }
0x86: {  	v10 =	vld [tilespmem:s30+$0x4880]  }
0x87: {  	s31 =	sadd.s32 $0x200, s31;
	v9 =	vld [tilespmem:s30+$0x8890];
	v7 =	vadd.f32 v12, v7;
	v8 =	vmul.f32 v14, v8;
	v11 =	vadd.f32 v11, v13  }
0x88: {  	v12 =	vld [tilespmem:s30+$0x4890]  }
0x89: {  	v13 =	vld [tilespmem:s30+$0x88A0];
	v14 =	vperm.xlane v11, v3  }
0x8a: {  	v15 =	vld [tilespmem:s30+$0x48A0]  }
0x8b: {  	v16 =	vld [tilespmem:s30+$0x88B0];
	v11 =	vadd.f32 v11, v14  }
0x8c: {  	v14 =	vld [tilespmem:s30+$0x48B0]  }
0x8d: {  	v17 =	vld [tilespmem:s30+$0x88C0];
	v6 =	vmul.f32 v10, v6;
	v9 =	vmul.f32 v12, v9;
	v10 =	vxor.u32 $0x80000000, v11  }
0x8e: {  	v11 =	vld [tilespmem:s30+$0x48C0];
	v10 =	vnsel vm0, $0x0, v10  }
0x8f: {  	v12 =	vld [tilespmem:s30+$0x88D0];
	v6 =	vadd.f32 v9, v6;
	v9 =	vmul.f32 v15, v13;
	[tilespmem:s29+$0x14880] =	vst v10  }
0x90: {  	v10 =	vld [tilespmem:s30+$0x48D0]  }
0x91: {  	v13 =	vld [tilespmem:s30+$0x88E0];
	v6 =	vadd.f32 v9, v6;
	v9 =	vmul.f32 v14, v16  }
0x92: {  	v14 =	vld [tilespmem:s30+$0x48E0]  }
0x93: {  	v15 =	vld [tilespmem:s30+$0x48F0];
	v6 =	vadd.f32 v9, v6;
	v9 =	vmul.f32 v11, v17  }
0x94: {  	v11 =	vld [tilespmem:s30+$0x88F0]  }
0x95: {  	v6 =	vadd.f32 v9, v6;
	v9 =	vmul.f32 v10, v12;
	_ =	sdelay $0x1  }
0x96: {  	v6 =	vadd.f32 v9, v6;
	v9 =	vmul.f32 v14, v13  }
0x97: {  	v7 =	vadd.f32 v8, v7;
	v4 =	vmul.f32 v5, v4  }
0x98: {  	v5 =	vadd.f32 v9, v6;
	v6 =	vmul.f32 v15, v11  }
0x99: {  	v4 =	vadd.f32 v4, v7  }
0x9a: {  	v5 =	vadd.f32 v6, v5  }
0x9b: {  	v6 =	vperm.xlane v4, v0  }
0x9c: {  	v7 =	vperm.xlane v5, v0  }
0x9d: {  	v4 =	vadd.f32 v4, v6  }
0x9e: {  	v5 =	vadd.f32 v5, v7  }
0x9f: {  	v6 =	vperm.xlane v4, v1  }
0xa0: {  	v7 =	vperm.xlane v5, v1  }
0xa1: {  	v4 =	vadd.f32 v4, v6  }
0xa2: {  	v5 =	vadd.f32 v5, v7  }
0xa3: {  	v6 =	vperm.xlane v4, v2  }
0xa4: {  	v7 =	vperm.xlane v5, v2  }
0xa5: {  	v4 =	vadd.f32 v4, v6  }
0xa6: {  	v5 =	vadd.f32 v5, v7  }
0xa7: {  	v6 =	vperm.xlane v4, v3  }
0xa8: {  	v7 =	vperm.xlane v5, v3  }
0xa9: {  	v4 =	vadd.f32 v4, v6  }
0xaa: {  	v5 =	vadd.f32 v5, v7  }
0xab: {  	v4 =	vxor.u32 $0x80000000, v4  }
0xac: {  	v4 =	vnsel vm0, $0x0, v4;
	v5 =	vxor.u32 $0x80000000, v5  }
0xad: {  	[tilespmem:s28+$0x14880] =	vst v4;
	v4 =	vnsel vm0, $0x0, v5  }
0xae: {  	[tilespmem:s30+$0x14880] =	vst v4  }
0xaf: {  	_ =	swait.ge [sflag:s21], $0x4000  }
0xb0: {  	[sflag:s21] =	ssyncset.done $0x0  }
0xb1: {  	s29 =	simm.s32 $0x0;
	s28 =	simm.s32 $0x180;
	[sflag:s21] =	ssyncadd.s32 $0xFFFFC000  }
0xb2: {  	[tilespmem:s23], [sflag:$0x5] =	stream.indirect.gather [hbm4b:s0+s12], $0x80, s28, s12, $0xb8;
	[tilespmem:$0x18880] =	vst v63  }
0xb3: {  	v4 =	vld [tilespmem:s29+$0xC880]  }
0xb4: {  	v5 =	vld [tilespmem:s29+$0x4880]  }
0xb5: {  	v6 =	vld [tilespmem:s29+$0xC890]  }
0xb6: {  	v7 =	vld [tilespmem:s29+$0x4890]  }
0xb7: {  	v8 =	vld [tilespmem:s29+$0xC8A0]  }
0xb8: {  	v9 =	vld [tilespmem:s29+$0x48A0]  }
0xb9: {  	v10 =	vld [tilespmem:s29+$0xC8B0]  }
0xba: {  	v11 =	vld [tilespmem:s29+$0x48B0]  }
0xbb: {  	v4 =	vmul.f32 v5, v4;
	v5 =	vmul.f32 v7, v6;
	v6 =	vld [tilespmem:s29+$0xC8C0]  }
0xbc: {  	v7 =	vld [tilespmem:s29+$0x48C0]  }
0xbd: {  	v4 =	vadd.f32 v5, v4;
	v5 =	vmul.f32 v9, v8;
	v8 =	vld [tilespmem:s29+$0xC8D0]  }
0xbe: {  	v9 =	vld [tilespmem:s29+$0x48D0]  }
0xbf: {  	v4 =	vadd.f32 v5, v4;
	v5 =	vmul.f32 v11, v10;
	v10 =	vld [tilespmem:s29+$0xC8E0]  }
0xc0: {  	v11 =	vld [tilespmem:s29+$0x48E0]  }
0xc1: {  	v4 =	vadd.f32 v5, v4;
	v5 =	vmul.f32 v7, v6;
	v6 =	vld [tilespmem:s29+$0xC8F0]  }
0xc2: {  	v7 =	vld [tilespmem:s29+$0x48F0]  }
0xc3: {  	s28 =	simm.s32 $0x80;
	v4 =	vadd.f32 v5, v4;
	v5 =	vmul.f32 v9, v8  }
0xc4: {  	v8 =	vld [tilespmem:s28+$0xC880]  }
0xc5: {  	v9 =	vld [tilespmem:s28+$0x4880];
	v4 =	vadd.f32 v5, v4;
	v5 =	vmul.f32 v11, v10  }
0xc6: {  	v10 =	vld [tilespmem:s28+$0xC890]  }
0xc7: {  	v11 =	vld [tilespmem:s28+$0x4890];
	v4 =	vadd.f32 v5, v4;
	v5 =	vmul.f32 v7, v6  }
0xc8: {  	v6 =	vld [tilespmem:s28+$0xC8A0]  }
0xc9: {  	v7 =	vld [tilespmem:s28+$0x48A0];
	v4 =	vadd.f32 v5, v4  }
0xca: {  	v12 =	vld [tilespmem:s28+$0x48B0]  }
0xcb: {  	v5 =	vld [tilespmem:s28+$0xC8B0];
	v13 =	vperm.xlane v4, v0  }
0xcc: {  	v14 =	vld [tilespmem:s28+$0xC8C0];
	v8 =	vmul.f32 v9, v8;
	v9 =	vmul.f32 v11, v10  }
0xcd: {  	v10 =	vld [tilespmem:s28+$0x48C0];
	v4 =	vadd.f32 v4, v13  }
0xce: {  	v11 =	vld [tilespmem:s28+$0xC8D0];
	v8 =	vadd.f32 v9, v8;
	v6 =	vmul.f32 v7, v6  }
0xcf: {  	v7 =	vld [tilespmem:s28+$0x48D0];
	v9 =	vperm.xlane v4, v1  }
0xd0: {  	v13 =	vld [tilespmem:s28+$0xC8E0];
	v6 =	vadd.f32 v6, v8;
	v5 =	vmul.f32 v12, v5  }
0xd1: {  	v8 =	vld [tilespmem:s28+$0x48E0];
	v9 =	vadd.f32 v4, v9  }
0xd2: {  	v10 =	vmul.f32 v10, v14;
	v12 =	vadd.f32 v5, v6;
	v5 =	vld [tilespmem:s28+$0x48F0]  }
0xd3: {  	s30 =	simm.s32 $0x100;
	v4 =	vld [tilespmem:s28+$0xC8F0];
	v14 =	vperm.xlane v9, v2  }
0xd4: {  	v6 =	vld [tilespmem:s30+$0xC880];
	v15 =	vmul.f32 v7, v11;
	v10 =	vadd.f32 v10, v12  }
0xd5: {  	v7 =	vld [tilespmem:s30+$0x4880];
	v12 =	vadd.f32 v9, v14  }
0xd6: {  	v11 =	vld [tilespmem:s29+$0x14880];
	v9 =	vadd.f32 v15, v10;
	v10 =	vmul.f32 v8, v13  }
0xd7: {  	s31 =	simm.s32 $0x600;
	v8 =	vld [tilespmem:s30+$0xC890];
	v13 =	vperm.xlane v12, v3  }
.LBB2_6:
0xd8: {  	p0 =	sne.s32 s31, $0xFE00;
	v14 =	vld [tilespmem:s30+$0x4890];
	v9 =	vadd.f32 v10, v9;
	v4 =	vmul.f32 v5, v4  }
0xd9: {  	v5 =	vld [tilespmem:s30+$0xC8A0];
	v10 =	vadd.f32 v12, v13  }
0xda: {  	v12 =	vld [tilespmem:s30+$0x48A0];
	v4 =	vadd.f32 v4, v9  }
0xdb: {  	v9 =	vld [tilespmem:s30+$0xC8B0];
	v10 =	vsel vm1, v11, v10  }
0xdc: {  	v11 =	vld [tilespmem:s30+$0x48B0];
	v13 =	vperm.xlane v4, v0;
	[tilespmem:s29+$0x14880] =	vst v10;
	s29 =	smov.u32 s28;
	s28 =	smov.u32 s30  }
0xdd: {  	v6 =	vmul.f32 v7, v6;
	v7 =	vmul.f32 v14, v8;
	v8 =	vld [tilespmem:s28+$0xC8C0]  }
0xde: {  	v10 =	vld [tilespmem:s28+$0x48C0];
	v4 =	vadd.f32 v4, v13  }
0xdf: {  	v6 =	vadd.f32 v7, v6;
	v5 =	vmul.f32 v12, v5;
	v7 =	vld [tilespmem:s28+$0xC8D0]  }
0xe0: {  	v12 =	vld [tilespmem:s28+$0x48D0];
	v13 =	vperm.xlane v4, v1  }
0xe1: {  	v5 =	vadd.f32 v5, v6;
	v6 =	vmul.f32 v11, v9;
	v11 =	vld [tilespmem:s28+$0xC8E0]  }
0xe2: {  	v14 =	vld [tilespmem:s28+$0x48E0];
	v9 =	vadd.f32 v4, v13  }
0xe3: {  	v13 =	vadd.f32 v6, v5;
	v8 =	vmul.f32 v10, v8;
	v4 =	vld [tilespmem:s28+$0xC8F0]  }
.Ltmp2:
0xe4: {  	s30 =	sshra.s32 s31, $0x2;
	v5 =	vld [tilespmem:s28+$0x48F0];
	v10 =	vperm.xlane v9, v2;
	(pc) =	sbr.rel @p0 .LBB2_6-.Ltmp2, $4  }
0xe5: {  	v6 =	vld [tilespmem:s30+$0xC880];
	v8 =	vadd.f32 v8, v13;
	v13 =	vmul.f32 v12, v7  }
0xe6: {  	v7 =	vld [tilespmem:s30+$0x4880];
	v12 =	vadd.f32 v9, v10  }
0xe7: {  	v9 =	vadd.f32 v13, v8;
	v10 =	vmul.f32 v14, v11;
	v11 =	vld [tilespmem:s29+$0x14880]  }
0xe8: {  	s31 =	sadd.s32 $0x200, s31;
	v8 =	vld [tilespmem:s30+$0xC890];
	v13 =	vperm.xlane v12, v3  }
0xe9: {  	v14 =	vld [tilespmem:s30+$0x4890]  }
0xea: {  	v15 =	vld [tilespmem:s30+$0xC8A0];
	v12 =	vadd.f32 v12, v13  }
0xeb: {  	v13 =	vld [tilespmem:s30+$0x48A0]  }
0xec: {  	v16 =	vld [tilespmem:s30+$0xC8B0];
	v11 =	vsel vm1, v11, v12  }
0xed: {  	v12 =	vld [tilespmem:s30+$0x48B0];
	[tilespmem:s29+$0x14880] =	vst v11  }
0xee: {  	v6 =	vmul.f32 v7, v6;
	v7 =	vmul.f32 v14, v8;
	v8 =	vld [tilespmem:s30+$0xC8C0]  }
0xef: {  	v11 =	vld [tilespmem:s30+$0x48C0]  }
0xf0: {  	v14 =	vld [tilespmem:s30+$0x48D0];
	v6 =	vadd.f32 v7, v6;
	v7 =	vmul.f32 v13, v15  }
0xf1: {  	v9 =	vadd.f32 v10, v9;
	v13 =	vld [tilespmem:s30+$0xC8D0]  }
0xf2: {  	v4 =	vmul.f32 v5, v4;
	v5 =	vld [tilespmem:s30+$0x48E0];
	v6 =	vadd.f32 v7, v6;
	v7 =	vmul.f32 v12, v16  }
0xf3: {  	v12 =	vld [tilespmem:s30+$0xC8E0]  }
0xf4: {  	v4 =	vadd.f32 v4, v9;
	v9 =	vld [tilespmem:s30+$0x48F0];
	v6 =	vadd.f32 v7, v6;
	v7 =	vmul.f32 v11, v8  }
0xf5: {  	v8 =	vld [tilespmem:s30+$0xC8F0]  }
0xf6: {  	v6 =	vadd.f32 v7, v6;
	v7 =	vmul.f32 v14, v13  }
0xf7: {  	v10 =	vperm.xlane v4, v0  }
0xf8: {  	v5 =	vmul.f32 v5, v12;
	v6 =	vadd.f32 v7, v6  }
0xf9: {  	v4 =	vadd.f32 v4, v10  }
0xfa: {  	v5 =	vadd.f32 v5, v6;
	v6 =	vmul.f32 v9, v8  }
0xfb: {  	v7 =	vperm.xlane v4, v1  }
0xfc: {  	v5 =	vadd.f32 v6, v5  }
0xfd: {  	v4 =	vadd.f32 v4, v7  }
0xfe: {  	v6 =	vperm.xlane v5, v0  }
0xff: {  	v7 =	vperm.xlane v4, v2  }
0x100: {  	v5 =	vadd.f32 v5, v6  }
0x101: {  	v4 =	vadd.f32 v4, v7  }
0x102: {  	v6 =	vld [tilespmem:s28+$0x14880];
	v7 =	vperm.xlane v5, v1  }
0x103: {  	v8 =	vperm.xlane v4, v3  }
0x104: {  	v5 =	vadd.f32 v5, v7  }
0x105: {  	v4 =	vadd.f32 v4, v8  }
0x106: {  	v7 =	vperm.xlane v5, v2  }
0x107: {  	v4 =	vsel vm1, v6, v4  }
0x108: {  	[tilespmem:s28+$0x14880] =	vst v4;
	v4 =	vadd.f32 v5, v7  }
0x109: {  	v5 =	vld [tilespmem:s30+$0x14880]  }
0x10a: {  	v6 =	vperm.xlane v4, v3;
	_ =	sdelay $0x1  }
0x10b: {  	v4 =	vadd.f32 v4, v6;
	_ =	sdelay $0x1  }
0x10c: {  	v4 =	vsel vm1, v5, v4  }
0x10d: {  	[tilespmem:s30+$0x14880] =	vst v4  }
0x10e: {  	_ =	swait.ge [sflag:s24], $0x4000  }
0x10f: {  	[sflag:s24] =	ssyncset.done $0x0  }
0x110: {  	s29 =	simm.s32 $0x0;
	s28 =	simm.s32 $0x200;
	[sflag:s24] =	ssyncadd.s32 $0xFFFFC000  }
0x111: {  	[tilespmem:s17], [sflag:$0x4] =	stream.indirect.gather [hbm4b:s0+s12], $0x80, s28, s12, $0xb8;
	[tilespmem:$0x18880] =	vst v63  }
0x112: {  	v4 =	vld [tilespmem:s29+$0x10880]  }
0x113: {  	v5 =	vld [tilespmem:s29+$0x4880]  }
0x114: {  	v6 =	vld [tilespmem:s29+$0x10890]  }
0x115: {  	v7 =	vld [tilespmem:s29+$0x4890]  }
0x116: {  	v8 =	vld [tilespmem:s29+$0x108A0]  }
0x117: {  	v9 =	vld [tilespmem:s29+$0x48A0]  }
0x118: {  	v10 =	vld [tilespmem:s29+$0x108B0]  }
0x119: {  	v11 =	vld [tilespmem:s29+$0x48B0]  }
0x11a: {  	v4 =	vmul.f32 v5, v4;
	v5 =	vmul.f32 v7, v6;
	v6 =	vld [tilespmem:s29+$0x108C0]  }
0x11b: {  	v7 =	vld [tilespmem:s29+$0x48C0]  }
0x11c: {  	v4 =	vadd.f32 v5, v4;
	v5 =	vmul.f32 v9, v8;
	v8 =	vld [tilespmem:s29+$0x108D0]  }
0x11d: {  	v9 =	vld [tilespmem:s29+$0x48D0]  }
0x11e: {  	v4 =	vadd.f32 v5, v4;
	v5 =	vmul.f32 v11, v10;
	v10 =	vld [tilespmem:s29+$0x108E0]  }
0x11f: {  	v11 =	vld [tilespmem:s29+$0x48E0]  }
0x120: {  	v4 =	vadd.f32 v5, v4;
	v5 =	vmul.f32 v7, v6;
	v6 =	vld [tilespmem:s29+$0x108F0]  }
0x121: {  	v7 =	vld [tilespmem:s29+$0x48F0]  }
0x122: {  	s28 =	simm.s32 $0x80;
	v4 =	vadd.f32 v5, v4;
	v5 =	vmul.f32 v9, v8  }
0x123: {  	v8 =	vld [tilespmem:s28+$0x10880]  }
0x124: {  	v9 =	vld [tilespmem:s28+$0x4880];
	v4 =	vadd.f32 v5, v4;
	v5 =	vmul.f32 v11, v10  }
0x125: {  	v10 =	vld [tilespmem:s28+$0x10890]  }
0x126: {  	v11 =	vld [tilespmem:s28+$0x4890];
	v4 =	vadd.f32 v5, v4;
	v5 =	vmul.f32 v7, v6  }
0x127: {  	v6 =	vld [tilespmem:s28+$0x108A0]  }
0x128: {  	v7 =	vld [tilespmem:s28+$0x48A0];
	v4 =	vadd.f32 v5, v4  }
0x129: {  	v12 =	vld [tilespmem:s28+$0x48B0]  }
0x12a: {  	v5 =	vld [tilespmem:s28+$0x108B0];
	v13 =	vperm.xlane v4, v0  }
0x12b: {  	v14 =	vld [tilespmem:s28+$0x108C0];
	v8 =	vmul.f32 v9, v8;
	v9 =	vmul.f32 v11, v10  }
0x12c: {  	v10 =	vld [tilespmem:s28+$0x48C0];
	v4 =	vadd.f32 v4, v13  }
0x12d: {  	v11 =	vld [tilespmem:s28+$0x108D0];
	v8 =	vadd.f32 v9, v8;
	v6 =	vmul.f32 v7, v6  }
0x12e: {  	v7 =	vld [tilespmem:s28+$0x48D0];
	v9 =	vperm.xlane v4, v1  }
0x12f: {  	v13 =	vld [tilespmem:s28+$0x108E0];
	v6 =	vadd.f32 v6, v8;
	v5 =	vmul.f32 v12, v5  }
0x130: {  	v8 =	vld [tilespmem:s28+$0x48E0];
	v9 =	vadd.f32 v4, v9  }
0x131: {  	v10 =	vmul.f32 v10, v14;
	v12 =	vadd.f32 v5, v6;
	v5 =	vld [tilespmem:s28+$0x48F0]  }
0x132: {  	s30 =	simm.s32 $0x100;
	v4 =	vld [tilespmem:s28+$0x108F0];
	v14 =	vperm.xlane v9, v2  }
0x133: {  	v6 =	vld [tilespmem:s30+$0x10880];
	v15 =	vmul.f32 v7, v11;
	v10 =	vadd.f32 v10, v12  }
0x134: {  	v7 =	vld [tilespmem:s30+$0x4880];
	v12 =	vadd.f32 v9, v14  }
0x135: {  	v11 =	vld [tilespmem:s29+$0x14880];
	v9 =	vadd.f32 v15, v10;
	v10 =	vmul.f32 v8, v13  }
0x136: {  	s31 =	simm.s32 $0x600;
	v8 =	vld [tilespmem:s30+$0x10890];
	v13 =	vperm.xlane v12, v3  }
.LBB2_8:
0x137: {  	p0 =	sne.s32 s31, $0xFE00;
	v14 =	vld [tilespmem:s30+$0x4890];
	v9 =	vadd.f32 v10, v9;
	v4 =	vmul.f32 v5, v4  }
0x138: {  	v5 =	vld [tilespmem:s30+$0x108A0];
	v10 =	vadd.f32 v12, v13  }
0x139: {  	v12 =	vld [tilespmem:s30+$0x48A0];
	v4 =	vadd.f32 v4, v9  }
0x13a: {  	v9 =	vld [tilespmem:s30+$0x108B0];
	v10 =	vsel vm2, v11, v10  }
0x13b: {  	v11 =	vld [tilespmem:s30+$0x48B0];
	v13 =	vperm.xlane v4, v0;
	[tilespmem:s29+$0x14880] =	vst v10;
	s29 =	smov.u32 s28;
	s28 =	smov.u32 s30  }
0x13c: {  	v6 =	vmul.f32 v7, v6;
	v7 =	vmul.f32 v14, v8;
	v8 =	vld [tilespmem:s28+$0x108C0]  }
0x13d: {  	v10 =	vld [tilespmem:s28+$0x48C0];
	v4 =	vadd.f32 v4, v13  }
0x13e: {  	v6 =	vadd.f32 v7, v6;
	v5 =	vmul.f32 v12, v5;
	v7 =	vld [tilespmem:s28+$0x108D0]  }
0x13f: {  	v12 =	vld [tilespmem:s28+$0x48D0];
	v13 =	vperm.xlane v4, v1  }
0x140: {  	v5 =	vadd.f32 v5, v6;
	v6 =	vmul.f32 v11, v9;
	v11 =	vld [tilespmem:s28+$0x108E0]  }
0x141: {  	v14 =	vld [tilespmem:s28+$0x48E0];
	v9 =	vadd.f32 v4, v13  }
0x142: {  	v13 =	vadd.f32 v6, v5;
	v8 =	vmul.f32 v10, v8;
	v4 =	vld [tilespmem:s28+$0x108F0]  }
.Ltmp3:
0x143: {  	s30 =	sshra.s32 s31, $0x2;
	v5 =	vld [tilespmem:s28+$0x48F0];
	v10 =	vperm.xlane v9, v2;
	(pc) =	sbr.rel @p0 .LBB2_8-.Ltmp3, $4  }
0x144: {  	v6 =	vld [tilespmem:s30+$0x10880];
	v8 =	vadd.f32 v8, v13;
	v13 =	vmul.f32 v12, v7  }
0x145: {  	v7 =	vld [tilespmem:s30+$0x4880];
	v12 =	vadd.f32 v9, v10  }
0x146: {  	v9 =	vadd.f32 v13, v8;
	v10 =	vmul.f32 v14, v11;
	v11 =	vld [tilespmem:s29+$0x14880]  }
0x147: {  	s31 =	sadd.s32 $0x200, s31;
	v8 =	vld [tilespmem:s30+$0x10890];
	v13 =	vperm.xlane v12, v3  }
0x148: {  	v14 =	vld [tilespmem:s30+$0x4890]  }
0x149: {  	v15 =	vld [tilespmem:s30+$0x108A0];
	v12 =	vadd.f32 v12, v13  }
0x14a: {  	v13 =	vld [tilespmem:s30+$0x48A0]  }
0x14b: {  	v16 =	vld [tilespmem:s30+$0x108B0];
	v11 =	vsel vm2, v11, v12  }
0x14c: {  	v12 =	vld [tilespmem:s30+$0x48B0];
	[tilespmem:s29+$0x14880] =	vst v11  }
0x14d: {  	v6 =	vmul.f32 v7, v6;
	v7 =	vmul.f32 v14, v8;
	v8 =	vld [tilespmem:s30+$0x108C0]  }
0x14e: {  	v11 =	vld [tilespmem:s30+$0x48C0]  }
0x14f: {  	v14 =	vld [tilespmem:s30+$0x48D0];
	v6 =	vadd.f32 v7, v6;
	v7 =	vmul.f32 v13, v15  }
0x150: {  	v9 =	vadd.f32 v10, v9;
	v13 =	vld [tilespmem:s30+$0x108D0]  }
0x151: {  	v4 =	vmul.f32 v5, v4;
	v5 =	vld [tilespmem:s30+$0x48E0];
	v6 =	vadd.f32 v7, v6;
	v7 =	vmul.f32 v12, v16  }
0x152: {  	v12 =	vld [tilespmem:s30+$0x108E0]  }
0x153: {  	v4 =	vadd.f32 v4, v9;
	v9 =	vld [tilespmem:s30+$0x48F0];
	v6 =	vadd.f32 v7, v6;
	v7 =	vmul.f32 v11, v8  }
0x154: {  	v8 =	vld [tilespmem:s30+$0x108F0]  }
0x155: {  	v6 =	vadd.f32 v7, v6;
	v7 =	vmul.f32 v14, v13  }
0x156: {  	v10 =	vperm.xlane v4, v0  }
0x157: {  	v5 =	vmul.f32 v5, v12;
	v6 =	vadd.f32 v7, v6  }
0x158: {  	v4 =	vadd.f32 v4, v10  }
0x159: {  	v5 =	vadd.f32 v5, v6;
	v6 =	vmul.f32 v9, v8  }
0x15a: {  	v7 =	vperm.xlane v4, v1  }
0x15b: {  	v5 =	vadd.f32 v6, v5  }
0x15c: {  	v4 =	vadd.f32 v4, v7  }
0x15d: {  	v6 =	vperm.xlane v5, v0  }
0x15e: {  	v7 =	vperm.xlane v4, v2  }
0x15f: {  	v5 =	vadd.f32 v5, v6  }
0x160: {  	v4 =	vadd.f32 v4, v7  }
0x161: {  	v6 =	vld [tilespmem:s28+$0x14880];
	v7 =	vperm.xlane v5, v1  }
0x162: {  	v8 =	vperm.xlane v4, v3  }
0x163: {  	v5 =	vadd.f32 v5, v7  }
0x164: {  	v4 =	vadd.f32 v4, v8  }
0x165: {  	v7 =	vperm.xlane v5, v2  }
0x166: {  	v4 =	vsel vm2, v6, v4  }
0x167: {  	[tilespmem:s28+$0x14880] =	vst v4;
	v4 =	vadd.f32 v5, v7  }
0x168: {  	v5 =	vld [tilespmem:s30+$0x14880]  }
0x169: {  	v6 =	vperm.xlane v4, v3;
	_ =	sdelay $0x1  }
0x16a: {  	v4 =	vadd.f32 v4, v6;
	_ =	sdelay $0x1  }
0x16b: {  	v4 =	vsel vm2, v5, v4  }
0x16c: {  	[tilespmem:s30+$0x14880] =	vst v4  }
0x16d: {  	_ =	swait.ge [sflag:s21], $0x4000  }
0x16e: {  	[sflag:s21] =	ssyncset.done $0x0  }
0x16f: {  	s29 =	simm.s32 $0x0;
	s28 =	simm.s32 $0x280;
	[sflag:s21] =	ssyncadd.s32 $0xFFFFC000  }
0x170: {  	[tilespmem:s23], [sflag:$0x5] =	stream.indirect.gather [hbm4b:s0+s12], $0x80, s28, s12, $0xb8;
	[tilespmem:$0x18880] =	vst v63  }
0x171: {  	v4 =	vld [tilespmem:s29+$0xC880]  }
0x172: {  	v5 =	vld [tilespmem:s29+$0x4880]  }
0x173: {  	v6 =	vld [tilespmem:s29+$0xC890]  }
0x174: {  	v7 =	vld [tilespmem:s29+$0x4890]  }
0x175: {  	v8 =	vld [tilespmem:s29+$0xC8A0]  }
0x176: {  	v9 =	vld [tilespmem:s29+$0x48A0]  }
0x177: {  	v10 =	vld [tilespmem:s29+$0xC8B0]  }
0x178: {  	v11 =	vld [tilespmem:s29+$0x48B0]  }
0x179: {  	v4 =	vmul.f32 v5, v4;
	v5 =	vmul.f32 v7, v6;
	v6 =	vld [tilespmem:s29+$0xC8C0]  }
0x17a: {  	v7 =	vld [tilespmem:s29+$0x48C0]  }
0x17b: {  	v4 =	vadd.f32 v5, v4;
	v5 =	vmul.f32 v9, v8;
	v8 =	vld [tilespmem:s29+$0xC8D0]  }
0x17c: {  	v9 =	vld [tilespmem:s29+$0x48D0]  }
0x17d: {  	v4 =	vadd.f32 v5, v4;
	v5 =	vmul.f32 v11, v10;
	v10 =	vld [tilespmem:s29+$0xC8E0]  }
0x17e: {  	v11 =	vld [tilespmem:s29+$0x48E0]  }
0x17f: {  	v4 =	vadd.f32 v5, v4;
	v5 =	vmul.f32 v7, v6;
	v6 =	vld [tilespmem:s29+$0xC8F0]  }
0x180: {  	v7 =	vld [tilespmem:s29+$0x48F0]  }
0x181: {  	s28 =	simm.s32 $0x80;
	v4 =	vadd.f32 v5, v4;
	v5 =	vmul.f32 v9, v8  }
0x182: {  	v8 =	vld [tilespmem:s28+$0xC880]  }
0x183: {  	v9 =	vld [tilespmem:s28+$0x4880];
	v4 =	vadd.f32 v5, v4;
	v5 =	vmul.f32 v11, v10  }
0x184: {  	v10 =	vld [tilespmem:s28+$0xC890]  }
0x185: {  	v11 =	vld [tilespmem:s28+$0x4890];
	v4 =	vadd.f32 v5, v4;
	v5 =	vmul.f32 v7, v6  }
0x186: {  	v6 =	vld [tilespmem:s28+$0xC8A0]  }
0x187: {  	v7 =	vld [tilespmem:s28+$0x48A0];
	v4 =	vadd.f32 v5, v4  }
0x188: {  	v12 =	vld [tilespmem:s28+$0x48B0]  }
0x189: {  	v5 =	vld [tilespmem:s28+$0xC8B0];
	v13 =	vperm.xlane v4, v0  }
0x18a: {  	v14 =	vld [tilespmem:s28+$0xC8C0];
	v8 =	vmul.f32 v9, v8;
	v9 =	vmul.f32 v11, v10  }
0x18b: {  	v10 =	vld [tilespmem:s28+$0x48C0];
	v4 =	vadd.f32 v4, v13  }
0x18c: {  	v11 =	vld [tilespmem:s28+$0xC8D0];
	v8 =	vadd.f32 v9, v8;
	v6 =	vmul.f32 v7, v6  }
0x18d: {  	v7 =	vld [tilespmem:s28+$0x48D0];
	v9 =	vperm.xlane v4, v1  }
0x18e: {  	v13 =	vld [tilespmem:s28+$0xC8E0];
	v6 =	vadd.f32 v6, v8;
	v5 =	vmul.f32 v12, v5  }
0x18f: {  	v8 =	vld [tilespmem:s28+$0x48E0];
	v9 =	vadd.f32 v4, v9  }
0x190: {  	v10 =	vmul.f32 v10, v14;
	v12 =	vadd.f32 v5, v6;
	v5 =	vld [tilespmem:s28+$0x48F0]  }
0x191: {  	s30 =	simm.s32 $0x100;
	v4 =	vld [tilespmem:s28+$0xC8F0];
	v14 =	vperm.xlane v9, v2  }
0x192: {  	v6 =	vld [tilespmem:s30+$0xC880];
	v15 =	vmul.f32 v7, v11;
	v10 =	vadd.f32 v10, v12  }
0x193: {  	v7 =	vld [tilespmem:s30+$0x4880];
	v12 =	vadd.f32 v9, v14  }
0x194: {  	v11 =	vld [tilespmem:s29+$0x14880];
	v9 =	vadd.f32 v15, v10;
	v10 =	vmul.f32 v8, v13  }
0x195: {  	s31 =	simm.s32 $0x600;
	v8 =	vld [tilespmem:s30+$0xC890];
	v13 =	vperm.xlane v12, v3  }
.LBB2_10:
0x196: {  	p0 =	sne.s32 s31, $0xFE00;
	v14 =	vld [tilespmem:s30+$0x4890];
	v9 =	vadd.f32 v10, v9;
	v4 =	vmul.f32 v5, v4  }
0x197: {  	v5 =	vld [tilespmem:s30+$0xC8A0];
	v10 =	vadd.f32 v12, v13  }
0x198: {  	v12 =	vld [tilespmem:s30+$0x48A0];
	v4 =	vadd.f32 v4, v9  }
0x199: {  	v9 =	vld [tilespmem:s30+$0xC8B0];
	v10 =	vsel vm3, v11, v10  }
0x19a: {  	v11 =	vld [tilespmem:s30+$0x48B0];
	v13 =	vperm.xlane v4, v0;
	[tilespmem:s29+$0x14880] =	vst v10;
	s29 =	smov.u32 s28;
	s28 =	smov.u32 s30  }
0x19b: {  	v6 =	vmul.f32 v7, v6;
	v7 =	vmul.f32 v14, v8;
	v8 =	vld [tilespmem:s28+$0xC8C0]  }
0x19c: {  	v10 =	vld [tilespmem:s28+$0x48C0];
	v4 =	vadd.f32 v4, v13  }
0x19d: {  	v6 =	vadd.f32 v7, v6;
	v5 =	vmul.f32 v12, v5;
	v7 =	vld [tilespmem:s28+$0xC8D0]  }
0x19e: {  	v12 =	vld [tilespmem:s28+$0x48D0];
	v13 =	vperm.xlane v4, v1  }
0x19f: {  	v5 =	vadd.f32 v5, v6;
	v6 =	vmul.f32 v11, v9;
	v11 =	vld [tilespmem:s28+$0xC8E0]  }
0x1a0: {  	v14 =	vld [tilespmem:s28+$0x48E0];
	v9 =	vadd.f32 v4, v13  }
0x1a1: {  	v13 =	vadd.f32 v6, v5;
	v8 =	vmul.f32 v10, v8;
	v4 =	vld [tilespmem:s28+$0xC8F0]  }
.Ltmp4:
0x1a2: {  	s30 =	sshra.s32 s31, $0x2;
	v5 =	vld [tilespmem:s28+$0x48F0];
	v10 =	vperm.xlane v9, v2;
	(pc) =	sbr.rel @p0 .LBB2_10-.Ltmp4, $4  }
0x1a3: {  	v6 =	vld [tilespmem:s30+$0xC880];
	v8 =	vadd.f32 v8, v13;
	v13 =	vmul.f32 v12, v7  }
0x1a4: {  	v7 =	vld [tilespmem:s30+$0x4880];
	v12 =	vadd.f32 v9, v10  }
0x1a5: {  	v9 =	vadd.f32 v13, v8;
	v10 =	vmul.f32 v14, v11;
	v11 =	vld [tilespmem:s29+$0x14880]  }
0x1a6: {  	s31 =	sadd.s32 $0x200, s31;
	v8 =	vld [tilespmem:s30+$0xC890];
	v13 =	vperm.xlane v12, v3  }
0x1a7: {  	v14 =	vld [tilespmem:s30+$0x4890]  }
0x1a8: {  	v15 =	vld [tilespmem:s30+$0xC8A0];
	v12 =	vadd.f32 v12, v13  }
0x1a9: {  	v13 =	vld [tilespmem:s30+$0x48A0]  }
0x1aa: {  	v16 =	vld [tilespmem:s30+$0xC8B0];
	v11 =	vsel vm3, v11, v12  }
0x1ab: {  	v12 =	vld [tilespmem:s30+$0x48B0];
	[tilespmem:s29+$0x14880] =	vst v11  }
0x1ac: {  	v6 =	vmul.f32 v7, v6;
	v7 =	vmul.f32 v14, v8;
	v8 =	vld [tilespmem:s30+$0xC8C0]  }
0x1ad: {  	v11 =	vld [tilespmem:s30+$0x48C0]  }
0x1ae: {  	v14 =	vld [tilespmem:s30+$0x48D0];
	v6 =	vadd.f32 v7, v6;
	v7 =	vmul.f32 v13, v15  }
0x1af: {  	v9 =	vadd.f32 v10, v9;
	v13 =	vld [tilespmem:s30+$0xC8D0]  }
0x1b0: {  	v4 =	vmul.f32 v5, v4;
	v5 =	vld [tilespmem:s30+$0x48E0];
	v6 =	vadd.f32 v7, v6;
	v7 =	vmul.f32 v12, v16  }
0x1b1: {  	v12 =	vld [tilespmem:s30+$0xC8E0]  }
0x1b2: {  	v4 =	vadd.f32 v4, v9;
	v9 =	vld [tilespmem:s30+$0x48F0];
	v6 =	vadd.f32 v7, v6;
	v7 =	vmul.f32 v11, v8  }
0x1b3: {  	v8 =	vld [tilespmem:s30+$0xC8F0]  }
0x1b4: {  	v6 =	vadd.f32 v7, v6;
	v7 =	vmul.f32 v14, v13  }
0x1b5: {  	v10 =	vperm.xlane v4, v0  }
0x1b6: {  	v5 =	vmul.f32 v5, v12;
	v6 =	vadd.f32 v7, v6  }
0x1b7: {  	v4 =	vadd.f32 v4, v10  }
0x1b8: {  	v5 =	vadd.f32 v5, v6;
	v6 =	vmul.f32 v9, v8  }
0x1b9: {  	v7 =	vperm.xlane v4, v1  }
0x1ba: {  	v5 =	vadd.f32 v6, v5  }
0x1bb: {  	v4 =	vadd.f32 v4, v7  }
0x1bc: {  	v6 =	vperm.xlane v5, v0  }
0x1bd: {  	v7 =	vperm.xlane v4, v2  }
0x1be: {  	v5 =	vadd.f32 v5, v6  }
0x1bf: {  	v4 =	vadd.f32 v4, v7  }
0x1c0: {  	v6 =	vld [tilespmem:s28+$0x14880];
	v7 =	vperm.xlane v5, v1  }
0x1c1: {  	v8 =	vperm.xlane v4, v3  }
0x1c2: {  	v5 =	vadd.f32 v5, v7  }
0x1c3: {  	v4 =	vadd.f32 v4, v8  }
0x1c4: {  	v7 =	vperm.xlane v5, v2  }
0x1c5: {  	v4 =	vsel vm3, v6, v4  }
0x1c6: {  	[tilespmem:s28+$0x14880] =	vst v4;
	v4 =	vadd.f32 v5, v7  }
0x1c7: {  	v5 =	vld [tilespmem:s30+$0x14880]  }
0x1c8: {  	v6 =	vperm.xlane v4, v3;
	_ =	sdelay $0x1  }
0x1c9: {  	v4 =	vadd.f32 v4, v6;
	_ =	sdelay $0x1  }
0x1ca: {  	v4 =	vsel vm3, v5, v4  }
0x1cb: {  	[tilespmem:s30+$0x14880] =	vst v4  }
0x1cc: {  	_ =	swait.ge [sflag:s24], $0x4000  }
0x1cd: {  	[sflag:s24] =	ssyncset.done $0x0  }
0x1ce: {  	s29 =	simm.s32 $0x0;
	s28 =	simm.s32 $0x300;
	[sflag:s24] =	ssyncadd.s32 $0xFFFFC000  }
0x1cf: {  	[tilespmem:s17], [sflag:$0x4] =	stream.indirect.gather [hbm4b:s0+s12], $0x80, s28, s12, $0xb8;
	[tilespmem:$0x18880] =	vst v63  }
0x1d0: {  	v4 =	vld [tilespmem:s29+$0x10880]  }
0x1d1: {  	v5 =	vld [tilespmem:s29+$0x4880]  }
0x1d2: {  	v6 =	vld [tilespmem:s29+$0x10890]  }
0x1d3: {  	v7 =	vld [tilespmem:s29+$0x4890]  }
0x1d4: {  	v8 =	vld [tilespmem:s29+$0x108A0]  }
0x1d5: {  	v9 =	vld [tilespmem:s29+$0x48A0]  }
0x1d6: {  	v10 =	vld [tilespmem:s29+$0x108B0]  }
0x1d7: {  	v11 =	vld [tilespmem:s29+$0x48B0]  }
0x1d8: {  	v4 =	vmul.f32 v5, v4;
	v5 =	vmul.f32 v7, v6;
	v6 =	vld [tilespmem:s29+$0x108C0]  }
0x1d9: {  	v7 =	vld [tilespmem:s29+$0x48C0]  }
0x1da: {  	v4 =	vadd.f32 v5, v4;
	v5 =	vmul.f32 v9, v8;
	v8 =	vld [tilespmem:s29+$0x108D0]  }
0x1db: {  	v9 =	vld [tilespmem:s29+$0x48D0]  }
0x1dc: {  	v4 =	vadd.f32 v5, v4;
	v5 =	vmul.f32 v11, v10;
	v10 =	vld [tilespmem:s29+$0x108E0]  }
0x1dd: {  	v11 =	vld [tilespmem:s29+$0x48E0]  }
0x1de: {  	v4 =	vadd.f32 v5, v4;
	v5 =	vmul.f32 v7, v6;
	v6 =	vld [tilespmem:s29+$0x108F0]  }
0x1df: {  	v7 =	vld [tilespmem:s29+$0x48F0]  }
0x1e0: {  	s28 =	simm.s32 $0x80;
	v4 =	vadd.f32 v5, v4;
	v5 =	vmul.f32 v9, v8  }
0x1e1: {  	v8 =	vld [tilespmem:s28+$0x10880]  }
0x1e2: {  	v9 =	vld [tilespmem:s28+$0x4880];
	v4 =	vadd.f32 v5, v4;
	v5 =	vmul.f32 v11, v10  }
0x1e3: {  	v10 =	vld [tilespmem:s28+$0x10890]  }
0x1e4: {  	v11 =	vld [tilespmem:s28+$0x4890];
	v4 =	vadd.f32 v5, v4;
	v5 =	vmul.f32 v7, v6  }
0x1e5: {  	v6 =	vld [tilespmem:s28+$0x108A0]  }
0x1e6: {  	v7 =	vld [tilespmem:s28+$0x48A0];
	v4 =	vadd.f32 v5, v4  }
0x1e7: {  	v12 =	vld [tilespmem:s28+$0x48B0]  }
0x1e8: {  	v5 =	vld [tilespmem:s28+$0x108B0];
	v13 =	vperm.xlane v4, v0  }
0x1e9: {  	v14 =	vld [tilespmem:s28+$0x108C0];
	v8 =	vmul.f32 v9, v8;
	v9 =	vmul.f32 v11, v10  }
0x1ea: {  	v10 =	vld [tilespmem:s28+$0x48C0];
	v4 =	vadd.f32 v4, v13  }
0x1eb: {  	v11 =	vld [tilespmem:s28+$0x108D0];
	v8 =	vadd.f32 v9, v8;
	v6 =	vmul.f32 v7, v6  }
0x1ec: {  	v7 =	vld [tilespmem:s28+$0x48D0];
	v9 =	vperm.xlane v4, v1  }
0x1ed: {  	v13 =	vld [tilespmem:s28+$0x108E0];
	v6 =	vadd.f32 v6, v8;
	v5 =	vmul.f32 v12, v5  }
0x1ee: {  	v8 =	vld [tilespmem:s28+$0x48E0];
	v9 =	vadd.f32 v4, v9  }
0x1ef: {  	v10 =	vmul.f32 v10, v14;
	v12 =	vadd.f32 v5, v6;
	v5 =	vld [tilespmem:s28+$0x48F0]  }
0x1f0: {  	s30 =	simm.s32 $0x100;
	v4 =	vld [tilespmem:s28+$0x108F0];
	v14 =	vperm.xlane v9, v2  }
0x1f1: {  	v6 =	vld [tilespmem:s30+$0x10880];
	v15 =	vmul.f32 v7, v11;
	v10 =	vadd.f32 v10, v12  }
0x1f2: {  	v7 =	vld [tilespmem:s30+$0x4880];
	v12 =	vadd.f32 v9, v14  }
0x1f3: {  	v11 =	vld [tilespmem:s29+$0x14880];
	v9 =	vadd.f32 v15, v10;
	v10 =	vmul.f32 v8, v13  }
0x1f4: {  	s31 =	simm.s32 $0x600;
	v8 =	vld [tilespmem:s30+$0x10890];
	v13 =	vperm.xlane v12, v3  }
.LBB2_12:
0x1f5: {  	p0 =	sne.s32 s31, $0xFE00;
	v14 =	vld [tilespmem:s30+$0x4890];
	v9 =	vadd.f32 v10, v9;
	v4 =	vmul.f32 v5, v4  }
0x1f6: {  	v5 =	vld [tilespmem:s30+$0x108A0];
	v10 =	vadd.f32 v12, v13  }
0x1f7: {  	v12 =	vld [tilespmem:s30+$0x48A0];
	v4 =	vadd.f32 v4, v9  }
0x1f8: {  	v9 =	vld [tilespmem:s30+$0x108B0];
	v10 =	vsel vm4, v11, v10  }
0x1f9: {  	v11 =	vld [tilespmem:s30+$0x48B0];
	v13 =	vperm.xlane v4, v0;
	[tilespmem:s29+$0x14880] =	vst v10;
	s29 =	smov.u32 s28;
	s28 =	smov.u32 s30  }
0x1fa: {  	v6 =	vmul.f32 v7, v6;
	v7 =	vmul.f32 v14, v8;
	v8 =	vld [tilespmem:s28+$0x108C0]  }
0x1fb: {  	v10 =	vld [tilespmem:s28+$0x48C0];
	v4 =	vadd.f32 v4, v13  }
0x1fc: {  	v6 =	vadd.f32 v7, v6;
	v5 =	vmul.f32 v12, v5;
	v7 =	vld [tilespmem:s28+$0x108D0]  }
0x1fd: {  	v12 =	vld [tilespmem:s28+$0x48D0];
	v13 =	vperm.xlane v4, v1  }
0x1fe: {  	v5 =	vadd.f32 v5, v6;
	v6 =	vmul.f32 v11, v9;
	v11 =	vld [tilespmem:s28+$0x108E0]  }
0x1ff: {  	v14 =	vld [tilespmem:s28+$0x48E0];
	v9 =	vadd.f32 v4, v13  }
0x200: {  	v13 =	vadd.f32 v6, v5;
	v8 =	vmul.f32 v10, v8;
	v4 =	vld [tilespmem:s28+$0x108F0]  }
.Ltmp5:
0x201: {  	s30 =	sshra.s32 s31, $0x2;
	v5 =	vld [tilespmem:s28+$0x48F0];
	v10 =	vperm.xlane v9, v2;
	(pc) =	sbr.rel @p0 .LBB2_12-.Ltmp5, $4  }
0x202: {  	v6 =	vld [tilespmem:s30+$0x10880];
	v8 =	vadd.f32 v8, v13;
	v13 =	vmul.f32 v12, v7  }
0x203: {  	v7 =	vld [tilespmem:s30+$0x4880];
	v12 =	vadd.f32 v9, v10  }
0x204: {  	v9 =	vadd.f32 v13, v8;
	v10 =	vmul.f32 v14, v11;
	v11 =	vld [tilespmem:s29+$0x14880]  }
0x205: {  	s31 =	sadd.s32 $0x200, s31;
	v8 =	vld [tilespmem:s30+$0x10890];
	v13 =	vperm.xlane v12, v3  }
0x206: {  	v14 =	vld [tilespmem:s30+$0x4890]  }
0x207: {  	v15 =	vld [tilespmem:s30+$0x108A0];
	v12 =	vadd.f32 v12, v13  }
0x208: {  	v13 =	vld [tilespmem:s30+$0x48A0]  }
0x209: {  	v16 =	vld [tilespmem:s30+$0x108B0];
	v11 =	vsel vm4, v11, v12  }
0x20a: {  	v12 =	vld [tilespmem:s30+$0x48B0];
	[tilespmem:s29+$0x14880] =	vst v11  }
0x20b: {  	v6 =	vmul.f32 v7, v6;
	v7 =	vmul.f32 v14, v8;
	v8 =	vld [tilespmem:s30+$0x108C0]  }
0x20c: {  	v11 =	vld [tilespmem:s30+$0x48C0]  }
0x20d: {  	v14 =	vld [tilespmem:s30+$0x48D0];
	v6 =	vadd.f32 v7, v6;
	v7 =	vmul.f32 v13, v15  }
0x20e: {  	v9 =	vadd.f32 v10, v9;
	v13 =	vld [tilespmem:s30+$0x108D0]  }
0x20f: {  	v4 =	vmul.f32 v5, v4;
	v5 =	vld [tilespmem:s30+$0x48E0];
	v6 =	vadd.f32 v7, v6;
	v7 =	vmul.f32 v12, v16  }
0x210: {  	v12 =	vld [tilespmem:s30+$0x108E0]  }
0x211: {  	v4 =	vadd.f32 v4, v9;
	v9 =	vld [tilespmem:s30+$0x48F0];
	v6 =	vadd.f32 v7, v6;
	v7 =	vmul.f32 v11, v8  }
0x212: {  	v8 =	vld [tilespmem:s30+$0x108F0]  }
0x213: {  	v6 =	vadd.f32 v7, v6;
	v7 =	vmul.f32 v14, v13  }
0x214: {  	v10 =	vperm.xlane v4, v0  }
0x215: {  	v5 =	vmul.f32 v5, v12;
	v6 =	vadd.f32 v7, v6  }
0x216: {  	v4 =	vadd.f32 v4, v10  }
0x217: {  	v5 =	vadd.f32 v5, v6;
	v6 =	vmul.f32 v9, v8  }
0x218: {  	v7 =	vperm.xlane v4, v1  }
0x219: {  	v5 =	vadd.f32 v6, v5  }
0x21a: {  	v4 =	vadd.f32 v4, v7  }
0x21b: {  	v6 =	vperm.xlane v5, v0  }
0x21c: {  	v7 =	vperm.xlane v4, v2  }
0x21d: {  	v5 =	vadd.f32 v5, v6  }
0x21e: {  	v4 =	vadd.f32 v4, v7  }
0x21f: {  	v6 =	vld [tilespmem:s28+$0x14880];
	v7 =	vperm.xlane v5, v1  }
0x220: {  	v8 =	vperm.xlane v4, v3  }
0x221: {  	v5 =	vadd.f32 v5, v7  }
0x222: {  	v4 =	vadd.f32 v4, v8  }
0x223: {  	v7 =	vperm.xlane v5, v2  }
0x224: {  	v4 =	vsel vm4, v6, v4  }
0x225: {  	[tilespmem:s28+$0x14880] =	vst v4;
	v4 =	vadd.f32 v5, v7  }
0x226: {  	v5 =	vld [tilespmem:s30+$0x14880]  }
0x227: {  	v6 =	vperm.xlane v4, v3;
	_ =	sdelay $0x1  }
0x228: {  	v4 =	vadd.f32 v4, v6;
	_ =	sdelay $0x1  }
0x229: {  	v4 =	vsel vm4, v5, v4  }
0x22a: {  	[tilespmem:s30+$0x14880] =	vst v4  }
0x22b: {  	_ =	swait.ge [sflag:s21], $0x4000  }
0x22c: {  	[sflag:s21] =	ssyncset.done $0x0  }
0x22d: {  	s29 =	simm.s32 $0x0;
	s28 =	simm.s32 $0x380;
	[sflag:s21] =	ssyncadd.s32 $0xFFFFC000  }
0x22e: {  	[tilespmem:s23], [sflag:$0x5] =	stream.indirect.gather [hbm4b:s0+s12], $0x80, s28, s12, $0xb8;
	[tilespmem:$0x18880] =	vst v63  }
0x22f: {  	v4 =	vld [tilespmem:s29+$0xC880]  }
0x230: {  	v5 =	vld [tilespmem:s29+$0x4880]  }
0x231: {  	v6 =	vld [tilespmem:s29+$0xC890]  }
0x232: {  	v7 =	vld [tilespmem:s29+$0x4890]  }
0x233: {  	v8 =	vld [tilespmem:s29+$0xC8A0]  }
0x234: {  	v9 =	vld [tilespmem:s29+$0x48A0]  }
0x235: {  	v10 =	vld [tilespmem:s29+$0xC8B0]  }
0x236: {  	v11 =	vld [tilespmem:s29+$0x48B0]  }
0x237: {  	v4 =	vmul.f32 v5, v4;
	v5 =	vmul.f32 v7, v6;
	v6 =	vld [tilespmem:s29+$0xC8C0]  }
0x238: {  	v7 =	vld [tilespmem:s29+$0x48C0]  }
0x239: {  	v4 =	vadd.f32 v5, v4;
	v5 =	vmul.f32 v9, v8;
	v8 =	vld [tilespmem:s29+$0xC8D0]  }
0x23a: {  	v9 =	vld [tilespmem:s29+$0x48D0]  }
0x23b: {  	v4 =	vadd.f32 v5, v4;
	v5 =	vmul.f32 v11, v10;
	v10 =	vld [tilespmem:s29+$0xC8E0]  }
0x23c: {  	v11 =	vld [tilespmem:s29+$0x48E0]  }
0x23d: {  	v4 =	vadd.f32 v5, v4;
	v5 =	vmul.f32 v7, v6;
	v6 =	vld [tilespmem:s29+$0xC8F0]  }
0x23e: {  	v7 =	vld [tilespmem:s29+$0x48F0]  }
0x23f: {  	s28 =	simm.s32 $0x80;
	v4 =	vadd.f32 v5, v4;
	v5 =	vmul.f32 v9, v8  }
0x240: {  	v8 =	vld [tilespmem:s28+$0xC880]  }
0x241: {  	v9 =	vld [tilespmem:s28+$0x4880];
	v4 =	vadd.f32 v5, v4;
	v5 =	vmul.f32 v11, v10  }
0x242: {  	v10 =	vld [tilespmem:s28+$0xC890]  }
0x243: {  	v11 =	vld [tilespmem:s28+$0x4890];
	v4 =	vadd.f32 v5, v4;
	v5 =	vmul.f32 v7, v6  }
0x244: {  	v6 =	vld [tilespmem:s28+$0xC8A0]  }
0x245: {  	v7 =	vld [tilespmem:s28+$0x48A0];
	v4 =	vadd.f32 v5, v4  }
0x246: {  	v12 =	vld [tilespmem:s28+$0x48B0]  }
0x247: {  	v5 =	vld [tilespmem:s28+$0xC8B0];
	v13 =	vperm.xlane v4, v0  }
0x248: {  	v14 =	vld [tilespmem:s28+$0xC8C0];
	v8 =	vmul.f32 v9, v8;
	v9 =	vmul.f32 v11, v10  }
0x249: {  	v10 =	vld [tilespmem:s28+$0x48C0];
	v4 =	vadd.f32 v4, v13  }
0x24a: {  	v11 =	vld [tilespmem:s28+$0xC8D0];
	v8 =	vadd.f32 v9, v8;
	v6 =	vmul.f32 v7, v6  }
0x24b: {  	v7 =	vld [tilespmem:s28+$0x48D0];
	v9 =	vperm.xlane v4, v1  }
0x24c: {  	v13 =	vld [tilespmem:s28+$0xC8E0];
	v6 =	vadd.f32 v6, v8;
	v5 =	vmul.f32 v12, v5  }
0x24d: {  	v8 =	vld [tilespmem:s28+$0x48E0];
	v9 =	vadd.f32 v4, v9  }
0x24e: {  	v10 =	vmul.f32 v10, v14;
	v12 =	vadd.f32 v5, v6;
	v5 =	vld [tilespmem:s28+$0x48F0]  }
0x24f: {  	s30 =	simm.s32 $0x100;
	v4 =	vld [tilespmem:s28+$0xC8F0];
	v14 =	vperm.xlane v9, v2  }
0x250: {  	v6 =	vld [tilespmem:s30+$0xC880];
	v15 =	vmul.f32 v7, v11;
	v10 =	vadd.f32 v10, v12  }
0x251: {  	v7 =	vld [tilespmem:s30+$0x4880];
	v12 =	vadd.f32 v9, v14  }
0x252: {  	v11 =	vld [tilespmem:s29+$0x14880];
	v9 =	vadd.f32 v15, v10;
	v10 =	vmul.f32 v8, v13  }
0x253: {  	s31 =	simm.s32 $0x600;
	v8 =	vld [tilespmem:s30+$0xC890];
	v13 =	vperm.xlane v12, v3  }
.LBB2_14:
0x254: {  	p0 =	sne.s32 s31, $0xFE00;
	v14 =	vld [tilespmem:s30+$0x4890];
	v9 =	vadd.f32 v10, v9;
	v4 =	vmul.f32 v5, v4  }
0x255: {  	v5 =	vld [tilespmem:s30+$0xC8A0];
	v10 =	vadd.f32 v12, v13  }
0x256: {  	v12 =	vld [tilespmem:s30+$0x48A0];
	v4 =	vadd.f32 v4, v9  }
0x257: {  	v9 =	vld [tilespmem:s30+$0xC8B0];
	v10 =	vsel vm5, v11, v10  }
0x258: {  	v11 =	vld [tilespmem:s30+$0x48B0];
	v13 =	vperm.xlane v4, v0;
	[tilespmem:s29+$0x14880] =	vst v10;
	s29 =	smov.u32 s28;
	s28 =	smov.u32 s30  }
0x259: {  	v6 =	vmul.f32 v7, v6;
	v7 =	vmul.f32 v14, v8;
	v8 =	vld [tilespmem:s28+$0xC8C0]  }
0x25a: {  	v10 =	vld [tilespmem:s28+$0x48C0];
	v4 =	vadd.f32 v4, v13  }
0x25b: {  	v6 =	vadd.f32 v7, v6;
	v5 =	vmul.f32 v12, v5;
	v7 =	vld [tilespmem:s28+$0xC8D0]  }
0x25c: {  	v12 =	vld [tilespmem:s28+$0x48D0];
	v13 =	vperm.xlane v4, v1  }
0x25d: {  	v5 =	vadd.f32 v5, v6;
	v6 =	vmul.f32 v11, v9;
	v11 =	vld [tilespmem:s28+$0xC8E0]  }
0x25e: {  	v14 =	vld [tilespmem:s28+$0x48E0];
	v9 =	vadd.f32 v4, v13  }
0x25f: {  	v13 =	vadd.f32 v6, v5;
	v8 =	vmul.f32 v10, v8;
	v4 =	vld [tilespmem:s28+$0xC8F0]  }
.Ltmp6:
0x260: {  	s30 =	sshra.s32 s31, $0x2;
	v5 =	vld [tilespmem:s28+$0x48F0];
	v10 =	vperm.xlane v9, v2;
	(pc) =	sbr.rel @p0 .LBB2_14-.Ltmp6, $4  }
0x261: {  	v6 =	vld [tilespmem:s30+$0xC880];
	v8 =	vadd.f32 v8, v13;
	v13 =	vmul.f32 v12, v7  }
0x262: {  	v7 =	vld [tilespmem:s30+$0x4880];
	v12 =	vadd.f32 v9, v10  }
0x263: {  	v9 =	vadd.f32 v13, v8;
	v10 =	vmul.f32 v14, v11;
	v11 =	vld [tilespmem:s29+$0x14880]  }
0x264: {  	s31 =	sadd.s32 $0x200, s31;
	v8 =	vld [tilespmem:s30+$0xC890];
	v13 =	vperm.xlane v12, v3  }
0x265: {  	v14 =	vld [tilespmem:s30+$0x4890]  }
0x266: {  	v15 =	vld [tilespmem:s30+$0xC8A0];
	v12 =	vadd.f32 v12, v13  }
0x267: {  	v13 =	vld [tilespmem:s30+$0x48A0]  }
0x268: {  	v16 =	vld [tilespmem:s30+$0xC8B0];
	v11 =	vsel vm5, v11, v12  }
0x269: {  	v12 =	vld [tilespmem:s30+$0x48B0];
	[tilespmem:s29+$0x14880] =	vst v11  }
0x26a: {  	v6 =	vmul.f32 v7, v6;
	v7 =	vmul.f32 v14, v8;
	v8 =	vld [tilespmem:s30+$0xC8C0]  }
0x26b: {  	v11 =	vld [tilespmem:s30+$0x48C0]  }
0x26c: {  	v14 =	vld [tilespmem:s30+$0x48D0];
	v6 =	vadd.f32 v7, v6;
	v7 =	vmul.f32 v13, v15  }
0x26d: {  	v9 =	vadd.f32 v10, v9;
	v13 =	vld [tilespmem:s30+$0xC8D0]  }
0x26e: {  	v4 =	vmul.f32 v5, v4;
	v5 =	vld [tilespmem:s30+$0x48E0];
	v6 =	vadd.f32 v7, v6;
	v7 =	vmul.f32 v12, v16  }
0x26f: {  	v12 =	vld [tilespmem:s30+$0xC8E0]  }
0x270: {  	v4 =	vadd.f32 v4, v9;
	v9 =	vld [tilespmem:s30+$0x48F0];
	v6 =	vadd.f32 v7, v6;
	v7 =	vmul.f32 v11, v8  }
0x271: {  	v8 =	vld [tilespmem:s30+$0xC8F0]  }
0x272: {  	v6 =	vadd.f32 v7, v6;
	v7 =	vmul.f32 v14, v13  }
0x273: {  	v10 =	vperm.xlane v4, v0  }
0x274: {  	v5 =	vmul.f32 v5, v12;
	v6 =	vadd.f32 v7, v6  }
0x275: {  	v4 =	vadd.f32 v4, v10  }
0x276: {  	v5 =	vadd.f32 v5, v6;
	v6 =	vmul.f32 v9, v8  }
0x277: {  	v7 =	vperm.xlane v4, v1  }
0x278: {  	v5 =	vadd.f32 v6, v5  }
0x279: {  	v4 =	vadd.f32 v4, v7  }
0x27a: {  	v6 =	vperm.xlane v5, v0  }
0x27b: {  	v7 =	vperm.xlane v4, v2  }
0x27c: {  	v5 =	vadd.f32 v5, v6  }
0x27d: {  	v4 =	vadd.f32 v4, v7  }
0x27e: {  	v6 =	vld [tilespmem:s28+$0x14880];
	v7 =	vperm.xlane v5, v1  }
0x27f: {  	v8 =	vperm.xlane v4, v3  }
0x280: {  	v5 =	vadd.f32 v5, v7  }
0x281: {  	v4 =	vadd.f32 v4, v8  }
0x282: {  	v7 =	vperm.xlane v5, v2  }
0x283: {  	v4 =	vsel vm5, v6, v4  }
0x284: {  	[tilespmem:s28+$0x14880] =	vst v4;
	v4 =	vadd.f32 v5, v7  }
0x285: {  	v5 =	vld [tilespmem:s30+$0x14880]  }
0x286: {  	v6 =	vperm.xlane v4, v3;
	_ =	sdelay $0x1  }
0x287: {  	v4 =	vadd.f32 v4, v6;
	_ =	sdelay $0x1  }
0x288: {  	v4 =	vsel vm5, v5, v4  }
0x289: {  	[tilespmem:s30+$0x14880] =	vst v4  }
0x28a: {  	_ =	swait.ge [sflag:s24], $0x4000  }
0x28b: {  	[sflag:s24] =	ssyncset.done $0x0  }
0x28c: {  	s29 =	simm.s32 $0x0;
	s28 =	simm.s32 $0x400;
	[sflag:s24] =	ssyncadd.s32 $0xFFFFC000  }
0x28d: {  	[tilespmem:s17], [sflag:$0x4] =	stream.indirect.gather [hbm4b:s0+s12], $0x80, s28, s12, $0xb8;
	[tilespmem:$0x18880] =	vst v63  }
0x28e: {  	v4 =	vld [tilespmem:s29+$0x10880]  }
0x28f: {  	v5 =	vld [tilespmem:s29+$0x4880]  }
0x290: {  	v6 =	vld [tilespmem:s29+$0x10890]  }
0x291: {  	v7 =	vld [tilespmem:s29+$0x4890]  }
0x292: {  	v8 =	vld [tilespmem:s29+$0x108A0]  }
0x293: {  	v9 =	vld [tilespmem:s29+$0x48A0]  }
0x294: {  	v10 =	vld [tilespmem:s29+$0x108B0]  }
0x295: {  	v11 =	vld [tilespmem:s29+$0x48B0]  }
0x296: {  	v4 =	vmul.f32 v5, v4;
	v5 =	vmul.f32 v7, v6;
	v6 =	vld [tilespmem:s29+$0x108C0]  }
0x297: {  	v7 =	vld [tilespmem:s29+$0x48C0]  }
0x298: {  	v4 =	vadd.f32 v5, v4;
	v5 =	vmul.f32 v9, v8;
	v8 =	vld [tilespmem:s29+$0x108D0]  }
0x299: {  	v9 =	vld [tilespmem:s29+$0x48D0]  }
0x29a: {  	v4 =	vadd.f32 v5, v4;
	v5 =	vmul.f32 v11, v10;
	v10 =	vld [tilespmem:s29+$0x108E0]  }
0x29b: {  	v11 =	vld [tilespmem:s29+$0x48E0]  }
0x29c: {  	v4 =	vadd.f32 v5, v4;
	v5 =	vmul.f32 v7, v6;
	v6 =	vld [tilespmem:s29+$0x108F0]  }
0x29d: {  	v7 =	vld [tilespmem:s29+$0x48F0]  }
0x29e: {  	s28 =	simm.s32 $0x80;
	v4 =	vadd.f32 v5, v4;
	v5 =	vmul.f32 v9, v8  }
0x29f: {  	v8 =	vld [tilespmem:s28+$0x10880]  }
0x2a0: {  	v9 =	vld [tilespmem:s28+$0x4880];
	v4 =	vadd.f32 v5, v4;
	v5 =	vmul.f32 v11, v10  }
0x2a1: {  	v10 =	vld [tilespmem:s28+$0x10890]  }
0x2a2: {  	v11 =	vld [tilespmem:s28+$0x4890];
	v4 =	vadd.f32 v5, v4;
	v5 =	vmul.f32 v7, v6  }
0x2a3: {  	v6 =	vld [tilespmem:s28+$0x108A0]  }
0x2a4: {  	v7 =	vld [tilespmem:s28+$0x48A0];
	v4 =	vadd.f32 v5, v4  }
0x2a5: {  	v12 =	vld [tilespmem:s28+$0x48B0]  }
0x2a6: {  	v5 =	vld [tilespmem:s28+$0x108B0];
	v13 =	vperm.xlane v4, v0  }
0x2a7: {  	v14 =	vld [tilespmem:s28+$0x108C0];
	v8 =	vmul.f32 v9, v8;
	v9 =	vmul.f32 v11, v10  }
0x2a8: {  	v10 =	vld [tilespmem:s28+$0x48C0];
	v4 =	vadd.f32 v4, v13  }
0x2a9: {  	v11 =	vld [tilespmem:s28+$0x108D0];
	v8 =	vadd.f32 v9, v8;
	v6 =	vmul.f32 v7, v6  }
0x2aa: {  	v7 =	vld [tilespmem:s28+$0x48D0];
	v9 =	vperm.xlane v4, v1  }
0x2ab: {  	v13 =	vld [tilespmem:s28+$0x108E0];
	v6 =	vadd.f32 v6, v8;
	v5 =	vmul.f32 v12, v5  }
0x2ac: {  	v8 =	vld [tilespmem:s28+$0x48E0];
	v9 =	vadd.f32 v4, v9  }
0x2ad: {  	v10 =	vmul.f32 v10, v14;
	v12 =	vadd.f32 v5, v6;
	v5 =	vld [tilespmem:s28+$0x48F0]  }
0x2ae: {  	s30 =	simm.s32 $0x100;
	v4 =	vld [tilespmem:s28+$0x108F0];
	v14 =	vperm.xlane v9, v2  }
0x2af: {  	v6 =	vld [tilespmem:s30+$0x10880];
	v15 =	vmul.f32 v7, v11;
	v10 =	vadd.f32 v10, v12  }
0x2b0: {  	v7 =	vld [tilespmem:s30+$0x4880];
	v12 =	vadd.f32 v9, v14  }
0x2b1: {  	v11 =	vld [tilespmem:s29+$0x14880];
	v9 =	vadd.f32 v15, v10;
	v10 =	vmul.f32 v8, v13  }
0x2b2: {  	s31 =	simm.s32 $0x600;
	v8 =	vld [tilespmem:s30+$0x10890];
	v13 =	vperm.xlane v12, v3  }
.LBB2_16:
0x2b3: {  	p0 =	sne.s32 s31, $0xFE00;
	v14 =	vld [tilespmem:s30+$0x4890];
	v9 =	vadd.f32 v10, v9;
	v4 =	vmul.f32 v5, v4  }
0x2b4: {  	v5 =	vld [tilespmem:s30+$0x108A0];
	v10 =	vadd.f32 v12, v13  }
0x2b5: {  	v12 =	vld [tilespmem:s30+$0x48A0];
	v4 =	vadd.f32 v4, v9  }
0x2b6: {  	v9 =	vld [tilespmem:s30+$0x108B0];
	v10 =	vsel vm6, v11, v10  }
0x2b7: {  	v11 =	vld [tilespmem:s30+$0x48B0];
	v13 =	vperm.xlane v4, v0;
	[tilespmem:s29+$0x14880] =	vst v10;
	s29 =	smov.u32 s28;
	s28 =	smov.u32 s30  }
0x2b8: {  	v6 =	vmul.f32 v7, v6;
	v7 =	vmul.f32 v14, v8;
	v8 =	vld [tilespmem:s28+$0x108C0]  }
0x2b9: {  	v10 =	vld [tilespmem:s28+$0x48C0];
	v4 =	vadd.f32 v4, v13  }
0x2ba: {  	v6 =	vadd.f32 v7, v6;
	v5 =	vmul.f32 v12, v5;
	v7 =	vld [tilespmem:s28+$0x108D0]  }
0x2bb: {  	v12 =	vld [tilespmem:s28+$0x48D0];
	v13 =	vperm.xlane v4, v1  }
0x2bc: {  	v5 =	vadd.f32 v5, v6;
	v6 =	vmul.f32 v11, v9;
	v11 =	vld [tilespmem:s28+$0x108E0]  }
0x2bd: {  	v14 =	vld [tilespmem:s28+$0x48E0];
	v9 =	vadd.f32 v4, v13  }
0x2be: {  	v13 =	vadd.f32 v6, v5;
	v8 =	vmul.f32 v10, v8;
	v4 =	vld [tilespmem:s28+$0x108F0]  }
.Ltmp7:
0x2bf: {  	s30 =	sshra.s32 s31, $0x2;
	v5 =	vld [tilespmem:s28+$0x48F0];
	v10 =	vperm.xlane v9, v2;
	(pc) =	sbr.rel @p0 .LBB2_16-.Ltmp7, $4  }
0x2c0: {  	v6 =	vld [tilespmem:s30+$0x10880];
	v8 =	vadd.f32 v8, v13;
	v13 =	vmul.f32 v12, v7  }
0x2c1: {  	v7 =	vld [tilespmem:s30+$0x4880];
	v12 =	vadd.f32 v9, v10  }
0x2c2: {  	v9 =	vadd.f32 v13, v8;
	v10 =	vmul.f32 v14, v11;
	v11 =	vld [tilespmem:s29+$0x14880]  }
0x2c3: {  	s31 =	sadd.s32 $0x200, s31;
	v8 =	vld [tilespmem:s30+$0x10890];
	v13 =	vperm.xlane v12, v3  }
0x2c4: {  	v14 =	vld [tilespmem:s30+$0x4890]  }
0x2c5: {  	v15 =	vld [tilespmem:s30+$0x108A0];
	v12 =	vadd.f32 v12, v13  }
0x2c6: {  	v13 =	vld [tilespmem:s30+$0x48A0]  }
0x2c7: {  	v16 =	vld [tilespmem:s30+$0x108B0];
	v11 =	vsel vm6, v11, v12  }
0x2c8: {  	v12 =	vld [tilespmem:s30+$0x48B0];
	[tilespmem:s29+$0x14880] =	vst v11  }
0x2c9: {  	v6 =	vmul.f32 v7, v6;
	v7 =	vmul.f32 v14, v8;
	v8 =	vld [tilespmem:s30+$0x108C0]  }
0x2ca: {  	v11 =	vld [tilespmem:s30+$0x48C0]  }
0x2cb: {  	v14 =	vld [tilespmem:s30+$0x48D0];
	v6 =	vadd.f32 v7, v6;
	v7 =	vmul.f32 v13, v15  }
0x2cc: {  	v9 =	vadd.f32 v10, v9;
	v13 =	vld [tilespmem:s30+$0x108D0]  }
0x2cd: {  	v4 =	vmul.f32 v5, v4;
	v5 =	vld [tilespmem:s30+$0x48E0];
	v6 =	vadd.f32 v7, v6;
	v7 =	vmul.f32 v12, v16  }
0x2ce: {  	v12 =	vld [tilespmem:s30+$0x108E0]  }
0x2cf: {  	v4 =	vadd.f32 v4, v9;
	v9 =	vld [tilespmem:s30+$0x48F0];
	v6 =	vadd.f32 v7, v6;
	v7 =	vmul.f32 v11, v8  }
0x2d0: {  	v8 =	vld [tilespmem:s30+$0x108F0]  }
0x2d1: {  	v6 =	vadd.f32 v7, v6;
	v7 =	vmul.f32 v14, v13  }
0x2d2: {  	v10 =	vperm.xlane v4, v0  }
0x2d3: {  	v5 =	vmul.f32 v5, v12;
	v6 =	vadd.f32 v7, v6  }
0x2d4: {  	v4 =	vadd.f32 v4, v10  }
0x2d5: {  	v5 =	vadd.f32 v5, v6;
	v6 =	vmul.f32 v9, v8  }
0x2d6: {  	v7 =	vperm.xlane v4, v1  }
0x2d7: {  	v5 =	vadd.f32 v6, v5  }
0x2d8: {  	v4 =	vadd.f32 v4, v7  }
0x2d9: {  	v6 =	vperm.xlane v5, v0  }
0x2da: {  	v7 =	vperm.xlane v4, v2  }
0x2db: {  	v5 =	vadd.f32 v5, v6  }
0x2dc: {  	v4 =	vadd.f32 v4, v7  }
0x2dd: {  	v6 =	vld [tilespmem:s28+$0x14880];
	v7 =	vperm.xlane v5, v1  }
0x2de: {  	v8 =	vperm.xlane v4, v3  }
0x2df: {  	v5 =	vadd.f32 v5, v7  }
0x2e0: {  	v4 =	vadd.f32 v4, v8  }
0x2e1: {  	v7 =	vperm.xlane v5, v2  }
0x2e2: {  	v4 =	vsel vm6, v6, v4  }
0x2e3: {  	[tilespmem:s28+$0x14880] =	vst v4;
	v4 =	vadd.f32 v5, v7  }
0x2e4: {  	v5 =	vld [tilespmem:s30+$0x14880]  }
0x2e5: {  	v6 =	vperm.xlane v4, v3;
	_ =	sdelay $0x1  }
0x2e6: {  	v4 =	vadd.f32 v4, v6;
	_ =	sdelay $0x1  }
0x2e7: {  	v4 =	vsel vm6, v5, v4  }
0x2e8: {  	[tilespmem:s30+$0x14880] =	vst v4  }
0x2e9: {  	_ =	swait.ge [sflag:s21], $0x4000  }
0x2ea: {  	[sflag:s21] =	ssyncset.done $0x0  }
0x2eb: {  	s29 =	simm.s32 $0x0;
	s28 =	simm.s32 $0x480;
	[sflag:s21] =	ssyncadd.s32 $0xFFFFC000  }
0x2ec: {  	[tilespmem:s23], [sflag:$0x5] =	stream.indirect.gather [hbm4b:s0+s12], $0x80, s28, s12, $0xb8;
	[tilespmem:$0x18880] =	vst v63  }
0x2ed: {  	v4 =	vld [tilespmem:s29+$0xC880]  }
0x2ee: {  	v5 =	vld [tilespmem:s29+$0x4880]  }
0x2ef: {  	v6 =	vld [tilespmem:s29+$0xC890]  }
0x2f0: {  	v7 =	vld [tilespmem:s29+$0x4890]  }
0x2f1: {  	v8 =	vld [tilespmem:s29+$0xC8A0]  }
0x2f2: {  	v9 =	vld [tilespmem:s29+$0x48A0]  }
0x2f3: {  	v10 =	vld [tilespmem:s29+$0xC8B0]  }
0x2f4: {  	v11 =	vld [tilespmem:s29+$0x48B0]  }
0x2f5: {  	v4 =	vmul.f32 v5, v4;
	v5 =	vmul.f32 v7, v6;
	v6 =	vld [tilespmem:s29+$0xC8C0]  }
0x2f6: {  	v7 =	vld [tilespmem:s29+$0x48C0]  }
0x2f7: {  	v4 =	vadd.f32 v5, v4;
	v5 =	vmul.f32 v9, v8;
	v8 =	vld [tilespmem:s29+$0xC8D0]  }
0x2f8: {  	v9 =	vld [tilespmem:s29+$0x48D0]  }
0x2f9: {  	v4 =	vadd.f32 v5, v4;
	v5 =	vmul.f32 v11, v10;
	v10 =	vld [tilespmem:s29+$0xC8E0]  }
0x2fa: {  	v11 =	vld [tilespmem:s29+$0x48E0]  }
0x2fb: {  	v4 =	vadd.f32 v5, v4;
	v5 =	vmul.f32 v7, v6;
	v6 =	vld [tilespmem:s29+$0xC8F0]  }
0x2fc: {  	v7 =	vld [tilespmem:s29+$0x48F0]  }
0x2fd: {  	s28 =	simm.s32 $0x80;
	v4 =	vadd.f32 v5, v4;
	v5 =	vmul.f32 v9, v8  }
0x2fe: {  	v8 =	vld [tilespmem:s28+$0xC880]  }
0x2ff: {  	v9 =	vld [tilespmem:s28+$0x4880];
	v4 =	vadd.f32 v5, v4;
	v5 =	vmul.f32 v11, v10  }
0x300: {  	v10 =	vld [tilespmem:s28+$0xC890]  }
0x301: {  	v11 =	vld [tilespmem:s28+$0x4890];
	v4 =	vadd.f32 v5, v4;
	v5 =	vmul.f32 v7, v6  }
0x302: {  	v6 =	vld [tilespmem:s28+$0xC8A0]  }
0x303: {  	v7 =	vld [tilespmem:s28+$0x48A0];
	v4 =	vadd.f32 v5, v4  }
0x304: {  	v12 =	vld [tilespmem:s28+$0x48B0]  }
0x305: {  	v5 =	vld [tilespmem:s28+$0xC8B0];
	v13 =	vperm.xlane v4, v0  }
0x306: {  	v14 =	vld [tilespmem:s28+$0xC8C0];
	v8 =	vmul.f32 v9, v8;
	v9 =	vmul.f32 v11, v10  }
0x307: {  	v10 =	vld [tilespmem:s28+$0x48C0];
	v4 =	vadd.f32 v4, v13  }
0x308: {  	v11 =	vld [tilespmem:s28+$0xC8D0];
	v8 =	vadd.f32 v9, v8;
	v6 =	vmul.f32 v7, v6  }
0x309: {  	v7 =	vld [tilespmem:s28+$0x48D0];
	v9 =	vperm.xlane v4, v1  }
0x30a: {  	v13 =	vld [tilespmem:s28+$0xC8E0];
	v6 =	vadd.f32 v6, v8;
	v5 =	vmul.f32 v12, v5  }
0x30b: {  	v8 =	vld [tilespmem:s28+$0x48E0];
	v9 =	vadd.f32 v4, v9  }
0x30c: {  	v10 =	vmul.f32 v10, v14;
	v12 =	vadd.f32 v5, v6;
	v5 =	vld [tilespmem:s28+$0x48F0]  }
0x30d: {  	s30 =	simm.s32 $0x100;
	v4 =	vld [tilespmem:s28+$0xC8F0];
	v14 =	vperm.xlane v9, v2  }
0x30e: {  	v6 =	vld [tilespmem:s30+$0xC880];
	v15 =	vmul.f32 v7, v11;
	v10 =	vadd.f32 v10, v12  }
0x30f: {  	v7 =	vld [tilespmem:s30+$0x4880];
	v12 =	vadd.f32 v9, v14  }
0x310: {  	v11 =	vld [tilespmem:s29+$0x14880];
	v9 =	vadd.f32 v15, v10;
	v10 =	vmul.f32 v8, v13  }
0x311: {  	s31 =	simm.s32 $0x600;
	v8 =	vld [tilespmem:s30+$0xC890];
	v13 =	vperm.xlane v12, v3  }
.LBB2_18:
0x312: {  	p0 =	sne.s32 s31, $0xFE00;
	v14 =	vld [tilespmem:s30+$0x4890];
	v9 =	vadd.f32 v10, v9;
	v4 =	vmul.f32 v5, v4  }
0x313: {  	v5 =	vld [tilespmem:s30+$0xC8A0];
	v10 =	vadd.f32 v12, v13  }
0x314: {  	v12 =	vld [tilespmem:s30+$0x48A0];
	v4 =	vadd.f32 v4, v9  }
0x315: {  	v9 =	vld [tilespmem:s30+$0xC8B0];
	v10 =	vsel vm7, v11, v10  }
0x316: {  	v11 =	vld [tilespmem:s30+$0x48B0];
	v13 =	vperm.xlane v4, v0;
	[tilespmem:s29+$0x14880] =	vst v10;
	s29 =	smov.u32 s28;
	s28 =	smov.u32 s30  }
0x317: {  	v6 =	vmul.f32 v7, v6;
	v7 =	vmul.f32 v14, v8;
	v8 =	vld [tilespmem:s28+$0xC8C0]  }
0x318: {  	v10 =	vld [tilespmem:s28+$0x48C0];
	v4 =	vadd.f32 v4, v13  }
0x319: {  	v6 =	vadd.f32 v7, v6;
	v5 =	vmul.f32 v12, v5;
	v7 =	vld [tilespmem:s28+$0xC8D0]  }
0x31a: {  	v12 =	vld [tilespmem:s28+$0x48D0];
	v13 =	vperm.xlane v4, v1  }
0x31b: {  	v5 =	vadd.f32 v5, v6;
	v6 =	vmul.f32 v11, v9;
	v11 =	vld [tilespmem:s28+$0xC8E0]  }
0x31c: {  	v14 =	vld [tilespmem:s28+$0x48E0];
	v9 =	vadd.f32 v4, v13  }
0x31d: {  	v13 =	vadd.f32 v6, v5;
	v8 =	vmul.f32 v10, v8;
	v4 =	vld [tilespmem:s28+$0xC8F0]  }
.Ltmp8:
0x31e: {  	s30 =	sshra.s32 s31, $0x2;
	v5 =	vld [tilespmem:s28+$0x48F0];
	v10 =	vperm.xlane v9, v2;
	(pc) =	sbr.rel @p0 .LBB2_18-.Ltmp8, $4  }
0x31f: {  	v6 =	vld [tilespmem:s30+$0xC880];
	v8 =	vadd.f32 v8, v13;
	v13 =	vmul.f32 v12, v7  }
0x320: {  	v7 =	vld [tilespmem:s30+$0x4880];
	v12 =	vadd.f32 v9, v10  }
0x321: {  	v9 =	vadd.f32 v13, v8;
	v10 =	vmul.f32 v14, v11;
	v11 =	vld [tilespmem:s29+$0x14880]  }
0x322: {  	s31 =	sadd.s32 $0x200, s31;
	v8 =	vld [tilespmem:s30+$0xC890];
	v13 =	vperm.xlane v12, v3  }
0x323: {  	v14 =	vld [tilespmem:s30+$0x4890]  }
0x324: {  	v15 =	vld [tilespmem:s30+$0xC8A0];
	v12 =	vadd.f32 v12, v13  }
0x325: {  	v13 =	vld [tilespmem:s30+$0x48A0]  }
0x326: {  	v16 =	vld [tilespmem:s30+$0xC8B0];
	v11 =	vsel vm7, v11, v12  }
0x327: {  	v12 =	vld [tilespmem:s30+$0x48B0];
	[tilespmem:s29+$0x14880] =	vst v11  }
0x328: {  	v6 =	vmul.f32 v7, v6;
	v7 =	vmul.f32 v14, v8;
	v8 =	vld [tilespmem:s30+$0xC8C0]  }
0x329: {  	v11 =	vld [tilespmem:s30+$0x48C0]  }
0x32a: {  	v14 =	vld [tilespmem:s30+$0x48D0];
	v6 =	vadd.f32 v7, v6;
	v7 =	vmul.f32 v13, v15  }
0x32b: {  	v9 =	vadd.f32 v10, v9;
	v13 =	vld [tilespmem:s30+$0xC8D0]  }
0x32c: {  	v4 =	vmul.f32 v5, v4;
	v5 =	vld [tilespmem:s30+$0x48E0];
	v6 =	vadd.f32 v7, v6;
	v7 =	vmul.f32 v12, v16  }
0x32d: {  	v12 =	vld [tilespmem:s30+$0xC8E0]  }
0x32e: {  	v4 =	vadd.f32 v4, v9;
	v9 =	vld [tilespmem:s30+$0x48F0];
	v6 =	vadd.f32 v7, v6;
	v7 =	vmul.f32 v11, v8  }
0x32f: {  	v8 =	vld [tilespmem:s30+$0xC8F0]  }
0x330: {  	v6 =	vadd.f32 v7, v6;
	v7 =	vmul.f32 v14, v13  }
0x331: {  	v10 =	vperm.xlane v4, v0  }
0x332: {  	v5 =	vmul.f32 v5, v12;
	v6 =	vadd.f32 v7, v6  }
0x333: {  	v4 =	vadd.f32 v4, v10  }
0x334: {  	v5 =	vadd.f32 v5, v6;
	v6 =	vmul.f32 v9, v8  }
0x335: {  	v7 =	vperm.xlane v4, v1  }
0x336: {  	v5 =	vadd.f32 v6, v5  }
0x337: {  	v4 =	vadd.f32 v4, v7  }
0x338: {  	v6 =	vperm.xlane v5, v0  }
0x339: {  	v7 =	vperm.xlane v4, v2  }
0x33a: {  	v5 =	vadd.f32 v5, v6  }
0x33b: {  	v4 =	vadd.f32 v4, v7  }
0x33c: {  	v6 =	vld [tilespmem:s28+$0x14880];
	v7 =	vperm.xlane v5, v1  }
0x33d: {  	v8 =	vperm.xlane v4, v3  }
0x33e: {  	v5 =	vadd.f32 v5, v7  }
0x33f: {  	v4 =	vadd.f32 v4, v8  }
0x340: {  	v7 =	vperm.xlane v5, v2  }
0x341: {  	v4 =	vsel vm7, v6, v4  }
0x342: {  	[tilespmem:s28+$0x14880] =	vst v4;
	v4 =	vadd.f32 v5, v7  }
0x343: {  	v5 =	vld [tilespmem:s30+$0x14880]  }
0x344: {  	v6 =	vperm.xlane v4, v3;
	_ =	sdelay $0x1  }
0x345: {  	v4 =	vadd.f32 v4, v6;
	_ =	sdelay $0x1  }
0x346: {  	v4 =	vsel vm7, v5, v4  }
0x347: {  	[tilespmem:s30+$0x14880] =	vst v4  }
0x348: {  	_ =	swait.ge [sflag:s24], $0x4000  }
0x349: {  	[sflag:s24] =	ssyncset.done $0x0  }
0x34a: {  	s29 =	simm.s32 $0x0;
	[sflag:s24] =	ssyncadd.s32 $0xFFFFC000  }
0x34b: {  	[tilespmem:s17], [sflag:$0x4] =	stream.indirect.gather [hbm4b:s0+s12], $0x80, s3, s12, $0xb8;
	[tilespmem:$0x18880] =	vst v63  }
0x34c: {  	v4 =	vld [tilespmem:s29+$0x10880]  }
0x34d: {  	v5 =	vld [tilespmem:s29+$0x4880]  }
0x34e: {  	v6 =	vld [tilespmem:s29+$0x10890]  }
0x34f: {  	v7 =	vld [tilespmem:s29+$0x4890]  }
0x350: {  	v8 =	vld [tilespmem:s29+$0x108A0]  }
0x351: {  	v9 =	vld [tilespmem:s29+$0x48A0]  }
0x352: {  	v10 =	vld [tilespmem:s29+$0x108B0]  }
0x353: {  	v11 =	vld [tilespmem:s29+$0x48B0]  }
0x354: {  	v4 =	vmul.f32 v5, v4;
	v5 =	vmul.f32 v7, v6;
	v6 =	vld [tilespmem:s29+$0x108C0]  }
0x355: {  	v7 =	vld [tilespmem:s29+$0x48C0]  }
0x356: {  	v4 =	vadd.f32 v5, v4;
	v5 =	vmul.f32 v9, v8;
	v8 =	vld [tilespmem:s29+$0x108D0]  }
0x357: {  	v9 =	vld [tilespmem:s29+$0x48D0]  }
0x358: {  	v4 =	vadd.f32 v5, v4;
	v5 =	vmul.f32 v11, v10;
	v10 =	vld [tilespmem:s29+$0x108E0]  }
0x359: {  	v11 =	vld [tilespmem:s29+$0x48E0]  }
0x35a: {  	v4 =	vadd.f32 v5, v4;
	v5 =	vmul.f32 v7, v6;
	v6 =	vld [tilespmem:s29+$0x108F0]  }
0x35b: {  	v7 =	vld [tilespmem:s29+$0x48F0]  }
0x35c: {  	s28 =	simm.s32 $0x80;
	v4 =	vadd.f32 v5, v4;
	v5 =	vmul.f32 v9, v8  }
0x35d: {  	v8 =	vld [tilespmem:s28+$0x10880]  }
0x35e: {  	v9 =	vld [tilespmem:s28+$0x4880];
	v4 =	vadd.f32 v5, v4;
	v5 =	vmul.f32 v11, v10  }
0x35f: {  	v10 =	vld [tilespmem:s28+$0x10890]  }
0x360: {  	v11 =	vld [tilespmem:s28+$0x4890];
	v4 =	vadd.f32 v5, v4;
	v5 =	vmul.f32 v7, v6  }
0x361: {  	v6 =	vld [tilespmem:s28+$0x108A0]  }
0x362: {  	v7 =	vld [tilespmem:s28+$0x48A0];
	v4 =	vadd.f32 v5, v4  }
0x363: {  	v12 =	vld [tilespmem:s28+$0x48B0]  }
0x364: {  	v5 =	vld [tilespmem:s28+$0x108B0];
	v13 =	vperm.xlane v4, v0  }
0x365: {  	v14 =	vld [tilespmem:s28+$0x108C0];
	v8 =	vmul.f32 v9, v8;
	v9 =	vmul.f32 v11, v10  }
0x366: {  	v10 =	vld [tilespmem:s28+$0x48C0];
	v4 =	vadd.f32 v4, v13  }
0x367: {  	v11 =	vld [tilespmem:s28+$0x108D0];
	v8 =	vadd.f32 v9, v8;
	v6 =	vmul.f32 v7, v6  }
0x368: {  	v7 =	vld [tilespmem:s28+$0x48D0];
	v9 =	vperm.xlane v4, v1  }
0x369: {  	v13 =	vld [tilespmem:s28+$0x108E0];
	v6 =	vadd.f32 v6, v8;
	v5 =	vmul.f32 v12, v5  }
0x36a: {  	v8 =	vld [tilespmem:s28+$0x48E0];
	v9 =	vadd.f32 v4, v9  }
0x36b: {  	v10 =	vmul.f32 v10, v14;
	v12 =	vadd.f32 v5, v6;
	v5 =	vld [tilespmem:s28+$0x48F0]  }
0x36c: {  	s30 =	simm.s32 $0x100;
	v4 =	vld [tilespmem:s28+$0x108F0];
	v14 =	vperm.xlane v9, v2  }
0x36d: {  	v6 =	vld [tilespmem:s30+$0x10880];
	v15 =	vmul.f32 v7, v11;
	v10 =	vadd.f32 v10, v12  }
0x36e: {  	v7 =	vld [tilespmem:s30+$0x4880];
	v12 =	vadd.f32 v9, v14  }
0x36f: {  	v11 =	vld [tilespmem:s29+$0x14880];
	v9 =	vadd.f32 v15, v10;
	v10 =	vmul.f32 v8, v13  }
0x370: {  	s31 =	simm.s32 $0x600;
	v8 =	vld [tilespmem:s30+$0x10890];
	v13 =	vperm.xlane v12, v3  }
.LBB2_20:
0x371: {  	p0 =	sne.s32 s31, $0xFE00;
	v14 =	vld [tilespmem:s30+$0x4890];
	v9 =	vadd.f32 v10, v9;
	v4 =	vmul.f32 v5, v4  }
0x372: {  	v5 =	vld [tilespmem:s30+$0x108A0];
	v10 =	vadd.f32 v12, v13  }
0x373: {  	v12 =	vld [tilespmem:s30+$0x48A0];
	v4 =	vadd.f32 v4, v9  }
0x374: {  	v9 =	vld [tilespmem:s30+$0x108B0];
	v10 =	vsel vm8, v11, v10  }
0x375: {  	v11 =	vld [tilespmem:s30+$0x48B0];
	v13 =	vperm.xlane v4, v0;
	[tilespmem:s29+$0x14880] =	vst v10;
	s29 =	smov.u32 s28;
	s28 =	smov.u32 s30  }
0x376: {  	v6 =	vmul.f32 v7, v6;
	v7 =	vmul.f32 v14, v8;
	v8 =	vld [tilespmem:s28+$0x108C0]  }
0x377: {  	v10 =	vld [tilespmem:s28+$0x48C0];
	v4 =	vadd.f32 v4, v13  }
0x378: {  	v6 =	vadd.f32 v7, v6;
	v5 =	vmul.f32 v12, v5;
	v7 =	vld [tilespmem:s28+$0x108D0]  }
0x379: {  	v12 =	vld [tilespmem:s28+$0x48D0];
	v13 =	vperm.xlane v4, v1  }
0x37a: {  	v5 =	vadd.f32 v5, v6;
	v6 =	vmul.f32 v11, v9;
	v11 =	vld [tilespmem:s28+$0x108E0]  }
0x37b: {  	v14 =	vld [tilespmem:s28+$0x48E0];
	v9 =	vadd.f32 v4, v13  }
0x37c: {  	v13 =	vadd.f32 v6, v5;
	v8 =	vmul.f32 v10, v8;
	v4 =	vld [tilespmem:s28+$0x108F0]  }
.Ltmp9:
0x37d: {  	s30 =	sshra.s32 s31, $0x2;
	v5 =	vld [tilespmem:s28+$0x48F0];
	v10 =	vperm.xlane v9, v2;
	(pc) =	sbr.rel @p0 .LBB2_20-.Ltmp9, $4  }
0x37e: {  	v6 =	vld [tilespmem:s30+$0x10880];
	v8 =	vadd.f32 v8, v13;
	v13 =	vmul.f32 v12, v7  }
0x37f: {  	v7 =	vld [tilespmem:s30+$0x4880];
	v12 =	vadd.f32 v9, v10  }
0x380: {  	v9 =	vadd.f32 v13, v8;
	v10 =	vmul.f32 v14, v11;
	v11 =	vld [tilespmem:s29+$0x14880]  }
0x381: {  	s31 =	sadd.s32 $0x200, s31;
	v8 =	vld [tilespmem:s30+$0x10890];
	v13 =	vperm.xlane v12, v3  }
0x382: {  	v14 =	vld [tilespmem:s30+$0x4890]  }
0x383: {  	v15 =	vld [tilespmem:s30+$0x108A0];
	v12 =	vadd.f32 v12, v13  }
0x384: {  	v13 =	vld [tilespmem:s30+$0x48A0]  }
0x385: {  	v16 =	vld [tilespmem:s30+$0x108B0];
	v11 =	vsel vm8, v11, v12  }
0x386: {  	v12 =	vld [tilespmem:s30+$0x48B0];
	[tilespmem:s29+$0x14880] =	vst v11  }
0x387: {  	v6 =	vmul.f32 v7, v6;
	v7 =	vmul.f32 v14, v8;
	v8 =	vld [tilespmem:s30+$0x108C0]  }
0x388: {  	v11 =	vld [tilespmem:s30+$0x48C0]  }
0x389: {  	v14 =	vld [tilespmem:s30+$0x48D0];
	v6 =	vadd.f32 v7, v6;
	v7 =	vmul.f32 v13, v15  }
0x38a: {  	v9 =	vadd.f32 v10, v9;
	v13 =	vld [tilespmem:s30+$0x108D0]  }
0x38b: {  	v4 =	vmul.f32 v5, v4;
	v5 =	vld [tilespmem:s30+$0x48E0];
	v6 =	vadd.f32 v7, v6;
	v7 =	vmul.f32 v12, v16  }
0x38c: {  	v12 =	vld [tilespmem:s30+$0x108E0]  }
0x38d: {  	v4 =	vadd.f32 v4, v9;
	v9 =	vld [tilespmem:s30+$0x48F0];
	v6 =	vadd.f32 v7, v6;
	v7 =	vmul.f32 v11, v8  }
0x38e: {  	v8 =	vld [tilespmem:s30+$0x108F0]  }
0x38f: {  	v6 =	vadd.f32 v7, v6;
	v7 =	vmul.f32 v14, v13  }
0x390: {  	v10 =	vperm.xlane v4, v0  }
0x391: {  	v5 =	vmul.f32 v5, v12;
	v6 =	vadd.f32 v7, v6  }
0x392: {  	v4 =	vadd.f32 v4, v10  }
0x393: {  	v5 =	vadd.f32 v5, v6;
	v6 =	vmul.f32 v9, v8  }
0x394: {  	v7 =	vperm.xlane v4, v1  }
0x395: {  	v5 =	vadd.f32 v6, v5  }
0x396: {  	v4 =	vadd.f32 v4, v7  }
0x397: {  	v6 =	vperm.xlane v5, v0  }
0x398: {  	v7 =	vperm.xlane v4, v2  }
0x399: {  	v5 =	vadd.f32 v5, v6  }
0x39a: {  	v4 =	vadd.f32 v4, v7  }
0x39b: {  	v6 =	vld [tilespmem:s28+$0x14880];
	v7 =	vperm.xlane v5, v1  }
0x39c: {  	v8 =	vperm.xlane v4, v3  }
0x39d: {  	v5 =	vadd.f32 v5, v7  }
0x39e: {  	v4 =	vadd.f32 v4, v8  }
0x39f: {  	v7 =	vperm.xlane v5, v2  }
0x3a0: {  	v4 =	vsel vm8, v6, v4  }
0x3a1: {  	[tilespmem:s28+$0x14880] =	vst v4;
	v4 =	vadd.f32 v5, v7  }
0x3a2: {  	v5 =	vld [tilespmem:s30+$0x14880]  }
0x3a3: {  	v6 =	vperm.xlane v4, v3;
	_ =	sdelay $0x1  }
0x3a4: {  	v4 =	vadd.f32 v4, v6;
	_ =	sdelay $0x1  }
0x3a5: {  	v4 =	vsel vm8, v5, v4  }
0x3a6: {  	[tilespmem:s30+$0x14880] =	vst v4  }
0x3a7: {  	_ =	swait.ge [sflag:s21], $0x4000  }
0x3a8: {  	[sflag:s21] =	ssyncset.done $0x0  }
0x3a9: {  	s29 =	simm.s32 $0x0;
	[sflag:s21] =	ssyncadd.s32 $0xFFFFC000  }
0x3aa: {  	[tilespmem:s23], [sflag:$0x5] =	stream.indirect.gather [hbm4b:s0+s12], $0x80, s1, s12, $0xb8;
	[tilespmem:$0x18880] =	vst v63  }
0x3ab: {  	v4 =	vld [tilespmem:s29+$0xC880]  }
0x3ac: {  	v5 =	vld [tilespmem:s29+$0x4880]  }
0x3ad: {  	v6 =	vld [tilespmem:s29+$0xC890]  }
0x3ae: {  	v7 =	vld [tilespmem:s29+$0x4890]  }
0x3af: {  	v8 =	vld [tilespmem:s29+$0xC8A0]  }
0x3b0: {  	v9 =	vld [tilespmem:s29+$0x48A0]  }
0x3b1: {  	v10 =	vld [tilespmem:s29+$0xC8B0]  }
0x3b2: {  	v11 =	vld [tilespmem:s29+$0x48B0]  }
0x3b3: {  	v4 =	vmul.f32 v5, v4;
	v5 =	vmul.f32 v7, v6;
	v6 =	vld [tilespmem:s29+$0xC8C0]  }
0x3b4: {  	v7 =	vld [tilespmem:s29+$0x48C0]  }
0x3b5: {  	v4 =	vadd.f32 v5, v4;
	v5 =	vmul.f32 v9, v8;
	v8 =	vld [tilespmem:s29+$0xC8D0]  }
0x3b6: {  	v9 =	vld [tilespmem:s29+$0x48D0]  }
0x3b7: {  	v4 =	vadd.f32 v5, v4;
	v5 =	vmul.f32 v11, v10;
	v10 =	vld [tilespmem:s29+$0xC8E0]  }
0x3b8: {  	v11 =	vld [tilespmem:s29+$0x48E0]  }
0x3b9: {  	v4 =	vadd.f32 v5, v4;
	v5 =	vmul.f32 v7, v6;
	v6 =	vld [tilespmem:s29+$0xC8F0]  }
0x3ba: {  	v7 =	vld [tilespmem:s29+$0x48F0]  }
0x3bb: {  	s28 =	simm.s32 $0x80;
	v4 =	vadd.f32 v5, v4;
	v5 =	vmul.f32 v9, v8  }
0x3bc: {  	v8 =	vld [tilespmem:s28+$0xC880]  }
0x3bd: {  	v9 =	vld [tilespmem:s28+$0x4880];
	v4 =	vadd.f32 v5, v4;
	v5 =	vmul.f32 v11, v10  }
0x3be: {  	v10 =	vld [tilespmem:s28+$0xC890]  }
0x3bf: {  	v11 =	vld [tilespmem:s28+$0x4890];
	v4 =	vadd.f32 v5, v4;
	v5 =	vmul.f32 v7, v6  }
0x3c0: {  	v6 =	vld [tilespmem:s28+$0xC8A0]  }
0x3c1: {  	v7 =	vld [tilespmem:s28+$0x48A0];
	v4 =	vadd.f32 v5, v4  }
0x3c2: {  	v12 =	vld [tilespmem:s28+$0x48B0]  }
0x3c3: {  	v5 =	vld [tilespmem:s28+$0xC8B0];
	v13 =	vperm.xlane v4, v0  }
0x3c4: {  	v14 =	vld [tilespmem:s28+$0xC8C0];
	v8 =	vmul.f32 v9, v8;
	v9 =	vmul.f32 v11, v10  }
0x3c5: {  	v10 =	vld [tilespmem:s28+$0x48C0];
	v4 =	vadd.f32 v4, v13  }
0x3c6: {  	v11 =	vld [tilespmem:s28+$0xC8D0];
	v8 =	vadd.f32 v9, v8;
	v6 =	vmul.f32 v7, v6  }
0x3c7: {  	v7 =	vld [tilespmem:s28+$0x48D0];
	v9 =	vperm.xlane v4, v1  }
0x3c8: {  	v13 =	vld [tilespmem:s28+$0xC8E0];
	v6 =	vadd.f32 v6, v8;
	v5 =	vmul.f32 v12, v5  }
0x3c9: {  	v8 =	vld [tilespmem:s28+$0x48E0];
	v9 =	vadd.f32 v4, v9  }
0x3ca: {  	v10 =	vmul.f32 v10, v14;
	v12 =	vadd.f32 v5, v6;
	v5 =	vld [tilespmem:s28+$0x48F0]  }
0x3cb: {  	s30 =	simm.s32 $0x100;
	v4 =	vld [tilespmem:s28+$0xC8F0];
	v14 =	vperm.xlane v9, v2  }
0x3cc: {  	v6 =	vld [tilespmem:s30+$0xC880];
	v15 =	vmul.f32 v7, v11;
	v10 =	vadd.f32 v10, v12  }
0x3cd: {  	v7 =	vld [tilespmem:s30+$0x4880];
	v12 =	vadd.f32 v9, v14  }
0x3ce: {  	v11 =	vld [tilespmem:s29+$0x14880];
	v9 =	vadd.f32 v15, v10;
	v10 =	vmul.f32 v8, v13  }
0x3cf: {  	s31 =	simm.s32 $0x600;
	v8 =	vld [tilespmem:s30+$0xC890];
	v13 =	vperm.xlane v12, v3  }
.LBB2_22:
0x3d0: {  	p0 =	sne.s32 s31, $0xFE00;
	v14 =	vld [tilespmem:s30+$0x4890];
	v9 =	vadd.f32 v10, v9;
	v4 =	vmul.f32 v5, v4  }
0x3d1: {  	v5 =	vld [tilespmem:s30+$0xC8A0];
	v10 =	vadd.f32 v12, v13  }
0x3d2: {  	v12 =	vld [tilespmem:s30+$0x48A0];
	v4 =	vadd.f32 v4, v9  }
0x3d3: {  	v9 =	vld [tilespmem:s30+$0xC8B0];
	v10 =	vsel vm9, v11, v10  }
0x3d4: {  	v11 =	vld [tilespmem:s30+$0x48B0];
	v13 =	vperm.xlane v4, v0;
	[tilespmem:s29+$0x14880] =	vst v10;
	s29 =	smov.u32 s28;
	s28 =	smov.u32 s30  }
0x3d5: {  	v6 =	vmul.f32 v7, v6;
	v7 =	vmul.f32 v14, v8;
	v8 =	vld [tilespmem:s28+$0xC8C0]  }
0x3d6: {  	v10 =	vld [tilespmem:s28+$0x48C0];
	v4 =	vadd.f32 v4, v13  }
0x3d7: {  	v6 =	vadd.f32 v7, v6;
	v5 =	vmul.f32 v12, v5;
	v7 =	vld [tilespmem:s28+$0xC8D0]  }
0x3d8: {  	v12 =	vld [tilespmem:s28+$0x48D0];
	v13 =	vperm.xlane v4, v1  }
0x3d9: {  	v5 =	vadd.f32 v5, v6;
	v6 =	vmul.f32 v11, v9;
	v11 =	vld [tilespmem:s28+$0xC8E0]  }
0x3da: {  	v14 =	vld [tilespmem:s28+$0x48E0];
	v9 =	vadd.f32 v4, v13  }
0x3db: {  	v13 =	vadd.f32 v6, v5;
	v8 =	vmul.f32 v10, v8;
	v4 =	vld [tilespmem:s28+$0xC8F0]  }
.Ltmp10:
0x3dc: {  	s30 =	sshra.s32 s31, $0x2;
	v5 =	vld [tilespmem:s28+$0x48F0];
	v10 =	vperm.xlane v9, v2;
	(pc) =	sbr.rel @p0 .LBB2_22-.Ltmp10, $4  }
0x3dd: {  	v6 =	vld [tilespmem:s30+$0xC880];
	v8 =	vadd.f32 v8, v13;
	v13 =	vmul.f32 v12, v7  }
0x3de: {  	v7 =	vld [tilespmem:s30+$0x4880];
	v12 =	vadd.f32 v9, v10  }
0x3df: {  	v9 =	vadd.f32 v13, v8;
	v10 =	vmul.f32 v14, v11;
	v11 =	vld [tilespmem:s29+$0x14880]  }
0x3e0: {  	s31 =	sadd.s32 $0x200, s31;
	v8 =	vld [tilespmem:s30+$0xC890];
	v13 =	vperm.xlane v12, v3  }
0x3e1: {  	v14 =	vld [tilespmem:s30+$0x4890]  }
0x3e2: {  	v15 =	vld [tilespmem:s30+$0xC8A0];
	v12 =	vadd.f32 v12, v13  }
0x3e3: {  	v13 =	vld [tilespmem:s30+$0x48A0]  }
0x3e4: {  	v16 =	vld [tilespmem:s30+$0xC8B0];
	v11 =	vsel vm9, v11, v12  }
0x3e5: {  	v12 =	vld [tilespmem:s30+$0x48B0];
	[tilespmem:s29+$0x14880] =	vst v11  }
0x3e6: {  	v6 =	vmul.f32 v7, v6;
	v7 =	vmul.f32 v14, v8;
	v8 =	vld [tilespmem:s30+$0xC8C0]  }
0x3e7: {  	v11 =	vld [tilespmem:s30+$0x48C0]  }
0x3e8: {  	v14 =	vld [tilespmem:s30+$0x48D0];
	v6 =	vadd.f32 v7, v6;
	v7 =	vmul.f32 v13, v15  }
0x3e9: {  	v9 =	vadd.f32 v10, v9;
	v13 =	vld [tilespmem:s30+$0xC8D0]  }
0x3ea: {  	v4 =	vmul.f32 v5, v4;
	v5 =	vld [tilespmem:s30+$0x48E0];
	v6 =	vadd.f32 v7, v6;
	v7 =	vmul.f32 v12, v16  }
0x3eb: {  	v12 =	vld [tilespmem:s30+$0xC8E0]  }
0x3ec: {  	v4 =	vadd.f32 v4, v9;
	v9 =	vld [tilespmem:s30+$0x48F0];
	v6 =	vadd.f32 v7, v6;
	v7 =	vmul.f32 v11, v8  }
0x3ed: {  	v8 =	vld [tilespmem:s30+$0xC8F0]  }
0x3ee: {  	v6 =	vadd.f32 v7, v6;
	v7 =	vmul.f32 v14, v13  }
0x3ef: {  	v10 =	vperm.xlane v4, v0  }
0x3f0: {  	v5 =	vmul.f32 v5, v12;
	v6 =	vadd.f32 v7, v6  }
0x3f1: {  	v4 =	vadd.f32 v4, v10  }
0x3f2: {  	v5 =	vadd.f32 v5, v6;
	v6 =	vmul.f32 v9, v8  }
0x3f3: {  	v7 =	vperm.xlane v4, v1  }
0x3f4: {  	v5 =	vadd.f32 v6, v5  }
0x3f5: {  	v4 =	vadd.f32 v4, v7  }
0x3f6: {  	v6 =	vperm.xlane v5, v0  }
0x3f7: {  	v7 =	vperm.xlane v4, v2  }
0x3f8: {  	v5 =	vadd.f32 v5, v6  }
0x3f9: {  	v4 =	vadd.f32 v4, v7  }
0x3fa: {  	v6 =	vld [tilespmem:s28+$0x14880];
	v7 =	vperm.xlane v5, v1  }
0x3fb: {  	v8 =	vperm.xlane v4, v3  }
0x3fc: {  	v5 =	vadd.f32 v5, v7  }
0x3fd: {  	v4 =	vadd.f32 v4, v8  }
0x3fe: {  	v7 =	vperm.xlane v5, v2  }
0x3ff: {  	v4 =	vsel vm9, v6, v4  }
0x400: {  	[tilespmem:s28+$0x14880] =	vst v4;
	v4 =	vadd.f32 v5, v7  }
0x401: {  	v5 =	vld [tilespmem:s30+$0x14880]  }
0x402: {  	v6 =	vperm.xlane v4, v3;
	_ =	sdelay $0x1  }
0x403: {  	v4 =	vadd.f32 v4, v6;
	_ =	sdelay $0x1  }
0x404: {  	v4 =	vsel vm9, v5, v4  }
0x405: {  	[tilespmem:s30+$0x14880] =	vst v4  }
0x406: {  	_ =	swait.ge [sflag:s24], $0x4000  }
0x407: {  	[sflag:s24] =	ssyncset.done $0x0  }
0x408: {  	s29 =	simm.s32 $0x0;
	[sflag:s24] =	ssyncadd.s32 $0xFFFFC000  }
0x409: {  	[tilespmem:s17], [sflag:$0x4] =	stream.indirect.gather [hbm4b:s0+s12], $0x80, s2, s12, $0xb8;
	[tilespmem:$0x18880] =	vst v63  }
0x40a: {  	v4 =	vld [tilespmem:s29+$0x10880]  }
0x40b: {  	v5 =	vld [tilespmem:s29+$0x4880]  }
0x40c: {  	v6 =	vld [tilespmem:s29+$0x10890]  }
0x40d: {  	v7 =	vld [tilespmem:s29+$0x4890]  }
0x40e: {  	v8 =	vld [tilespmem:s29+$0x108A0]  }
0x40f: {  	v9 =	vld [tilespmem:s29+$0x48A0]  }
0x410: {  	v10 =	vld [tilespmem:s29+$0x108B0]  }
0x411: {  	v11 =	vld [tilespmem:s29+$0x48B0]  }
0x412: {  	v4 =	vmul.f32 v5, v4;
	v5 =	vmul.f32 v7, v6;
	v6 =	vld [tilespmem:s29+$0x108C0]  }
0x413: {  	v7 =	vld [tilespmem:s29+$0x48C0]  }
0x414: {  	v4 =	vadd.f32 v5, v4;
	v5 =	vmul.f32 v9, v8;
	v8 =	vld [tilespmem:s29+$0x108D0]  }
0x415: {  	v9 =	vld [tilespmem:s29+$0x48D0]  }
0x416: {  	v4 =	vadd.f32 v5, v4;
	v5 =	vmul.f32 v11, v10;
	v10 =	vld [tilespmem:s29+$0x108E0]  }
0x417: {  	v11 =	vld [tilespmem:s29+$0x48E0]  }
0x418: {  	v4 =	vadd.f32 v5, v4;
	v5 =	vmul.f32 v7, v6;
	v6 =	vld [tilespmem:s29+$0x108F0]  }
0x419: {  	v7 =	vld [tilespmem:s29+$0x48F0]  }
0x41a: {  	s28 =	simm.s32 $0x80;
	v4 =	vadd.f32 v5, v4;
	v5 =	vmul.f32 v9, v8  }
0x41b: {  	v8 =	vld [tilespmem:s28+$0x10880]  }
0x41c: {  	v9 =	vld [tilespmem:s28+$0x4880];
	v4 =	vadd.f32 v5, v4;
	v5 =	vmul.f32 v11, v10  }
0x41d: {  	v10 =	vld [tilespmem:s28+$0x10890]  }
0x41e: {  	v11 =	vld [tilespmem:s28+$0x4890];
	v4 =	vadd.f32 v5, v4;
	v5 =	vmul.f32 v7, v6  }
0x41f: {  	v6 =	vld [tilespmem:s28+$0x108A0]  }
0x420: {  	v7 =	vld [tilespmem:s28+$0x48A0];
	v4 =	vadd.f32 v5, v4  }
0x421: {  	v12 =	vld [tilespmem:s28+$0x48B0]  }
0x422: {  	v5 =	vld [tilespmem:s28+$0x108B0];
	v13 =	vperm.xlane v4, v0  }
0x423: {  	v14 =	vld [tilespmem:s28+$0x108C0];
	v8 =	vmul.f32 v9, v8;
	v9 =	vmul.f32 v11, v10  }
0x424: {  	v10 =	vld [tilespmem:s28+$0x48C0];
	v4 =	vadd.f32 v4, v13  }
0x425: {  	v11 =	vld [tilespmem:s28+$0x108D0];
	v8 =	vadd.f32 v9, v8;
	v6 =	vmul.f32 v7, v6  }
0x426: {  	v7 =	vld [tilespmem:s28+$0x48D0];
	v9 =	vperm.xlane v4, v1  }
0x427: {  	v13 =	vld [tilespmem:s28+$0x108E0];
	v6 =	vadd.f32 v6, v8;
	v5 =	vmul.f32 v12, v5  }
0x428: {  	v8 =	vld [tilespmem:s28+$0x48E0];
	v9 =	vadd.f32 v4, v9  }
0x429: {  	v10 =	vmul.f32 v10, v14;
	v12 =	vadd.f32 v5, v6;
	v5 =	vld [tilespmem:s28+$0x48F0]  }
0x42a: {  	s30 =	simm.s32 $0x100;
	v4 =	vld [tilespmem:s28+$0x108F0];
	v14 =	vperm.xlane v9, v2  }
0x42b: {  	v6 =	vld [tilespmem:s30+$0x10880];
	v15 =	vmul.f32 v7, v11;
	v10 =	vadd.f32 v10, v12  }
0x42c: {  	v7 =	vld [tilespmem:s30+$0x4880];
	v12 =	vadd.f32 v9, v14  }
0x42d: {  	v11 =	vld [tilespmem:s29+$0x14880];
	v9 =	vadd.f32 v15, v10;
	v10 =	vmul.f32 v8, v13  }
0x42e: {  	s31 =	simm.s32 $0x600;
	v8 =	vld [tilespmem:s30+$0x10890];
	v13 =	vperm.xlane v12, v3  }
.LBB2_24:
0x42f: {  	p0 =	sne.s32 s31, $0xFE00;
	v14 =	vld [tilespmem:s30+$0x4890];
	v9 =	vadd.f32 v10, v9;
	v4 =	vmul.f32 v5, v4  }
0x430: {  	v5 =	vld [tilespmem:s30+$0x108A0];
	v10 =	vadd.f32 v12, v13  }
0x431: {  	v12 =	vld [tilespmem:s30+$0x48A0];
	v4 =	vadd.f32 v4, v9  }
0x432: {  	v9 =	vld [tilespmem:s30+$0x108B0];
	v10 =	vsel vm10, v11, v10  }
0x433: {  	v11 =	vld [tilespmem:s30+$0x48B0];
	v13 =	vperm.xlane v4, v0;
	[tilespmem:s29+$0x14880] =	vst v10;
	s29 =	smov.u32 s28;
	s28 =	smov.u32 s30  }
0x434: {  	v6 =	vmul.f32 v7, v6;
	v7 =	vmul.f32 v14, v8;
	v8 =	vld [tilespmem:s28+$0x108C0]  }
0x435: {  	v10 =	vld [tilespmem:s28+$0x48C0];
	v4 =	vadd.f32 v4, v13  }
0x436: {  	v6 =	vadd.f32 v7, v6;
	v5 =	vmul.f32 v12, v5;
	v7 =	vld [tilespmem:s28+$0x108D0]  }
0x437: {  	v12 =	vld [tilespmem:s28+$0x48D0];
	v13 =	vperm.xlane v4, v1  }
0x438: {  	v5 =	vadd.f32 v5, v6;
	v6 =	vmul.f32 v11, v9;
	v11 =	vld [tilespmem:s28+$0x108E0]  }
0x439: {  	v14 =	vld [tilespmem:s28+$0x48E0];
	v9 =	vadd.f32 v4, v13  }
0x43a: {  	v13 =	vadd.f32 v6, v5;
	v8 =	vmul.f32 v10, v8;
	v4 =	vld [tilespmem:s28+$0x108F0]  }
.Ltmp11:
0x43b: {  	s30 =	sshra.s32 s31, $0x2;
	v5 =	vld [tilespmem:s28+$0x48F0];
	v10 =	vperm.xlane v9, v2;
	(pc) =	sbr.rel @p0 .LBB2_24-.Ltmp11, $4  }
0x43c: {  	v6 =	vld [tilespmem:s30+$0x10880];
	v8 =	vadd.f32 v8, v13;
	v13 =	vmul.f32 v12, v7  }
0x43d: {  	v7 =	vld [tilespmem:s30+$0x4880];
	v12 =	vadd.f32 v9, v10  }
0x43e: {  	v9 =	vadd.f32 v13, v8;
	v10 =	vmul.f32 v14, v11;
	v11 =	vld [tilespmem:s29+$0x14880]  }
0x43f: {  	s31 =	sadd.s32 $0x200, s31;
	v8 =	vld [tilespmem:s30+$0x10890];
	v13 =	vperm.xlane v12, v3  }
0x440: {  	v14 =	vld [tilespmem:s30+$0x4890]  }
0x441: {  	v15 =	vld [tilespmem:s30+$0x108A0];
	v12 =	vadd.f32 v12, v13  }
0x442: {  	v13 =	vld [tilespmem:s30+$0x48A0]  }
0x443: {  	v16 =	vld [tilespmem:s30+$0x108B0];
	v11 =	vsel vm10, v11, v12  }
0x444: {  	v12 =	vld [tilespmem:s30+$0x48B0];
	[tilespmem:s29+$0x14880] =	vst v11  }
0x445: {  	v6 =	vmul.f32 v7, v6;
	v7 =	vmul.f32 v14, v8;
	v8 =	vld [tilespmem:s30+$0x108C0]  }
0x446: {  	v11 =	vld [tilespmem:s30+$0x48C0]  }
0x447: {  	v14 =	vld [tilespmem:s30+$0x48D0];
	v6 =	vadd.f32 v7, v6;
	v7 =	vmul.f32 v13, v15  }
0x448: {  	v9 =	vadd.f32 v10, v9;
	v13 =	vld [tilespmem:s30+$0x108D0]  }
0x449: {  	v4 =	vmul.f32 v5, v4;
	v5 =	vld [tilespmem:s30+$0x48E0];
	v6 =	vadd.f32 v7, v6;
	v7 =	vmul.f32 v12, v16  }
0x44a: {  	v12 =	vld [tilespmem:s30+$0x108E0]  }
0x44b: {  	v4 =	vadd.f32 v4, v9;
	v9 =	vld [tilespmem:s30+$0x48F0];
	v6 =	vadd.f32 v7, v6;
	v7 =	vmul.f32 v11, v8  }
0x44c: {  	v8 =	vld [tilespmem:s30+$0x108F0]  }
0x44d: {  	v6 =	vadd.f32 v7, v6;
	v7 =	vmul.f32 v14, v13  }
0x44e: {  	v10 =	vperm.xlane v4, v0  }
0x44f: {  	v5 =	vmul.f32 v5, v12;
	v6 =	vadd.f32 v7, v6  }
0x450: {  	v4 =	vadd.f32 v4, v10  }
0x451: {  	v5 =	vadd.f32 v5, v6;
	v6 =	vmul.f32 v9, v8  }
0x452: {  	v7 =	vperm.xlane v4, v1  }
0x453: {  	v5 =	vadd.f32 v6, v5  }
0x454: {  	v4 =	vadd.f32 v4, v7  }
0x455: {  	v6 =	vperm.xlane v5, v0  }
0x456: {  	v7 =	vperm.xlane v4, v2  }
0x457: {  	v5 =	vadd.f32 v5, v6  }
0x458: {  	v4 =	vadd.f32 v4, v7  }
0x459: {  	v6 =	vld [tilespmem:s28+$0x14880];
	v7 =	vperm.xlane v5, v1  }
0x45a: {  	v8 =	vperm.xlane v4, v3  }
0x45b: {  	v5 =	vadd.f32 v5, v7  }
0x45c: {  	v4 =	vadd.f32 v4, v8  }
0x45d: {  	v7 =	vperm.xlane v5, v2  }
0x45e: {  	v4 =	vsel vm10, v6, v4  }
0x45f: {  	[tilespmem:s28+$0x14880] =	vst v4;
	v4 =	vadd.f32 v5, v7  }
0x460: {  	v5 =	vld [tilespmem:s30+$0x14880]  }
0x461: {  	v6 =	vperm.xlane v4, v3;
	_ =	sdelay $0x1  }
0x462: {  	v4 =	vadd.f32 v4, v6;
	_ =	sdelay $0x1  }
0x463: {  	v4 =	vsel vm10, v5, v4  }
0x464: {  	[tilespmem:s30+$0x14880] =	vst v4  }
0x465: {  	_ =	swait.ge [sflag:s21], $0x4000  }
0x466: {  	[sflag:s21] =	ssyncset.done $0x0  }
0x467: {  	s29 =	simm.s32 $0x0;
	[sflag:s21] =	ssyncadd.s32 $0xFFFFC000  }
0x468: {  	[tilespmem:s23], [sflag:$0x5] =	stream.indirect.gather [hbm4b:s0+s12], $0x80, s14, s12, $0xb8;
	[tilespmem:$0x18880] =	vst v63  }
0x469: {  	v4 =	vld [tilespmem:s29+$0xC880]  }
0x46a: {  	v5 =	vld [tilespmem:s29+$0x4880]  }
0x46b: {  	v6 =	vld [tilespmem:s29+$0xC890]  }
0x46c: {  	v7 =	vld [tilespmem:s29+$0x4890]  }
0x46d: {  	v8 =	vld [tilespmem:s29+$0xC8A0]  }
0x46e: {  	v9 =	vld [tilespmem:s29+$0x48A0]  }
0x46f: {  	v10 =	vld [tilespmem:s29+$0xC8B0]  }
0x470: {  	v11 =	vld [tilespmem:s29+$0x48B0]  }
0x471: {  	v4 =	vmul.f32 v5, v4;
	v5 =	vmul.f32 v7, v6;
	v6 =	vld [tilespmem:s29+$0xC8C0]  }
0x472: {  	v7 =	vld [tilespmem:s29+$0x48C0]  }
0x473: {  	v4 =	vadd.f32 v5, v4;
	v5 =	vmul.f32 v9, v8;
	v8 =	vld [tilespmem:s29+$0xC8D0]  }
0x474: {  	v9 =	vld [tilespmem:s29+$0x48D0]  }
0x475: {  	v4 =	vadd.f32 v5, v4;
	v5 =	vmul.f32 v11, v10;
	v10 =	vld [tilespmem:s29+$0xC8E0]  }
0x476: {  	v11 =	vld [tilespmem:s29+$0x48E0]  }
0x477: {  	v4 =	vadd.f32 v5, v4;
	v5 =	vmul.f32 v7, v6;
	v6 =	vld [tilespmem:s29+$0xC8F0]  }
0x478: {  	v7 =	vld [tilespmem:s29+$0x48F0]  }
0x479: {  	s28 =	simm.s32 $0x80;
	v4 =	vadd.f32 v5, v4;
	v5 =	vmul.f32 v9, v8  }
0x47a: {  	v8 =	vld [tilespmem:s28+$0xC880]  }
0x47b: {  	v9 =	vld [tilespmem:s28+$0x4880];
	v4 =	vadd.f32 v5, v4;
	v5 =	vmul.f32 v11, v10  }
0x47c: {  	v10 =	vld [tilespmem:s28+$0xC890]  }
0x47d: {  	v11 =	vld [tilespmem:s28+$0x4890];
	v4 =	vadd.f32 v5, v4;
	v5 =	vmul.f32 v7, v6  }
0x47e: {  	v6 =	vld [tilespmem:s28+$0xC8A0]  }
0x47f: {  	v7 =	vld [tilespmem:s28+$0x48A0];
	v4 =	vadd.f32 v5, v4  }
0x480: {  	v12 =	vld [tilespmem:s28+$0x48B0]  }
0x481: {  	v5 =	vld [tilespmem:s28+$0xC8B0];
	v13 =	vperm.xlane v4, v0  }
0x482: {  	v14 =	vld [tilespmem:s28+$0xC8C0];
	v8 =	vmul.f32 v9, v8;
	v9 =	vmul.f32 v11, v10  }
0x483: {  	v10 =	vld [tilespmem:s28+$0x48C0];
	v4 =	vadd.f32 v4, v13  }
0x484: {  	v11 =	vld [tilespmem:s28+$0xC8D0];
	v8 =	vadd.f32 v9, v8;
	v6 =	vmul.f32 v7, v6  }
0x485: {  	v7 =	vld [tilespmem:s28+$0x48D0];
	v9 =	vperm.xlane v4, v1  }
0x486: {  	v13 =	vld [tilespmem:s28+$0xC8E0];
	v6 =	vadd.f32 v6, v8;
	v5 =	vmul.f32 v12, v5  }
0x487: {  	v8 =	vld [tilespmem:s28+$0x48E0];
	v9 =	vadd.f32 v4, v9  }
0x488: {  	v10 =	vmul.f32 v10, v14;
	v12 =	vadd.f32 v5, v6;
	v5 =	vld [tilespmem:s28+$0x48F0]  }
0x489: {  	s30 =	simm.s32 $0x100;
	v4 =	vld [tilespmem:s28+$0xC8F0];
	v14 =	vperm.xlane v9, v2  }
0x48a: {  	v6 =	vld [tilespmem:s30+$0xC880];
	v15 =	vmul.f32 v7, v11;
	v10 =	vadd.f32 v10, v12  }
0x48b: {  	v7 =	vld [tilespmem:s30+$0x4880];
	v12 =	vadd.f32 v9, v14  }
0x48c: {  	v11 =	vld [tilespmem:s29+$0x14880];
	v9 =	vadd.f32 v15, v10;
	v10 =	vmul.f32 v8, v13  }
0x48d: {  	s31 =	simm.s32 $0x600;
	v8 =	vld [tilespmem:s30+$0xC890];
	v13 =	vperm.xlane v12, v3  }
.LBB2_26:
0x48e: {  	p0 =	sne.s32 s31, $0xFE00;
	v14 =	vld [tilespmem:s30+$0x4890];
	v9 =	vadd.f32 v10, v9;
	v4 =	vmul.f32 v5, v4  }
0x48f: {  	v5 =	vld [tilespmem:s30+$0xC8A0];
	v10 =	vadd.f32 v12, v13  }
0x490: {  	v12 =	vld [tilespmem:s30+$0x48A0];
	v4 =	vadd.f32 v4, v9  }
0x491: {  	v9 =	vld [tilespmem:s30+$0xC8B0];
	v10 =	vsel vm11, v11, v10  }
0x492: {  	v11 =	vld [tilespmem:s30+$0x48B0];
	v13 =	vperm.xlane v4, v0;
	[tilespmem:s29+$0x14880] =	vst v10;
	s29 =	smov.u32 s28;
	s28 =	smov.u32 s30  }
0x493: {  	v6 =	vmul.f32 v7, v6;
	v7 =	vmul.f32 v14, v8;
	v8 =	vld [tilespmem:s28+$0xC8C0]  }
0x494: {  	v10 =	vld [tilespmem:s28+$0x48C0];
	v4 =	vadd.f32 v4, v13  }
0x495: {  	v6 =	vadd.f32 v7, v6;
	v5 =	vmul.f32 v12, v5;
	v7 =	vld [tilespmem:s28+$0xC8D0]  }
0x496: {  	v12 =	vld [tilespmem:s28+$0x48D0];
	v13 =	vperm.xlane v4, v1  }
0x497: {  	v5 =	vadd.f32 v5, v6;
	v6 =	vmul.f32 v11, v9;
	v11 =	vld [tilespmem:s28+$0xC8E0]  }
0x498: {  	v14 =	vld [tilespmem:s28+$0x48E0];
	v9 =	vadd.f32 v4, v13  }
0x499: {  	v13 =	vadd.f32 v6, v5;
	v8 =	vmul.f32 v10, v8;
	v4 =	vld [tilespmem:s28+$0xC8F0]  }
.Ltmp12:
0x49a: {  	s30 =	sshra.s32 s31, $0x2;
	v5 =	vld [tilespmem:s28+$0x48F0];
	v10 =	vperm.xlane v9, v2;
	(pc) =	sbr.rel @p0 .LBB2_26-.Ltmp12, $4  }
0x49b: {  	v6 =	vld [tilespmem:s30+$0xC880];
	v8 =	vadd.f32 v8, v13;
	v13 =	vmul.f32 v12, v7  }
0x49c: {  	v7 =	vld [tilespmem:s30+$0x4880];
	v12 =	vadd.f32 v9, v10  }
0x49d: {  	v9 =	vadd.f32 v13, v8;
	v10 =	vmul.f32 v14, v11;
	v11 =	vld [tilespmem:s29+$0x14880]  }
0x49e: {  	s31 =	sadd.s32 $0x200, s31;
	v8 =	vld [tilespmem:s30+$0xC890];
	v13 =	vperm.xlane v12, v3  }
0x49f: {  	v14 =	vld [tilespmem:s30+$0x4890]  }
0x4a0: {  	v15 =	vld [tilespmem:s30+$0xC8A0];
	v12 =	vadd.f32 v12, v13  }
0x4a1: {  	v13 =	vld [tilespmem:s30+$0x48A0]  }
0x4a2: {  	v16 =	vld [tilespmem:s30+$0xC8B0];
	v11 =	vsel vm11, v11, v12  }
0x4a3: {  	v12 =	vld [tilespmem:s30+$0x48B0];
	[tilespmem:s29+$0x14880] =	vst v11  }
0x4a4: {  	v6 =	vmul.f32 v7, v6;
	v7 =	vmul.f32 v14, v8;
	v8 =	vld [tilespmem:s30+$0xC8C0]  }
0x4a5: {  	v11 =	vld [tilespmem:s30+$0x48C0]  }
0x4a6: {  	v14 =	vld [tilespmem:s30+$0x48D0];
	v6 =	vadd.f32 v7, v6;
	v7 =	vmul.f32 v13, v15  }
0x4a7: {  	v9 =	vadd.f32 v10, v9;
	v13 =	vld [tilespmem:s30+$0xC8D0]  }
0x4a8: {  	v4 =	vmul.f32 v5, v4;
	v5 =	vld [tilespmem:s30+$0x48E0];
	v6 =	vadd.f32 v7, v6;
	v7 =	vmul.f32 v12, v16  }
0x4a9: {  	v12 =	vld [tilespmem:s30+$0xC8E0]  }
0x4aa: {  	v4 =	vadd.f32 v4, v9;
	v9 =	vld [tilespmem:s30+$0x48F0];
	v6 =	vadd.f32 v7, v6;
	v7 =	vmul.f32 v11, v8  }
0x4ab: {  	v8 =	vld [tilespmem:s30+$0xC8F0]  }
0x4ac: {  	v6 =	vadd.f32 v7, v6;
	v7 =	vmul.f32 v14, v13  }
0x4ad: {  	v10 =	vperm.xlane v4, v0  }
0x4ae: {  	v5 =	vmul.f32 v5, v12;
	v6 =	vadd.f32 v7, v6  }
0x4af: {  	v4 =	vadd.f32 v4, v10  }
0x4b0: {  	v5 =	vadd.f32 v5, v6;
	v6 =	vmul.f32 v9, v8  }
0x4b1: {  	v7 =	vperm.xlane v4, v1  }
0x4b2: {  	v5 =	vadd.f32 v6, v5  }
0x4b3: {  	v4 =	vadd.f32 v4, v7  }
0x4b4: {  	v6 =	vperm.xlane v5, v0  }
0x4b5: {  	v7 =	vperm.xlane v4, v2  }
0x4b6: {  	v5 =	vadd.f32 v5, v6  }
0x4b7: {  	v4 =	vadd.f32 v4, v7  }
0x4b8: {  	v6 =	vld [tilespmem:s28+$0x14880];
	v7 =	vperm.xlane v5, v1  }
0x4b9: {  	v8 =	vperm.xlane v4, v3  }
0x4ba: {  	v5 =	vadd.f32 v5, v7  }
0x4bb: {  	v4 =	vadd.f32 v4, v8  }
0x4bc: {  	v7 =	vperm.xlane v5, v2  }
0x4bd: {  	v4 =	vsel vm11, v6, v4  }
0x4be: {  	[tilespmem:s28+$0x14880] =	vst v4;
	v4 =	vadd.f32 v5, v7  }
0x4bf: {  	v5 =	vld [tilespmem:s30+$0x14880]  }
0x4c0: {  	v6 =	vperm.xlane v4, v3;
	_ =	sdelay $0x1  }
0x4c1: {  	v4 =	vadd.f32 v4, v6;
	_ =	sdelay $0x1  }
0x4c2: {  	v4 =	vsel vm11, v5, v4  }
0x4c3: {  	[tilespmem:s30+$0x14880] =	vst v4  }
0x4c4: {  	_ =	swait.ge [sflag:s24], $0x4000  }
0x4c5: {  	[sflag:s24] =	ssyncset.done $0x0  }
0x4c6: {  	s29 =	simm.s32 $0x0;
	[sflag:s24] =	ssyncadd.s32 $0xFFFFC000  }
0x4c7: {  	[tilespmem:s17], [sflag:$0x4] =	stream.indirect.gather [hbm4b:s0+s12], $0x80, s15, s12, $0xb8;
	[tilespmem:$0x18880] =	vst v63  }
0x4c8: {  	v4 =	vld [tilespmem:s29+$0x10880]  }
0x4c9: {  	v5 =	vld [tilespmem:s29+$0x4880]  }
0x4ca: {  	v6 =	vld [tilespmem:s29+$0x10890]  }
0x4cb: {  	v7 =	vld [tilespmem:s29+$0x4890]  }
0x4cc: {  	v8 =	vld [tilespmem:s29+$0x108A0]  }
0x4cd: {  	v9 =	vld [tilespmem:s29+$0x48A0]  }
0x4ce: {  	v10 =	vld [tilespmem:s29+$0x108B0]  }
0x4cf: {  	v11 =	vld [tilespmem:s29+$0x48B0]  }
0x4d0: {  	v4 =	vmul.f32 v5, v4;
	v5 =	vmul.f32 v7, v6;
	v6 =	vld [tilespmem:s29+$0x108C0]  }
0x4d1: {  	v7 =	vld [tilespmem:s29+$0x48C0]  }
0x4d2: {  	v4 =	vadd.f32 v5, v4;
	v5 =	vmul.f32 v9, v8;
	v8 =	vld [tilespmem:s29+$0x108D0]  }
0x4d3: {  	v9 =	vld [tilespmem:s29+$0x48D0]  }
0x4d4: {  	v4 =	vadd.f32 v5, v4;
	v5 =	vmul.f32 v11, v10;
	v10 =	vld [tilespmem:s29+$0x108E0]  }
0x4d5: {  	v11 =	vld [tilespmem:s29+$0x48E0]  }
0x4d6: {  	v4 =	vadd.f32 v5, v4;
	v5 =	vmul.f32 v7, v6;
	v6 =	vld [tilespmem:s29+$0x108F0]  }
0x4d7: {  	v7 =	vld [tilespmem:s29+$0x48F0]  }
0x4d8: {  	s28 =	simm.s32 $0x80;
	v4 =	vadd.f32 v5, v4;
	v5 =	vmul.f32 v9, v8  }
0x4d9: {  	v8 =	vld [tilespmem:s28+$0x10880]  }
0x4da: {  	v9 =	vld [tilespmem:s28+$0x4880];
	v4 =	vadd.f32 v5, v4;
	v5 =	vmul.f32 v11, v10  }
0x4db: {  	v10 =	vld [tilespmem:s28+$0x10890]  }
0x4dc: {  	v11 =	vld [tilespmem:s28+$0x4890];
	v4 =	vadd.f32 v5, v4;
	v5 =	vmul.f32 v7, v6  }
0x4dd: {  	v6 =	vld [tilespmem:s28+$0x108A0]  }
0x4de: {  	v7 =	vld [tilespmem:s28+$0x48A0];
	v4 =	vadd.f32 v5, v4  }
0x4df: {  	v12 =	vld [tilespmem:s28+$0x48B0]  }
0x4e0: {  	v5 =	vld [tilespmem:s28+$0x108B0];
	v13 =	vperm.xlane v4, v0  }
0x4e1: {  	v14 =	vld [tilespmem:s28+$0x108C0];
	v8 =	vmul.f32 v9, v8;
	v9 =	vmul.f32 v11, v10  }
0x4e2: {  	v10 =	vld [tilespmem:s28+$0x48C0];
	v4 =	vadd.f32 v4, v13  }
0x4e3: {  	v11 =	vld [tilespmem:s28+$0x108D0];
	v8 =	vadd.f32 v9, v8;
	v6 =	vmul.f32 v7, v6  }
0x4e4: {  	v7 =	vld [tilespmem:s28+$0x48D0];
	v9 =	vperm.xlane v4, v1  }
0x4e5: {  	v13 =	vld [tilespmem:s28+$0x108E0];
	v6 =	vadd.f32 v6, v8;
	v5 =	vmul.f32 v12, v5  }
0x4e6: {  	v8 =	vld [tilespmem:s28+$0x48E0];
	v9 =	vadd.f32 v4, v9  }
0x4e7: {  	v10 =	vmul.f32 v10, v14;
	v12 =	vadd.f32 v5, v6;
	v5 =	vld [tilespmem:s28+$0x48F0]  }
0x4e8: {  	s30 =	simm.s32 $0x100;
	v4 =	vld [tilespmem:s28+$0x108F0];
	v14 =	vperm.xlane v9, v2  }
0x4e9: {  	v6 =	vld [tilespmem:s30+$0x10880];
	v15 =	vmul.f32 v7, v11;
	v10 =	vadd.f32 v10, v12  }
0x4ea: {  	v7 =	vld [tilespmem:s30+$0x4880];
	v12 =	vadd.f32 v9, v14  }
0x4eb: {  	v11 =	vld [tilespmem:s29+$0x14880];
	v9 =	vadd.f32 v15, v10;
	v10 =	vmul.f32 v8, v13  }
0x4ec: {  	s31 =	simm.s32 $0x600;
	v8 =	vld [tilespmem:s30+$0x10890];
	v13 =	vperm.xlane v12, v3  }
.LBB2_28:
0x4ed: {  	p0 =	sne.s32 s31, $0xFE00;
	v14 =	vld [tilespmem:s30+$0x4890];
	v9 =	vadd.f32 v10, v9;
	v4 =	vmul.f32 v5, v4  }
0x4ee: {  	v5 =	vld [tilespmem:s30+$0x108A0];
	v10 =	vadd.f32 v12, v13  }
0x4ef: {  	v12 =	vld [tilespmem:s30+$0x48A0];
	v4 =	vadd.f32 v4, v9  }
0x4f0: {  	v9 =	vld [tilespmem:s30+$0x108B0];
	v10 =	vsel vm12, v11, v10  }
0x4f1: {  	v11 =	vld [tilespmem:s30+$0x48B0];
	v13 =	vperm.xlane v4, v0;
	[tilespmem:s29+$0x14880] =	vst v10;
	s29 =	smov.u32 s28;
	s28 =	smov.u32 s30  }
0x4f2: {  	v6 =	vmul.f32 v7, v6;
	v7 =	vmul.f32 v14, v8;
	v8 =	vld [tilespmem:s28+$0x108C0]  }
0x4f3: {  	v10 =	vld [tilespmem:s28+$0x48C0];
	v4 =	vadd.f32 v4, v13  }
0x4f4: {  	v6 =	vadd.f32 v7, v6;
	v5 =	vmul.f32 v12, v5;
	v7 =	vld [tilespmem:s28+$0x108D0]  }
0x4f5: {  	v12 =	vld [tilespmem:s28+$0x48D0];
	v13 =	vperm.xlane v4, v1  }
0x4f6: {  	v5 =	vadd.f32 v5, v6;
	v6 =	vmul.f32 v11, v9;
	v11 =	vld [tilespmem:s28+$0x108E0]  }
0x4f7: {  	v14 =	vld [tilespmem:s28+$0x48E0];
	v9 =	vadd.f32 v4, v13  }
0x4f8: {  	v13 =	vadd.f32 v6, v5;
	v8 =	vmul.f32 v10, v8;
	v4 =	vld [tilespmem:s28+$0x108F0]  }
.Ltmp13:
0x4f9: {  	s30 =	sshra.s32 s31, $0x2;
	v5 =	vld [tilespmem:s28+$0x48F0];
	v10 =	vperm.xlane v9, v2;
	(pc) =	sbr.rel @p0 .LBB2_28-.Ltmp13, $4  }
0x4fa: {  	v6 =	vld [tilespmem:s30+$0x10880];
	v8 =	vadd.f32 v8, v13;
	v13 =	vmul.f32 v12, v7  }
0x4fb: {  	v7 =	vld [tilespmem:s30+$0x4880];
	v12 =	vadd.f32 v9, v10  }
0x4fc: {  	v9 =	vadd.f32 v13, v8;
	v10 =	vmul.f32 v14, v11;
	v11 =	vld [tilespmem:s29+$0x14880]  }
0x4fd: {  	s31 =	sadd.s32 $0x200, s31;
	v8 =	vld [tilespmem:s30+$0x10890];
	v13 =	vperm.xlane v12, v3  }
0x4fe: {  	v14 =	vld [tilespmem:s30+$0x4890]  }
0x4ff: {  	v15 =	vld [tilespmem:s30+$0x108A0];
	v12 =	vadd.f32 v12, v13  }
0x500: {  	v13 =	vld [tilespmem:s30+$0x48A0]  }
0x501: {  	v16 =	vld [tilespmem:s30+$0x108B0];
	v11 =	vsel vm12, v11, v12  }
0x502: {  	v12 =	vld [tilespmem:s30+$0x48B0];
	[tilespmem:s29+$0x14880] =	vst v11  }
0x503: {  	v6 =	vmul.f32 v7, v6;
	v7 =	vmul.f32 v14, v8;
	v8 =	vld [tilespmem:s30+$0x108C0]  }
0x504: {  	v11 =	vld [tilespmem:s30+$0x48C0]  }
0x505: {  	v14 =	vld [tilespmem:s30+$0x48D0];
	v6 =	vadd.f32 v7, v6;
	v7 =	vmul.f32 v13, v15  }
0x506: {  	v9 =	vadd.f32 v10, v9;
	v13 =	vld [tilespmem:s30+$0x108D0]  }
0x507: {  	v4 =	vmul.f32 v5, v4;
	v5 =	vld [tilespmem:s30+$0x48E0];
	v6 =	vadd.f32 v7, v6;
	v7 =	vmul.f32 v12, v16  }
0x508: {  	v12 =	vld [tilespmem:s30+$0x108E0]  }
0x509: {  	v4 =	vadd.f32 v4, v9;
	v9 =	vld [tilespmem:s30+$0x48F0];
	v6 =	vadd.f32 v7, v6;
	v7 =	vmul.f32 v11, v8  }
0x50a: {  	v8 =	vld [tilespmem:s30+$0x108F0]  }
0x50b: {  	v6 =	vadd.f32 v7, v6;
	v7 =	vmul.f32 v14, v13  }
0x50c: {  	v10 =	vperm.xlane v4, v0  }
0x50d: {  	v5 =	vmul.f32 v5, v12;
	v6 =	vadd.f32 v7, v6  }
0x50e: {  	v4 =	vadd.f32 v4, v10  }
0x50f: {  	v5 =	vadd.f32 v5, v6;
	v6 =	vmul.f32 v9, v8  }
0x510: {  	v7 =	vperm.xlane v4, v1  }
0x511: {  	v5 =	vadd.f32 v6, v5  }
0x512: {  	v4 =	vadd.f32 v4, v7  }
0x513: {  	v6 =	vperm.xlane v5, v0  }
0x514: {  	v7 =	vperm.xlane v4, v2  }
0x515: {  	v5 =	vadd.f32 v5, v6  }
0x516: {  	v4 =	vadd.f32 v4, v7  }
0x517: {  	v6 =	vld [tilespmem:s28+$0x14880];
	v7 =	vperm.xlane v5, v1  }
0x518: {  	v8 =	vperm.xlane v4, v3  }
0x519: {  	v5 =	vadd.f32 v5, v7  }
0x51a: {  	v4 =	vadd.f32 v4, v8  }
0x51b: {  	v7 =	vperm.xlane v5, v2  }
0x51c: {  	v4 =	vsel vm12, v6, v4  }
0x51d: {  	[tilespmem:s28+$0x14880] =	vst v4;
	v4 =	vadd.f32 v5, v7  }
0x51e: {  	v5 =	vld [tilespmem:s30+$0x14880]  }
0x51f: {  	v6 =	vperm.xlane v4, v3;
	_ =	sdelay $0x1  }
0x520: {  	v4 =	vadd.f32 v4, v6;
	_ =	sdelay $0x1  }
0x521: {  	v4 =	vsel vm12, v5, v4  }
0x522: {  	[tilespmem:s30+$0x14880] =	vst v4  }
0x523: {  	_ =	swait.ge [sflag:s21], $0x4000  }
0x524: {  	[sflag:s21] =	ssyncset.done $0x0  }
0x525: {  	s29 =	simm.s32 $0x0;
	[sflag:s21] =	ssyncadd.s32 $0xFFFFC000  }
0x526: {  	[tilespmem:s23], [sflag:$0x5] =	stream.indirect.gather [hbm4b:s0+s12], $0x80, s16, s12, $0xb8;
	[tilespmem:$0x18880] =	vst v63  }
0x527: {  	v4 =	vld [tilespmem:s29+$0xC880]  }
0x528: {  	v5 =	vld [tilespmem:s29+$0x4880]  }
0x529: {  	v6 =	vld [tilespmem:s29+$0xC890]  }
0x52a: {  	v7 =	vld [tilespmem:s29+$0x4890]  }
0x52b: {  	v8 =	vld [tilespmem:s29+$0xC8A0]  }
0x52c: {  	v9 =	vld [tilespmem:s29+$0x48A0]  }
0x52d: {  	v10 =	vld [tilespmem:s29+$0xC8B0]  }
0x52e: {  	v11 =	vld [tilespmem:s29+$0x48B0]  }
0x52f: {  	v4 =	vmul.f32 v5, v4;
	v5 =	vmul.f32 v7, v6;
	v6 =	vld [tilespmem:s29+$0xC8C0]  }
0x530: {  	v7 =	vld [tilespmem:s29+$0x48C0]  }
0x531: {  	v4 =	vadd.f32 v5, v4;
	v5 =	vmul.f32 v9, v8;
	v8 =	vld [tilespmem:s29+$0xC8D0]  }
0x532: {  	v9 =	vld [tilespmem:s29+$0x48D0]  }
0x533: {  	v4 =	vadd.f32 v5, v4;
	v5 =	vmul.f32 v11, v10;
	v10 =	vld [tilespmem:s29+$0xC8E0]  }
0x534: {  	v11 =	vld [tilespmem:s29+$0x48E0]  }
0x535: {  	v4 =	vadd.f32 v5, v4;
	v5 =	vmul.f32 v7, v6;
	v6 =	vld [tilespmem:s29+$0xC8F0]  }
0x536: {  	v7 =	vld [tilespmem:s29+$0x48F0]  }
0x537: {  	s28 =	simm.s32 $0x80;
	v4 =	vadd.f32 v5, v4;
	v5 =	vmul.f32 v9, v8  }
0x538: {  	v8 =	vld [tilespmem:s28+$0xC880]  }
0x539: {  	v9 =	vld [tilespmem:s28+$0x4880];
	v4 =	vadd.f32 v5, v4;
	v5 =	vmul.f32 v11, v10  }
0x53a: {  	v10 =	vld [tilespmem:s28+$0xC890]  }
0x53b: {  	v11 =	vld [tilespmem:s28+$0x4890];
	v4 =	vadd.f32 v5, v4;
	v5 =	vmul.f32 v7, v6  }
0x53c: {  	v6 =	vld [tilespmem:s28+$0xC8A0]  }
0x53d: {  	v7 =	vld [tilespmem:s28+$0x48A0];
	v4 =	vadd.f32 v5, v4  }
0x53e: {  	v12 =	vld [tilespmem:s28+$0x48B0]  }
0x53f: {  	v5 =	vld [tilespmem:s28+$0xC8B0];
	v13 =	vperm.xlane v4, v0  }
0x540: {  	v14 =	vld [tilespmem:s28+$0xC8C0];
	v8 =	vmul.f32 v9, v8;
	v9 =	vmul.f32 v11, v10  }
0x541: {  	v10 =	vld [tilespmem:s28+$0x48C0];
	v4 =	vadd.f32 v4, v13  }
0x542: {  	v11 =	vld [tilespmem:s28+$0xC8D0];
	v8 =	vadd.f32 v9, v8;
	v6 =	vmul.f32 v7, v6  }
0x543: {  	v7 =	vld [tilespmem:s28+$0x48D0];
	v9 =	vperm.xlane v4, v1  }
0x544: {  	v13 =	vld [tilespmem:s28+$0xC8E0];
	v6 =	vadd.f32 v6, v8;
	v5 =	vmul.f32 v12, v5  }
0x545: {  	v8 =	vld [tilespmem:s28+$0x48E0];
	v9 =	vadd.f32 v4, v9  }
0x546: {  	v10 =	vmul.f32 v10, v14;
	v12 =	vadd.f32 v5, v6;
	v5 =	vld [tilespmem:s28+$0x48F0]  }
0x547: {  	s30 =	simm.s32 $0x100;
	v4 =	vld [tilespmem:s28+$0xC8F0];
	v14 =	vperm.xlane v9, v2  }
0x548: {  	v6 =	vld [tilespmem:s30+$0xC880];
	v15 =	vmul.f32 v7, v11;
	v10 =	vadd.f32 v10, v12  }
0x549: {  	v7 =	vld [tilespmem:s30+$0x4880];
	v12 =	vadd.f32 v9, v14  }
0x54a: {  	v11 =	vld [tilespmem:s29+$0x14880];
	v9 =	vadd.f32 v15, v10;
	v10 =	vmul.f32 v8, v13  }
0x54b: {  	s31 =	simm.s32 $0x600;
	v8 =	vld [tilespmem:s30+$0xC890];
	v13 =	vperm.xlane v12, v3  }
.LBB2_30:
0x54c: {  	p0 =	sne.s32 s31, $0xFE00;
	v14 =	vld [tilespmem:s30+$0x4890];
	v9 =	vadd.f32 v10, v9;
	v4 =	vmul.f32 v5, v4  }
0x54d: {  	v5 =	vld [tilespmem:s30+$0xC8A0];
	v10 =	vadd.f32 v12, v13  }
0x54e: {  	v12 =	vld [tilespmem:s30+$0x48A0];
	v4 =	vadd.f32 v4, v9  }
0x54f: {  	v9 =	vld [tilespmem:s30+$0xC8B0];
	v10 =	vsel vm13, v11, v10  }
0x550: {  	v11 =	vld [tilespmem:s30+$0x48B0];
	v13 =	vperm.xlane v4, v0;
	[tilespmem:s29+$0x14880] =	vst v10;
	s29 =	smov.u32 s28;
	s28 =	smov.u32 s30  }
0x551: {  	v6 =	vmul.f32 v7, v6;
	v7 =	vmul.f32 v14, v8;
	v8 =	vld [tilespmem:s28+$0xC8C0]  }
0x552: {  	v10 =	vld [tilespmem:s28+$0x48C0];
	v4 =	vadd.f32 v4, v13  }
0x553: {  	v6 =	vadd.f32 v7, v6;
	v5 =	vmul.f32 v12, v5;
	v7 =	vld [tilespmem:s28+$0xC8D0]  }
0x554: {  	v12 =	vld [tilespmem:s28+$0x48D0];
	v13 =	vperm.xlane v4, v1  }
0x555: {  	v5 =	vadd.f32 v5, v6;
	v6 =	vmul.f32 v11, v9;
	v11 =	vld [tilespmem:s28+$0xC8E0]  }
0x556: {  	v14 =	vld [tilespmem:s28+$0x48E0];
	v9 =	vadd.f32 v4, v13  }
0x557: {  	v13 =	vadd.f32 v6, v5;
	v8 =	vmul.f32 v10, v8;
	v4 =	vld [tilespmem:s28+$0xC8F0]  }
.Ltmp14:
0x558: {  	s30 =	sshra.s32 s31, $0x2;
	v5 =	vld [tilespmem:s28+$0x48F0];
	v10 =	vperm.xlane v9, v2;
	(pc) =	sbr.rel @p0 .LBB2_30-.Ltmp14, $4  }
0x559: {  	v6 =	vld [tilespmem:s30+$0xC880];
	v8 =	vadd.f32 v8, v13;
	v13 =	vmul.f32 v12, v7  }
0x55a: {  	v7 =	vld [tilespmem:s30+$0x4880];
	v12 =	vadd.f32 v9, v10  }
0x55b: {  	v9 =	vadd.f32 v13, v8;
	v10 =	vmul.f32 v14, v11;
	v11 =	vld [tilespmem:s29+$0x14880]  }
0x55c: {  	s31 =	sadd.s32 $0x200, s31;
	v8 =	vld [tilespmem:s30+$0xC890];
	v13 =	vperm.xlane v12, v3  }
0x55d: {  	v14 =	vld [tilespmem:s30+$0x4890]  }
0x55e: {  	v15 =	vld [tilespmem:s30+$0xC8A0];
	v12 =	vadd.f32 v12, v13  }
0x55f: {  	v13 =	vld [tilespmem:s30+$0x48A0]  }
0x560: {  	v16 =	vld [tilespmem:s30+$0xC8B0];
	v11 =	vsel vm13, v11, v12  }
0x561: {  	v12 =	vld [tilespmem:s30+$0x48B0];
	[tilespmem:s29+$0x14880] =	vst v11  }
0x562: {  	v6 =	vmul.f32 v7, v6;
	v7 =	vmul.f32 v14, v8;
	v8 =	vld [tilespmem:s30+$0xC8C0]  }
0x563: {  	v11 =	vld [tilespmem:s30+$0x48C0]  }
0x564: {  	v14 =	vld [tilespmem:s30+$0x48D0];
	v6 =	vadd.f32 v7, v6;
	v7 =	vmul.f32 v13, v15  }
0x565: {  	v9 =	vadd.f32 v10, v9;
	v13 =	vld [tilespmem:s30+$0xC8D0]  }
0x566: {  	v4 =	vmul.f32 v5, v4;
	v5 =	vld [tilespmem:s30+$0x48E0];
	v6 =	vadd.f32 v7, v6;
	v7 =	vmul.f32 v12, v16  }
0x567: {  	v12 =	vld [tilespmem:s30+$0xC8E0]  }
0x568: {  	v4 =	vadd.f32 v4, v9;
	v9 =	vld [tilespmem:s30+$0x48F0];
	v6 =	vadd.f32 v7, v6;
	v7 =	vmul.f32 v11, v8  }
0x569: {  	v8 =	vld [tilespmem:s30+$0xC8F0]  }
0x56a: {  	v6 =	vadd.f32 v7, v6;
	v7 =	vmul.f32 v14, v13  }
0x56b: {  	v10 =	vperm.xlane v4, v0  }
0x56c: {  	v5 =	vmul.f32 v5, v12;
	v6 =	vadd.f32 v7, v6  }
0x56d: {  	v4 =	vadd.f32 v4, v10  }
0x56e: {  	v5 =	vadd.f32 v5, v6;
	v6 =	vmul.f32 v9, v8  }
0x56f: {  	v7 =	vperm.xlane v4, v1  }
0x570: {  	v5 =	vadd.f32 v6, v5  }
0x571: {  	v4 =	vadd.f32 v4, v7  }
0x572: {  	v6 =	vperm.xlane v5, v0  }
0x573: {  	v7 =	vperm.xlane v4, v2  }
0x574: {  	v5 =	vadd.f32 v5, v6  }
0x575: {  	v4 =	vadd.f32 v4, v7  }
0x576: {  	v6 =	vld [tilespmem:s28+$0x14880];
	v7 =	vperm.xlane v5, v1  }
0x577: {  	v8 =	vperm.xlane v4, v3  }
0x578: {  	v5 =	vadd.f32 v5, v7  }
0x579: {  	v4 =	vadd.f32 v4, v8  }
0x57a: {  	v7 =	vperm.xlane v5, v2  }
0x57b: {  	v4 =	vsel vm13, v6, v4  }
0x57c: {  	[tilespmem:s28+$0x14880] =	vst v4;
	v4 =	vadd.f32 v5, v7  }
0x57d: {  	v5 =	vld [tilespmem:s30+$0x14880]  }
0x57e: {  	v6 =	vperm.xlane v4, v3;
	_ =	sdelay $0x1  }
0x57f: {  	v4 =	vadd.f32 v4, v6;
	_ =	sdelay $0x1  }
0x580: {  	v4 =	vsel vm13, v5, v4  }
0x581: {  	[tilespmem:s30+$0x14880] =	vst v4  }
0x582: {  	_ =	swait.ge [sflag:s24], $0x4000  }
0x583: {  	[sflag:s24] =	ssyncset.done $0x0  }
0x584: {  	s29 =	simm.s32 $0x0;
	[sflag:s24] =	ssyncadd.s32 $0xFFFFC000  }
0x585: {  	[tilespmem:s17], [sflag:$0x4] =	stream.indirect.gather [hbm4b:s0+s12], $0x80, s22, s12, $0xb8;
	[tilespmem:$0x18880] =	vst v63  }
0x586: {  	v4 =	vld [tilespmem:s29+$0x10880]  }
0x587: {  	v5 =	vld [tilespmem:s29+$0x4880]  }
0x588: {  	v6 =	vld [tilespmem:s29+$0x10890]  }
0x589: {  	v7 =	vld [tilespmem:s29+$0x4890]  }
0x58a: {  	v8 =	vld [tilespmem:s29+$0x108A0]  }
0x58b: {  	v9 =	vld [tilespmem:s29+$0x48A0]  }
0x58c: {  	v10 =	vld [tilespmem:s29+$0x108B0]  }
0x58d: {  	v11 =	vld [tilespmem:s29+$0x48B0]  }
0x58e: {  	v4 =	vmul.f32 v5, v4;
	v5 =	vmul.f32 v7, v6;
	v6 =	vld [tilespmem:s29+$0x108C0]  }
0x58f: {  	v7 =	vld [tilespmem:s29+$0x48C0]  }
0x590: {  	v4 =	vadd.f32 v5, v4;
	v5 =	vmul.f32 v9, v8;
	v8 =	vld [tilespmem:s29+$0x108D0]  }
0x591: {  	v9 =	vld [tilespmem:s29+$0x48D0]  }
0x592: {  	v4 =	vadd.f32 v5, v4;
	v5 =	vmul.f32 v11, v10;
	v10 =	vld [tilespmem:s29+$0x108E0]  }
0x593: {  	v11 =	vld [tilespmem:s29+$0x48E0]  }
0x594: {  	v4 =	vadd.f32 v5, v4;
	v5 =	vmul.f32 v7, v6;
	v6 =	vld [tilespmem:s29+$0x108F0]  }
0x595: {  	v7 =	vld [tilespmem:s29+$0x48F0]  }
0x596: {  	s28 =	simm.s32 $0x80;
	v4 =	vadd.f32 v5, v4;
	v5 =	vmul.f32 v9, v8  }
0x597: {  	v8 =	vld [tilespmem:s28+$0x10880]  }
0x598: {  	v9 =	vld [tilespmem:s28+$0x4880];
	v4 =	vadd.f32 v5, v4;
	v5 =	vmul.f32 v11, v10  }
0x599: {  	v10 =	vld [tilespmem:s28+$0x10890]  }
0x59a: {  	v11 =	vld [tilespmem:s28+$0x4890];
	v4 =	vadd.f32 v5, v4;
	v5 =	vmul.f32 v7, v6  }
0x59b: {  	v6 =	vld [tilespmem:s28+$0x108A0]  }
0x59c: {  	v7 =	vld [tilespmem:s28+$0x48A0];
	v4 =	vadd.f32 v5, v4  }
0x59d: {  	v12 =	vld [tilespmem:s28+$0x48B0]  }
0x59e: {  	v5 =	vld [tilespmem:s28+$0x108B0];
	v13 =	vperm.xlane v4, v0  }
0x59f: {  	v14 =	vld [tilespmem:s28+$0x108C0];
	v8 =	vmul.f32 v9, v8;
	v9 =	vmul.f32 v11, v10  }
0x5a0: {  	v10 =	vld [tilespmem:s28+$0x48C0];
	v4 =	vadd.f32 v4, v13  }
0x5a1: {  	v11 =	vld [tilespmem:s28+$0x108D0];
	v8 =	vadd.f32 v9, v8;
	v6 =	vmul.f32 v7, v6  }
0x5a2: {  	v7 =	vld [tilespmem:s28+$0x48D0];
	v9 =	vperm.xlane v4, v1  }
0x5a3: {  	v13 =	vld [tilespmem:s28+$0x108E0];
	v6 =	vadd.f32 v6, v8;
	v5 =	vmul.f32 v12, v5  }
0x5a4: {  	v8 =	vld [tilespmem:s28+$0x48E0];
	v9 =	vadd.f32 v4, v9  }
0x5a5: {  	v10 =	vmul.f32 v10, v14;
	v12 =	vadd.f32 v5, v6;
	v5 =	vld [tilespmem:s28+$0x48F0]  }
0x5a6: {  	s30 =	simm.s32 $0x100;
	v4 =	vld [tilespmem:s28+$0x108F0];
	v14 =	vperm.xlane v9, v2  }
0x5a7: {  	v6 =	vld [tilespmem:s30+$0x10880];
	v15 =	vmul.f32 v7, v11;
	v10 =	vadd.f32 v10, v12  }
0x5a8: {  	v7 =	vld [tilespmem:s30+$0x4880];
	v12 =	vadd.f32 v9, v14  }
0x5a9: {  	v11 =	vld [tilespmem:s29+$0x14880];
	v9 =	vadd.f32 v15, v10;
	v10 =	vmul.f32 v8, v13  }
0x5aa: {  	s31 =	simm.s32 $0x600;
	v8 =	vld [tilespmem:s30+$0x10890];
	v13 =	vperm.xlane v12, v3  }
.LBB2_32:
0x5ab: {  	p0 =	sne.s32 s31, $0xFE00;
	v14 =	vld [tilespmem:s30+$0x4890];
	v9 =	vadd.f32 v10, v9;
	v4 =	vmul.f32 v5, v4  }
0x5ac: {  	v5 =	vld [tilespmem:s30+$0x108A0];
	v10 =	vadd.f32 v12, v13  }
0x5ad: {  	v12 =	vld [tilespmem:s30+$0x48A0];
	v4 =	vadd.f32 v4, v9  }
0x5ae: {  	v9 =	vld [tilespmem:s30+$0x108B0];
	v10 =	vsel vm14, v11, v10  }
0x5af: {  	v11 =	vld [tilespmem:s30+$0x48B0];
	v13 =	vperm.xlane v4, v0;
	[tilespmem:s29+$0x14880] =	vst v10;
	s29 =	smov.u32 s28;
	s28 =	smov.u32 s30  }
0x5b0: {  	v6 =	vmul.f32 v7, v6;
	v7 =	vmul.f32 v14, v8;
	v8 =	vld [tilespmem:s28+$0x108C0]  }
0x5b1: {  	v10 =	vld [tilespmem:s28+$0x48C0];
	v4 =	vadd.f32 v4, v13  }
0x5b2: {  	v6 =	vadd.f32 v7, v6;
	v5 =	vmul.f32 v12, v5;
	v7 =	vld [tilespmem:s28+$0x108D0]  }
0x5b3: {  	v12 =	vld [tilespmem:s28+$0x48D0];
	v13 =	vperm.xlane v4, v1  }
0x5b4: {  	v5 =	vadd.f32 v5, v6;
	v6 =	vmul.f32 v11, v9;
	v11 =	vld [tilespmem:s28+$0x108E0]  }
0x5b5: {  	v14 =	vld [tilespmem:s28+$0x48E0];
	v9 =	vadd.f32 v4, v13  }
0x5b6: {  	v13 =	vadd.f32 v6, v5;
	v8 =	vmul.f32 v10, v8;
	v4 =	vld [tilespmem:s28+$0x108F0]  }
.Ltmp15:
0x5b7: {  	s30 =	sshra.s32 s31, $0x2;
	v5 =	vld [tilespmem:s28+$0x48F0];
	v10 =	vperm.xlane v9, v2;
	(pc) =	sbr.rel @p0 .LBB2_32-.Ltmp15, $4  }
0x5b8: {  	v6 =	vld [tilespmem:s30+$0x10880];
	v8 =	vadd.f32 v8, v13;
	v13 =	vmul.f32 v12, v7  }
0x5b9: {  	v7 =	vld [tilespmem:s30+$0x4880];
	v12 =	vadd.f32 v9, v10  }
0x5ba: {  	v9 =	vadd.f32 v13, v8;
	v10 =	vmul.f32 v14, v11;
	v11 =	vld [tilespmem:s29+$0x14880]  }
0x5bb: {  	s31 =	sadd.s32 $0x200, s31;
	v8 =	vld [tilespmem:s30+$0x10890];
	v13 =	vperm.xlane v12, v3  }
0x5bc: {  	v14 =	vld [tilespmem:s30+$0x4890]  }
0x5bd: {  	v15 =	vld [tilespmem:s30+$0x108A0];
	v12 =	vadd.f32 v12, v13  }
0x5be: {  	v13 =	vld [tilespmem:s30+$0x48A0]  }
0x5bf: {  	v16 =	vld [tilespmem:s30+$0x108B0];
	v11 =	vsel vm14, v11, v12  }
0x5c0: {  	v12 =	vld [tilespmem:s30+$0x48B0];
	[tilespmem:s29+$0x14880] =	vst v11  }
0x5c1: {  	v6 =	vmul.f32 v7, v6;
	v7 =	vmul.f32 v14, v8;
	v8 =	vld [tilespmem:s30+$0x108C0]  }
0x5c2: {  	v11 =	vld [tilespmem:s30+$0x48C0]  }
0x5c3: {  	v14 =	vld [tilespmem:s30+$0x48D0];
	v6 =	vadd.f32 v7, v6;
	v7 =	vmul.f32 v13, v15  }
0x5c4: {  	v9 =	vadd.f32 v10, v9;
	v13 =	vld [tilespmem:s30+$0x108D0]  }
0x5c5: {  	v4 =	vmul.f32 v5, v4;
	v5 =	vld [tilespmem:s30+$0x48E0];
	v6 =	vadd.f32 v7, v6;
	v7 =	vmul.f32 v12, v16  }
0x5c6: {  	v12 =	vld [tilespmem:s30+$0x108E0]  }
0x5c7: {  	v4 =	vadd.f32 v4, v9;
	v9 =	vld [tilespmem:s30+$0x48F0];
	v6 =	vadd.f32 v7, v6;
	v7 =	vmul.f32 v11, v8  }
0x5c8: {  	v8 =	vld [tilespmem:s30+$0x108F0]  }
0x5c9: {  	v6 =	vadd.f32 v7, v6;
	v7 =	vmul.f32 v14, v13  }
0x5ca: {  	v10 =	vperm.xlane v4, v0  }
0x5cb: {  	v5 =	vmul.f32 v5, v12;
	v6 =	vadd.f32 v7, v6  }
0x5cc: {  	v4 =	vadd.f32 v4, v10  }
0x5cd: {  	v5 =	vadd.f32 v5, v6;
	v6 =	vmul.f32 v9, v8  }
0x5ce: {  	v7 =	vperm.xlane v4, v1  }
0x5cf: {  	v5 =	vadd.f32 v6, v5  }
0x5d0: {  	v4 =	vadd.f32 v4, v7  }
0x5d1: {  	v6 =	vperm.xlane v5, v0  }
0x5d2: {  	v7 =	vperm.xlane v4, v2  }
0x5d3: {  	v5 =	vadd.f32 v5, v6  }
0x5d4: {  	v4 =	vadd.f32 v4, v7  }
0x5d5: {  	v6 =	vld [tilespmem:s28+$0x14880];
	v7 =	vperm.xlane v5, v1  }
0x5d6: {  	v8 =	vperm.xlane v4, v3  }
0x5d7: {  	v5 =	vadd.f32 v5, v7  }
0x5d8: {  	v4 =	vadd.f32 v4, v8  }
0x5d9: {  	v7 =	vperm.xlane v5, v2  }
0x5da: {  	v4 =	vsel vm14, v6, v4  }
0x5db: {  	[tilespmem:s28+$0x14880] =	vst v4;
	v4 =	vadd.f32 v5, v7  }
0x5dc: {  	v5 =	vld [tilespmem:s30+$0x14880]  }
0x5dd: {  	v6 =	vperm.xlane v4, v3;
	_ =	sdelay $0x1  }
0x5de: {  	v4 =	vadd.f32 v4, v6;
	_ =	sdelay $0x1  }
0x5df: {  	v4 =	vsel vm14, v5, v4  }
0x5e0: {  	[tilespmem:s30+$0x14880] =	vst v4  }
0x5e1: {  	_ =	swait.ge [sflag:s21], $0x4000  }
0x5e2: {  	[sflag:s21] =	ssyncset.done $0x0  }
0x5e3: {  	s29 =	simm.s32 $0x0;
	[sflag:s21] =	ssyncadd.s32 $0xFFFFC000  }
0x5e4: {  	v4 =	vld [tilespmem:s29+$0xC880]  }
0x5e5: {  	v5 =	vld [tilespmem:s29+$0x4880]  }
0x5e6: {  	v6 =	vld [tilespmem:s29+$0xC890]  }
0x5e7: {  	v7 =	vld [tilespmem:s29+$0x4890]  }
0x5e8: {  	v8 =	vld [tilespmem:s29+$0xC8A0]  }
0x5e9: {  	v9 =	vld [tilespmem:s29+$0x48A0]  }
0x5ea: {  	v10 =	vld [tilespmem:s29+$0xC8B0]  }
0x5eb: {  	v11 =	vld [tilespmem:s29+$0x48B0]  }
0x5ec: {  	v4 =	vmul.f32 v5, v4;
	v5 =	vmul.f32 v7, v6;
	v6 =	vld [tilespmem:s29+$0xC8C0]  }
0x5ed: {  	v7 =	vld [tilespmem:s29+$0x48C0]  }
0x5ee: {  	v4 =	vadd.f32 v5, v4;
	v5 =	vmul.f32 v9, v8;
	v8 =	vld [tilespmem:s29+$0xC8D0]  }
0x5ef: {  	v9 =	vld [tilespmem:s29+$0x48D0]  }
0x5f0: {  	v4 =	vadd.f32 v5, v4;
	v5 =	vmul.f32 v11, v10;
	v10 =	vld [tilespmem:s29+$0xC8E0]  }
0x5f1: {  	v11 =	vld [tilespmem:s29+$0x48E0]  }
0x5f2: {  	v4 =	vadd.f32 v5, v4;
	v5 =	vmul.f32 v7, v6;
	v6 =	vld [tilespmem:s29+$0xC8F0]  }
0x5f3: {  	v7 =	vld [tilespmem:s29+$0x48F0]  }
0x5f4: {  	s28 =	simm.s32 $0x80;
	v4 =	vadd.f32 v5, v4;
	v5 =	vmul.f32 v9, v8  }
0x5f5: {  	v8 =	vld [tilespmem:s28+$0xC880]  }
0x5f6: {  	v9 =	vld [tilespmem:s28+$0x4880];
	v4 =	vadd.f32 v5, v4;
	v5 =	vmul.f32 v11, v10  }
0x5f7: {  	v10 =	vld [tilespmem:s28+$0xC890]  }
0x5f8: {  	v11 =	vld [tilespmem:s28+$0x4890];
	v4 =	vadd.f32 v5, v4;
	v5 =	vmul.f32 v7, v6  }
0x5f9: {  	v6 =	vld [tilespmem:s28+$0xC8A0]  }
0x5fa: {  	v7 =	vld [tilespmem:s28+$0x48A0];
	v4 =	vadd.f32 v5, v4  }
0x5fb: {  	v12 =	vld [tilespmem:s28+$0x48B0]  }
0x5fc: {  	v5 =	vld [tilespmem:s28+$0xC8B0];
	v13 =	vperm.xlane v4, v0  }
0x5fd: {  	v14 =	vld [tilespmem:s28+$0xC8C0];
	v8 =	vmul.f32 v9, v8;
	v9 =	vmul.f32 v11, v10  }
0x5fe: {  	v10 =	vld [tilespmem:s28+$0x48C0];
	v4 =	vadd.f32 v4, v13  }
0x5ff: {  	v11 =	vld [tilespmem:s28+$0xC8D0];
	v8 =	vadd.f32 v9, v8;
	v6 =	vmul.f32 v7, v6  }
0x600: {  	v7 =	vld [tilespmem:s28+$0x48D0];
	v9 =	vperm.xlane v4, v1  }
0x601: {  	v13 =	vld [tilespmem:s28+$0xC8E0];
	v6 =	vadd.f32 v6, v8;
	v5 =	vmul.f32 v12, v5  }
0x602: {  	v8 =	vld [tilespmem:s28+$0x48E0];
	v9 =	vadd.f32 v4, v9  }
0x603: {  	v10 =	vmul.f32 v10, v14;
	v12 =	vadd.f32 v5, v6;
	v5 =	vld [tilespmem:s28+$0x48F0]  }
0x604: {  	s30 =	simm.s32 $0x100;
	v4 =	vld [tilespmem:s28+$0xC8F0];
	v14 =	vperm.xlane v9, v2  }
0x605: {  	v6 =	vld [tilespmem:s30+$0xC880];
	v15 =	vmul.f32 v7, v11;
	v10 =	vadd.f32 v10, v12  }
0x606: {  	v7 =	vld [tilespmem:s30+$0x4880];
	v12 =	vadd.f32 v9, v14  }
0x607: {  	v11 =	vld [tilespmem:s29+$0x14880];
	v9 =	vadd.f32 v15, v10;
	v10 =	vmul.f32 v8, v13  }
0x608: {  	s31 =	simm.s32 $0x600;
	v8 =	vld [tilespmem:s30+$0xC890];
	v13 =	vperm.xlane v12, v3  }
.LBB2_34:
0x609: {  	p0 =	sne.s32 s31, $0xFE00;
	v14 =	vld [tilespmem:s30+$0x4890];
	v9 =	vadd.f32 v10, v9;
	v4 =	vmul.f32 v5, v4  }
0x60a: {  	v5 =	vld [tilespmem:s30+$0xC8A0];
	v10 =	vadd.f32 v12, v13  }
0x60b: {  	v12 =	vld [tilespmem:s30+$0x48A0];
	v4 =	vadd.f32 v4, v9  }
0x60c: {  	v9 =	vld [tilespmem:s30+$0xC8B0];
	v10 =	vsel vm15, v11, v10  }
0x60d: {  	v11 =	vld [tilespmem:s30+$0x48B0];
	v13 =	vperm.xlane v4, v0;
	[tilespmem:s29+$0x14880] =	vst v10;
	s29 =	smov.u32 s28;
	s28 =	smov.u32 s30  }
0x60e: {  	v6 =	vmul.f32 v7, v6;
	v7 =	vmul.f32 v14, v8;
	v8 =	vld [tilespmem:s28+$0xC8C0]  }
0x60f: {  	v10 =	vld [tilespmem:s28+$0x48C0];
	v4 =	vadd.f32 v4, v13  }
0x610: {  	v6 =	vadd.f32 v7, v6;
	v5 =	vmul.f32 v12, v5;
	v7 =	vld [tilespmem:s28+$0xC8D0]  }
0x611: {  	v12 =	vld [tilespmem:s28+$0x48D0];
	v13 =	vperm.xlane v4, v1  }
0x612: {  	v5 =	vadd.f32 v5, v6;
	v6 =	vmul.f32 v11, v9;
	v11 =	vld [tilespmem:s28+$0xC8E0]  }
0x613: {  	v14 =	vld [tilespmem:s28+$0x48E0];
	v9 =	vadd.f32 v4, v13  }
0x614: {  	v13 =	vadd.f32 v6, v5;
	v8 =	vmul.f32 v10, v8;
	v4 =	vld [tilespmem:s28+$0xC8F0]  }
.Ltmp16:
0x615: {  	s30 =	sshra.s32 s31, $0x2;
	v5 =	vld [tilespmem:s28+$0x48F0];
	v10 =	vperm.xlane v9, v2;
	(pc) =	sbr.rel @p0 .LBB2_34-.Ltmp16, $4  }
0x616: {  	v6 =	vld [tilespmem:s30+$0xC880];
	v8 =	vadd.f32 v8, v13;
	v13 =	vmul.f32 v12, v7  }
0x617: {  	v7 =	vld [tilespmem:s30+$0x4880];
	v12 =	vadd.f32 v9, v10  }
0x618: {  	v9 =	vadd.f32 v13, v8;
	v10 =	vmul.f32 v14, v11;
	v11 =	vld [tilespmem:s29+$0x14880]  }
0x619: {  	s31 =	sadd.s32 $0x200, s31;
	v8 =	vld [tilespmem:s30+$0xC890];
	v13 =	vperm.xlane v12, v3  }
0x61a: {  	v14 =	vld [tilespmem:s30+$0x4890]  }
0x61b: {  	v15 =	vld [tilespmem:s30+$0xC8A0];
	v12 =	vadd.f32 v12, v13  }
0x61c: {  	v44 =	vld [tilespmem:s30+$0x48A0]  }
0x61d: {  	v16 =	vld [tilespmem:s30+$0xC8B0];
	v11 =	vsel vm15, v11, v12  }
0x61e: {  	v45 =	vld [tilespmem:s30+$0x48B0];
	[tilespmem:s29+$0x14880] =	vst v11  }
0x61f: {  	v6 =	vmul.f32 v7, v6;
	v46 =	vmul.f32 v14, v8;
	v47 =	vld [tilespmem:s30+$0xC8C0]  }
0x620: {  	v11 =	vld [tilespmem:s30+$0x48C0]  }
0x621: {  	v48 =	vmul.f32 v44, v15;
	v49 =	vld [tilespmem:s30+$0xC8D0];
	v6 =	vadd.f32 v46, v6  }
0x622: {  	v50 =	vld [tilespmem:s30+$0x48D0]  }
0x623: {  	v51 =	vmul.f32 v45, v16;
	v52 =	vld [tilespmem:s30+$0xC8E0];
	v6 =	vadd.f32 v48, v6  }
0x624: {  	v9 =	vadd.f32 v10, v9;
	v4 =	vmul.f32 v5, v4;
	v5 =	vld [tilespmem:s30+$0x48E0]  }
0x625: {  	v54 =	vld [tilespmem:s30+$0xC8F0];
	v53 =	vmul.f32 v11, v47;
	v6 =	vadd.f32 v51, v6  }
0x626: {  	v4 =	vadd.f32 v4, v9;
	v55 =	vld [tilespmem:s30+$0x48F0]  }
0x627: {  	v56 =	vmul.f32 v50, v49;
	v6 =	vadd.f32 v53, v6  }
0x628: {  	v57 =	vperm.xlane v4, v0  }
0x629: {  	v5 =	vmul.f32 v5, v52;
	v6 =	vadd.f32 v56, v6  }
0x62a: {  	v4 =	vadd.f32 v4, v57  }
0x62b: {  	v58 =	vmul.f32 v55, v54;
	v5 =	vadd.f32 v5, v6  }
0x62c: {  	v59 =	vperm.xlane v4, v1  }
0x62d: {  	v5 =	vadd.f32 v58, v5  }
0x62e: {  	v4 =	vadd.f32 v4, v59  }
0x62f: {  	v6 =	vperm.xlane v5, v0  }
0x630: {  	v7 =	vperm.xlane v4, v2  }
0x631: {  	v5 =	vadd.f32 v5, v6  }
0x632: {  	v4 =	vadd.f32 v4, v7  }
0x633: {  	v60 =	vld [tilespmem:s28+$0x14880];
	v61 =	vperm.xlane v5, v1  }
0x634: {  	v62 =	vperm.xlane v4, v3  }
0x635: {  	v5 =	vadd.f32 v5, v61  }
0x636: {  	v4 =	vadd.f32 v4, v62  }
0x637: {  	v7 =	vperm.xlane v5, v2  }
0x638: {  	v4 =	vsel vm15, v60, v4  }
0x639: {  	[tilespmem:s28+$0x14880] =	vst v4;
	v4 =	vadd.f32 v5, v7  }
0x63a: {  	v5 =	vld [tilespmem:s30+$0x14880]  }
0x63b: {  	v63 =	vperm.xlane v4, v3;
	_ =	sdelay $0x1  }
0x63c: {  	v4 =	vadd.f32 v4, v63  }
0x63d: {  	s26 =	sadd.s32 $0x1, s26  }
0x63e: {  	p0 =	sne.s32 s26, s10;
	v4 =	vsel vm15, v5, v4  }
.Ltmp17:
0x63f: {  	[tilespmem:s30+$0x14880] =	vst v4;
	(pc) =	sbr.rel @p0 .LBB2_1-.Ltmp17, $4  }
0x640: {  	[hbm4b:s7+s4] =	stream.linear.scatter [tilespmem:s25], [sflag:$0x6], $0x4000, $0x38;
	[tilespmem:$0x18880] =	vst v63  }
0x641: {  	_ =	swait.ge [sflag:s11], $0x4000  }
0x642: {  	[sflag:s11] =	ssyncset.done $0x0  }
0x643: {  	[sflag:s11] =	ssyncadd.s32 $0xFFFFC000  }
0x644: {  	_ =	sfence.sel $0x180000  }
0x645: {  	[bflag:$0x0] =	sbarrier.arrive $0xFFFF  }
0x646: {  	_ =	strace $0x90000047  }
0x647: {  	s0 =	stileid.u32;
	[bflag:$0x2] =	sbarrier.arrive $0xFFFF  }
0x648: {  	p0 =	sne.s32 s0, $0x0;
	s0 =	rddreg [dreg:$0x5]  }
0x649: {  	s0 =	sadd.s32 @!p0 $0x100000, s0  }
0x64a: {  	[sflag:s0] =	ssyncadd.tile.s32 @!p0 $0x1;
	_ =	shalt  }
.Lfunc_end2:
_tile_overlayer_lowered:
.L_overlay_start_2:
0x64b: {  	(tag) =	ssettag $0x2  }
0x64c: {  	s0 =	rddreg [dreg:$0x0];
	s2 =	stileid.u32  }
0x64d: {  	s1 =	rddreg [dreg:$0x1];
	p0 =	sne.s32 s2, $0x0  }
0x64e: {  	s3 =	rddreg [dreg:$0x2];
	[bflag:$0x3] =	sbarrier.arrive $0xFFFF;
	s2 =	simm.s32 @!p0 $0x1C06  }
0x64f: {  	[timem:s3], [sflag:s2] =	dma.local @!p0 [hbm:s0], s1  }
0x650: {  	s0 =	simm.s32 @!p0 $0x6  }
0x651: {  	_ =	swait.ge @!p0 [sflag:s0], s1  }
0x652: {  	s1 =	ssub.s32 @!p0 $0x0, s1;
	[sflag:s0] =	ssyncset.done @!p0 $0x0  }
0x653: {  	[sflag:s0] =	ssyncadd.s32 @!p0 s1  }
0x654: {  	[bflag:$0x3] =	sbarrier.arrive $0xFFFF  }
0x655: {  	_ =	shalt  }

</sc_bundles>
